<compile_context>
chip_gen: v7x
topology: tpu7x:2x2x1
jax: 0.10.2.dev20260603
libtpu: 0.0.44.dev20260713+nightly
codegen_flags: <defaults>
</compile_context>

<pallas_src>
import functools

import jax
import jax.numpy as jnp
from jax import lax
from jax.experimental import pallas as pl
from jax.experimental.pallas import tpu as pltpu
from jax.experimental.pallas import tpu_sc as plsc

_N = 10000
_D = 128
_NC = 2
_NS = 16
_NW = _NC * _NS
_L = 16
_CH = 128
_NBUF = 2
_C0 = 152
_C1 = 8
_NCH = _NS * (_C0 + _C1)
_NPAD = 10240
_RPT = _NPAD // _NS


def _zero_1d(ref, n):
    z = jnp.zeros((_L,), jnp.float32)

    def bd(i, c):
        ref[pl.ds(i * _L, _L)] = z
        return c

    lax.fori_loop(0, n // _L, bd, 0)


def _zero_2d(ref, nrows, ncols):
    z = jnp.zeros((_L,), jnp.float32)
    cpr = ncols // _L

    def bd(i, c):
        ref[i // cpr, pl.ds((i % cpr) * _L, _L)] = z
        return c

    lax.fori_loop(0, nrows * cpr, bd, 0)


def _make_sc_agg(with_deg):
    mesh = plsc.VectorSubcoreMesh(core_axis_name="c", subcore_axis_name="s")
    qc = 8
    out_type = [jax.ShapeDtypeStruct((_NC, _NPAD, _D), jnp.float32)]
    scratch = [
        pltpu.VMEM((2, qc, _CH), jnp.int32),
        pltpu.VMEM((2, qc, _CH), jnp.int32),
        pltpu.VMEM((_NBUF, _CH, _D), jnp.float32),
        pltpu.VMEM_SHARED((_NPAD, _D), jnp.float32),
        pltpu.SemaphoreType.DMA,
        pltpu.SemaphoreType.DMA,
        pltpu.SemaphoreType.DMA,
    ]
    if with_deg:
        out_type.append(jax.ShapeDtypeStruct((_NW, _NPAD), jnp.float32))
        scratch.append(pltpu.VMEM((_NPAD,), jnp.float32))

    def body(table_hbm, srcp_hbm, dstp_hbm, acc_hbm, *rest):
        if with_deg:
            (deg_hbm, src_v, dst_v, rows_v, acc_sh, gsem, ssem, isem,
             hist_v) = rest
        else:
            src_v, dst_v, rows_v, acc_sh, gsem, ssem, isem = rest
        cid = lax.axis_index("c")
        sid = lax.axis_index("s")
        wid = sid * _NC + cid

        _zero_2d(rows_v.at[0], _CH, _D)
        for k in range(_RPT // _CH):
            pltpu.sync_copy(rows_v.at[0],
                            acc_sh.at[pl.ds(sid * _RPT + k * _CH, _CH)])
        if with_deg:
            _zero_1d(hist_v, _NPAD)
        plsc.subcore_barrier()

        ones = jnp.ones((_L,), jnp.float32)

        def wait_gather(b):
            pltpu.make_async_copy(table_hbm.at[src_v.at[0, 0]],
                                  rows_v.at[b], gsem).wait()

        def wait_scatter(b):
            pltpu.make_async_copy(rows_v.at[b], acc_sh.at[dst_v.at[0, 0]],
                                  ssem).wait()

        def run_core(nchk, base):
            nb = nchk // qc

            def idx_load(q, par):
                off = base + q * qc
                pltpu.async_copy(srcp_hbm.at[pl.ds(off, qc)],
                                 src_v.at[par], isem)
                pltpu.async_copy(dstp_hbm.at[pl.ds(off, qc)],
                                 dst_v.at[par], isem)

            def idx_wait():
                for _ in range(2):
                    pltpu.make_async_copy(srcp_hbm.at[pl.ds(0, qc)],
                                          src_v.at[0], isem).wait()

            def start_gather(x, b):
                par = (x // qc) % 2
                pltpu.async_copy(table_hbm.at[src_v.at[par, x % qc]],
                                 rows_v.at[b], gsem)

            def start_scatter(x, b):
                par = (x // qc) % 2
                pltpu.async_copy(rows_v.at[b],
                                 acc_sh.at[dst_v.at[par, x % qc]], ssem,
                                 add=True)

            def hist_x(x):
                if with_deg:
                    par = (x // qc) % 2
                    s = x % qc
                    for j in range(_CH // _L):
                        plsc.addupdate_scatter(
                            hist_v, [dst_v[par, s, pl.ds(j * _L, _L)]],
                            ones)

            idx_load(0, 0)
            idx_wait()
            start_gather(0, 0)

            def substep(x, b):
                q = x // qc
                slot = x % qc
                wait_gather(b)

                @pl.when(x > 0)
                def _ws():
                    wait_scatter(1 - b)

                @pl.when(jnp.logical_and(slot == 2, q + 1 < nb))
                def _pf():
                    idx_load(q + 1, (q + 1) % 2)

                @pl.when(x + 1 < nchk)
                def _g():
                    @pl.when(slot == qc - 1)
                    def _wi():
                        idx_wait()

                    start_gather(x + 1, 1 - b)

                start_scatter(x, b)
                hist_x(x)

            def pair(p, c):
                substep(2 * p, 0)
                substep(2 * p + 1, 1)
                return c

            lax.fori_loop(0, nchk // 2, pair, 0)
            wait_scatter(1)

        @pl.when(cid == 0)
        def _core0():
            run_core(_C0, sid * _C0)

        if _C1 > 0:
            @pl.when(cid == 1)
            def _core1():
                run_core(_C1, _NS * _C0 + sid * _C1)

        plsc.subcore_barrier()

        r0 = sid * _RPT
        pltpu.sync_copy(acc_sh.at[pl.ds(r0, _RPT)],
                        acc_hbm.at[cid].at[pl.ds(r0, _RPT)])
        if with_deg:
            pltpu.sync_copy(hist_v, deg_hbm.at[wid])

    return pl.kernel(
        body, out_type=tuple(out_type), mesh=mesh, scratch_types=scratch,
        compiler_params=pltpu.CompilerParams(needs_layout_passes=False))


_sc_agg_deg = _make_sc_agg(True)
_sc_agg = _make_sc_agg(False)


def _tc_layer(p, degp, w, b, relu):
    br = 2048

    def body(p_ref, degp_ref, w_ref, b_ref, o_ref):
        deg = jnp.maximum(jnp.sum(degp_ref[...], axis=0), 1.0)
        s = p_ref[0] + p_ref[1]
        hn = s * (1.0 / deg)[:, None]
        y = jnp.dot(hn, w_ref[...], preferred_element_type=jnp.float32)
        y = y + b_ref[...]
        o_ref[...] = jnp.maximum(y, 0.0) if relu else y

    return pl.pallas_call(
        body,
        grid=(_NPAD // br,),
        in_specs=[
            pl.BlockSpec((_NC, br, _D), lambda i: (0, i, 0)),
            pl.BlockSpec((_NW, br), lambda i: (0, i)),
            pl.BlockSpec((_D, _D), lambda i: (0, 0)),
            pl.BlockSpec((1, _D), lambda i: (0, 0)),
        ],
        out_specs=pl.BlockSpec((br, _D), lambda i: (i, 0)),
        out_shape=jax.ShapeDtypeStruct((_NPAD, _D), jnp.float32),
    )(p, degp, w, b.reshape(1, _D))


def kernel(feature, edge_index, W1, b1, W2, b2, W3, b3):
    del W1, b1
    e = edge_index.shape[1]
    e_pad = _NCH * _CH
    src = jnp.concatenate(
        [edge_index[0], jnp.zeros((e_pad - e,), jnp.int32)])
    dst = jnp.concatenate(
        [edge_index[1],
         _N + jnp.arange(e_pad - e, dtype=jnp.int32) % (_NPAD - _N)])
    srcp = src.reshape(_NCH, _CH)
    dstp = dst.reshape(_NCH, _CH)

    accp1, degp = _sc_agg_deg(feature, srcp, dstp)
    h2 = _tc_layer(accp1, degp, W2, b2, True)
    (accp2,) = _sc_agg(h2, srcp, dstp)
    return _tc_layer(accp2, degp, W3, b3, False)[:_N]

# --- scband reference (transcript-rebuilt; emitter-appended) ---
"""Pipeline reference for scband-dgcn3-27642409517690 (READ-ONLY COPY).

The authoritative reference and input builder live on the scoring server;
editing this copy changes nothing except your own understanding.
"""

import jax, jax.numpy as jnp
import numpy as np

N = 10000
E = 320000
D_IN = 128
H1 = 128
H2 = 128
D_OUT = 128


def setup_inputs(seed: int = 0) -> dict:
    key = jax.random.key(seed)
    ks = jax.random.split(key, 9)
    feature = jax.random.normal(ks[0], (N, D_IN), dtype=jnp.float32)
    edge_index = jax.random.randint(ks[1], (2, E), 0, N, dtype=jnp.int32)
    s = 1.0 / np.sqrt(D_IN)
    W1 = jax.random.uniform(ks[2], (D_IN, H1), dtype=jnp.float32, minval=-s, maxval=s)
    b1 = jax.random.uniform(ks[3], (H1,), dtype=jnp.float32, minval=-s, maxval=s)
    s1 = 1.0 / np.sqrt(H1)
    W2 = jax.random.uniform(ks[4], (H1, H2), dtype=jnp.float32, minval=-s1, maxval=s1)
    b2 = jax.random.uniform(ks[5], (H2,), dtype=jnp.float32, minval=-s1, maxval=s1)
    s2 = 1.0 / np.sqrt(H2)
    W3 = jax.random.uniform(ks[6], (H2, D_OUT), dtype=jnp.float32, minval=-s2, maxval=s2)
    b3 = jax.random.uniform(ks[7], (D_OUT,), dtype=jnp.float32, minval=-s2, maxval=s2)
    return {"feature": feature, "edge_index": edge_index, "W1": W1, "b1": b1, "W2": W2, "b2": b2, "W3": W3, "b3": b3}


def _degree_gcn_layer(x, edge_index, W, b):
    # DegreeGCNLayer: sum neighbor features along edges (copy_u + sum),
    # normalize by in-degree, then apply linear projection.
    src = edge_index[0]
    dst = edge_index[1]
    n = x.shape[0]
    msg = jnp.take(x, src, axis=0)
    agg = jax.ops.segment_sum(msg, dst, num_segments=n)
    deg = jax.ops.segment_sum(jnp.ones((msg.shape[0],), dtype=x.dtype), dst, num_segments=n)
    deg = jnp.clip(deg, 1.0, None)
    h = agg / deg[:, None]
    return h @ W + b


def reference(feature, edge_index, W1, b1, W2, b2, W3, b3):
    # Faithful to the original forward: gcn2 consumes `feature` again (not h).
    h = jax.nn.relu(_degree_gcn_layer(feature, edge_index, W1, b1))
    h = jax.nn.relu(_degree_gcn_layer(feature, edge_index, W2, b2))
    h = _degree_gcn_layer(h, edge_index, W3, b3)
    return h

if __name__ == "__main__":
    import jax
    _d = setup_inputs()
    print(jax.jit(kernel)(*tuple(_d.values())))

</pallas_src>

<mosaic_0001>
#map = affine_map<(d0, d1) -> (0, 0)>
#map1 = affine_map<(d0, d1) -> (0, 0, 0)>
module attributes {stable_mosaic.version = 14 : i64} {
  func.func @body(%arg0: i32, %arg1: i32, %arg2: memref<10000x128xf32, #tpu.memory_space<hbm>>, %arg3: memref<2560x128xi32, #tpu.memory_space<hbm>>, %arg4: memref<2560x128xi32, #tpu.memory_space<hbm>>, %arg5: memref<2x10240x128xf32, #tpu.memory_space<hbm>>, %arg6: memref<32x10240xf32, #tpu.memory_space<hbm>>, %arg7: memref<2x8x128xi32, #tpu.memory_space<vmem>>, %arg8: memref<2x8x128xi32, #tpu.memory_space<vmem>>, %arg9: memref<2x128x128xf32, #tpu.memory_space<vmem>>, %arg10: memref<10240x128xf32, #tpu.memory_space<vmem_shared>>, %arg11: memref<!tpu.dma_semaphore, #tpu.memory_space<semaphore_mem>>, %arg12: memref<!tpu.dma_semaphore, #tpu.memory_space<semaphore_mem>>, %arg13: memref<!tpu.dma_semaphore, #tpu.memory_space<semaphore_mem>>, %arg14: memref<10240xf32, #tpu.memory_space<vmem>>) attributes {dimension_semantics = [#tpu.dimension_semantics<core_parallel>, #tpu.dimension_semantics<subcore_parallel>], iteration_bounds = array<i64: 2, 16>, scalar_prefetch = 0 : i64, scratch_operands = 8 : i64, tpu.core_type = #tpu.core_type<sc_vector_subcore>, window_params = [{transform_indices = #map}, {transform_indices = #map}, {transform_indices = #map}, {transform_indices = #map1}, {transform_indices = #map}]} {
    %mul3A = arith.constant 2 : i32
    %mul3A_0 = arith.muli %arg1, %mul3A : i32
    %add3A = arith.addi %mul3A_0, %arg0 : i32
    %broadcast_in_dim3A = arith.constant 0.000000e+00 : f32
    %broadcast_in_dim3A_1 = vector.broadcast %broadcast_in_dim3A : f32 to vector<16xf32>
    %scan3A = arith.constant 0 : i32
    %scan3A_2 = arith.constant 0 : i32
    %scan3A_3 = arith.constant 0 : i32
    %scan3A_4 = arith.constant 1024 : i32
    %scan3A_5 = arith.addi %scan3A_3, %scan3A_4 : i32
    %scan3A_6 = arith.constant 1 : i32
    scf.for %scan3A_52 = %scan3A_3 to %scan3A_5 step %scan3A_6  : i32 {
      %jit3A = arith.constant 8 : i32
      %div3A = arith.divsi %scan3A_52, %jit3A : i32
      %sign3A = arith.constant 0 : i32
      %sign3A_53 = arith.cmpi sgt, %scan3A_52, %sign3A : i32
      %sign3A_54 = arith.extui %sign3A_53 : i1 to i32
      %sign3A_55 = arith.constant 0 : i32
      %sign3A_56 = arith.cmpi slt, %scan3A_52, %sign3A_55 : i32
      %sign3A_57 = arith.extui %sign3A_56 : i1 to i32
      %sign3A_58 = arith.subi %sign3A_54, %sign3A_57 : i32
      %sign3A_59 = arith.constant 0 : i32
      %sign3A_60 = arith.cmpi sgt, %jit3A, %sign3A_59 : i32
      %sign3A_61 = arith.extui %sign3A_60 : i1 to i32
      %sign3A_62 = arith.constant 0 : i32
      %sign3A_63 = arith.cmpi slt, %jit3A, %sign3A_62 : i32
      %sign3A_64 = arith.extui %sign3A_63 : i1 to i32
      %sign3A_65 = arith.subi %sign3A_61, %sign3A_64 : i32
      %ne3A = arith.cmpi ne, %sign3A_58, %sign3A_65 : i32
      %rem3A = arith.remsi %scan3A_52, %jit3A : i32
      %ne3A_66 = arith.constant 0 : i32
      %ne3A_67 = arith.cmpi ne, %rem3A, %ne3A_66 : i32
      %and3A = arith.andi %ne3A, %ne3A_67 : i1
      %sub3A = arith.constant 1 : i32
      %sub3A_68 = arith.subi %div3A, %sub3A : i32
      %select_n3A = arith.select %and3A, %sub3A_68, %div3A : i32
      %jit3A_69 = arith.constant 8 : i32
      %eq3A_70 = arith.constant 0 : i32
      %eq3A_71 = arith.cmpi eq, %jit3A_69, %eq3A_70 : i32
      %jit3A_72 = arith.constant 1 : i32
      %select_n3A_73 = arith.select %eq3A_71, %jit3A_72, %jit3A_69 : i32
      %rem3A_74 = arith.remsi %scan3A_52, %select_n3A_73 : i32
      %ne3A_75 = arith.constant 0 : i32
      %ne3A_76 = arith.cmpi ne, %rem3A_74, %ne3A_75 : i32
      %lt3A = arith.constant 0 : i32
      %lt3A_77 = arith.cmpi slt, %rem3A_74, %lt3A : i32
      %lt3A_78 = arith.constant 0 : i32
      %lt3A_79 = arith.cmpi slt, %select_n3A_73, %lt3A_78 : i32
      %ne3A_80 = arith.xori %lt3A_77, %lt3A_79 : i1
      %and3A_81 = arith.andi %ne3A_80, %ne3A_76 : i1
      %add3A_82 = arith.addi %rem3A_74, %select_n3A_73 : i32
      %select_n3A_83 = arith.select %and3A_81, %add3A_82, %rem3A_74 : i32
      %mul3A_84 = arith.constant 16 : i32
      %mul3A_85 = arith.muli %select_n3A_83, %mul3A_84 : i32
      %swap3A = arith.constant 0 : i32
      %swap3A_86 = arith.constant 0 : i32
      %swap3A_87 = tpu.memref_slice %arg9[%scan3A_2, %swap3A, %swap3A_86] : memref<2x128x128xf32, #tpu.memory_space<vmem>> -> memref<1x128x128xf32, #tpu.memory_space<vmem>>
      %swap3A_88 = tpu.memref_squeeze %swap3A_87 : memref<1x128x128xf32, #tpu.memory_space<vmem>> -> memref<128x128xf32, #tpu.memory_space<vmem>>
      %swap3A_89 = arith.index_cast %select_n3A : i32 to index
      %swap3A_90 = arith.index_cast %mul3A_85 : i32 to index
      %swap3A_91 = tpu.vector_load %swap3A_88[%swap3A_89, %swap3A_90] {strides = array<i32>} : memref<128x128xf32, #tpu.memory_space<vmem>>, vector<16xf32>,
      tpu.vector_store %swap3A_88[%swap3A_89, %swap3A_90], %broadcast_in_dim3A_1 {strides = array<i32>} : memref<128x128xf32, #tpu.memory_space<vmem>>, vector<16xf32>,
    }
    %scan3A_7 = arith.constant 1024 : i32
    %mul3A_8 = arith.constant 640 : i32
    %mul3A_9 = arith.muli %arg1, %mul3A_8 : i32
    %add3A_10 = arith.constant 0 : i32
    %add3A_11 = arith.addi %mul3A_9, %add3A_10 : i32
    %run_scoped3A = arith.constant 0 : i32
    "tpu.region"() ({
      %run_scoped3A_52 = tpu.sem_alloc : memref<!tpu.dma_semaphore, #tpu.memory_space<semaphore_mem>>
      %dma_start3A = arith.constant 0 : i32
      %dma_start3A_53 = arith.constant 0 : i32
      %dma_start3A_54 = tpu.memref_slice %arg9[%run_scoped3A, %dma_start3A, %dma_start3A_53] : memref<2x128x128xf32, #tpu.memory_space<vmem>> -> memref<1x128x128xf32, #tpu.memory_space<vmem>>
      %dma_start3A_55 = tpu.memref_squeeze %dma_start3A_54 : memref<1x128x128xf32, #tpu.memory_space<vmem>> -> memref<128x128xf32, #tpu.memory_space<vmem>>
      %dma_start3A_56 = arith.constant 0 : i32
      %dma_start3A_57 = tpu.memref_slice %arg10[%add3A_11, %dma_start3A_56] : memref<10240x128xf32, #tpu.memory_space<vmem_shared>> -> memref<128x128xf32, #tpu.memory_space<vmem_shared>>
      %dma_start3A_58 = arith.constant 0 : i32
      %dma_start3A_59 = tpu.memref_slice %arg10[%add3A_11, %dma_start3A_58] : memref<10240x128xf32, #tpu.memory_space<vmem_shared>> -> memref<128x128xf32, #tpu.memory_space<vmem_shared>>
      %dma_start3A_60 = arith.constant 0 : i32
      %dma_start3A_61 = arith.constant 0 : i32
      %dma_start3A_62 = tpu.memref_slice %arg9[%run_scoped3A, %dma_start3A_60, %dma_start3A_61] : memref<2x128x128xf32, #tpu.memory_space<vmem>> -> memref<1x128x128xf32, #tpu.memory_space<vmem>>
      %dma_start3A_63 = tpu.memref_squeeze %dma_start3A_62 : memref<1x128x128xf32, #tpu.memory_space<vmem>> -> memref<128x128xf32, #tpu.memory_space<vmem>>
      tpu.enqueue_dma source(%dma_start3A_63 : memref<128x128xf32, #tpu.memory_space<vmem>>) target(%dma_start3A_59 : memref<128x128xf32, #tpu.memory_space<vmem_shared>>) target_semaphore(%run_scoped3A_52 : memref<!tpu.dma_semaphore, #tpu.memory_space<semaphore_mem>>)
      %dma_wait3A = arith.constant 0 : i32
      %dma_wait3A_64 = arith.constant 0 : i32
      %dma_wait3A_65 = tpu.memref_slice %arg9[%run_scoped3A, %dma_wait3A, %dma_wait3A_64] : memref<2x128x128xf32, #tpu.memory_space<vmem>> -> memref<1x128x128xf32, #tpu.memory_space<vmem>>
      %dma_wait3A_66 = tpu.memref_squeeze %dma_wait3A_65 : memref<1x128x128xf32, #tpu.memory_space<vmem>> -> memref<128x128xf32, #tpu.memory_space<vmem>>
      %dma_wait3A_67 = arith.constant 0 : i32
      %dma_wait3A_68 = tpu.memref_slice %arg10[%add3A_11, %dma_wait3A_67] : memref<10240x128xf32, #tpu.memory_space<vmem_shared>> -> memref<128x128xf32, #tpu.memory_space<vmem_shared>>
      %dma_wait3A_69 = arith.constant 0 : i32
      %dma_wait3A_70 = tpu.memref_slice %arg10[%add3A_11, %dma_wait3A_69] : memref<10240x128xf32, #tpu.memory_space<vmem_shared>> -> memref<128x128xf32, #tpu.memory_space<vmem_shared>>
      %dma_wait3A_71 = arith.constant 0 : i32
      %dma_wait3A_72 = arith.constant 0 : i32
      %dma_wait3A_73 = tpu.memref_slice %arg9[%run_scoped3A, %dma_wait3A_71, %dma_wait3A_72] : memref<2x128x128xf32, #tpu.memory_space<vmem>> -> memref<1x128x128xf32, #tpu.memory_space<vmem>>
      %dma_wait3A_74 = tpu.memref_squeeze %dma_wait3A_73 : memref<1x128x128xf32, #tpu.memory_space<vmem>> -> memref<128x128xf32, #tpu.memory_space<vmem>>
      tpu.wait_dma2 semaphore(%run_scoped3A_52 : memref<!tpu.dma_semaphore, #tpu.memory_space<semaphore_mem>>) src(%dma_wait3A_74 : memref<128x128xf32, #tpu.memory_space<vmem>>) dst(%dma_wait3A_70 : memref<128x128xf32, #tpu.memory_space<vmem_shared>>)
      tpu.yield
    }) : () -> ()
    %mul3A_12 = arith.constant 640 : i32
    %mul3A_13 = arith.muli %arg1, %mul3A_12 : i32
    %add3A_14 = arith.constant 128 : i32
    %add3A_15 = arith.addi %mul3A_13, %add3A_14 : i32
    %run_scoped3A_16 = arith.constant 0 : i32
    "tpu.region"() ({
      %run_scoped3A_52 = tpu.sem_alloc : memref<!tpu.dma_semaphore, #tpu.memory_space<semaphore_mem>>
      %dma_start3A = arith.constant 0 : i32
      %dma_start3A_53 = arith.constant 0 : i32
      %dma_start3A_54 = tpu.memref_slice %arg9[%run_scoped3A_16, %dma_start3A, %dma_start3A_53] : memref<2x128x128xf32, #tpu.memory_space<vmem>> -> memref<1x128x128xf32, #tpu.memory_space<vmem>>
      %dma_start3A_55 = tpu.memref_squeeze %dma_start3A_54 : memref<1x128x128xf32, #tpu.memory_space<vmem>> -> memref<128x128xf32, #tpu.memory_space<vmem>>
      %dma_start3A_56 = arith.constant 0 : i32
      %dma_start3A_57 = tpu.memref_slice %arg10[%add3A_15, %dma_start3A_56] : memref<10240x128xf32, #tpu.memory_space<vmem_shared>> -> memref<128x128xf32, #tpu.memory_space<vmem_shared>>
      %dma_start3A_58 = arith.constant 0 : i32
      %dma_start3A_59 = tpu.memref_slice %arg10[%add3A_15, %dma_start3A_58] : memref<10240x128xf32, #tpu.memory_space<vmem_shared>> -> memref<128x128xf32, #tpu.memory_space<vmem_shared>>
      %dma_start3A_60 = arith.constant 0 : i32
      %dma_start3A_61 = arith.constant 0 : i32
      %dma_start3A_62 = tpu.memref_slice %arg9[%run_scoped3A_16, %dma_start3A_60, %dma_start3A_61] : memref<2x128x128xf32, #tpu.memory_space<vmem>> -> memref<1x128x128xf32, #tpu.memory_space<vmem>>
      %dma_start3A_63 = tpu.memref_squeeze %dma_start3A_62 : memref<1x128x128xf32, #tpu.memory_space<vmem>> -> memref<128x128xf32, #tpu.memory_space<vmem>>
      tpu.enqueue_dma source(%dma_start3A_63 : memref<128x128xf32, #tpu.memory_space<vmem>>) target(%dma_start3A_59 : memref<128x128xf32, #tpu.memory_space<vmem_shared>>) target_semaphore(%run_scoped3A_52 : memref<!tpu.dma_semaphore, #tpu.memory_space<semaphore_mem>>)
      %dma_wait3A = arith.constant 0 : i32
      %dma_wait3A_64 = arith.constant 0 : i32
      %dma_wait3A_65 = tpu.memref_slice %arg9[%run_scoped3A_16, %dma_wait3A, %dma_wait3A_64] : memref<2x128x128xf32, #tpu.memory_space<vmem>> -> memref<1x128x128xf32, #tpu.memory_space<vmem>>
      %dma_wait3A_66 = tpu.memref_squeeze %dma_wait3A_65 : memref<1x128x128xf32, #tpu.memory_space<vmem>> -> memref<128x128xf32, #tpu.memory_space<vmem>>
      %dma_wait3A_67 = arith.constant 0 : i32
      %dma_wait3A_68 = tpu.memref_slice %arg10[%add3A_15, %dma_wait3A_67] : memref<10240x128xf32, #tpu.memory_space<vmem_shared>> -> memref<128x128xf32, #tpu.memory_space<vmem_shared>>
      %dma_wait3A_69 = arith.constant 0 : i32
      %dma_wait3A_70 = tpu.memref_slice %arg10[%add3A_15, %dma_wait3A_69] : memref<10240x128xf32, #tpu.memory_space<vmem_shared>> -> memref<128x128xf32, #tpu.memory_space<vmem_shared>>
      %dma_wait3A_71 = arith.constant 0 : i32
      %dma_wait3A_72 = arith.constant 0 : i32
      %dma_wait3A_73 = tpu.memref_slice %arg9[%run_scoped3A_16, %dma_wait3A_71, %dma_wait3A_72] : memref<2x128x128xf32, #tpu.memory_space<vmem>> -> memref<1x128x128xf32, #tpu.memory_space<vmem>>
      %dma_wait3A_74 = tpu.memref_squeeze %dma_wait3A_73 : memref<1x128x128xf32, #tpu.memory_space<vmem>> -> memref<128x128xf32, #tpu.memory_space<vmem>>
      tpu.wait_dma2 semaphore(%run_scoped3A_52 : memref<!tpu.dma_semaphore, #tpu.memory_space<semaphore_mem>>) src(%dma_wait3A_74 : memref<128x128xf32, #tpu.memory_space<vmem>>) dst(%dma_wait3A_70 : memref<128x128xf32, #tpu.memory_space<vmem_shared>>)
      tpu.yield
    }) : () -> ()
    %mul3A_17 = arith.constant 640 : i32
    %mul3A_18 = arith.muli %arg1, %mul3A_17 : i32
    %add3A_19 = arith.constant 256 : i32
    %add3A_20 = arith.addi %mul3A_18, %add3A_19 : i32
    %run_scoped3A_21 = arith.constant 0 : i32
    "tpu.region"() ({
      %run_scoped3A_52 = tpu.sem_alloc : memref<!tpu.dma_semaphore, #tpu.memory_space<semaphore_mem>>
      %dma_start3A = arith.constant 0 : i32
      %dma_start3A_53 = arith.constant 0 : i32
      %dma_start3A_54 = tpu.memref_slice %arg9[%run_scoped3A_21, %dma_start3A, %dma_start3A_53] : memref<2x128x128xf32, #tpu.memory_space<vmem>> -> memref<1x128x128xf32, #tpu.memory_space<vmem>>
      %dma_start3A_55 = tpu.memref_squeeze %dma_start3A_54 : memref<1x128x128xf32, #tpu.memory_space<vmem>> -> memref<128x128xf32, #tpu.memory_space<vmem>>
      %dma_start3A_56 = arith.constant 0 : i32
      %dma_start3A_57 = tpu.memref_slice %arg10[%add3A_20, %dma_start3A_56] : memref<10240x128xf32, #tpu.memory_space<vmem_shared>> -> memref<128x128xf32, #tpu.memory_space<vmem_shared>>
      %dma_start3A_58 = arith.constant 0 : i32
      %dma_start3A_59 = tpu.memref_slice %arg10[%add3A_20, %dma_start3A_58] : memref<10240x128xf32, #tpu.memory_space<vmem_shared>> -> memref<128x128xf32, #tpu.memory_space<vmem_shared>>
      %dma_start3A_60 = arith.constant 0 : i32
      %dma_start3A_61 = arith.constant 0 : i32
      %dma_start3A_62 = tpu.memref_slice %arg9[%run_scoped3A_21, %dma_start3A_60, %dma_start3A_61] : memref<2x128x128xf32, #tpu.memory_space<vmem>> -> memref<1x128x128xf32, #tpu.memory_space<vmem>>
      %dma_start3A_63 = tpu.memref_squeeze %dma_start3A_62 : memref<1x128x128xf32, #tpu.memory_space<vmem>> -> memref<128x128xf32, #tpu.memory_space<vmem>>
      tpu.enqueue_dma source(%dma_start3A_63 : memref<128x128xf32, #tpu.memory_space<vmem>>) target(%dma_start3A_59 : memref<128x128xf32, #tpu.memory_space<vmem_shared>>) target_semaphore(%run_scoped3A_52 : memref<!tpu.dma_semaphore, #tpu.memory_space<semaphore_mem>>)
      %dma_wait3A = arith.constant 0 : i32
      %dma_wait3A_64 = arith.constant 0 : i32
      %dma_wait3A_65 = tpu.memref_slice %arg9[%run_scoped3A_21, %dma_wait3A, %dma_wait3A_64] : memref<2x128x128xf32, #tpu.memory_space<vmem>> -> memref<1x128x128xf32, #tpu.memory_space<vmem>>
      %dma_wait3A_66 = tpu.memref_squeeze %dma_wait3A_65 : memref<1x128x128xf32, #tpu.memory_space<vmem>> -> memref<128x128xf32, #tpu.memory_space<vmem>>
      %dma_wait3A_67 = arith.constant 0 : i32
      %dma_wait3A_68 = tpu.memref_slice %arg10[%add3A_20, %dma_wait3A_67] : memref<10240x128xf32, #tpu.memory_space<vmem_shared>> -> memref<128x128xf32, #tpu.memory_space<vmem_shared>>
      %dma_wait3A_69 = arith.constant 0 : i32
      %dma_wait3A_70 = tpu.memref_slice %arg10[%add3A_20, %dma_wait3A_69] : memref<10240x128xf32, #tpu.memory_space<vmem_shared>> -> memref<128x128xf32, #tpu.memory_space<vmem_shared>>
      %dma_wait3A_71 = arith.constant 0 : i32
      %dma_wait3A_72 = arith.constant 0 : i32
      %dma_wait3A_73 = tpu.memref_slice %arg9[%run_scoped3A_21, %dma_wait3A_71, %dma_wait3A_72] : memref<2x128x128xf32, #tpu.memory_space<vmem>> -> memref<1x128x128xf32, #tpu.memory_space<vmem>>
      %dma_wait3A_74 = tpu.memref_squeeze %dma_wait3A_73 : memref<1x128x128xf32, #tpu.memory_space<vmem>> -> memref<128x128xf32, #tpu.memory_space<vmem>>
      tpu.wait_dma2 semaphore(%run_scoped3A_52 : memref<!tpu.dma_semaphore, #tpu.memory_space<semaphore_mem>>) src(%dma_wait3A_74 : memref<128x128xf32, #tpu.memory_space<vmem>>) dst(%dma_wait3A_70 : memref<128x128xf32, #tpu.memory_space<vmem_shared>>)
      tpu.yield
    }) : () -> ()
    %mul3A_22 = arith.constant 640 : i32
    %mul3A_23 = arith.muli %arg1, %mul3A_22 : i32
    %add3A_24 = arith.constant 384 : i32
    %add3A_25 = arith.addi %mul3A_23, %add3A_24 : i32
    %run_scoped3A_26 = arith.constant 0 : i32
    "tpu.region"() ({
      %run_scoped3A_52 = tpu.sem_alloc : memref<!tpu.dma_semaphore, #tpu.memory_space<semaphore_mem>>
      %dma_start3A = arith.constant 0 : i32
      %dma_start3A_53 = arith.constant 0 : i32
      %dma_start3A_54 = tpu.memref_slice %arg9[%run_scoped3A_26, %dma_start3A, %dma_start3A_53] : memref<2x128x128xf32, #tpu.memory_space<vmem>> -> memref<1x128x128xf32, #tpu.memory_space<vmem>>
      %dma_start3A_55 = tpu.memref_squeeze %dma_start3A_54 : memref<1x128x128xf32, #tpu.memory_space<vmem>> -> memref<128x128xf32, #tpu.memory_space<vmem>>
      %dma_start3A_56 = arith.constant 0 : i32
      %dma_start3A_57 = tpu.memref_slice %arg10[%add3A_25, %dma_start3A_56] : memref<10240x128xf32, #tpu.memory_space<vmem_shared>> -> memref<128x128xf32, #tpu.memory_space<vmem_shared>>
      %dma_start3A_58 = arith.constant 0 : i32
      %dma_start3A_59 = tpu.memref_slice %arg10[%add3A_25, %dma_start3A_58] : memref<10240x128xf32, #tpu.memory_space<vmem_shared>> -> memref<128x128xf32, #tpu.memory_space<vmem_shared>>
      %dma_start3A_60 = arith.constant 0 : i32
      %dma_start3A_61 = arith.constant 0 : i32
      %dma_start3A_62 = tpu.memref_slice %arg9[%run_scoped3A_26, %dma_start3A_60, %dma_start3A_61] : memref<2x128x128xf32, #tpu.memory_space<vmem>> -> memref<1x128x128xf32, #tpu.memory_space<vmem>>
      %dma_start3A_63 = tpu.memref_squeeze %dma_start3A_62 : memref<1x128x128xf32, #tpu.memory_space<vmem>> -> memref<128x128xf32, #tpu.memory_space<vmem>>
      tpu.enqueue_dma source(%dma_start3A_63 : memref<128x128xf32, #tpu.memory_space<vmem>>) target(%dma_start3A_59 : memref<128x128xf32, #tpu.memory_space<vmem_shared>>) target_semaphore(%run_scoped3A_52 : memref<!tpu.dma_semaphore, #tpu.memory_space<semaphore_mem>>)
      %dma_wait3A = arith.constant 0 : i32
      %dma_wait3A_64 = arith.constant 0 : i32
      %dma_wait3A_65 = tpu.memref_slice %arg9[%run_scoped3A_26, %dma_wait3A, %dma_wait3A_64] : memref<2x128x128xf32, #tpu.memory_space<vmem>> -> memref<1x128x128xf32, #tpu.memory_space<vmem>>
      %dma_wait3A_66 = tpu.memref_squeeze %dma_wait3A_65 : memref<1x128x128xf32, #tpu.memory_space<vmem>> -> memref<128x128xf32, #tpu.memory_space<vmem>>
      %dma_wait3A_67 = arith.constant 0 : i32
      %dma_wait3A_68 = tpu.memref_slice %arg10[%add3A_25, %dma_wait3A_67] : memref<10240x128xf32, #tpu.memory_space<vmem_shared>> -> memref<128x128xf32, #tpu.memory_space<vmem_shared>>
      %dma_wait3A_69 = arith.constant 0 : i32
      %dma_wait3A_70 = tpu.memref_slice %arg10[%add3A_25, %dma_wait3A_69] : memref<10240x128xf32, #tpu.memory_space<vmem_shared>> -> memref<128x128xf32, #tpu.memory_space<vmem_shared>>
      %dma_wait3A_71 = arith.constant 0 : i32
      %dma_wait3A_72 = arith.constant 0 : i32
      %dma_wait3A_73 = tpu.memref_slice %arg9[%run_scoped3A_26, %dma_wait3A_71, %dma_wait3A_72] : memref<2x128x128xf32, #tpu.memory_space<vmem>> -> memref<1x128x128xf32, #tpu.memory_space<vmem>>
      %dma_wait3A_74 = tpu.memref_squeeze %dma_wait3A_73 : memref<1x128x128xf32, #tpu.memory_space<vmem>> -> memref<128x128xf32, #tpu.memory_space<vmem>>
      tpu.wait_dma2 semaphore(%run_scoped3A_52 : memref<!tpu.dma_semaphore, #tpu.memory_space<semaphore_mem>>) src(%dma_wait3A_74 : memref<128x128xf32, #tpu.memory_space<vmem>>) dst(%dma_wait3A_70 : memref<128x128xf32, #tpu.memory_space<vmem_shared>>)
      tpu.yield
    }) : () -> ()
    %mul3A_27 = arith.constant 640 : i32
    %mul3A_28 = arith.muli %arg1, %mul3A_27 : i32
    %add3A_29 = arith.constant 512 : i32
    %add3A_30 = arith.addi %mul3A_28, %add3A_29 : i32
    %run_scoped3A_31 = arith.constant 0 : i32
    "tpu.region"() ({
      %run_scoped3A_52 = tpu.sem_alloc : memref<!tpu.dma_semaphore, #tpu.memory_space<semaphore_mem>>
      %dma_start3A = arith.constant 0 : i32
      %dma_start3A_53 = arith.constant 0 : i32
      %dma_start3A_54 = tpu.memref_slice %arg9[%run_scoped3A_31, %dma_start3A, %dma_start3A_53] : memref<2x128x128xf32, #tpu.memory_space<vmem>> -> memref<1x128x128xf32, #tpu.memory_space<vmem>>
      %dma_start3A_55 = tpu.memref_squeeze %dma_start3A_54 : memref<1x128x128xf32, #tpu.memory_space<vmem>> -> memref<128x128xf32, #tpu.memory_space<vmem>>
      %dma_start3A_56 = arith.constant 0 : i32
      %dma_start3A_57 = tpu.memref_slice %arg10[%add3A_30, %dma_start3A_56] : memref<10240x128xf32, #tpu.memory_space<vmem_shared>> -> memref<128x128xf32, #tpu.memory_space<vmem_shared>>
      %dma_start3A_58 = arith.constant 0 : i32
      %dma_start3A_59 = tpu.memref_slice %arg10[%add3A_30, %dma_start3A_58] : memref<10240x128xf32, #tpu.memory_space<vmem_shared>> -> memref<128x128xf32, #tpu.memory_space<vmem_shared>>
      %dma_start3A_60 = arith.constant 0 : i32
      %dma_start3A_61 = arith.constant 0 : i32
      %dma_start3A_62 = tpu.memref_slice %arg9[%run_scoped3A_31, %dma_start3A_60, %dma_start3A_61] : memref<2x128x128xf32, #tpu.memory_space<vmem>> -> memref<1x128x128xf32, #tpu.memory_space<vmem>>
      %dma_start3A_63 = tpu.memref_squeeze %dma_start3A_62 : memref<1x128x128xf32, #tpu.memory_space<vmem>> -> memref<128x128xf32, #tpu.memory_space<vmem>>
      tpu.enqueue_dma source(%dma_start3A_63 : memref<128x128xf32, #tpu.memory_space<vmem>>) target(%dma_start3A_59 : memref<128x128xf32, #tpu.memory_space<vmem_shared>>) target_semaphore(%run_scoped3A_52 : memref<!tpu.dma_semaphore, #tpu.memory_space<semaphore_mem>>)
      %dma_wait3A = arith.constant 0 : i32
      %dma_wait3A_64 = arith.constant 0 : i32
      %dma_wait3A_65 = tpu.memref_slice %arg9[%run_scoped3A_31, %dma_wait3A, %dma_wait3A_64] : memref<2x128x128xf32, #tpu.memory_space<vmem>> -> memref<1x128x128xf32, #tpu.memory_space<vmem>>
      %dma_wait3A_66 = tpu.memref_squeeze %dma_wait3A_65 : memref<1x128x128xf32, #tpu.memory_space<vmem>> -> memref<128x128xf32, #tpu.memory_space<vmem>>
      %dma_wait3A_67 = arith.constant 0 : i32
      %dma_wait3A_68 = tpu.memref_slice %arg10[%add3A_30, %dma_wait3A_67] : memref<10240x128xf32, #tpu.memory_space<vmem_shared>> -> memref<128x128xf32, #tpu.memory_space<vmem_shared>>
      %dma_wait3A_69 = arith.constant 0 : i32
      %dma_wait3A_70 = tpu.memref_slice %arg10[%add3A_30, %dma_wait3A_69] : memref<10240x128xf32, #tpu.memory_space<vmem_shared>> -> memref<128x128xf32, #tpu.memory_space<vmem_shared>>
      %dma_wait3A_71 = arith.constant 0 : i32
      %dma_wait3A_72 = arith.constant 0 : i32
      %dma_wait3A_73 = tpu.memref_slice %arg9[%run_scoped3A_31, %dma_wait3A_71, %dma_wait3A_72] : memref<2x128x128xf32, #tpu.memory_space<vmem>> -> memref<1x128x128xf32, #tpu.memory_space<vmem>>
      %dma_wait3A_74 = tpu.memref_squeeze %dma_wait3A_73 : memref<1x128x128xf32, #tpu.memory_space<vmem>> -> memref<128x128xf32, #tpu.memory_space<vmem>>
      tpu.wait_dma2 semaphore(%run_scoped3A_52 : memref<!tpu.dma_semaphore, #tpu.memory_space<semaphore_mem>>) src(%dma_wait3A_74 : memref<128x128xf32, #tpu.memory_space<vmem>>) dst(%dma_wait3A_70 : memref<128x128xf32, #tpu.memory_space<vmem_shared>>)
      tpu.yield
    }) : () -> ()
    %broadcast_in_dim3A_32 = arith.constant 0.000000e+00 : f32
    %broadcast_in_dim3A_33 = vector.broadcast %broadcast_in_dim3A_32 : f32 to vector<16xf32>
    %scan3A_34 = arith.constant 0 : i32
    %scan3A_35 = arith.constant 0 : i32
    %scan3A_36 = arith.constant 640 : i32
    %scan3A_37 = arith.addi %scan3A_35, %scan3A_36 : i32
    %scan3A_38 = arith.constant 1 : i32
    scf.for %scan3A_52 = %scan3A_35 to %scan3A_37 step %scan3A_38  : i32 {
      %mul3A_53 = arith.constant 16 : i32
      %mul3A_54 = arith.muli %scan3A_52, %mul3A_53 : i32
      %swap3A = arith.index_cast %mul3A_54 : i32 to index
      %swap3A_55 = tpu.vector_load %arg14[%swap3A] {strides = array<i32>} : memref<10240xf32, #tpu.memory_space<vmem>>, vector<16xf32>,
      tpu.vector_store %arg14[%swap3A], %broadcast_in_dim3A_33 {strides = array<i32>} : memref<10240xf32, #tpu.memory_space<vmem>>, vector<16xf32>,
    }
    %scan3A_39 = arith.constant 640 : i32
    %barrier3A = arith.constant 0 : index
    tpu.barrier barrier_id(%barrier3A)
    %broadcast_in_dim3A_40 = arith.constant 1.000000e+00 : f32
    %broadcast_in_dim3A_41 = vector.broadcast %broadcast_in_dim3A_40 : f32 to vector<16xf32>
    %eq3A = arith.constant 0 : i32
    %eq3A_42 = arith.cmpi eq, %arg0, %eq3A : i32
    %convert_element_type3A = arith.extui %eq3A_42 : i1 to i32
    %cond3A = arith.constant 0 : i32
    %cond3A_43 = arith.cmpi ne, %convert_element_type3A, %cond3A : i32
    scf.if %cond3A_43 {
      %mul3A_52 = arith.constant 152 : i32
      %mul3A_53 = arith.muli %arg1, %mul3A_52 : i32
      %add3A_54 = arith.constant 0 : i32
      %add3A_55 = arith.addi %mul3A_53, %add3A_54 : i32
      %dma_start3A = arith.constant 0 : i32
      %dma_start3A_56 = arith.constant 0 : i32
      %dma_start3A_57 = arith.constant 0 : i32
      %dma_start3A_58 = tpu.memref_slice %arg7[%dma_start3A, %dma_start3A_56, %dma_start3A_57] : memref<2x8x128xi32, #tpu.memory_space<vmem>> -> memref<1x8x128xi32, #tpu.memory_space<vmem>>
      %dma_start3A_59 = tpu.memref_squeeze %dma_start3A_58 : memref<1x8x128xi32, #tpu.memory_space<vmem>> -> memref<8x128xi32, #tpu.memory_space<vmem>>
      %dma_start3A_60 = arith.constant 0 : i32
      %dma_start3A_61 = tpu.memref_slice %arg3[%add3A_55, %dma_start3A_60] : memref<2560x128xi32, #tpu.memory_space<hbm>> -> memref<8x128xi32, #tpu.memory_space<hbm>>
      %dma_start3A_62 = arith.constant 0 : i32
      %dma_start3A_63 = arith.constant 0 : i32
      %dma_start3A_64 = tpu.memref_slice %arg7[%dma_start3A, %dma_start3A_62, %dma_start3A_63] : memref<2x8x128xi32, #tpu.memory_space<vmem>> -> memref<1x8x128xi32, #tpu.memory_space<vmem>>
      %dma_start3A_65 = tpu.memref_squeeze %dma_start3A_64 : memref<1x8x128xi32, #tpu.memory_space<vmem>> -> memref<8x128xi32, #tpu.memory_space<vmem>>
      %dma_start3A_66 = arith.constant 0 : i32
      %dma_start3A_67 = tpu.memref_slice %arg3[%add3A_55, %dma_start3A_66] : memref<2560x128xi32, #tpu.memory_space<hbm>> -> memref<8x128xi32, #tpu.memory_space<hbm>>
      tpu.enqueue_dma source(%dma_start3A_67 : memref<8x128xi32, #tpu.memory_space<hbm>>) target(%dma_start3A_65 : memref<8x128xi32, #tpu.memory_space<vmem>>) target_semaphore(%arg13 : memref<!tpu.dma_semaphore, #tpu.memory_space<semaphore_mem>>)
      %dma_start3A_68 = arith.constant 0 : i32
      %dma_start3A_69 = arith.constant 0 : i32
      %dma_start3A_70 = arith.constant 0 : i32
      %dma_start3A_71 = tpu.memref_slice %arg8[%dma_start3A_68, %dma_start3A_69, %dma_start3A_70] : memref<2x8x128xi32, #tpu.memory_space<vmem>> -> memref<1x8x128xi32, #tpu.memory_space<vmem>>
      %dma_start3A_72 = tpu.memref_squeeze %dma_start3A_71 : memref<1x8x128xi32, #tpu.memory_space<vmem>> -> memref<8x128xi32, #tpu.memory_space<vmem>>
      %dma_start3A_73 = arith.constant 0 : i32
      %dma_start3A_74 = tpu.memref_slice %arg4[%add3A_55, %dma_start3A_73] : memref<2560x128xi32, #tpu.memory_space<hbm>> -> memref<8x128xi32, #tpu.memory_space<hbm>>
      %dma_start3A_75 = arith.constant 0 : i32
      %dma_start3A_76 = arith.constant 0 : i32
      %dma_start3A_77 = tpu.memref_slice %arg8[%dma_start3A_68, %dma_start3A_75, %dma_start3A_76] : memref<2x8x128xi32, #tpu.memory_space<vmem>> -> memref<1x8x128xi32, #tpu.memory_space<vmem>>
      %dma_start3A_78 = tpu.memref_squeeze %dma_start3A_77 : memref<1x8x128xi32, #tpu.memory_space<vmem>> -> memref<8x128xi32, #tpu.memory_space<vmem>>
      %dma_start3A_79 = arith.constant 0 : i32
      %dma_start3A_80 = tpu.memref_slice %arg4[%add3A_55, %dma_start3A_79] : memref<2560x128xi32, #tpu.memory_space<hbm>> -> memref<8x128xi32, #tpu.memory_space<hbm>>
      tpu.enqueue_dma source(%dma_start3A_80 : memref<8x128xi32, #tpu.memory_space<hbm>>) target(%dma_start3A_78 : memref<8x128xi32, #tpu.memory_space<vmem>>) target_semaphore(%arg13 : memref<!tpu.dma_semaphore, #tpu.memory_space<semaphore_mem>>)
      %dma_wait3A = arith.constant 0 : i32
      %dma_wait3A_81 = arith.constant 0 : i32
      %dma_wait3A_82 = arith.constant 0 : i32
      %dma_wait3A_83 = tpu.memref_slice %arg7[%dma_wait3A, %dma_wait3A_81, %dma_wait3A_82] : memref<2x8x128xi32, #tpu.memory_space<vmem>> -> memref<1x8x128xi32, #tpu.memory_space<vmem>>
      %dma_wait3A_84 = tpu.memref_squeeze %dma_wait3A_83 : memref<1x8x128xi32, #tpu.memory_space<vmem>> -> memref<8x128xi32, #tpu.memory_space<vmem>>
      %dma_wait3A_85 = arith.constant 0 : i32
      %dma_wait3A_86 = arith.constant 0 : i32
      %dma_wait3A_87 = tpu.memref_slice %arg3[%dma_wait3A_85, %dma_wait3A_86] : memref<2560x128xi32, #tpu.memory_space<hbm>> -> memref<8x128xi32, #tpu.memory_space<hbm>>
      %dma_wait3A_88 = arith.constant 0 : i32
      %dma_wait3A_89 = arith.constant 0 : i32
      %dma_wait3A_90 = tpu.memref_slice %arg7[%dma_wait3A, %dma_wait3A_88, %dma_wait3A_89] : memref<2x8x128xi32, #tpu.memory_space<vmem>> -> memref<1x8x128xi32, #tpu.memory_space<vmem>>
      %dma_wait3A_91 = tpu.memref_squeeze %dma_wait3A_90 : memref<1x8x128xi32, #tpu.memory_space<vmem>> -> memref<8x128xi32, #tpu.memory_space<vmem>>
      %dma_wait3A_92 = arith.constant 0 : i32
      %dma_wait3A_93 = arith.constant 0 : i32
      %dma_wait3A_94 = tpu.memref_slice %arg3[%dma_wait3A_92, %dma_wait3A_93] : memref<2560x128xi32, #tpu.memory_space<hbm>> -> memref<8x128xi32, #tpu.memory_space<hbm>>
      tpu.wait_dma2 semaphore(%arg13 : memref<!tpu.dma_semaphore, #tpu.memory_space<semaphore_mem>>) src(%dma_wait3A_94 : memref<8x128xi32, #tpu.memory_space<hbm>>) dst(%dma_wait3A_91 : memref<8x128xi32, #tpu.memory_space<vmem>>)
      %dma_wait3A_95 = arith.constant 0 : i32
      %dma_wait3A_96 = arith.constant 0 : i32
      %dma_wait3A_97 = arith.constant 0 : i32
      %dma_wait3A_98 = tpu.memref_slice %arg7[%dma_wait3A_95, %dma_wait3A_96, %dma_wait3A_97] : memref<2x8x128xi32, #tpu.memory_space<vmem>> -> memref<1x8x128xi32, #tpu.memory_space<vmem>>
      %dma_wait3A_99 = tpu.memref_squeeze %dma_wait3A_98 : memref<1x8x128xi32, #tpu.memory_space<vmem>> -> memref<8x128xi32, #tpu.memory_space<vmem>>
      %dma_wait3A_100 = arith.constant 0 : i32
      %dma_wait3A_101 = arith.constant 0 : i32
      %dma_wait3A_102 = tpu.memref_slice %arg3[%dma_wait3A_100, %dma_wait3A_101] : memref<2560x128xi32, #tpu.memory_space<hbm>> -> memref<8x128xi32, #tpu.memory_space<hbm>>
      %dma_wait3A_103 = arith.constant 0 : i32
      %dma_wait3A_104 = arith.constant 0 : i32
      %dma_wait3A_105 = tpu.memref_slice %arg7[%dma_wait3A_95, %dma_wait3A_103, %dma_wait3A_104] : memref<2x8x128xi32, #tpu.memory_space<vmem>> -> memref<1x8x128xi32, #tpu.memory_space<vmem>>
      %dma_wait3A_106 = tpu.memref_squeeze %dma_wait3A_105 : memref<1x8x128xi32, #tpu.memory_space<vmem>> -> memref<8x128xi32, #tpu.memory_space<vmem>>
      %dma_wait3A_107 = arith.constant 0 : i32
      %dma_wait3A_108 = arith.constant 0 : i32
      %dma_wait3A_109 = tpu.memref_slice %arg3[%dma_wait3A_107, %dma_wait3A_108] : memref<2560x128xi32, #tpu.memory_space<hbm>> -> memref<8x128xi32, #tpu.memory_space<hbm>>
      tpu.wait_dma2 semaphore(%arg13 : memref<!tpu.dma_semaphore, #tpu.memory_space<semaphore_mem>>) src(%dma_wait3A_109 : memref<8x128xi32, #tpu.memory_space<hbm>>) dst(%dma_wait3A_106 : memref<8x128xi32, #tpu.memory_space<vmem>>)
      %dma_start3A_110 = arith.constant 0 : i32
      %dma_start3A_111 = arith.constant 0 : i32
      %dma_start3A_112 = arith.constant 0 : i32
      %dma_start3A_113 = arith.constant 0 : i32
      %dma_start3A_114 = arith.constant 0 : i32
      %dma_start3A_115 = tpu.memref_slice %arg9[%dma_start3A_112, %dma_start3A_113, %dma_start3A_114] : memref<2x128x128xf32, #tpu.memory_space<vmem>> -> memref<1x128x128xf32, #tpu.memory_space<vmem>>
      %dma_start3A_116 = tpu.memref_squeeze %dma_start3A_115 : memref<1x128x128xf32, #tpu.memory_space<vmem>> -> memref<128x128xf32, #tpu.memory_space<vmem>>
      %dma_start3A_117 = arith.constant 0 : i32
      %dma_start3A_118 = tpu.memref_slice %arg7[%dma_start3A_110, %dma_start3A_111, %dma_start3A_117] : memref<2x8x128xi32, #tpu.memory_space<vmem>> -> memref<1x1x128xi32, #tpu.memory_space<vmem>>
      %dma_start3A_119 = tpu.memref_squeeze %dma_start3A_118 : memref<1x1x128xi32, #tpu.memory_space<vmem>> -> memref<128xi32, #tpu.memory_space<vmem>>
      %dma_start3A_120 = arith.constant 0 : i32
      %dma_start3A_121 = arith.constant 0 : i32
      %dma_start3A_122 = tpu.memref_slice %arg2[%dma_start3A_120, %dma_start3A_121] : memref<10000x128xf32, #tpu.memory_space<hbm>> -> memref<10000x128xf32, #tpu.memory_space<hbm>>
      tpu.enqueue_indirect_dma source(%dma_start3A_122 : memref<10000x128xf32, #tpu.memory_space<hbm>>) target(%dma_start3A_116 : memref<128x128xf32, #tpu.memory_space<vmem>>) offsets(%dma_start3A_119 : memref<128xi32, #tpu.memory_space<vmem>>) semaphore(%arg11 : memref<!tpu.dma_semaphore, #tpu.memory_space<semaphore_mem>>)
      %scan3A_123 = arith.constant 0 : i32
      %scan3A_124 = arith.constant 0 : i32
      %scan3A_125 = arith.constant 76 : i32
      %scan3A_126 = arith.addi %scan3A_124, %scan3A_125 : i32
      %scan3A_127 = arith.constant 1 : i32
      scf.for %scan3A_142 = %scan3A_124 to %scan3A_126 step %scan3A_127  : i32 {
        %mul3A_143 = arith.constant 2 : i32
        %mul3A_144 = arith.muli %mul3A_143, %scan3A_142 : i32
        %jit3A = arith.constant 8 : i32
        %div3A = arith.divsi %mul3A_144, %jit3A : i32
        %sign3A = arith.constant 0 : i32
        %sign3A_145 = arith.cmpi sgt, %mul3A_144, %sign3A : i32
        %sign3A_146 = arith.extui %sign3A_145 : i1 to i32
        %sign3A_147 = arith.constant 0 : i32
        %sign3A_148 = arith.cmpi slt, %mul3A_144, %sign3A_147 : i32
        %sign3A_149 = arith.extui %sign3A_148 : i1 to i32
        %sign3A_150 = arith.subi %sign3A_146, %sign3A_149 : i32
        %sign3A_151 = arith.constant 0 : i32
        %sign3A_152 = arith.cmpi sgt, %jit3A, %sign3A_151 : i32
        %sign3A_153 = arith.extui %sign3A_152 : i1 to i32
        %sign3A_154 = arith.constant 0 : i32
        %sign3A_155 = arith.cmpi slt, %jit3A, %sign3A_154 : i32
        %sign3A_156 = arith.extui %sign3A_155 : i1 to i32
        %sign3A_157 = arith.subi %sign3A_153, %sign3A_156 : i32
        %ne3A = arith.cmpi ne, %sign3A_150, %sign3A_157 : i32
        %rem3A = arith.remsi %mul3A_144, %jit3A : i32
        %ne3A_158 = arith.constant 0 : i32
        %ne3A_159 = arith.cmpi ne, %rem3A, %ne3A_158 : i32
        %and3A = arith.andi %ne3A, %ne3A_159 : i1
        %sub3A = arith.constant 1 : i32
        %sub3A_160 = arith.subi %div3A, %sub3A : i32
        %select_n3A = arith.select %and3A, %sub3A_160, %div3A : i32
        %jit3A_161 = arith.constant 8 : i32
        %eq3A_162 = arith.constant 0 : i32
        %eq3A_163 = arith.cmpi eq, %jit3A_161, %eq3A_162 : i32
        %jit3A_164 = arith.constant 1 : i32
        %select_n3A_165 = arith.select %eq3A_163, %jit3A_164, %jit3A_161 : i32
        %rem3A_166 = arith.remsi %mul3A_144, %select_n3A_165 : i32
        %ne3A_167 = arith.constant 0 : i32
        %ne3A_168 = arith.cmpi ne, %rem3A_166, %ne3A_167 : i32
        %lt3A = arith.constant 0 : i32
        %lt3A_169 = arith.cmpi slt, %rem3A_166, %lt3A : i32
        %lt3A_170 = arith.constant 0 : i32
        %lt3A_171 = arith.cmpi slt, %select_n3A_165, %lt3A_170 : i32
        %ne3A_172 = arith.xori %lt3A_169, %lt3A_171 : i1
        %and3A_173 = arith.andi %ne3A_172, %ne3A_168 : i1
        %add3A_174 = arith.addi %rem3A_166, %select_n3A_165 : i32
        %select_n3A_175 = arith.select %and3A_173, %add3A_174, %rem3A_166 : i32
        %dma_wait3A_176 = arith.constant 0 : i32
        %dma_wait3A_177 = arith.constant 0 : i32
        %dma_wait3A_178 = arith.constant 0 : i32
        %dma_wait3A_179 = arith.constant 0 : i32
        %dma_wait3A_180 = arith.constant 0 : i32
        %dma_wait3A_181 = tpu.memref_slice %arg9[%dma_wait3A_178, %dma_wait3A_179, %dma_wait3A_180] : memref<2x128x128xf32, #tpu.memory_space<vmem>> -> memref<1x128x128xf32, #tpu.memory_space<vmem>>
        %dma_wait3A_182 = tpu.memref_squeeze %dma_wait3A_181 : memref<1x128x128xf32, #tpu.memory_space<vmem>> -> memref<128x128xf32, #tpu.memory_space<vmem>>
        %dma_wait3A_183 = arith.constant 0 : i32
        %dma_wait3A_184 = tpu.memref_slice %arg7[%dma_wait3A_176, %dma_wait3A_177, %dma_wait3A_183] : memref<2x8x128xi32, #tpu.memory_space<vmem>> -> memref<1x1x128xi32, #tpu.memory_space<vmem>>
        %dma_wait3A_185 = tpu.memref_squeeze %dma_wait3A_184 : memref<1x1x128xi32, #tpu.memory_space<vmem>> -> memref<128xi32, #tpu.memory_space<vmem>>
        %dma_wait3A_186 = arith.constant 0 : i32
        %dma_wait3A_187 = arith.constant 0 : i32
        %dma_wait3A_188 = tpu.memref_slice %arg2[%dma_wait3A_186, %dma_wait3A_187] : memref<10000x128xf32, #tpu.memory_space<hbm>> -> memref<10000x128xf32, #tpu.memory_space<hbm>>
        tpu.wait_indirect_dma semaphore(%arg11 : memref<!tpu.dma_semaphore, #tpu.memory_space<semaphore_mem>>) src(%dma_wait3A_188 : memref<10000x128xf32, #tpu.memory_space<hbm>>) dst(%dma_wait3A_182 : memref<128x128xf32, #tpu.memory_space<vmem>>)
        %gt3A = arith.constant 0 : i32
        %gt3A_189 = arith.cmpi sgt, %mul3A_144, %gt3A : i32
        %convert_element_type3A_190 = arith.extui %gt3A_189 : i1 to i32
        %cond3A_191 = arith.constant 0 : i32
        %cond3A_192 = arith.cmpi ne, %convert_element_type3A_190, %cond3A_191 : i32
        scf.if %cond3A_192 {
          %dma_wait3A_598 = arith.constant 1 : i32
          %dma_wait3A_599 = arith.constant 0 : i32
          %dma_wait3A_600 = arith.constant 0 : i32
          %dma_wait3A_601 = arith.constant 0 : i32
          %dma_wait3A_602 = arith.constant 0 : i32
          %dma_wait3A_603 = tpu.memref_slice %arg9[%dma_wait3A_598, %dma_wait3A_601, %dma_wait3A_602] : memref<2x128x128xf32, #tpu.memory_space<vmem>> -> memref<1x128x128xf32, #tpu.memory_space<vmem>>
          %dma_wait3A_604 = tpu.memref_squeeze %dma_wait3A_603 : memref<1x128x128xf32, #tpu.memory_space<vmem>> -> memref<128x128xf32, #tpu.memory_space<vmem>>
          %dma_wait3A_605 = arith.constant 0 : i32
          %dma_wait3A_606 = tpu.memref_slice %arg8[%dma_wait3A_599, %dma_wait3A_600, %dma_wait3A_605] : memref<2x8x128xi32, #tpu.memory_space<vmem>> -> memref<1x1x128xi32, #tpu.memory_space<vmem>>
          %dma_wait3A_607 = tpu.memref_squeeze %dma_wait3A_606 : memref<1x1x128xi32, #tpu.memory_space<vmem>> -> memref<128xi32, #tpu.memory_space<vmem>>
          %dma_wait3A_608 = arith.constant 0 : i32
          %dma_wait3A_609 = arith.constant 0 : i32
          %dma_wait3A_610 = tpu.memref_slice %arg10[%dma_wait3A_608, %dma_wait3A_609] : memref<10240x128xf32, #tpu.memory_space<vmem_shared>> -> memref<10240x128xf32, #tpu.memory_space<vmem_shared>>
          tpu.wait_indirect_dma semaphore(%arg12 : memref<!tpu.dma_semaphore, #tpu.memory_space<semaphore_mem>>) src(%dma_wait3A_604 : memref<128x128xf32, #tpu.memory_space<vmem>>) dst(%dma_wait3A_610 : memref<10240x128xf32, #tpu.memory_space<vmem_shared>>)
        } else {
        }
        %eq3A_193 = arith.constant 2 : i32
        %eq3A_194 = arith.cmpi eq, %select_n3A_175, %eq3A_193 : i32
        %add3A_195 = arith.constant 1 : i32
        %add3A_196 = arith.addi %select_n3A, %add3A_195 : i32
        %lt3A_197 = arith.constant 19 : i32
        %lt3A_198 = arith.cmpi slt, %add3A_196, %lt3A_197 : i32
        %and3A_199 = arith.andi %eq3A_194, %lt3A_198 : i1
        %convert_element_type3A_200 = arith.extui %and3A_199 : i1 to i32
        %cond3A_201 = arith.constant 0 : i32
        %cond3A_202 = arith.cmpi ne, %convert_element_type3A_200, %cond3A_201 : i32
        scf.if %cond3A_202 {
          %add3A_598 = arith.constant 1 : i32
          %add3A_599 = arith.addi %select_n3A, %add3A_598 : i32
          %add3A_600 = arith.constant 1 : i32
          %add3A_601 = arith.addi %select_n3A, %add3A_600 : i32
          %jit3A_602 = arith.constant 2 : i32
          %eq3A_603 = arith.constant 0 : i32
          %eq3A_604 = arith.cmpi eq, %jit3A_602, %eq3A_603 : i32
          %jit3A_605 = arith.constant 1 : i32
          %select_n3A_606 = arith.select %eq3A_604, %jit3A_605, %jit3A_602 : i32
          %rem3A_607 = arith.remsi %add3A_601, %select_n3A_606 : i32
          %ne3A_608 = arith.constant 0 : i32
          %ne3A_609 = arith.cmpi ne, %rem3A_607, %ne3A_608 : i32
          %lt3A_610 = arith.constant 0 : i32
          %lt3A_611 = arith.cmpi slt, %rem3A_607, %lt3A_610 : i32
          %lt3A_612 = arith.constant 0 : i32
          %lt3A_613 = arith.cmpi slt, %select_n3A_606, %lt3A_612 : i32
          %ne3A_614 = arith.xori %lt3A_611, %lt3A_613 : i1
          %and3A_615 = arith.andi %ne3A_614, %ne3A_609 : i1
          %add3A_616 = arith.addi %rem3A_607, %select_n3A_606 : i32
          %select_n3A_617 = arith.select %and3A_615, %add3A_616, %rem3A_607 : i32
          %mul3A_618 = arith.constant 8 : i32
          %mul3A_619 = arith.muli %add3A_599, %mul3A_618 : i32
          %add3A_620 = arith.addi %mul3A_53, %mul3A_619 : i32
          %dma_start3A_621 = arith.constant 0 : i32
          %dma_start3A_622 = arith.constant 0 : i32
          %dma_start3A_623 = tpu.memref_slice %arg7[%select_n3A_617, %dma_start3A_621, %dma_start3A_622] : memref<2x8x128xi32, #tpu.memory_space<vmem>> -> memref<1x8x128xi32, #tpu.memory_space<vmem>>
          %dma_start3A_624 = tpu.memref_squeeze %dma_start3A_623 : memref<1x8x128xi32, #tpu.memory_space<vmem>> -> memref<8x128xi32, #tpu.memory_space<vmem>>
          %dma_start3A_625 = arith.constant 0 : i32
          %dma_start3A_626 = tpu.memref_slice %arg3[%add3A_620, %dma_start3A_625] : memref<2560x128xi32, #tpu.memory_space<hbm>> -> memref<8x128xi32, #tpu.memory_space<hbm>>
          %dma_start3A_627 = arith.constant 0 : i32
          %dma_start3A_628 = arith.constant 0 : i32
          %dma_start3A_629 = tpu.memref_slice %arg7[%select_n3A_617, %dma_start3A_627, %dma_start3A_628] : memref<2x8x128xi32, #tpu.memory_space<vmem>> -> memref<1x8x128xi32, #tpu.memory_space<vmem>>
          %dma_start3A_630 = tpu.memref_squeeze %dma_start3A_629 : memref<1x8x128xi32, #tpu.memory_space<vmem>> -> memref<8x128xi32, #tpu.memory_space<vmem>>
          %dma_start3A_631 = arith.constant 0 : i32
          %dma_start3A_632 = tpu.memref_slice %arg3[%add3A_620, %dma_start3A_631] : memref<2560x128xi32, #tpu.memory_space<hbm>> -> memref<8x128xi32, #tpu.memory_space<hbm>>
          tpu.enqueue_dma source(%dma_start3A_632 : memref<8x128xi32, #tpu.memory_space<hbm>>) target(%dma_start3A_630 : memref<8x128xi32, #tpu.memory_space<vmem>>) target_semaphore(%arg13 : memref<!tpu.dma_semaphore, #tpu.memory_space<semaphore_mem>>)
          %dma_start3A_633 = arith.constant 0 : i32
          %dma_start3A_634 = arith.constant 0 : i32
          %dma_start3A_635 = tpu.memref_slice %arg8[%select_n3A_617, %dma_start3A_633, %dma_start3A_634] : memref<2x8x128xi32, #tpu.memory_space<vmem>> -> memref<1x8x128xi32, #tpu.memory_space<vmem>>
          %dma_start3A_636 = tpu.memref_squeeze %dma_start3A_635 : memref<1x8x128xi32, #tpu.memory_space<vmem>> -> memref<8x128xi32, #tpu.memory_space<vmem>>
          %dma_start3A_637 = arith.constant 0 : i32
          %dma_start3A_638 = tpu.memref_slice %arg4[%add3A_620, %dma_start3A_637] : memref<2560x128xi32, #tpu.memory_space<hbm>> -> memref<8x128xi32, #tpu.memory_space<hbm>>
          %dma_start3A_639 = arith.constant 0 : i32
          %dma_start3A_640 = arith.constant 0 : i32
          %dma_start3A_641 = tpu.memref_slice %arg8[%select_n3A_617, %dma_start3A_639, %dma_start3A_640] : memref<2x8x128xi32, #tpu.memory_space<vmem>> -> memref<1x8x128xi32, #tpu.memory_space<vmem>>
          %dma_start3A_642 = tpu.memref_squeeze %dma_start3A_641 : memref<1x8x128xi32, #tpu.memory_space<vmem>> -> memref<8x128xi32, #tpu.memory_space<vmem>>
          %dma_start3A_643 = arith.constant 0 : i32
          %dma_start3A_644 = tpu.memref_slice %arg4[%add3A_620, %dma_start3A_643] : memref<2560x128xi32, #tpu.memory_space<hbm>> -> memref<8x128xi32, #tpu.memory_space<hbm>>
          tpu.enqueue_dma source(%dma_start3A_644 : memref<8x128xi32, #tpu.memory_space<hbm>>) target(%dma_start3A_642 : memref<8x128xi32, #tpu.memory_space<vmem>>) target_semaphore(%arg13 : memref<!tpu.dma_semaphore, #tpu.memory_space<semaphore_mem>>)
        } else {
        }
        %add3A_203 = arith.constant 1 : i32
        %add3A_204 = arith.addi %mul3A_144, %add3A_203 : i32
        %lt3A_205 = arith.constant 152 : i32
        %lt3A_206 = arith.cmpi slt, %add3A_204, %lt3A_205 : i32
        %convert_element_type3A_207 = arith.extui %lt3A_206 : i1 to i32
        %cond3A_208 = arith.constant 0 : i32
        %cond3A_209 = arith.cmpi ne, %convert_element_type3A_207, %cond3A_208 : i32
        scf.if %cond3A_209 {
          %eq3A_598 = arith.constant 7 : i32
          %eq3A_599 = arith.cmpi eq, %select_n3A_175, %eq3A_598 : i32
          %convert_element_type3A_600 = arith.extui %eq3A_599 : i1 to i32
          %cond3A_601 = arith.constant 0 : i32
          %cond3A_602 = arith.cmpi ne, %convert_element_type3A_600, %cond3A_601 : i32
          scf.if %cond3A_602 {
            %dma_wait3A_672 = arith.constant 0 : i32
            %dma_wait3A_673 = arith.constant 0 : i32
            %dma_wait3A_674 = arith.constant 0 : i32
            %dma_wait3A_675 = tpu.memref_slice %arg7[%dma_wait3A_672, %dma_wait3A_673, %dma_wait3A_674] : memref<2x8x128xi32, #tpu.memory_space<vmem>> -> memref<1x8x128xi32, #tpu.memory_space<vmem>>
            %dma_wait3A_676 = tpu.memref_squeeze %dma_wait3A_675 : memref<1x8x128xi32, #tpu.memory_space<vmem>> -> memref<8x128xi32, #tpu.memory_space<vmem>>
            %dma_wait3A_677 = arith.constant 0 : i32
            %dma_wait3A_678 = arith.constant 0 : i32
            %dma_wait3A_679 = tpu.memref_slice %arg3[%dma_wait3A_677, %dma_wait3A_678] : memref<2560x128xi32, #tpu.memory_space<hbm>> -> memref<8x128xi32, #tpu.memory_space<hbm>>
            %dma_wait3A_680 = arith.constant 0 : i32
            %dma_wait3A_681 = arith.constant 0 : i32
            %dma_wait3A_682 = tpu.memref_slice %arg7[%dma_wait3A_672, %dma_wait3A_680, %dma_wait3A_681] : memref<2x8x128xi32, #tpu.memory_space<vmem>> -> memref<1x8x128xi32, #tpu.memory_space<vmem>>
            %dma_wait3A_683 = tpu.memref_squeeze %dma_wait3A_682 : memref<1x8x128xi32, #tpu.memory_space<vmem>> -> memref<8x128xi32, #tpu.memory_space<vmem>>
            %dma_wait3A_684 = arith.constant 0 : i32
            %dma_wait3A_685 = arith.constant 0 : i32
            %dma_wait3A_686 = tpu.memref_slice %arg3[%dma_wait3A_684, %dma_wait3A_685] : memref<2560x128xi32, #tpu.memory_space<hbm>> -> memref<8x128xi32, #tpu.memory_space<hbm>>
            tpu.wait_dma2 semaphore(%arg13 : memref<!tpu.dma_semaphore, #tpu.memory_space<semaphore_mem>>) src(%dma_wait3A_686 : memref<8x128xi32, #tpu.memory_space<hbm>>) dst(%dma_wait3A_683 : memref<8x128xi32, #tpu.memory_space<vmem>>)
            %dma_wait3A_687 = arith.constant 0 : i32
            %dma_wait3A_688 = arith.constant 0 : i32
            %dma_wait3A_689 = arith.constant 0 : i32
            %dma_wait3A_690 = tpu.memref_slice %arg7[%dma_wait3A_687, %dma_wait3A_688, %dma_wait3A_689] : memref<2x8x128xi32, #tpu.memory_space<vmem>> -> memref<1x8x128xi32, #tpu.memory_space<vmem>>
            %dma_wait3A_691 = tpu.memref_squeeze %dma_wait3A_690 : memref<1x8x128xi32, #tpu.memory_space<vmem>> -> memref<8x128xi32, #tpu.memory_space<vmem>>
            %dma_wait3A_692 = arith.constant 0 : i32
            %dma_wait3A_693 = arith.constant 0 : i32
            %dma_wait3A_694 = tpu.memref_slice %arg3[%dma_wait3A_692, %dma_wait3A_693] : memref<2560x128xi32, #tpu.memory_space<hbm>> -> memref<8x128xi32, #tpu.memory_space<hbm>>
            %dma_wait3A_695 = arith.constant 0 : i32
            %dma_wait3A_696 = arith.constant 0 : i32
            %dma_wait3A_697 = tpu.memref_slice %arg7[%dma_wait3A_687, %dma_wait3A_695, %dma_wait3A_696] : memref<2x8x128xi32, #tpu.memory_space<vmem>> -> memref<1x8x128xi32, #tpu.memory_space<vmem>>
            %dma_wait3A_698 = tpu.memref_squeeze %dma_wait3A_697 : memref<1x8x128xi32, #tpu.memory_space<vmem>> -> memref<8x128xi32, #tpu.memory_space<vmem>>
            %dma_wait3A_699 = arith.constant 0 : i32
            %dma_wait3A_700 = arith.constant 0 : i32
            %dma_wait3A_701 = tpu.memref_slice %arg3[%dma_wait3A_699, %dma_wait3A_700] : memref<2560x128xi32, #tpu.memory_space<hbm>> -> memref<8x128xi32, #tpu.memory_space<hbm>>
            tpu.wait_dma2 semaphore(%arg13 : memref<!tpu.dma_semaphore, #tpu.memory_space<semaphore_mem>>) src(%dma_wait3A_701 : memref<8x128xi32, #tpu.memory_space<hbm>>) dst(%dma_wait3A_698 : memref<8x128xi32, #tpu.memory_space<vmem>>)
          } else {
          }
          %add3A_603 = arith.constant 1 : i32
          %add3A_604 = arith.addi %mul3A_144, %add3A_603 : i32
          %jit3A_605 = arith.constant 8 : i32
          %div3A_606 = arith.divsi %add3A_604, %jit3A_605 : i32
          %sign3A_607 = arith.constant 0 : i32
          %sign3A_608 = arith.cmpi sgt, %add3A_604, %sign3A_607 : i32
          %sign3A_609 = arith.extui %sign3A_608 : i1 to i32
          %sign3A_610 = arith.constant 0 : i32
          %sign3A_611 = arith.cmpi slt, %add3A_604, %sign3A_610 : i32
          %sign3A_612 = arith.extui %sign3A_611 : i1 to i32
          %sign3A_613 = arith.subi %sign3A_609, %sign3A_612 : i32
          %sign3A_614 = arith.constant 0 : i32
          %sign3A_615 = arith.cmpi sgt, %jit3A_605, %sign3A_614 : i32
          %sign3A_616 = arith.extui %sign3A_615 : i1 to i32
          %sign3A_617 = arith.constant 0 : i32
          %sign3A_618 = arith.cmpi slt, %jit3A_605, %sign3A_617 : i32
          %sign3A_619 = arith.extui %sign3A_618 : i1 to i32
          %sign3A_620 = arith.subi %sign3A_616, %sign3A_619 : i32
          %ne3A_621 = arith.cmpi ne, %sign3A_613, %sign3A_620 : i32
          %rem3A_622 = arith.remsi %add3A_604, %jit3A_605 : i32
          %ne3A_623 = arith.constant 0 : i32
          %ne3A_624 = arith.cmpi ne, %rem3A_622, %ne3A_623 : i32
          %and3A_625 = arith.andi %ne3A_621, %ne3A_624 : i1
          %sub3A_626 = arith.constant 1 : i32
          %sub3A_627 = arith.subi %div3A_606, %sub3A_626 : i32
          %select_n3A_628 = arith.select %and3A_625, %sub3A_627, %div3A_606 : i32
          %jit3A_629 = arith.constant 2 : i32
          %eq3A_630 = arith.constant 0 : i32
          %eq3A_631 = arith.cmpi eq, %jit3A_629, %eq3A_630 : i32
          %jit3A_632 = arith.constant 1 : i32
          %select_n3A_633 = arith.select %eq3A_631, %jit3A_632, %jit3A_629 : i32
          %rem3A_634 = arith.remsi %select_n3A_628, %select_n3A_633 : i32
          %ne3A_635 = arith.constant 0 : i32
          %ne3A_636 = arith.cmpi ne, %rem3A_634, %ne3A_635 : i32
          %lt3A_637 = arith.constant 0 : i32
          %lt3A_638 = arith.cmpi slt, %rem3A_634, %lt3A_637 : i32
          %lt3A_639 = arith.constant 0 : i32
          %lt3A_640 = arith.cmpi slt, %select_n3A_633, %lt3A_639 : i32
          %ne3A_641 = arith.xori %lt3A_638, %lt3A_640 : i1
          %and3A_642 = arith.andi %ne3A_641, %ne3A_636 : i1
          %add3A_643 = arith.addi %rem3A_634, %select_n3A_633 : i32
          %select_n3A_644 = arith.select %and3A_642, %add3A_643, %rem3A_634 : i32
          %jit3A_645 = arith.constant 8 : i32
          %eq3A_646 = arith.constant 0 : i32
          %eq3A_647 = arith.cmpi eq, %jit3A_645, %eq3A_646 : i32
          %jit3A_648 = arith.constant 1 : i32
          %select_n3A_649 = arith.select %eq3A_647, %jit3A_648, %jit3A_645 : i32
          %rem3A_650 = arith.remsi %add3A_604, %select_n3A_649 : i32
          %ne3A_651 = arith.constant 0 : i32
          %ne3A_652 = arith.cmpi ne, %rem3A_650, %ne3A_651 : i32
          %lt3A_653 = arith.constant 0 : i32
          %lt3A_654 = arith.cmpi slt, %rem3A_650, %lt3A_653 : i32
          %lt3A_655 = arith.constant 0 : i32
          %lt3A_656 = arith.cmpi slt, %select_n3A_649, %lt3A_655 : i32
          %ne3A_657 = arith.xori %lt3A_654, %lt3A_656 : i1
          %and3A_658 = arith.andi %ne3A_657, %ne3A_652 : i1
          %add3A_659 = arith.addi %rem3A_650, %select_n3A_649 : i32
          %select_n3A_660 = arith.select %and3A_658, %add3A_659, %rem3A_650 : i32
          %dma_start3A_661 = arith.constant 1 : i32
          %dma_start3A_662 = arith.constant 0 : i32
          %dma_start3A_663 = arith.constant 0 : i32
          %dma_start3A_664 = tpu.memref_slice %arg9[%dma_start3A_661, %dma_start3A_662, %dma_start3A_663] : memref<2x128x128xf32, #tpu.memory_space<vmem>> -> memref<1x128x128xf32, #tpu.memory_space<vmem>>
          %dma_start3A_665 = tpu.memref_squeeze %dma_start3A_664 : memref<1x128x128xf32, #tpu.memory_space<vmem>> -> memref<128x128xf32, #tpu.memory_space<vmem>>
          %dma_start3A_666 = arith.constant 0 : i32
          %dma_start3A_667 = tpu.memref_slice %arg7[%select_n3A_644, %select_n3A_660, %dma_start3A_666] : memref<2x8x128xi32, #tpu.memory_space<vmem>> -> memref<1x1x128xi32, #tpu.memory_space<vmem>>
          %dma_start3A_668 = tpu.memref_squeeze %dma_start3A_667 : memref<1x1x128xi32, #tpu.memory_space<vmem>> -> memref<128xi32, #tpu.memory_space<vmem>>
          %dma_start3A_669 = arith.constant 0 : i32
          %dma_start3A_670 = arith.constant 0 : i32
          %dma_start3A_671 = tpu.memref_slice %arg2[%dma_start3A_669, %dma_start3A_670] : memref<10000x128xf32, #tpu.memory_space<hbm>> -> memref<10000x128xf32, #tpu.memory_space<hbm>>
          tpu.enqueue_indirect_dma source(%dma_start3A_671 : memref<10000x128xf32, #tpu.memory_space<hbm>>) target(%dma_start3A_665 : memref<128x128xf32, #tpu.memory_space<vmem>>) offsets(%dma_start3A_668 : memref<128xi32, #tpu.memory_space<vmem>>) semaphore(%arg11 : memref<!tpu.dma_semaphore, #tpu.memory_space<semaphore_mem>>)
        } else {
        }
        %jit3A_210 = arith.constant 8 : i32
        %div3A_211 = arith.divsi %mul3A_144, %jit3A_210 : i32
        %sign3A_212 = arith.constant 0 : i32
        %sign3A_213 = arith.cmpi sgt, %mul3A_144, %sign3A_212 : i32
        %sign3A_214 = arith.extui %sign3A_213 : i1 to i32
        %sign3A_215 = arith.constant 0 : i32
        %sign3A_216 = arith.cmpi slt, %mul3A_144, %sign3A_215 : i32
        %sign3A_217 = arith.extui %sign3A_216 : i1 to i32
        %sign3A_218 = arith.subi %sign3A_214, %sign3A_217 : i32
        %sign3A_219 = arith.constant 0 : i32
        %sign3A_220 = arith.cmpi sgt, %jit3A_210, %sign3A_219 : i32
        %sign3A_221 = arith.extui %sign3A_220 : i1 to i32
        %sign3A_222 = arith.constant 0 : i32
        %sign3A_223 = arith.cmpi slt, %jit3A_210, %sign3A_222 : i32
        %sign3A_224 = arith.extui %sign3A_223 : i1 to i32
        %sign3A_225 = arith.subi %sign3A_221, %sign3A_224 : i32
        %ne3A_226 = arith.cmpi ne, %sign3A_218, %sign3A_225 : i32
        %rem3A_227 = arith.remsi %mul3A_144, %jit3A_210 : i32
        %ne3A_228 = arith.constant 0 : i32
        %ne3A_229 = arith.cmpi ne, %rem3A_227, %ne3A_228 : i32
        %and3A_230 = arith.andi %ne3A_226, %ne3A_229 : i1
        %sub3A_231 = arith.constant 1 : i32
        %sub3A_232 = arith.subi %div3A_211, %sub3A_231 : i32
        %select_n3A_233 = arith.select %and3A_230, %sub3A_232, %div3A_211 : i32
        %jit3A_234 = arith.constant 2 : i32
        %eq3A_235 = arith.constant 0 : i32
        %eq3A_236 = arith.cmpi eq, %jit3A_234, %eq3A_235 : i32
        %jit3A_237 = arith.constant 1 : i32
        %select_n3A_238 = arith.select %eq3A_236, %jit3A_237, %jit3A_234 : i32
        %rem3A_239 = arith.remsi %select_n3A_233, %select_n3A_238 : i32
        %ne3A_240 = arith.constant 0 : i32
        %ne3A_241 = arith.cmpi ne, %rem3A_239, %ne3A_240 : i32
        %lt3A_242 = arith.constant 0 : i32
        %lt3A_243 = arith.cmpi slt, %rem3A_239, %lt3A_242 : i32
        %lt3A_244 = arith.constant 0 : i32
        %lt3A_245 = arith.cmpi slt, %select_n3A_238, %lt3A_244 : i32
        %ne3A_246 = arith.xori %lt3A_243, %lt3A_245 : i1
        %and3A_247 = arith.andi %ne3A_246, %ne3A_241 : i1
        %add3A_248 = arith.addi %rem3A_239, %select_n3A_238 : i32
        %select_n3A_249 = arith.select %and3A_247, %add3A_248, %rem3A_239 : i32
        %jit3A_250 = arith.constant 8 : i32
        %eq3A_251 = arith.constant 0 : i32
        %eq3A_252 = arith.cmpi eq, %jit3A_250, %eq3A_251 : i32
        %jit3A_253 = arith.constant 1 : i32
        %select_n3A_254 = arith.select %eq3A_252, %jit3A_253, %jit3A_250 : i32
        %rem3A_255 = arith.remsi %mul3A_144, %select_n3A_254 : i32
        %ne3A_256 = arith.constant 0 : i32
        %ne3A_257 = arith.cmpi ne, %rem3A_255, %ne3A_256 : i32
        %lt3A_258 = arith.constant 0 : i32
        %lt3A_259 = arith.cmpi slt, %rem3A_255, %lt3A_258 : i32
        %lt3A_260 = arith.constant 0 : i32
        %lt3A_261 = arith.cmpi slt, %select_n3A_254, %lt3A_260 : i32
        %ne3A_262 = arith.xori %lt3A_259, %lt3A_261 : i1
        %and3A_263 = arith.andi %ne3A_262, %ne3A_257 : i1
        %add3A_264 = arith.addi %rem3A_255, %select_n3A_254 : i32
        %select_n3A_265 = arith.select %and3A_263, %add3A_264, %rem3A_255 : i32
        %dma_start3A_266 = arith.constant 0 : i32
        %dma_start3A_267 = arith.constant 0 : i32
        %dma_start3A_268 = arith.constant 0 : i32
        %dma_start3A_269 = tpu.memref_slice %arg9[%dma_start3A_266, %dma_start3A_267, %dma_start3A_268] : memref<2x128x128xf32, #tpu.memory_space<vmem>> -> memref<1x128x128xf32, #tpu.memory_space<vmem>>
        %dma_start3A_270 = tpu.memref_squeeze %dma_start3A_269 : memref<1x128x128xf32, #tpu.memory_space<vmem>> -> memref<128x128xf32, #tpu.memory_space<vmem>>
        %dma_start3A_271 = arith.constant 0 : i32
        %dma_start3A_272 = tpu.memref_slice %arg8[%select_n3A_249, %select_n3A_265, %dma_start3A_271] : memref<2x8x128xi32, #tpu.memory_space<vmem>> -> memref<1x1x128xi32, #tpu.memory_space<vmem>>
        %dma_start3A_273 = tpu.memref_squeeze %dma_start3A_272 : memref<1x1x128xi32, #tpu.memory_space<vmem>> -> memref<128xi32, #tpu.memory_space<vmem>>
        %dma_start3A_274 = arith.constant 0 : i32
        %dma_start3A_275 = arith.constant 0 : i32
        %dma_start3A_276 = tpu.memref_slice %arg10[%dma_start3A_274, %dma_start3A_275] : memref<10240x128xf32, #tpu.memory_space<vmem_shared>> -> memref<10240x128xf32, #tpu.memory_space<vmem_shared>>
        tpu.enqueue_indirect_dma source(%dma_start3A_270 : memref<128x128xf32, #tpu.memory_space<vmem>>) target(%dma_start3A_276 : memref<10240x128xf32, #tpu.memory_space<vmem_shared>>) offsets(%dma_start3A_273 : memref<128xi32, #tpu.memory_space<vmem>>) semaphore(%arg12 : memref<!tpu.dma_semaphore, #tpu.memory_space<semaphore_mem>>) {add = true}
        %jit3A_277 = arith.constant 8 : i32
        %div3A_278 = arith.divsi %mul3A_144, %jit3A_277 : i32
        %sign3A_279 = arith.constant 0 : i32
        %sign3A_280 = arith.cmpi sgt, %mul3A_144, %sign3A_279 : i32
        %sign3A_281 = arith.extui %sign3A_280 : i1 to i32
        %sign3A_282 = arith.constant 0 : i32
        %sign3A_283 = arith.cmpi slt, %mul3A_144, %sign3A_282 : i32
        %sign3A_284 = arith.extui %sign3A_283 : i1 to i32
        %sign3A_285 = arith.subi %sign3A_281, %sign3A_284 : i32
        %sign3A_286 = arith.constant 0 : i32
        %sign3A_287 = arith.cmpi sgt, %jit3A_277, %sign3A_286 : i32
        %sign3A_288 = arith.extui %sign3A_287 : i1 to i32
        %sign3A_289 = arith.constant 0 : i32
        %sign3A_290 = arith.cmpi slt, %jit3A_277, %sign3A_289 : i32
        %sign3A_291 = arith.extui %sign3A_290 : i1 to i32
        %sign3A_292 = arith.subi %sign3A_288, %sign3A_291 : i32
        %ne3A_293 = arith.cmpi ne, %sign3A_285, %sign3A_292 : i32
        %rem3A_294 = arith.remsi %mul3A_144, %jit3A_277 : i32
        %ne3A_295 = arith.constant 0 : i32
        %ne3A_296 = arith.cmpi ne, %rem3A_294, %ne3A_295 : i32
        %and3A_297 = arith.andi %ne3A_293, %ne3A_296 : i1
        %sub3A_298 = arith.constant 1 : i32
        %sub3A_299 = arith.subi %div3A_278, %sub3A_298 : i32
        %select_n3A_300 = arith.select %and3A_297, %sub3A_299, %div3A_278 : i32
        %jit3A_301 = arith.constant 2 : i32
        %eq3A_302 = arith.constant 0 : i32
        %eq3A_303 = arith.cmpi eq, %jit3A_301, %eq3A_302 : i32
        %jit3A_304 = arith.constant 1 : i32
        %select_n3A_305 = arith.select %eq3A_303, %jit3A_304, %jit3A_301 : i32
        %rem3A_306 = arith.remsi %select_n3A_300, %select_n3A_305 : i32
        %ne3A_307 = arith.constant 0 : i32
        %ne3A_308 = arith.cmpi ne, %rem3A_306, %ne3A_307 : i32
        %lt3A_309 = arith.constant 0 : i32
        %lt3A_310 = arith.cmpi slt, %rem3A_306, %lt3A_309 : i32
        %lt3A_311 = arith.constant 0 : i32
        %lt3A_312 = arith.cmpi slt, %select_n3A_305, %lt3A_311 : i32
        %ne3A_313 = arith.xori %lt3A_310, %lt3A_312 : i1
        %and3A_314 = arith.andi %ne3A_313, %ne3A_308 : i1
        %add3A_315 = arith.addi %rem3A_306, %select_n3A_305 : i32
        %select_n3A_316 = arith.select %and3A_314, %add3A_315, %rem3A_306 : i32
        %jit3A_317 = arith.constant 8 : i32
        %eq3A_318 = arith.constant 0 : i32
        %eq3A_319 = arith.cmpi eq, %jit3A_317, %eq3A_318 : i32
        %jit3A_320 = arith.constant 1 : i32
        %select_n3A_321 = arith.select %eq3A_319, %jit3A_320, %jit3A_317 : i32
        %rem3A_322 = arith.remsi %mul3A_144, %select_n3A_321 : i32
        %ne3A_323 = arith.constant 0 : i32
        %ne3A_324 = arith.cmpi ne, %rem3A_322, %ne3A_323 : i32
        %lt3A_325 = arith.constant 0 : i32
        %lt3A_326 = arith.cmpi slt, %rem3A_322, %lt3A_325 : i32
        %lt3A_327 = arith.constant 0 : i32
        %lt3A_328 = arith.cmpi slt, %select_n3A_321, %lt3A_327 : i32
        %ne3A_329 = arith.xori %lt3A_326, %lt3A_328 : i1
        %and3A_330 = arith.andi %ne3A_329, %ne3A_324 : i1
        %add3A_331 = arith.addi %rem3A_322, %select_n3A_321 : i32
        %select_n3A_332 = arith.select %and3A_330, %add3A_331, %rem3A_322 : i32
        %get3A = arith.index_cast %select_n3A_316 : i32 to index
        %get3A_333 = arith.index_cast %select_n3A_332 : i32 to index
        %get3A_334 = arith.constant 0 : index
        %get3A_335 = tpu.vector_load %arg8[%get3A, %get3A_333, %get3A_334] {strides = array<i32>} : memref<2x8x128xi32, #tpu.memory_space<vmem>>, vector<16xi32>,
        tpu.vector_store_idx %arg14[%get3A_335], %broadcast_in_dim3A_41 {add = true} : memref<10240xf32, #tpu.memory_space<vmem>>[vector<16xi32>], vector<16xf32>,
        %get3A_336 = arith.index_cast %select_n3A_316 : i32 to index
        %get3A_337 = arith.index_cast %select_n3A_332 : i32 to index
        %get3A_338 = arith.constant 16 : index
        %get3A_339 = tpu.vector_load %arg8[%get3A_336, %get3A_337, %get3A_338] {strides = array<i32>} : memref<2x8x128xi32, #tpu.memory_space<vmem>>, vector<16xi32>,
        tpu.vector_store_idx %arg14[%get3A_339], %broadcast_in_dim3A_41 {add = true} : memref<10240xf32, #tpu.memory_space<vmem>>[vector<16xi32>], vector<16xf32>,
        %get3A_340 = arith.index_cast %select_n3A_316 : i32 to index
        %get3A_341 = arith.index_cast %select_n3A_332 : i32 to index
        %get3A_342 = arith.constant 32 : index
        %get3A_343 = tpu.vector_load %arg8[%get3A_340, %get3A_341, %get3A_342] {strides = array<i32>} : memref<2x8x128xi32, #tpu.memory_space<vmem>>, vector<16xi32>,
        tpu.vector_store_idx %arg14[%get3A_343], %broadcast_in_dim3A_41 {add = true} : memref<10240xf32, #tpu.memory_space<vmem>>[vector<16xi32>], vector<16xf32>,
        %get3A_344 = arith.index_cast %select_n3A_316 : i32 to index
        %get3A_345 = arith.index_cast %select_n3A_332 : i32 to index
        %get3A_346 = arith.constant 48 : index
        %get3A_347 = tpu.vector_load %arg8[%get3A_344, %get3A_345, %get3A_346] {strides = array<i32>} : memref<2x8x128xi32, #tpu.memory_space<vmem>>, vector<16xi32>,
        tpu.vector_store_idx %arg14[%get3A_347], %broadcast_in_dim3A_41 {add = true} : memref<10240xf32, #tpu.memory_space<vmem>>[vector<16xi32>], vector<16xf32>,
        %get3A_348 = arith.index_cast %select_n3A_316 : i32 to index
        %get3A_349 = arith.index_cast %select_n3A_332 : i32 to index
        %get3A_350 = arith.constant 64 : index
        %get3A_351 = tpu.vector_load %arg8[%get3A_348, %get3A_349, %get3A_350] {strides = array<i32>} : memref<2x8x128xi32, #tpu.memory_space<vmem>>, vector<16xi32>,
        tpu.vector_store_idx %arg14[%get3A_351], %broadcast_in_dim3A_41 {add = true} : memref<10240xf32, #tpu.memory_space<vmem>>[vector<16xi32>], vector<16xf32>,
        %get3A_352 = arith.index_cast %select_n3A_316 : i32 to index
        %get3A_353 = arith.index_cast %select_n3A_332 : i32 to index
        %get3A_354 = arith.constant 80 : index
        %get3A_355 = tpu.vector_load %arg8[%get3A_352, %get3A_353, %get3A_354] {strides = array<i32>} : memref<2x8x128xi32, #tpu.memory_space<vmem>>, vector<16xi32>,
        tpu.vector_store_idx %arg14[%get3A_355], %broadcast_in_dim3A_41 {add = true} : memref<10240xf32, #tpu.memory_space<vmem>>[vector<16xi32>], vector<16xf32>,
        %get3A_356 = arith.index_cast %select_n3A_316 : i32 to index
        %get3A_357 = arith.index_cast %select_n3A_332 : i32 to index
        %get3A_358 = arith.constant 96 : index
        %get3A_359 = tpu.vector_load %arg8[%get3A_356, %get3A_357, %get3A_358] {strides = array<i32>} : memref<2x8x128xi32, #tpu.memory_space<vmem>>, vector<16xi32>,
        tpu.vector_store_idx %arg14[%get3A_359], %broadcast_in_dim3A_41 {add = true} : memref<10240xf32, #tpu.memory_space<vmem>>[vector<16xi32>], vector<16xf32>,
        %get3A_360 = arith.index_cast %select_n3A_316 : i32 to index
        %get3A_361 = arith.index_cast %select_n3A_332 : i32 to index
        %get3A_362 = arith.constant 112 : index
        %get3A_363 = tpu.vector_load %arg8[%get3A_360, %get3A_361, %get3A_362] {strides = array<i32>} : memref<2x8x128xi32, #tpu.memory_space<vmem>>, vector<16xi32>,
        tpu.vector_store_idx %arg14[%get3A_363], %broadcast_in_dim3A_41 {add = true} : memref<10240xf32, #tpu.memory_space<vmem>>[vector<16xi32>], vector<16xf32>,
        %mul3A_364 = arith.constant 2 : i32
        %mul3A_365 = arith.muli %mul3A_364, %scan3A_142 : i32
        %add3A_366 = arith.constant 1 : i32
        %add3A_367 = arith.addi %mul3A_365, %add3A_366 : i32
        %jit3A_368 = arith.constant 8 : i32
        %div3A_369 = arith.divsi %add3A_367, %jit3A_368 : i32
        %sign3A_370 = arith.constant 0 : i32
        %sign3A_371 = arith.cmpi sgt, %add3A_367, %sign3A_370 : i32
        %sign3A_372 = arith.extui %sign3A_371 : i1 to i32
        %sign3A_373 = arith.constant 0 : i32
        %sign3A_374 = arith.cmpi slt, %add3A_367, %sign3A_373 : i32
        %sign3A_375 = arith.extui %sign3A_374 : i1 to i32
        %sign3A_376 = arith.subi %sign3A_372, %sign3A_375 : i32
        %sign3A_377 = arith.constant 0 : i32
        %sign3A_378 = arith.cmpi sgt, %jit3A_368, %sign3A_377 : i32
        %sign3A_379 = arith.extui %sign3A_378 : i1 to i32
        %sign3A_380 = arith.constant 0 : i32
        %sign3A_381 = arith.cmpi slt, %jit3A_368, %sign3A_380 : i32
        %sign3A_382 = arith.extui %sign3A_381 : i1 to i32
        %sign3A_383 = arith.subi %sign3A_379, %sign3A_382 : i32
        %ne3A_384 = arith.cmpi ne, %sign3A_376, %sign3A_383 : i32
        %rem3A_385 = arith.remsi %add3A_367, %jit3A_368 : i32
        %ne3A_386 = arith.constant 0 : i32
        %ne3A_387 = arith.cmpi ne, %rem3A_385, %ne3A_386 : i32
        %and3A_388 = arith.andi %ne3A_384, %ne3A_387 : i1
        %sub3A_389 = arith.constant 1 : i32
        %sub3A_390 = arith.subi %div3A_369, %sub3A_389 : i32
        %select_n3A_391 = arith.select %and3A_388, %sub3A_390, %div3A_369 : i32
        %jit3A_392 = arith.constant 8 : i32
        %eq3A_393 = arith.constant 0 : i32
        %eq3A_394 = arith.cmpi eq, %jit3A_392, %eq3A_393 : i32
        %jit3A_395 = arith.constant 1 : i32
        %select_n3A_396 = arith.select %eq3A_394, %jit3A_395, %jit3A_392 : i32
        %rem3A_397 = arith.remsi %add3A_367, %select_n3A_396 : i32
        %ne3A_398 = arith.constant 0 : i32
        %ne3A_399 = arith.cmpi ne, %rem3A_397, %ne3A_398 : i32
        %lt3A_400 = arith.constant 0 : i32
        %lt3A_401 = arith.cmpi slt, %rem3A_397, %lt3A_400 : i32
        %lt3A_402 = arith.constant 0 : i32
        %lt3A_403 = arith.cmpi slt, %select_n3A_396, %lt3A_402 : i32
        %ne3A_404 = arith.xori %lt3A_401, %lt3A_403 : i1
        %and3A_405 = arith.andi %ne3A_404, %ne3A_399 : i1
        %add3A_406 = arith.addi %rem3A_397, %select_n3A_396 : i32
        %select_n3A_407 = arith.select %and3A_405, %add3A_406, %rem3A_397 : i32
        %dma_wait3A_408 = arith.constant 0 : i32
        %dma_wait3A_409 = arith.constant 0 : i32
        %dma_wait3A_410 = arith.constant 1 : i32
        %dma_wait3A_411 = arith.constant 0 : i32
        %dma_wait3A_412 = arith.constant 0 : i32
        %dma_wait3A_413 = tpu.memref_slice %arg9[%dma_wait3A_410, %dma_wait3A_411, %dma_wait3A_412] : memref<2x128x128xf32, #tpu.memory_space<vmem>> -> memref<1x128x128xf32, #tpu.memory_space<vmem>>
        %dma_wait3A_414 = tpu.memref_squeeze %dma_wait3A_413 : memref<1x128x128xf32, #tpu.memory_space<vmem>> -> memref<128x128xf32, #tpu.memory_space<vmem>>
        %dma_wait3A_415 = arith.constant 0 : i32
        %dma_wait3A_416 = tpu.memref_slice %arg7[%dma_wait3A_408, %dma_wait3A_409, %dma_wait3A_415] : memref<2x8x128xi32, #tpu.memory_space<vmem>> -> memref<1x1x128xi32, #tpu.memory_space<vmem>>
        %dma_wait3A_417 = tpu.memref_squeeze %dma_wait3A_416 : memref<1x1x128xi32, #tpu.memory_space<vmem>> -> memref<128xi32, #tpu.memory_space<vmem>>
        %dma_wait3A_418 = arith.constant 0 : i32
        %dma_wait3A_419 = arith.constant 0 : i32
        %dma_wait3A_420 = tpu.memref_slice %arg2[%dma_wait3A_418, %dma_wait3A_419] : memref<10000x128xf32, #tpu.memory_space<hbm>> -> memref<10000x128xf32, #tpu.memory_space<hbm>>
        tpu.wait_indirect_dma semaphore(%arg11 : memref<!tpu.dma_semaphore, #tpu.memory_space<semaphore_mem>>) src(%dma_wait3A_420 : memref<10000x128xf32, #tpu.memory_space<hbm>>) dst(%dma_wait3A_414 : memref<128x128xf32, #tpu.memory_space<vmem>>)
        %gt3A_421 = arith.constant 0 : i32
        %gt3A_422 = arith.cmpi sgt, %add3A_367, %gt3A_421 : i32
        %convert_element_type3A_423 = arith.extui %gt3A_422 : i1 to i32
        %cond3A_424 = arith.constant 0 : i32
        %cond3A_425 = arith.cmpi ne, %convert_element_type3A_423, %cond3A_424 : i32
        scf.if %cond3A_425 {
          %dma_wait3A_598 = arith.constant 0 : i32
          %dma_wait3A_599 = arith.constant 0 : i32
          %dma_wait3A_600 = arith.constant 0 : i32
          %dma_wait3A_601 = arith.constant 0 : i32
          %dma_wait3A_602 = arith.constant 0 : i32
          %dma_wait3A_603 = tpu.memref_slice %arg9[%dma_wait3A_598, %dma_wait3A_601, %dma_wait3A_602] : memref<2x128x128xf32, #tpu.memory_space<vmem>> -> memref<1x128x128xf32, #tpu.memory_space<vmem>>
          %dma_wait3A_604 = tpu.memref_squeeze %dma_wait3A_603 : memref<1x128x128xf32, #tpu.memory_space<vmem>> -> memref<128x128xf32, #tpu.memory_space<vmem>>
          %dma_wait3A_605 = arith.constant 0 : i32
          %dma_wait3A_606 = tpu.memref_slice %arg8[%dma_wait3A_599, %dma_wait3A_600, %dma_wait3A_605] : memref<2x8x128xi32, #tpu.memory_space<vmem>> -> memref<1x1x128xi32, #tpu.memory_space<vmem>>
          %dma_wait3A_607 = tpu.memref_squeeze %dma_wait3A_606 : memref<1x1x128xi32, #tpu.memory_space<vmem>> -> memref<128xi32, #tpu.memory_space<vmem>>
          %dma_wait3A_608 = arith.constant 0 : i32
          %dma_wait3A_609 = arith.constant 0 : i32
          %dma_wait3A_610 = tpu.memref_slice %arg10[%dma_wait3A_608, %dma_wait3A_609] : memref<10240x128xf32, #tpu.memory_space<vmem_shared>> -> memref<10240x128xf32, #tpu.memory_space<vmem_shared>>
          tpu.wait_indirect_dma semaphore(%arg12 : memref<!tpu.dma_semaphore, #tpu.memory_space<semaphore_mem>>) src(%dma_wait3A_604 : memref<128x128xf32, #tpu.memory_space<vmem>>) dst(%dma_wait3A_610 : memref<10240x128xf32, #tpu.memory_space<vmem_shared>>)
        } else {
        }
        %eq3A_426 = arith.constant 2 : i32
        %eq3A_427 = arith.cmpi eq, %select_n3A_407, %eq3A_426 : i32
        %add3A_428 = arith.constant 1 : i32
        %add3A_429 = arith.addi %select_n3A_391, %add3A_428 : i32
        %lt3A_430 = arith.constant 19 : i32
        %lt3A_431 = arith.cmpi slt, %add3A_429, %lt3A_430 : i32
        %and3A_432 = arith.andi %eq3A_427, %lt3A_431 : i1
        %convert_element_type3A_433 = arith.extui %and3A_432 : i1 to i32
        %cond3A_434 = arith.constant 0 : i32
        %cond3A_435 = arith.cmpi ne, %convert_element_type3A_433, %cond3A_434 : i32
        scf.if %cond3A_435 {
          %add3A_598 = arith.constant 1 : i32
          %add3A_599 = arith.addi %select_n3A_391, %add3A_598 : i32
          %add3A_600 = arith.constant 1 : i32
          %add3A_601 = arith.addi %select_n3A_391, %add3A_600 : i32
          %jit3A_602 = arith.constant 2 : i32
          %eq3A_603 = arith.constant 0 : i32
          %eq3A_604 = arith.cmpi eq, %jit3A_602, %eq3A_603 : i32
          %jit3A_605 = arith.constant 1 : i32
          %select_n3A_606 = arith.select %eq3A_604, %jit3A_605, %jit3A_602 : i32
          %rem3A_607 = arith.remsi %add3A_601, %select_n3A_606 : i32
          %ne3A_608 = arith.constant 0 : i32
          %ne3A_609 = arith.cmpi ne, %rem3A_607, %ne3A_608 : i32
          %lt3A_610 = arith.constant 0 : i32
          %lt3A_611 = arith.cmpi slt, %rem3A_607, %lt3A_610 : i32
          %lt3A_612 = arith.constant 0 : i32
          %lt3A_613 = arith.cmpi slt, %select_n3A_606, %lt3A_612 : i32
          %ne3A_614 = arith.xori %lt3A_611, %lt3A_613 : i1
          %and3A_615 = arith.andi %ne3A_614, %ne3A_609 : i1
          %add3A_616 = arith.addi %rem3A_607, %select_n3A_606 : i32
          %select_n3A_617 = arith.select %and3A_615, %add3A_616, %rem3A_607 : i32
          %mul3A_618 = arith.constant 8 : i32
          %mul3A_619 = arith.muli %add3A_599, %mul3A_618 : i32
          %add3A_620 = arith.addi %mul3A_53, %mul3A_619 : i32
          %dma_start3A_621 = arith.constant 0 : i32
          %dma_start3A_622 = arith.constant 0 : i32
          %dma_start3A_623 = tpu.memref_slice %arg7[%select_n3A_617, %dma_start3A_621, %dma_start3A_622] : memref<2x8x128xi32, #tpu.memory_space<vmem>> -> memref<1x8x128xi32, #tpu.memory_space<vmem>>
          %dma_start3A_624 = tpu.memref_squeeze %dma_start3A_623 : memref<1x8x128xi32, #tpu.memory_space<vmem>> -> memref<8x128xi32, #tpu.memory_space<vmem>>
          %dma_start3A_625 = arith.constant 0 : i32
          %dma_start3A_626 = tpu.memref_slice %arg3[%add3A_620, %dma_start3A_625] : memref<2560x128xi32, #tpu.memory_space<hbm>> -> memref<8x128xi32, #tpu.memory_space<hbm>>
          %dma_start3A_627 = arith.constant 0 : i32
          %dma_start3A_628 = arith.constant 0 : i32
          %dma_start3A_629 = tpu.memref_slice %arg7[%select_n3A_617, %dma_start3A_627, %dma_start3A_628] : memref<2x8x128xi32, #tpu.memory_space<vmem>> -> memref<1x8x128xi32, #tpu.memory_space<vmem>>
          %dma_start3A_630 = tpu.memref_squeeze %dma_start3A_629 : memref<1x8x128xi32, #tpu.memory_space<vmem>> -> memref<8x128xi32, #tpu.memory_space<vmem>>
          %dma_start3A_631 = arith.constant 0 : i32
          %dma_start3A_632 = tpu.memref_slice %arg3[%add3A_620, %dma_start3A_631] : memref<2560x128xi32, #tpu.memory_space<hbm>> -> memref<8x128xi32, #tpu.memory_space<hbm>>
          tpu.enqueue_dma source(%dma_start3A_632 : memref<8x128xi32, #tpu.memory_space<hbm>>) target(%dma_start3A_630 : memref<8x128xi32, #tpu.memory_space<vmem>>) target_semaphore(%arg13 : memref<!tpu.dma_semaphore, #tpu.memory_space<semaphore_mem>>)
          %dma_start3A_633 = arith.constant 0 : i32
          %dma_start3A_634 = arith.constant 0 : i32
          %dma_start3A_635 = tpu.memref_slice %arg8[%select_n3A_617, %dma_start3A_633, %dma_start3A_634] : memref<2x8x128xi32, #tpu.memory_space<vmem>> -> memref<1x8x128xi32, #tpu.memory_space<vmem>>
          %dma_start3A_636 = tpu.memref_squeeze %dma_start3A_635 : memref<1x8x128xi32, #tpu.memory_space<vmem>> -> memref<8x128xi32, #tpu.memory_space<vmem>>
          %dma_start3A_637 = arith.constant 0 : i32
          %dma_start3A_638 = tpu.memref_slice %arg4[%add3A_620, %dma_start3A_637] : memref<2560x128xi32, #tpu.memory_space<hbm>> -> memref<8x128xi32, #tpu.memory_space<hbm>>
          %dma_start3A_639 = arith.constant 0 : i32
          %dma_start3A_640 = arith.constant 0 : i32
          %dma_start3A_641 = tpu.memref_slice %arg8[%select_n3A_617, %dma_start3A_639, %dma_start3A_640] : memref<2x8x128xi32, #tpu.memory_space<vmem>> -> memref<1x8x128xi32, #tpu.memory_space<vmem>>
          %dma_start3A_642 = tpu.memref_squeeze %dma_start3A_641 : memref<1x8x128xi32, #tpu.memory_space<vmem>> -> memref<8x128xi32, #tpu.memory_space<vmem>>
          %dma_start3A_643 = arith.constant 0 : i32
          %dma_start3A_644 = tpu.memref_slice %arg4[%add3A_620, %dma_start3A_643] : memref<2560x128xi32, #tpu.memory_space<hbm>> -> memref<8x128xi32, #tpu.memory_space<hbm>>
          tpu.enqueue_dma source(%dma_start3A_644 : memref<8x128xi32, #tpu.memory_space<hbm>>) target(%dma_start3A_642 : memref<8x128xi32, #tpu.memory_space<vmem>>) target_semaphore(%arg13 : memref<!tpu.dma_semaphore, #tpu.memory_space<semaphore_mem>>)
        } else {
        }
        %add3A_436 = arith.constant 1 : i32
        %add3A_437 = arith.addi %add3A_367, %add3A_436 : i32
        %lt3A_438 = arith.constant 152 : i32
        %lt3A_439 = arith.cmpi slt, %add3A_437, %lt3A_438 : i32
        %convert_element_type3A_440 = arith.extui %lt3A_439 : i1 to i32
        %cond3A_441 = arith.constant 0 : i32
        %cond3A_442 = arith.cmpi ne, %convert_element_type3A_440, %cond3A_441 : i32
        scf.if %cond3A_442 {
          %eq3A_598 = arith.constant 7 : i32
          %eq3A_599 = arith.cmpi eq, %select_n3A_407, %eq3A_598 : i32
          %convert_element_type3A_600 = arith.extui %eq3A_599 : i1 to i32
          %cond3A_601 = arith.constant 0 : i32
          %cond3A_602 = arith.cmpi ne, %convert_element_type3A_600, %cond3A_601 : i32
          scf.if %cond3A_602 {
            %dma_wait3A_672 = arith.constant 0 : i32
            %dma_wait3A_673 = arith.constant 0 : i32
            %dma_wait3A_674 = arith.constant 0 : i32
            %dma_wait3A_675 = tpu.memref_slice %arg7[%dma_wait3A_672, %dma_wait3A_673, %dma_wait3A_674] : memref<2x8x128xi32, #tpu.memory_space<vmem>> -> memref<1x8x128xi32, #tpu.memory_space<vmem>>
            %dma_wait3A_676 = tpu.memref_squeeze %dma_wait3A_675 : memref<1x8x128xi32, #tpu.memory_space<vmem>> -> memref<8x128xi32, #tpu.memory_space<vmem>>
            %dma_wait3A_677 = arith.constant 0 : i32
            %dma_wait3A_678 = arith.constant 0 : i32
            %dma_wait3A_679 = tpu.memref_slice %arg3[%dma_wait3A_677, %dma_wait3A_678] : memref<2560x128xi32, #tpu.memory_space<hbm>> -> memref<8x128xi32, #tpu.memory_space<hbm>>
            %dma_wait3A_680 = arith.constant 0 : i32
            %dma_wait3A_681 = arith.constant 0 : i32
            %dma_wait3A_682 = tpu.memref_slice %arg7[%dma_wait3A_672, %dma_wait3A_680, %dma_wait3A_681] : memref<2x8x128xi32, #tpu.memory_space<vmem>> -> memref<1x8x128xi32, #tpu.memory_space<vmem>>
            %dma_wait3A_683 = tpu.memref_squeeze %dma_wait3A_682 : memref<1x8x128xi32, #tpu.memory_space<vmem>> -> memref<8x128xi32, #tpu.memory_space<vmem>>
            %dma_wait3A_684 = arith.constant 0 : i32
            %dma_wait3A_685 = arith.constant 0 : i32
            %dma_wait3A_686 = tpu.memref_slice %arg3[%dma_wait3A_684, %dma_wait3A_685] : memref<2560x128xi32, #tpu.memory_space<hbm>> -> memref<8x128xi32, #tpu.memory_space<hbm>>
            tpu.wait_dma2 semaphore(%arg13 : memref<!tpu.dma_semaphore, #tpu.memory_space<semaphore_mem>>) src(%dma_wait3A_686 : memref<8x128xi32, #tpu.memory_space<hbm>>) dst(%dma_wait3A_683 : memref<8x128xi32, #tpu.memory_space<vmem>>)
            %dma_wait3A_687 = arith.constant 0 : i32
            %dma_wait3A_688 = arith.constant 0 : i32
            %dma_wait3A_689 = arith.constant 0 : i32
            %dma_wait3A_690 = tpu.memref_slice %arg7[%dma_wait3A_687, %dma_wait3A_688, %dma_wait3A_689] : memref<2x8x128xi32, #tpu.memory_space<vmem>> -> memref<1x8x128xi32, #tpu.memory_space<vmem>>
            %dma_wait3A_691 = tpu.memref_squeeze %dma_wait3A_690 : memref<1x8x128xi32, #tpu.memory_space<vmem>> -> memref<8x128xi32, #tpu.memory_space<vmem>>
            %dma_wait3A_692 = arith.constant 0 : i32
            %dma_wait3A_693 = arith.constant 0 : i32
            %dma_wait3A_694 = tpu.memref_slice %arg3[%dma_wait3A_692, %dma_wait3A_693] : memref<2560x128xi32, #tpu.memory_space<hbm>> -> memref<8x128xi32, #tpu.memory_space<hbm>>
            %dma_wait3A_695 = arith.constant 0 : i32
            %dma_wait3A_696 = arith.constant 0 : i32
            %dma_wait3A_697 = tpu.memref_slice %arg7[%dma_wait3A_687, %dma_wait3A_695, %dma_wait3A_696] : memref<2x8x128xi32, #tpu.memory_space<vmem>> -> memref<1x8x128xi32, #tpu.memory_space<vmem>>
            %dma_wait3A_698 = tpu.memref_squeeze %dma_wait3A_697 : memref<1x8x128xi32, #tpu.memory_space<vmem>> -> memref<8x128xi32, #tpu.memory_space<vmem>>
            %dma_wait3A_699 = arith.constant 0 : i32
            %dma_wait3A_700 = arith.constant 0 : i32
            %dma_wait3A_701 = tpu.memref_slice %arg3[%dma_wait3A_699, %dma_wait3A_700] : memref<2560x128xi32, #tpu.memory_space<hbm>> -> memref<8x128xi32, #tpu.memory_space<hbm>>
            tpu.wait_dma2 semaphore(%arg13 : memref<!tpu.dma_semaphore, #tpu.memory_space<semaphore_mem>>) src(%dma_wait3A_701 : memref<8x128xi32, #tpu.memory_space<hbm>>) dst(%dma_wait3A_698 : memref<8x128xi32, #tpu.memory_space<vmem>>)
          } else {
          }
          %add3A_603 = arith.constant 1 : i32
          %add3A_604 = arith.addi %add3A_367, %add3A_603 : i32
          %jit3A_605 = arith.constant 8 : i32
          %div3A_606 = arith.divsi %add3A_604, %jit3A_605 : i32
          %sign3A_607 = arith.constant 0 : i32
          %sign3A_608 = arith.cmpi sgt, %add3A_604, %sign3A_607 : i32
          %sign3A_609 = arith.extui %sign3A_608 : i1 to i32
          %sign3A_610 = arith.constant 0 : i32
          %sign3A_611 = arith.cmpi slt, %add3A_604, %sign3A_610 : i32
          %sign3A_612 = arith.extui %sign3A_611 : i1 to i32
          %sign3A_613 = arith.subi %sign3A_609, %sign3A_612 : i32
          %sign3A_614 = arith.constant 0 : i32
          %sign3A_615 = arith.cmpi sgt, %jit3A_605, %sign3A_614 : i32
          %sign3A_616 = arith.extui %sign3A_615 : i1 to i32
          %sign3A_617 = arith.constant 0 : i32
          %sign3A_618 = arith.cmpi slt, %jit3A_605, %sign3A_617 : i32
          %sign3A_619 = arith.extui %sign3A_618 : i1 to i32
          %sign3A_620 = arith.subi %sign3A_616, %sign3A_619 : i32
          %ne3A_621 = arith.cmpi ne, %sign3A_613, %sign3A_620 : i32
          %rem3A_622 = arith.remsi %add3A_604, %jit3A_605 : i32
          %ne3A_623 = arith.constant 0 : i32
          %ne3A_624 = arith.cmpi ne, %rem3A_622, %ne3A_623 : i32
          %and3A_625 = arith.andi %ne3A_621, %ne3A_624 : i1
          %sub3A_626 = arith.constant 1 : i32
          %sub3A_627 = arith.subi %div3A_606, %sub3A_626 : i32
          %select_n3A_628 = arith.select %and3A_625, %sub3A_627, %div3A_606 : i32
          %jit3A_629 = arith.constant 2 : i32
          %eq3A_630 = arith.constant 0 : i32
          %eq3A_631 = arith.cmpi eq, %jit3A_629, %eq3A_630 : i32
          %jit3A_632 = arith.constant 1 : i32
          %select_n3A_633 = arith.select %eq3A_631, %jit3A_632, %jit3A_629 : i32
          %rem3A_634 = arith.remsi %select_n3A_628, %select_n3A_633 : i32
          %ne3A_635 = arith.constant 0 : i32
          %ne3A_636 = arith.cmpi ne, %rem3A_634, %ne3A_635 : i32
          %lt3A_637 = arith.constant 0 : i32
          %lt3A_638 = arith.cmpi slt, %rem3A_634, %lt3A_637 : i32
          %lt3A_639 = arith.constant 0 : i32
          %lt3A_640 = arith.cmpi slt, %select_n3A_633, %lt3A_639 : i32
          %ne3A_641 = arith.xori %lt3A_638, %lt3A_640 : i1
          %and3A_642 = arith.andi %ne3A_641, %ne3A_636 : i1
          %add3A_643 = arith.addi %rem3A_634, %select_n3A_633 : i32
          %select_n3A_644 = arith.select %and3A_642, %add3A_643, %rem3A_634 : i32
          %jit3A_645 = arith.constant 8 : i32
          %eq3A_646 = arith.constant 0 : i32
          %eq3A_647 = arith.cmpi eq, %jit3A_645, %eq3A_646 : i32
          %jit3A_648 = arith.constant 1 : i32
          %select_n3A_649 = arith.select %eq3A_647, %jit3A_648, %jit3A_645 : i32
          %rem3A_650 = arith.remsi %add3A_604, %select_n3A_649 : i32
          %ne3A_651 = arith.constant 0 : i32
          %ne3A_652 = arith.cmpi ne, %rem3A_650, %ne3A_651 : i32
          %lt3A_653 = arith.constant 0 : i32
          %lt3A_654 = arith.cmpi slt, %rem3A_650, %lt3A_653 : i32
          %lt3A_655 = arith.constant 0 : i32
          %lt3A_656 = arith.cmpi slt, %select_n3A_649, %lt3A_655 : i32
          %ne3A_657 = arith.xori %lt3A_654, %lt3A_656 : i1
          %and3A_658 = arith.andi %ne3A_657, %ne3A_652 : i1
          %add3A_659 = arith.addi %rem3A_650, %select_n3A_649 : i32
          %select_n3A_660 = arith.select %and3A_658, %add3A_659, %rem3A_650 : i32
          %dma_start3A_661 = arith.constant 0 : i32
          %dma_start3A_662 = arith.constant 0 : i32
          %dma_start3A_663 = arith.constant 0 : i32
          %dma_start3A_664 = tpu.memref_slice %arg9[%dma_start3A_661, %dma_start3A_662, %dma_start3A_663] : memref<2x128x128xf32, #tpu.memory_space<vmem>> -> memref<1x128x128xf32, #tpu.memory_space<vmem>>
          %dma_start3A_665 = tpu.memref_squeeze %dma_start3A_664 : memref<1x128x128xf32, #tpu.memory_space<vmem>> -> memref<128x128xf32, #tpu.memory_space<vmem>>
          %dma_start3A_666 = arith.constant 0 : i32
          %dma_start3A_667 = tpu.memref_slice %arg7[%select_n3A_644, %select_n3A_660, %dma_start3A_666] : memref<2x8x128xi32, #tpu.memory_space<vmem>> -> memref<1x1x128xi32, #tpu.memory_space<vmem>>
          %dma_start3A_668 = tpu.memref_squeeze %dma_start3A_667 : memref<1x1x128xi32, #tpu.memory_space<vmem>> -> memref<128xi32, #tpu.memory_space<vmem>>
          %dma_start3A_669 = arith.constant 0 : i32
          %dma_start3A_670 = arith.constant 0 : i32
          %dma_start3A_671 = tpu.memref_slice %arg2[%dma_start3A_669, %dma_start3A_670] : memref<10000x128xf32, #tpu.memory_space<hbm>> -> memref<10000x128xf32, #tpu.memory_space<hbm>>
          tpu.enqueue_indirect_dma source(%dma_start3A_671 : memref<10000x128xf32, #tpu.memory_space<hbm>>) target(%dma_start3A_665 : memref<128x128xf32, #tpu.memory_space<vmem>>) offsets(%dma_start3A_668 : memref<128xi32, #tpu.memory_space<vmem>>) semaphore(%arg11 : memref<!tpu.dma_semaphore, #tpu.memory_space<semaphore_mem>>)
        } else {
        }
        %jit3A_443 = arith.constant 8 : i32
        %div3A_444 = arith.divsi %add3A_367, %jit3A_443 : i32
        %sign3A_445 = arith.constant 0 : i32
        %sign3A_446 = arith.cmpi sgt, %add3A_367, %sign3A_445 : i32
        %sign3A_447 = arith.extui %sign3A_446 : i1 to i32
        %sign3A_448 = arith.constant 0 : i32
        %sign3A_449 = arith.cmpi slt, %add3A_367, %sign3A_448 : i32
        %sign3A_450 = arith.extui %sign3A_449 : i1 to i32
        %sign3A_451 = arith.subi %sign3A_447, %sign3A_450 : i32
        %sign3A_452 = arith.constant 0 : i32
        %sign3A_453 = arith.cmpi sgt, %jit3A_443, %sign3A_452 : i32
        %sign3A_454 = arith.extui %sign3A_453 : i1 to i32
        %sign3A_455 = arith.constant 0 : i32
        %sign3A_456 = arith.cmpi slt, %jit3A_443, %sign3A_455 : i32
        %sign3A_457 = arith.extui %sign3A_456 : i1 to i32
        %sign3A_458 = arith.subi %sign3A_454, %sign3A_457 : i32
        %ne3A_459 = arith.cmpi ne, %sign3A_451, %sign3A_458 : i32
        %rem3A_460 = arith.remsi %add3A_367, %jit3A_443 : i32
        %ne3A_461 = arith.constant 0 : i32
        %ne3A_462 = arith.cmpi ne, %rem3A_460, %ne3A_461 : i32
        %and3A_463 = arith.andi %ne3A_459, %ne3A_462 : i1
        %sub3A_464 = arith.constant 1 : i32
        %sub3A_465 = arith.subi %div3A_444, %sub3A_464 : i32
        %select_n3A_466 = arith.select %and3A_463, %sub3A_465, %div3A_444 : i32
        %jit3A_467 = arith.constant 2 : i32
        %eq3A_468 = arith.constant 0 : i32
        %eq3A_469 = arith.cmpi eq, %jit3A_467, %eq3A_468 : i32
        %jit3A_470 = arith.constant 1 : i32
        %select_n3A_471 = arith.select %eq3A_469, %jit3A_470, %jit3A_467 : i32
        %rem3A_472 = arith.remsi %select_n3A_466, %select_n3A_471 : i32
        %ne3A_473 = arith.constant 0 : i32
        %ne3A_474 = arith.cmpi ne, %rem3A_472, %ne3A_473 : i32
        %lt3A_475 = arith.constant 0 : i32
        %lt3A_476 = arith.cmpi slt, %rem3A_472, %lt3A_475 : i32
        %lt3A_477 = arith.constant 0 : i32
        %lt3A_478 = arith.cmpi slt, %select_n3A_471, %lt3A_477 : i32
        %ne3A_479 = arith.xori %lt3A_476, %lt3A_478 : i1
        %and3A_480 = arith.andi %ne3A_479, %ne3A_474 : i1
        %add3A_481 = arith.addi %rem3A_472, %select_n3A_471 : i32
        %select_n3A_482 = arith.select %and3A_480, %add3A_481, %rem3A_472 : i32
        %jit3A_483 = arith.constant 8 : i32
        %eq3A_484 = arith.constant 0 : i32
        %eq3A_485 = arith.cmpi eq, %jit3A_483, %eq3A_484 : i32
        %jit3A_486 = arith.constant 1 : i32
        %select_n3A_487 = arith.select %eq3A_485, %jit3A_486, %jit3A_483 : i32
        %rem3A_488 = arith.remsi %add3A_367, %select_n3A_487 : i32
        %ne3A_489 = arith.constant 0 : i32
        %ne3A_490 = arith.cmpi ne, %rem3A_488, %ne3A_489 : i32
        %lt3A_491 = arith.constant 0 : i32
        %lt3A_492 = arith.cmpi slt, %rem3A_488, %lt3A_491 : i32
        %lt3A_493 = arith.constant 0 : i32
        %lt3A_494 = arith.cmpi slt, %select_n3A_487, %lt3A_493 : i32
        %ne3A_495 = arith.xori %lt3A_492, %lt3A_494 : i1
        %and3A_496 = arith.andi %ne3A_495, %ne3A_490 : i1
        %add3A_497 = arith.addi %rem3A_488, %select_n3A_487 : i32
        %select_n3A_498 = arith.select %and3A_496, %add3A_497, %rem3A_488 : i32
        %dma_start3A_499 = arith.constant 1 : i32
        %dma_start3A_500 = arith.constant 0 : i32
        %dma_start3A_501 = arith.constant 0 : i32
        %dma_start3A_502 = tpu.memref_slice %arg9[%dma_start3A_499, %dma_start3A_500, %dma_start3A_501] : memref<2x128x128xf32, #tpu.memory_space<vmem>> -> memref<1x128x128xf32, #tpu.memory_space<vmem>>
        %dma_start3A_503 = tpu.memref_squeeze %dma_start3A_502 : memref<1x128x128xf32, #tpu.memory_space<vmem>> -> memref<128x128xf32, #tpu.memory_space<vmem>>
        %dma_start3A_504 = arith.constant 0 : i32
        %dma_start3A_505 = tpu.memref_slice %arg8[%select_n3A_482, %select_n3A_498, %dma_start3A_504] : memref<2x8x128xi32, #tpu.memory_space<vmem>> -> memref<1x1x128xi32, #tpu.memory_space<vmem>>
        %dma_start3A_506 = tpu.memref_squeeze %dma_start3A_505 : memref<1x1x128xi32, #tpu.memory_space<vmem>> -> memref<128xi32, #tpu.memory_space<vmem>>
        %dma_start3A_507 = arith.constant 0 : i32
        %dma_start3A_508 = arith.constant 0 : i32
        %dma_start3A_509 = tpu.memref_slice %arg10[%dma_start3A_507, %dma_start3A_508] : memref<10240x128xf32, #tpu.memory_space<vmem_shared>> -> memref<10240x128xf32, #tpu.memory_space<vmem_shared>>
        tpu.enqueue_indirect_dma source(%dma_start3A_503 : memref<128x128xf32, #tpu.memory_space<vmem>>) target(%dma_start3A_509 : memref<10240x128xf32, #tpu.memory_space<vmem_shared>>) offsets(%dma_start3A_506 : memref<128xi32, #tpu.memory_space<vmem>>) semaphore(%arg12 : memref<!tpu.dma_semaphore, #tpu.memory_space<semaphore_mem>>) {add = true}
        %jit3A_510 = arith.constant 8 : i32
        %div3A_511 = arith.divsi %add3A_367, %jit3A_510 : i32
        %sign3A_512 = arith.constant 0 : i32
        %sign3A_513 = arith.cmpi sgt, %add3A_367, %sign3A_512 : i32
        %sign3A_514 = arith.extui %sign3A_513 : i1 to i32
        %sign3A_515 = arith.constant 0 : i32
        %sign3A_516 = arith.cmpi slt, %add3A_367, %sign3A_515 : i32
        %sign3A_517 = arith.extui %sign3A_516 : i1 to i32
        %sign3A_518 = arith.subi %sign3A_514, %sign3A_517 : i32
        %sign3A_519 = arith.constant 0 : i32
        %sign3A_520 = arith.cmpi sgt, %jit3A_510, %sign3A_519 : i32
        %sign3A_521 = arith.extui %sign3A_520 : i1 to i32
        %sign3A_522 = arith.constant 0 : i32
        %sign3A_523 = arith.cmpi slt, %jit3A_510, %sign3A_522 : i32
        %sign3A_524 = arith.extui %sign3A_523 : i1 to i32
        %sign3A_525 = arith.subi %sign3A_521, %sign3A_524 : i32
        %ne3A_526 = arith.cmpi ne, %sign3A_518, %sign3A_525 : i32
        %rem3A_527 = arith.remsi %add3A_367, %jit3A_510 : i32
        %ne3A_528 = arith.constant 0 : i32
        %ne3A_529 = arith.cmpi ne, %rem3A_527, %ne3A_528 : i32
        %and3A_530 = arith.andi %ne3A_526, %ne3A_529 : i1
        %sub3A_531 = arith.constant 1 : i32
        %sub3A_532 = arith.subi %div3A_511, %sub3A_531 : i32
        %select_n3A_533 = arith.select %and3A_530, %sub3A_532, %div3A_511 : i32
        %jit3A_534 = arith.constant 2 : i32
        %eq3A_535 = arith.constant 0 : i32
        %eq3A_536 = arith.cmpi eq, %jit3A_534, %eq3A_535 : i32
        %jit3A_537 = arith.constant 1 : i32
        %select_n3A_538 = arith.select %eq3A_536, %jit3A_537, %jit3A_534 : i32
        %rem3A_539 = arith.remsi %select_n3A_533, %select_n3A_538 : i32
        %ne3A_540 = arith.constant 0 : i32
        %ne3A_541 = arith.cmpi ne, %rem3A_539, %ne3A_540 : i32
        %lt3A_542 = arith.constant 0 : i32
        %lt3A_543 = arith.cmpi slt, %rem3A_539, %lt3A_542 : i32
        %lt3A_544 = arith.constant 0 : i32
        %lt3A_545 = arith.cmpi slt, %select_n3A_538, %lt3A_544 : i32
        %ne3A_546 = arith.xori %lt3A_543, %lt3A_545 : i1
        %and3A_547 = arith.andi %ne3A_546, %ne3A_541 : i1
        %add3A_548 = arith.addi %rem3A_539, %select_n3A_538 : i32
        %select_n3A_549 = arith.select %and3A_547, %add3A_548, %rem3A_539 : i32
        %jit3A_550 = arith.constant 8 : i32
        %eq3A_551 = arith.constant 0 : i32
        %eq3A_552 = arith.cmpi eq, %jit3A_550, %eq3A_551 : i32
        %jit3A_553 = arith.constant 1 : i32
        %select_n3A_554 = arith.select %eq3A_552, %jit3A_553, %jit3A_550 : i32
        %rem3A_555 = arith.remsi %add3A_367, %select_n3A_554 : i32
        %ne3A_556 = arith.constant 0 : i32
        %ne3A_557 = arith.cmpi ne, %rem3A_555, %ne3A_556 : i32
        %lt3A_558 = arith.constant 0 : i32
        %lt3A_559 = arith.cmpi slt, %rem3A_555, %lt3A_558 : i32
        %lt3A_560 = arith.constant 0 : i32
        %lt3A_561 = arith.cmpi slt, %select_n3A_554, %lt3A_560 : i32
        %ne3A_562 = arith.xori %lt3A_559, %lt3A_561 : i1
        %and3A_563 = arith.andi %ne3A_562, %ne3A_557 : i1
        %add3A_564 = arith.addi %rem3A_555, %select_n3A_554 : i32
        %select_n3A_565 = arith.select %and3A_563, %add3A_564, %rem3A_555 : i32
        %get3A_566 = arith.index_cast %select_n3A_549 : i32 to index
        %get3A_567 = arith.index_cast %select_n3A_565 : i32 to index
        %get3A_568 = arith.constant 0 : index
        %get3A_569 = tpu.vector_load %arg8[%get3A_566, %get3A_567, %get3A_568] {strides = array<i32>} : memref<2x8x128xi32, #tpu.memory_space<vmem>>, vector<16xi32>,
        tpu.vector_store_idx %arg14[%get3A_569], %broadcast_in_dim3A_41 {add = true} : memref<10240xf32, #tpu.memory_space<vmem>>[vector<16xi32>], vector<16xf32>,
        %get3A_570 = arith.index_cast %select_n3A_549 : i32 to index
        %get3A_571 = arith.index_cast %select_n3A_565 : i32 to index
        %get3A_572 = arith.constant 16 : index
        %get3A_573 = tpu.vector_load %arg8[%get3A_570, %get3A_571, %get3A_572] {strides = array<i32>} : memref<2x8x128xi32, #tpu.memory_space<vmem>>, vector<16xi32>,
        tpu.vector_store_idx %arg14[%get3A_573], %broadcast_in_dim3A_41 {add = true} : memref<10240xf32, #tpu.memory_space<vmem>>[vector<16xi32>], vector<16xf32>,
        %get3A_574 = arith.index_cast %select_n3A_549 : i32 to index
        %get3A_575 = arith.index_cast %select_n3A_565 : i32 to index
        %get3A_576 = arith.constant 32 : index
        %get3A_577 = tpu.vector_load %arg8[%get3A_574, %get3A_575, %get3A_576] {strides = array<i32>} : memref<2x8x128xi32, #tpu.memory_space<vmem>>, vector<16xi32>,
        tpu.vector_store_idx %arg14[%get3A_577], %broadcast_in_dim3A_41 {add = true} : memref<10240xf32, #tpu.memory_space<vmem>>[vector<16xi32>], vector<16xf32>,
        %get3A_578 = arith.index_cast %select_n3A_549 : i32 to index
        %get3A_579 = arith.index_cast %select_n3A_565 : i32 to index
        %get3A_580 = arith.constant 48 : index
        %get3A_581 = tpu.vector_load %arg8[%get3A_578, %get3A_579, %get3A_580] {strides = array<i32>} : memref<2x8x128xi32, #tpu.memory_space<vmem>>, vector<16xi32>,
        tpu.vector_store_idx %arg14[%get3A_581], %broadcast_in_dim3A_41 {add = true} : memref<10240xf32, #tpu.memory_space<vmem>>[vector<16xi32>], vector<16xf32>,
        %get3A_582 = arith.index_cast %select_n3A_549 : i32 to index
        %get3A_583 = arith.index_cast %select_n3A_565 : i32 to index
        %get3A_584 = arith.constant 64 : index
        %get3A_585 = tpu.vector_load %arg8[%get3A_582, %get3A_583, %get3A_584] {strides = array<i32>} : memref<2x8x128xi32, #tpu.memory_space<vmem>>, vector<16xi32>,
        tpu.vector_store_idx %arg14[%get3A_585], %broadcast_in_dim3A_41 {add = true} : memref<10240xf32, #tpu.memory_space<vmem>>[vector<16xi32>], vector<16xf32>,
        %get3A_586 = arith.index_cast %select_n3A_549 : i32 to index
        %get3A_587 = arith.index_cast %select_n3A_565 : i32 to index
        %get3A_588 = arith.constant 80 : index
        %get3A_589 = tpu.vector_load %arg8[%get3A_586, %get3A_587, %get3A_588] {strides = array<i32>} : memref<2x8x128xi32, #tpu.memory_space<vmem>>, vector<16xi32>,
        tpu.vector_store_idx %arg14[%get3A_589], %broadcast_in_dim3A_41 {add = true} : memref<10240xf32, #tpu.memory_space<vmem>>[vector<16xi32>], vector<16xf32>,
        %get3A_590 = arith.index_cast %select_n3A_549 : i32 to index
        %get3A_591 = arith.index_cast %select_n3A_565 : i32 to index
        %get3A_592 = arith.constant 96 : index
        %get3A_593 = tpu.vector_load %arg8[%get3A_590, %get3A_591, %get3A_592] {strides = array<i32>} : memref<2x8x128xi32, #tpu.memory_space<vmem>>, vector<16xi32>,
        tpu.vector_store_idx %arg14[%get3A_593], %broadcast_in_dim3A_41 {add = true} : memref<10240xf32, #tpu.memory_space<vmem>>[vector<16xi32>], vector<16xf32>,
        %get3A_594 = arith.index_cast %select_n3A_549 : i32 to index
        %get3A_595 = arith.index_cast %select_n3A_565 : i32 to index
        %get3A_596 = arith.constant 112 : index
        %get3A_597 = tpu.vector_load %arg8[%get3A_594, %get3A_595, %get3A_596] {strides = array<i32>} : memref<2x8x128xi32, #tpu.memory_space<vmem>>, vector<16xi32>,
        tpu.vector_store_idx %arg14[%get3A_597], %broadcast_in_dim3A_41 {add = true} : memref<10240xf32, #tpu.memory_space<vmem>>[vector<16xi32>], vector<16xf32>,
      }
      %scan3A_128 = arith.constant 76 : i32
      %dma_wait3A_129 = arith.constant 1 : i32
      %dma_wait3A_130 = arith.constant 0 : i32
      %dma_wait3A_131 = arith.constant 0 : i32
      %dma_wait3A_132 = arith.constant 0 : i32
      %dma_wait3A_133 = arith.constant 0 : i32
      %dma_wait3A_134 = tpu.memref_slice %arg9[%dma_wait3A_129, %dma_wait3A_132, %dma_wait3A_133] : memref<2x128x128xf32, #tpu.memory_space<vmem>> -> memref<1x128x128xf32, #tpu.memory_space<vmem>>
      %dma_wait3A_135 = tpu.memref_squeeze %dma_wait3A_134 : memref<1x128x128xf32, #tpu.memory_space<vmem>> -> memref<128x128xf32, #tpu.memory_space<vmem>>
      %dma_wait3A_136 = arith.constant 0 : i32
      %dma_wait3A_137 = tpu.memref_slice %arg8[%dma_wait3A_130, %dma_wait3A_131, %dma_wait3A_136] : memref<2x8x128xi32, #tpu.memory_space<vmem>> -> memref<1x1x128xi32, #tpu.memory_space<vmem>>
      %dma_wait3A_138 = tpu.memref_squeeze %dma_wait3A_137 : memref<1x1x128xi32, #tpu.memory_space<vmem>> -> memref<128xi32, #tpu.memory_space<vmem>>
      %dma_wait3A_139 = arith.constant 0 : i32
      %dma_wait3A_140 = arith.constant 0 : i32
      %dma_wait3A_141 = tpu.memref_slice %arg10[%dma_wait3A_139, %dma_wait3A_140] : memref<10240x128xf32, #tpu.memory_space<vmem_shared>> -> memref<10240x128xf32, #tpu.memory_space<vmem_shared>>
      tpu.wait_indirect_dma semaphore(%arg12 : memref<!tpu.dma_semaphore, #tpu.memory_space<semaphore_mem>>) src(%dma_wait3A_135 : memref<128x128xf32, #tpu.memory_space<vmem>>) dst(%dma_wait3A_141 : memref<10240x128xf32, #tpu.memory_space<vmem_shared>>)
    } else {
    }
    %eq3A_44 = arith.constant 1 : i32
    %eq3A_45 = arith.cmpi eq, %arg0, %eq3A_44 : i32
    %convert_element_type3A_46 = arith.extui %eq3A_45 : i1 to i32
    %cond3A_47 = arith.constant 0 : i32
    %cond3A_48 = arith.cmpi ne, %convert_element_type3A_46, %cond3A_47 : i32
    scf.if %cond3A_48 {
      %mul3A_52 = arith.constant 8 : i32
      %mul3A_53 = arith.muli %arg1, %mul3A_52 : i32
      %add3A_54 = arith.constant 2432 : i32
      %add3A_55 = arith.addi %add3A_54, %mul3A_53 : i32
      %add3A_56 = arith.constant 0 : i32
      %add3A_57 = arith.addi %add3A_55, %add3A_56 : i32
      %dma_start3A = arith.constant 0 : i32
      %dma_start3A_58 = arith.constant 0 : i32
      %dma_start3A_59 = arith.constant 0 : i32
      %dma_start3A_60 = tpu.memref_slice %arg7[%dma_start3A, %dma_start3A_58, %dma_start3A_59] : memref<2x8x128xi32, #tpu.memory_space<vmem>> -> memref<1x8x128xi32, #tpu.memory_space<vmem>>
      %dma_start3A_61 = tpu.memref_squeeze %dma_start3A_60 : memref<1x8x128xi32, #tpu.memory_space<vmem>> -> memref<8x128xi32, #tpu.memory_space<vmem>>
      %dma_start3A_62 = arith.constant 0 : i32
      %dma_start3A_63 = tpu.memref_slice %arg3[%add3A_57, %dma_start3A_62] : memref<2560x128xi32, #tpu.memory_space<hbm>> -> memref<8x128xi32, #tpu.memory_space<hbm>>
      %dma_start3A_64 = arith.constant 0 : i32
      %dma_start3A_65 = arith.constant 0 : i32
      %dma_start3A_66 = tpu.memref_slice %arg7[%dma_start3A, %dma_start3A_64, %dma_start3A_65] : memref<2x8x128xi32, #tpu.memory_space<vmem>> -> memref<1x8x128xi32, #tpu.memory_space<vmem>>
      %dma_start3A_67 = tpu.memref_squeeze %dma_start3A_66 : memref<1x8x128xi32, #tpu.memory_space<vmem>> -> memref<8x128xi32, #tpu.memory_space<vmem>>
      %dma_start3A_68 = arith.constant 0 : i32
      %dma_start3A_69 = tpu.memref_slice %arg3[%add3A_57, %dma_start3A_68] : memref<2560x128xi32, #tpu.memory_space<hbm>> -> memref<8x128xi32, #tpu.memory_space<hbm>>
      tpu.enqueue_dma source(%dma_start3A_69 : memref<8x128xi32, #tpu.memory_space<hbm>>) target(%dma_start3A_67 : memref<8x128xi32, #tpu.memory_space<vmem>>) target_semaphore(%arg13 : memref<!tpu.dma_semaphore, #tpu.memory_space<semaphore_mem>>)
      %dma_start3A_70 = arith.constant 0 : i32
      %dma_start3A_71 = arith.constant 0 : i32
      %dma_start3A_72 = arith.constant 0 : i32
      %dma_start3A_73 = tpu.memref_slice %arg8[%dma_start3A_70, %dma_start3A_71, %dma_start3A_72] : memref<2x8x128xi32, #tpu.memory_space<vmem>> -> memref<1x8x128xi32, #tpu.memory_space<vmem>>
      %dma_start3A_74 = tpu.memref_squeeze %dma_start3A_73 : memref<1x8x128xi32, #tpu.memory_space<vmem>> -> memref<8x128xi32, #tpu.memory_space<vmem>>
      %dma_start3A_75 = arith.constant 0 : i32
      %dma_start3A_76 = tpu.memref_slice %arg4[%add3A_57, %dma_start3A_75] : memref<2560x128xi32, #tpu.memory_space<hbm>> -> memref<8x128xi32, #tpu.memory_space<hbm>>
      %dma_start3A_77 = arith.constant 0 : i32
      %dma_start3A_78 = arith.constant 0 : i32
      %dma_start3A_79 = tpu.memref_slice %arg8[%dma_start3A_70, %dma_start3A_77, %dma_start3A_78] : memref<2x8x128xi32, #tpu.memory_space<vmem>> -> memref<1x8x128xi32, #tpu.memory_space<vmem>>
      %dma_start3A_80 = tpu.memref_squeeze %dma_start3A_79 : memref<1x8x128xi32, #tpu.memory_space<vmem>> -> memref<8x128xi32, #tpu.memory_space<vmem>>
      %dma_start3A_81 = arith.constant 0 : i32
      %dma_start3A_82 = tpu.memref_slice %arg4[%add3A_57, %dma_start3A_81] : memref<2560x128xi32, #tpu.memory_space<hbm>> -> memref<8x128xi32, #tpu.memory_space<hbm>>
      tpu.enqueue_dma source(%dma_start3A_82 : memref<8x128xi32, #tpu.memory_space<hbm>>) target(%dma_start3A_80 : memref<8x128xi32, #tpu.memory_space<vmem>>) target_semaphore(%arg13 : memref<!tpu.dma_semaphore, #tpu.memory_space<semaphore_mem>>)
      %dma_wait3A = arith.constant 0 : i32
      %dma_wait3A_83 = arith.constant 0 : i32
      %dma_wait3A_84 = arith.constant 0 : i32
      %dma_wait3A_85 = tpu.memref_slice %arg7[%dma_wait3A, %dma_wait3A_83, %dma_wait3A_84] : memref<2x8x128xi32, #tpu.memory_space<vmem>> -> memref<1x8x128xi32, #tpu.memory_space<vmem>>
      %dma_wait3A_86 = tpu.memref_squeeze %dma_wait3A_85 : memref<1x8x128xi32, #tpu.memory_space<vmem>> -> memref<8x128xi32, #tpu.memory_space<vmem>>
      %dma_wait3A_87 = arith.constant 0 : i32
      %dma_wait3A_88 = arith.constant 0 : i32
      %dma_wait3A_89 = tpu.memref_slice %arg3[%dma_wait3A_87, %dma_wait3A_88] : memref<2560x128xi32, #tpu.memory_space<hbm>> -> memref<8x128xi32, #tpu.memory_space<hbm>>
      %dma_wait3A_90 = arith.constant 0 : i32
      %dma_wait3A_91 = arith.constant 0 : i32
      %dma_wait3A_92 = tpu.memref_slice %arg7[%dma_wait3A, %dma_wait3A_90, %dma_wait3A_91] : memref<2x8x128xi32, #tpu.memory_space<vmem>> -> memref<1x8x128xi32, #tpu.memory_space<vmem>>
      %dma_wait3A_93 = tpu.memref_squeeze %dma_wait3A_92 : memref<1x8x128xi32, #tpu.memory_space<vmem>> -> memref<8x128xi32, #tpu.memory_space<vmem>>
      %dma_wait3A_94 = arith.constant 0 : i32
      %dma_wait3A_95 = arith.constant 0 : i32
      %dma_wait3A_96 = tpu.memref_slice %arg3[%dma_wait3A_94, %dma_wait3A_95] : memref<2560x128xi32, #tpu.memory_space<hbm>> -> memref<8x128xi32, #tpu.memory_space<hbm>>
      tpu.wait_dma2 semaphore(%arg13 : memref<!tpu.dma_semaphore, #tpu.memory_space<semaphore_mem>>) src(%dma_wait3A_96 : memref<8x128xi32, #tpu.memory_space<hbm>>) dst(%dma_wait3A_93 : memref<8x128xi32, #tpu.memory_space<vmem>>)
      %dma_wait3A_97 = arith.constant 0 : i32
      %dma_wait3A_98 = arith.constant 0 : i32
      %dma_wait3A_99 = arith.constant 0 : i32
      %dma_wait3A_100 = tpu.memref_slice %arg7[%dma_wait3A_97, %dma_wait3A_98, %dma_wait3A_99] : memref<2x8x128xi32, #tpu.memory_space<vmem>> -> memref<1x8x128xi32, #tpu.memory_space<vmem>>
      %dma_wait3A_101 = tpu.memref_squeeze %dma_wait3A_100 : memref<1x8x128xi32, #tpu.memory_space<vmem>> -> memref<8x128xi32, #tpu.memory_space<vmem>>
      %dma_wait3A_102 = arith.constant 0 : i32
      %dma_wait3A_103 = arith.constant 0 : i32
      %dma_wait3A_104 = tpu.memref_slice %arg3[%dma_wait3A_102, %dma_wait3A_103] : memref<2560x128xi32, #tpu.memory_space<hbm>> -> memref<8x128xi32, #tpu.memory_space<hbm>>
      %dma_wait3A_105 = arith.constant 0 : i32
      %dma_wait3A_106 = arith.constant 0 : i32
      %dma_wait3A_107 = tpu.memref_slice %arg7[%dma_wait3A_97, %dma_wait3A_105, %dma_wait3A_106] : memref<2x8x128xi32, #tpu.memory_space<vmem>> -> memref<1x8x128xi32, #tpu.memory_space<vmem>>
      %dma_wait3A_108 = tpu.memref_squeeze %dma_wait3A_107 : memref<1x8x128xi32, #tpu.memory_space<vmem>> -> memref<8x128xi32, #tpu.memory_space<vmem>>
      %dma_wait3A_109 = arith.constant 0 : i32
      %dma_wait3A_110 = arith.constant 0 : i32
      %dma_wait3A_111 = tpu.memref_slice %arg3[%dma_wait3A_109, %dma_wait3A_110] : memref<2560x128xi32, #tpu.memory_space<hbm>> -> memref<8x128xi32, #tpu.memory_space<hbm>>
      tpu.wait_dma2 semaphore(%arg13 : memref<!tpu.dma_semaphore, #tpu.memory_space<semaphore_mem>>) src(%dma_wait3A_111 : memref<8x128xi32, #tpu.memory_space<hbm>>) dst(%dma_wait3A_108 : memref<8x128xi32, #tpu.memory_space<vmem>>)
      %dma_start3A_112 = arith.constant 0 : i32
      %dma_start3A_113 = arith.constant 0 : i32
      %dma_start3A_114 = arith.constant 0 : i32
      %dma_start3A_115 = arith.constant 0 : i32
      %dma_start3A_116 = arith.constant 0 : i32
      %dma_start3A_117 = tpu.memref_slice %arg9[%dma_start3A_114, %dma_start3A_115, %dma_start3A_116] : memref<2x128x128xf32, #tpu.memory_space<vmem>> -> memref<1x128x128xf32, #tpu.memory_space<vmem>>
      %dma_start3A_118 = tpu.memref_squeeze %dma_start3A_117 : memref<1x128x128xf32, #tpu.memory_space<vmem>> -> memref<128x128xf32, #tpu.memory_space<vmem>>
      %dma_start3A_119 = arith.constant 0 : i32
      %dma_start3A_120 = tpu.memref_slice %arg7[%dma_start3A_112, %dma_start3A_113, %dma_start3A_119] : memref<2x8x128xi32, #tpu.memory_space<vmem>> -> memref<1x1x128xi32, #tpu.memory_space<vmem>>
      %dma_start3A_121 = tpu.memref_squeeze %dma_start3A_120 : memref<1x1x128xi32, #tpu.memory_space<vmem>> -> memref<128xi32, #tpu.memory_space<vmem>>
      %dma_start3A_122 = arith.constant 0 : i32
      %dma_start3A_123 = arith.constant 0 : i32
      %dma_start3A_124 = tpu.memref_slice %arg2[%dma_start3A_122, %dma_start3A_123] : memref<10000x128xf32, #tpu.memory_space<hbm>> -> memref<10000x128xf32, #tpu.memory_space<hbm>>
      tpu.enqueue_indirect_dma source(%dma_start3A_124 : memref<10000x128xf32, #tpu.memory_space<hbm>>) target(%dma_start3A_118 : memref<128x128xf32, #tpu.memory_space<vmem>>) offsets(%dma_start3A_121 : memref<128xi32, #tpu.memory_space<vmem>>) semaphore(%arg11 : memref<!tpu.dma_semaphore, #tpu.memory_space<semaphore_mem>>)
      %scan3A_125 = arith.constant 0 : i32
      %scan3A_126 = arith.constant 0 : i32
      %scan3A_127 = arith.constant 4 : i32
      %scan3A_128 = arith.addi %scan3A_126, %scan3A_127 : i32
      %scan3A_129 = arith.constant 1 : i32
      scf.for %scan3A_144 = %scan3A_126 to %scan3A_128 step %scan3A_129  : i32 {
        %mul3A_145 = arith.constant 2 : i32
        %mul3A_146 = arith.muli %mul3A_145, %scan3A_144 : i32
        %jit3A = arith.constant 8 : i32
        %div3A = arith.divsi %mul3A_146, %jit3A : i32
        %sign3A = arith.constant 0 : i32
        %sign3A_147 = arith.cmpi sgt, %mul3A_146, %sign3A : i32
        %sign3A_148 = arith.extui %sign3A_147 : i1 to i32
        %sign3A_149 = arith.constant 0 : i32
        %sign3A_150 = arith.cmpi slt, %mul3A_146, %sign3A_149 : i32
        %sign3A_151 = arith.extui %sign3A_150 : i1 to i32
        %sign3A_152 = arith.subi %sign3A_148, %sign3A_151 : i32
        %sign3A_153 = arith.constant 0 : i32
        %sign3A_154 = arith.cmpi sgt, %jit3A, %sign3A_153 : i32
        %sign3A_155 = arith.extui %sign3A_154 : i1 to i32
        %sign3A_156 = arith.constant 0 : i32
        %sign3A_157 = arith.cmpi slt, %jit3A, %sign3A_156 : i32
        %sign3A_158 = arith.extui %sign3A_157 : i1 to i32
        %sign3A_159 = arith.subi %sign3A_155, %sign3A_158 : i32
        %ne3A = arith.cmpi ne, %sign3A_152, %sign3A_159 : i32
        %rem3A = arith.remsi %mul3A_146, %jit3A : i32
        %ne3A_160 = arith.constant 0 : i32
        %ne3A_161 = arith.cmpi ne, %rem3A, %ne3A_160 : i32
        %and3A = arith.andi %ne3A, %ne3A_161 : i1
        %sub3A = arith.constant 1 : i32
        %sub3A_162 = arith.subi %div3A, %sub3A : i32
        %select_n3A = arith.select %and3A, %sub3A_162, %div3A : i32
        %jit3A_163 = arith.constant 8 : i32
        %eq3A_164 = arith.constant 0 : i32
        %eq3A_165 = arith.cmpi eq, %jit3A_163, %eq3A_164 : i32
        %jit3A_166 = arith.constant 1 : i32
        %select_n3A_167 = arith.select %eq3A_165, %jit3A_166, %jit3A_163 : i32
        %rem3A_168 = arith.remsi %mul3A_146, %select_n3A_167 : i32
        %ne3A_169 = arith.constant 0 : i32
        %ne3A_170 = arith.cmpi ne, %rem3A_168, %ne3A_169 : i32
        %lt3A = arith.constant 0 : i32
        %lt3A_171 = arith.cmpi slt, %rem3A_168, %lt3A : i32
        %lt3A_172 = arith.constant 0 : i32
        %lt3A_173 = arith.cmpi slt, %select_n3A_167, %lt3A_172 : i32
        %ne3A_174 = arith.xori %lt3A_171, %lt3A_173 : i1
        %and3A_175 = arith.andi %ne3A_174, %ne3A_170 : i1
        %add3A_176 = arith.addi %rem3A_168, %select_n3A_167 : i32
        %select_n3A_177 = arith.select %and3A_175, %add3A_176, %rem3A_168 : i32
        %dma_wait3A_178 = arith.constant 0 : i32
        %dma_wait3A_179 = arith.constant 0 : i32
        %dma_wait3A_180 = arith.constant 0 : i32
        %dma_wait3A_181 = arith.constant 0 : i32
        %dma_wait3A_182 = arith.constant 0 : i32
        %dma_wait3A_183 = tpu.memref_slice %arg9[%dma_wait3A_180, %dma_wait3A_181, %dma_wait3A_182] : memref<2x128x128xf32, #tpu.memory_space<vmem>> -> memref<1x128x128xf32, #tpu.memory_space<vmem>>
        %dma_wait3A_184 = tpu.memref_squeeze %dma_wait3A_183 : memref<1x128x128xf32, #tpu.memory_space<vmem>> -> memref<128x128xf32, #tpu.memory_space<vmem>>
        %dma_wait3A_185 = arith.constant 0 : i32
        %dma_wait3A_186 = tpu.memref_slice %arg7[%dma_wait3A_178, %dma_wait3A_179, %dma_wait3A_185] : memref<2x8x128xi32, #tpu.memory_space<vmem>> -> memref<1x1x128xi32, #tpu.memory_space<vmem>>
        %dma_wait3A_187 = tpu.memref_squeeze %dma_wait3A_186 : memref<1x1x128xi32, #tpu.memory_space<vmem>> -> memref<128xi32, #tpu.memory_space<vmem>>
        %dma_wait3A_188 = arith.constant 0 : i32
        %dma_wait3A_189 = arith.constant 0 : i32
        %dma_wait3A_190 = tpu.memref_slice %arg2[%dma_wait3A_188, %dma_wait3A_189] : memref<10000x128xf32, #tpu.memory_space<hbm>> -> memref<10000x128xf32, #tpu.memory_space<hbm>>
        tpu.wait_indirect_dma semaphore(%arg11 : memref<!tpu.dma_semaphore, #tpu.memory_space<semaphore_mem>>) src(%dma_wait3A_190 : memref<10000x128xf32, #tpu.memory_space<hbm>>) dst(%dma_wait3A_184 : memref<128x128xf32, #tpu.memory_space<vmem>>)
        %gt3A = arith.constant 0 : i32
        %gt3A_191 = arith.cmpi sgt, %mul3A_146, %gt3A : i32
        %convert_element_type3A_192 = arith.extui %gt3A_191 : i1 to i32
        %cond3A_193 = arith.constant 0 : i32
        %cond3A_194 = arith.cmpi ne, %convert_element_type3A_192, %cond3A_193 : i32
        scf.if %cond3A_194 {
          %dma_wait3A_600 = arith.constant 1 : i32
          %dma_wait3A_601 = arith.constant 0 : i32
          %dma_wait3A_602 = arith.constant 0 : i32
          %dma_wait3A_603 = arith.constant 0 : i32
          %dma_wait3A_604 = arith.constant 0 : i32
          %dma_wait3A_605 = tpu.memref_slice %arg9[%dma_wait3A_600, %dma_wait3A_603, %dma_wait3A_604] : memref<2x128x128xf32, #tpu.memory_space<vmem>> -> memref<1x128x128xf32, #tpu.memory_space<vmem>>
          %dma_wait3A_606 = tpu.memref_squeeze %dma_wait3A_605 : memref<1x128x128xf32, #tpu.memory_space<vmem>> -> memref<128x128xf32, #tpu.memory_space<vmem>>
          %dma_wait3A_607 = arith.constant 0 : i32
          %dma_wait3A_608 = tpu.memref_slice %arg8[%dma_wait3A_601, %dma_wait3A_602, %dma_wait3A_607] : memref<2x8x128xi32, #tpu.memory_space<vmem>> -> memref<1x1x128xi32, #tpu.memory_space<vmem>>
          %dma_wait3A_609 = tpu.memref_squeeze %dma_wait3A_608 : memref<1x1x128xi32, #tpu.memory_space<vmem>> -> memref<128xi32, #tpu.memory_space<vmem>>
          %dma_wait3A_610 = arith.constant 0 : i32
          %dma_wait3A_611 = arith.constant 0 : i32
          %dma_wait3A_612 = tpu.memref_slice %arg10[%dma_wait3A_610, %dma_wait3A_611] : memref<10240x128xf32, #tpu.memory_space<vmem_shared>> -> memref<10240x128xf32, #tpu.memory_space<vmem_shared>>
          tpu.wait_indirect_dma semaphore(%arg12 : memref<!tpu.dma_semaphore, #tpu.memory_space<semaphore_mem>>) src(%dma_wait3A_606 : memref<128x128xf32, #tpu.memory_space<vmem>>) dst(%dma_wait3A_612 : memref<10240x128xf32, #tpu.memory_space<vmem_shared>>)
        } else {
        }
        %eq3A_195 = arith.constant 2 : i32
        %eq3A_196 = arith.cmpi eq, %select_n3A_177, %eq3A_195 : i32
        %add3A_197 = arith.constant 1 : i32
        %add3A_198 = arith.addi %select_n3A, %add3A_197 : i32
        %lt3A_199 = arith.constant 1 : i32
        %lt3A_200 = arith.cmpi slt, %add3A_198, %lt3A_199 : i32
        %and3A_201 = arith.andi %eq3A_196, %lt3A_200 : i1
        %convert_element_type3A_202 = arith.extui %and3A_201 : i1 to i32
        %cond3A_203 = arith.constant 0 : i32
        %cond3A_204 = arith.cmpi ne, %convert_element_type3A_202, %cond3A_203 : i32
        scf.if %cond3A_204 {
          %add3A_600 = arith.constant 1 : i32
          %add3A_601 = arith.addi %select_n3A, %add3A_600 : i32
          %add3A_602 = arith.constant 1 : i32
          %add3A_603 = arith.addi %select_n3A, %add3A_602 : i32
          %jit3A_604 = arith.constant 2 : i32
          %eq3A_605 = arith.constant 0 : i32
          %eq3A_606 = arith.cmpi eq, %jit3A_604, %eq3A_605 : i32
          %jit3A_607 = arith.constant 1 : i32
          %select_n3A_608 = arith.select %eq3A_606, %jit3A_607, %jit3A_604 : i32
          %rem3A_609 = arith.remsi %add3A_603, %select_n3A_608 : i32
          %ne3A_610 = arith.constant 0 : i32
          %ne3A_611 = arith.cmpi ne, %rem3A_609, %ne3A_610 : i32
          %lt3A_612 = arith.constant 0 : i32
          %lt3A_613 = arith.cmpi slt, %rem3A_609, %lt3A_612 : i32
          %lt3A_614 = arith.constant 0 : i32
          %lt3A_615 = arith.cmpi slt, %select_n3A_608, %lt3A_614 : i32
          %ne3A_616 = arith.xori %lt3A_613, %lt3A_615 : i1
          %and3A_617 = arith.andi %ne3A_616, %ne3A_611 : i1
          %add3A_618 = arith.addi %rem3A_609, %select_n3A_608 : i32
          %select_n3A_619 = arith.select %and3A_617, %add3A_618, %rem3A_609 : i32
          %mul3A_620 = arith.constant 8 : i32
          %mul3A_621 = arith.muli %add3A_601, %mul3A_620 : i32
          %add3A_622 = arith.addi %add3A_55, %mul3A_621 : i32
          %dma_start3A_623 = arith.constant 0 : i32
          %dma_start3A_624 = arith.constant 0 : i32
          %dma_start3A_625 = tpu.memref_slice %arg7[%select_n3A_619, %dma_start3A_623, %dma_start3A_624] : memref<2x8x128xi32, #tpu.memory_space<vmem>> -> memref<1x8x128xi32, #tpu.memory_space<vmem>>
          %dma_start3A_626 = tpu.memref_squeeze %dma_start3A_625 : memref<1x8x128xi32, #tpu.memory_space<vmem>> -> memref<8x128xi32, #tpu.memory_space<vmem>>
          %dma_start3A_627 = arith.constant 0 : i32
          %dma_start3A_628 = tpu.memref_slice %arg3[%add3A_622, %dma_start3A_627] : memref<2560x128xi32, #tpu.memory_space<hbm>> -> memref<8x128xi32, #tpu.memory_space<hbm>>
          %dma_start3A_629 = arith.constant 0 : i32
          %dma_start3A_630 = arith.constant 0 : i32
          %dma_start3A_631 = tpu.memref_slice %arg7[%select_n3A_619, %dma_start3A_629, %dma_start3A_630] : memref<2x8x128xi32, #tpu.memory_space<vmem>> -> memref<1x8x128xi32, #tpu.memory_space<vmem>>
          %dma_start3A_632 = tpu.memref_squeeze %dma_start3A_631 : memref<1x8x128xi32, #tpu.memory_space<vmem>> -> memref<8x128xi32, #tpu.memory_space<vmem>>
          %dma_start3A_633 = arith.constant 0 : i32
          %dma_start3A_634 = tpu.memref_slice %arg3[%add3A_622, %dma_start3A_633] : memref<2560x128xi32, #tpu.memory_space<hbm>> -> memref<8x128xi32, #tpu.memory_space<hbm>>
          tpu.enqueue_dma source(%dma_start3A_634 : memref<8x128xi32, #tpu.memory_space<hbm>>) target(%dma_start3A_632 : memref<8x128xi32, #tpu.memory_space<vmem>>) target_semaphore(%arg13 : memref<!tpu.dma_semaphore, #tpu.memory_space<semaphore_mem>>)
          %dma_start3A_635 = arith.constant 0 : i32
          %dma_start3A_636 = arith.constant 0 : i32
          %dma_start3A_637 = tpu.memref_slice %arg8[%select_n3A_619, %dma_start3A_635, %dma_start3A_636] : memref<2x8x128xi32, #tpu.memory_space<vmem>> -> memref<1x8x128xi32, #tpu.memory_space<vmem>>
          %dma_start3A_638 = tpu.memref_squeeze %dma_start3A_637 : memref<1x8x128xi32, #tpu.memory_space<vmem>> -> memref<8x128xi32, #tpu.memory_space<vmem>>
          %dma_start3A_639 = arith.constant 0 : i32
          %dma_start3A_640 = tpu.memref_slice %arg4[%add3A_622, %dma_start3A_639] : memref<2560x128xi32, #tpu.memory_space<hbm>> -> memref<8x128xi32, #tpu.memory_space<hbm>>
          %dma_start3A_641 = arith.constant 0 : i32
          %dma_start3A_642 = arith.constant 0 : i32
          %dma_start3A_643 = tpu.memref_slice %arg8[%select_n3A_619, %dma_start3A_641, %dma_start3A_642] : memref<2x8x128xi32, #tpu.memory_space<vmem>> -> memref<1x8x128xi32, #tpu.memory_space<vmem>>
          %dma_start3A_644 = tpu.memref_squeeze %dma_start3A_643 : memref<1x8x128xi32, #tpu.memory_space<vmem>> -> memref<8x128xi32, #tpu.memory_space<vmem>>
          %dma_start3A_645 = arith.constant 0 : i32
          %dma_start3A_646 = tpu.memref_slice %arg4[%add3A_622, %dma_start3A_645] : memref<2560x128xi32, #tpu.memory_space<hbm>> -> memref<8x128xi32, #tpu.memory_space<hbm>>
          tpu.enqueue_dma source(%dma_start3A_646 : memref<8x128xi32, #tpu.memory_space<hbm>>) target(%dma_start3A_644 : memref<8x128xi32, #tpu.memory_space<vmem>>) target_semaphore(%arg13 : memref<!tpu.dma_semaphore, #tpu.memory_space<semaphore_mem>>)
        } else {
        }
        %add3A_205 = arith.constant 1 : i32
        %add3A_206 = arith.addi %mul3A_146, %add3A_205 : i32
        %lt3A_207 = arith.constant 8 : i32
        %lt3A_208 = arith.cmpi slt, %add3A_206, %lt3A_207 : i32
        %convert_element_type3A_209 = arith.extui %lt3A_208 : i1 to i32
        %cond3A_210 = arith.constant 0 : i32
        %cond3A_211 = arith.cmpi ne, %convert_element_type3A_209, %cond3A_210 : i32
        scf.if %cond3A_211 {
          %eq3A_600 = arith.constant 7 : i32
          %eq3A_601 = arith.cmpi eq, %select_n3A_177, %eq3A_600 : i32
          %convert_element_type3A_602 = arith.extui %eq3A_601 : i1 to i32
          %cond3A_603 = arith.constant 0 : i32
          %cond3A_604 = arith.cmpi ne, %convert_element_type3A_602, %cond3A_603 : i32
          scf.if %cond3A_604 {
            %dma_wait3A_674 = arith.constant 0 : i32
            %dma_wait3A_675 = arith.constant 0 : i32
            %dma_wait3A_676 = arith.constant 0 : i32
            %dma_wait3A_677 = tpu.memref_slice %arg7[%dma_wait3A_674, %dma_wait3A_675, %dma_wait3A_676] : memref<2x8x128xi32, #tpu.memory_space<vmem>> -> memref<1x8x128xi32, #tpu.memory_space<vmem>>
            %dma_wait3A_678 = tpu.memref_squeeze %dma_wait3A_677 : memref<1x8x128xi32, #tpu.memory_space<vmem>> -> memref<8x128xi32, #tpu.memory_space<vmem>>
            %dma_wait3A_679 = arith.constant 0 : i32
            %dma_wait3A_680 = arith.constant 0 : i32
            %dma_wait3A_681 = tpu.memref_slice %arg3[%dma_wait3A_679, %dma_wait3A_680] : memref<2560x128xi32, #tpu.memory_space<hbm>> -> memref<8x128xi32, #tpu.memory_space<hbm>>
            %dma_wait3A_682 = arith.constant 0 : i32
            %dma_wait3A_683 = arith.constant 0 : i32
            %dma_wait3A_684 = tpu.memref_slice %arg7[%dma_wait3A_674, %dma_wait3A_682, %dma_wait3A_683] : memref<2x8x128xi32, #tpu.memory_space<vmem>> -> memref<1x8x128xi32, #tpu.memory_space<vmem>>
            %dma_wait3A_685 = tpu.memref_squeeze %dma_wait3A_684 : memref<1x8x128xi32, #tpu.memory_space<vmem>> -> memref<8x128xi32, #tpu.memory_space<vmem>>
            %dma_wait3A_686 = arith.constant 0 : i32
            %dma_wait3A_687 = arith.constant 0 : i32
            %dma_wait3A_688 = tpu.memref_slice %arg3[%dma_wait3A_686, %dma_wait3A_687] : memref<2560x128xi32, #tpu.memory_space<hbm>> -> memref<8x128xi32, #tpu.memory_space<hbm>>
            tpu.wait_dma2 semaphore(%arg13 : memref<!tpu.dma_semaphore, #tpu.memory_space<semaphore_mem>>) src(%dma_wait3A_688 : memref<8x128xi32, #tpu.memory_space<hbm>>) dst(%dma_wait3A_685 : memref<8x128xi32, #tpu.memory_space<vmem>>)
            %dma_wait3A_689 = arith.constant 0 : i32
            %dma_wait3A_690 = arith.constant 0 : i32
            %dma_wait3A_691 = arith.constant 0 : i32
            %dma_wait3A_692 = tpu.memref_slice %arg7[%dma_wait3A_689, %dma_wait3A_690, %dma_wait3A_691] : memref<2x8x128xi32, #tpu.memory_space<vmem>> -> memref<1x8x128xi32, #tpu.memory_space<vmem>>
            %dma_wait3A_693 = tpu.memref_squeeze %dma_wait3A_692 : memref<1x8x128xi32, #tpu.memory_space<vmem>> -> memref<8x128xi32, #tpu.memory_space<vmem>>
            %dma_wait3A_694 = arith.constant 0 : i32
            %dma_wait3A_695 = arith.constant 0 : i32
            %dma_wait3A_696 = tpu.memref_slice %arg3[%dma_wait3A_694, %dma_wait3A_695] : memref<2560x128xi32, #tpu.memory_space<hbm>> -> memref<8x128xi32, #tpu.memory_space<hbm>>
            %dma_wait3A_697 = arith.constant 0 : i32
            %dma_wait3A_698 = arith.constant 0 : i32
            %dma_wait3A_699 = tpu.memref_slice %arg7[%dma_wait3A_689, %dma_wait3A_697, %dma_wait3A_698] : memref<2x8x128xi32, #tpu.memory_space<vmem>> -> memref<1x8x128xi32, #tpu.memory_space<vmem>>
            %dma_wait3A_700 = tpu.memref_squeeze %dma_wait3A_699 : memref<1x8x128xi32, #tpu.memory_space<vmem>> -> memref<8x128xi32, #tpu.memory_space<vmem>>
            %dma_wait3A_701 = arith.constant 0 : i32
            %dma_wait3A_702 = arith.constant 0 : i32
            %dma_wait3A_703 = tpu.memref_slice %arg3[%dma_wait3A_701, %dma_wait3A_702] : memref<2560x128xi32, #tpu.memory_space<hbm>> -> memref<8x128xi32, #tpu.memory_space<hbm>>
            tpu.wait_dma2 semaphore(%arg13 : memref<!tpu.dma_semaphore, #tpu.memory_space<semaphore_mem>>) src(%dma_wait3A_703 : memref<8x128xi32, #tpu.memory_space<hbm>>) dst(%dma_wait3A_700 : memref<8x128xi32, #tpu.memory_space<vmem>>)
          } else {
          }
          %add3A_605 = arith.constant 1 : i32
          %add3A_606 = arith.addi %mul3A_146, %add3A_605 : i32
          %jit3A_607 = arith.constant 8 : i32
          %div3A_608 = arith.divsi %add3A_606, %jit3A_607 : i32
          %sign3A_609 = arith.constant 0 : i32
          %sign3A_610 = arith.cmpi sgt, %add3A_606, %sign3A_609 : i32
          %sign3A_611 = arith.extui %sign3A_610 : i1 to i32
          %sign3A_612 = arith.constant 0 : i32
          %sign3A_613 = arith.cmpi slt, %add3A_606, %sign3A_612 : i32
          %sign3A_614 = arith.extui %sign3A_613 : i1 to i32
          %sign3A_615 = arith.subi %sign3A_611, %sign3A_614 : i32
          %sign3A_616 = arith.constant 0 : i32
          %sign3A_617 = arith.cmpi sgt, %jit3A_607, %sign3A_616 : i32
          %sign3A_618 = arith.extui %sign3A_617 : i1 to i32
          %sign3A_619 = arith.constant 0 : i32
          %sign3A_620 = arith.cmpi slt, %jit3A_607, %sign3A_619 : i32
          %sign3A_621 = arith.extui %sign3A_620 : i1 to i32
          %sign3A_622 = arith.subi %sign3A_618, %sign3A_621 : i32
          %ne3A_623 = arith.cmpi ne, %sign3A_615, %sign3A_622 : i32
          %rem3A_624 = arith.remsi %add3A_606, %jit3A_607 : i32
          %ne3A_625 = arith.constant 0 : i32
          %ne3A_626 = arith.cmpi ne, %rem3A_624, %ne3A_625 : i32
          %and3A_627 = arith.andi %ne3A_623, %ne3A_626 : i1
          %sub3A_628 = arith.constant 1 : i32
          %sub3A_629 = arith.subi %div3A_608, %sub3A_628 : i32
          %select_n3A_630 = arith.select %and3A_627, %sub3A_629, %div3A_608 : i32
          %jit3A_631 = arith.constant 2 : i32
          %eq3A_632 = arith.constant 0 : i32
          %eq3A_633 = arith.cmpi eq, %jit3A_631, %eq3A_632 : i32
          %jit3A_634 = arith.constant 1 : i32
          %select_n3A_635 = arith.select %eq3A_633, %jit3A_634, %jit3A_631 : i32
          %rem3A_636 = arith.remsi %select_n3A_630, %select_n3A_635 : i32
          %ne3A_637 = arith.constant 0 : i32
          %ne3A_638 = arith.cmpi ne, %rem3A_636, %ne3A_637 : i32
          %lt3A_639 = arith.constant 0 : i32
          %lt3A_640 = arith.cmpi slt, %rem3A_636, %lt3A_639 : i32
          %lt3A_641 = arith.constant 0 : i32
          %lt3A_642 = arith.cmpi slt, %select_n3A_635, %lt3A_641 : i32
          %ne3A_643 = arith.xori %lt3A_640, %lt3A_642 : i1
          %and3A_644 = arith.andi %ne3A_643, %ne3A_638 : i1
          %add3A_645 = arith.addi %rem3A_636, %select_n3A_635 : i32
          %select_n3A_646 = arith.select %and3A_644, %add3A_645, %rem3A_636 : i32
          %jit3A_647 = arith.constant 8 : i32
          %eq3A_648 = arith.constant 0 : i32
          %eq3A_649 = arith.cmpi eq, %jit3A_647, %eq3A_648 : i32
          %jit3A_650 = arith.constant 1 : i32
          %select_n3A_651 = arith.select %eq3A_649, %jit3A_650, %jit3A_647 : i32
          %rem3A_652 = arith.remsi %add3A_606, %select_n3A_651 : i32
          %ne3A_653 = arith.constant 0 : i32
          %ne3A_654 = arith.cmpi ne, %rem3A_652, %ne3A_653 : i32
          %lt3A_655 = arith.constant 0 : i32
          %lt3A_656 = arith.cmpi slt, %rem3A_652, %lt3A_655 : i32
          %lt3A_657 = arith.constant 0 : i32
          %lt3A_658 = arith.cmpi slt, %select_n3A_651, %lt3A_657 : i32
          %ne3A_659 = arith.xori %lt3A_656, %lt3A_658 : i1
          %and3A_660 = arith.andi %ne3A_659, %ne3A_654 : i1
          %add3A_661 = arith.addi %rem3A_652, %select_n3A_651 : i32
          %select_n3A_662 = arith.select %and3A_660, %add3A_661, %rem3A_652 : i32
          %dma_start3A_663 = arith.constant 1 : i32
          %dma_start3A_664 = arith.constant 0 : i32
          %dma_start3A_665 = arith.constant 0 : i32
          %dma_start3A_666 = tpu.memref_slice %arg9[%dma_start3A_663, %dma_start3A_664, %dma_start3A_665] : memref<2x128x128xf32, #tpu.memory_space<vmem>> -> memref<1x128x128xf32, #tpu.memory_space<vmem>>
          %dma_start3A_667 = tpu.memref_squeeze %dma_start3A_666 : memref<1x128x128xf32, #tpu.memory_space<vmem>> -> memref<128x128xf32, #tpu.memory_space<vmem>>
          %dma_start3A_668 = arith.constant 0 : i32
          %dma_start3A_669 = tpu.memref_slice %arg7[%select_n3A_646, %select_n3A_662, %dma_start3A_668] : memref<2x8x128xi32, #tpu.memory_space<vmem>> -> memref<1x1x128xi32, #tpu.memory_space<vmem>>
          %dma_start3A_670 = tpu.memref_squeeze %dma_start3A_669 : memref<1x1x128xi32, #tpu.memory_space<vmem>> -> memref<128xi32, #tpu.memory_space<vmem>>
          %dma_start3A_671 = arith.constant 0 : i32
          %dma_start3A_672 = arith.constant 0 : i32
          %dma_start3A_673 = tpu.memref_slice %arg2[%dma_start3A_671, %dma_start3A_672] : memref<10000x128xf32, #tpu.memory_space<hbm>> -> memref<10000x128xf32, #tpu.memory_space<hbm>>
          tpu.enqueue_indirect_dma source(%dma_start3A_673 : memref<10000x128xf32, #tpu.memory_space<hbm>>) target(%dma_start3A_667 : memref<128x128xf32, #tpu.memory_space<vmem>>) offsets(%dma_start3A_670 : memref<128xi32, #tpu.memory_space<vmem>>) semaphore(%arg11 : memref<!tpu.dma_semaphore, #tpu.memory_space<semaphore_mem>>)
        } else {
        }
        %jit3A_212 = arith.constant 8 : i32
        %div3A_213 = arith.divsi %mul3A_146, %jit3A_212 : i32
        %sign3A_214 = arith.constant 0 : i32
        %sign3A_215 = arith.cmpi sgt, %mul3A_146, %sign3A_214 : i32
        %sign3A_216 = arith.extui %sign3A_215 : i1 to i32
        %sign3A_217 = arith.constant 0 : i32
        %sign3A_218 = arith.cmpi slt, %mul3A_146, %sign3A_217 : i32
        %sign3A_219 = arith.extui %sign3A_218 : i1 to i32
        %sign3A_220 = arith.subi %sign3A_216, %sign3A_219 : i32
        %sign3A_221 = arith.constant 0 : i32
        %sign3A_222 = arith.cmpi sgt, %jit3A_212, %sign3A_221 : i32
        %sign3A_223 = arith.extui %sign3A_222 : i1 to i32
        %sign3A_224 = arith.constant 0 : i32
        %sign3A_225 = arith.cmpi slt, %jit3A_212, %sign3A_224 : i32
        %sign3A_226 = arith.extui %sign3A_225 : i1 to i32
        %sign3A_227 = arith.subi %sign3A_223, %sign3A_226 : i32
        %ne3A_228 = arith.cmpi ne, %sign3A_220, %sign3A_227 : i32
        %rem3A_229 = arith.remsi %mul3A_146, %jit3A_212 : i32
        %ne3A_230 = arith.constant 0 : i32
        %ne3A_231 = arith.cmpi ne, %rem3A_229, %ne3A_230 : i32
        %and3A_232 = arith.andi %ne3A_228, %ne3A_231 : i1
        %sub3A_233 = arith.constant 1 : i32
        %sub3A_234 = arith.subi %div3A_213, %sub3A_233 : i32
        %select_n3A_235 = arith.select %and3A_232, %sub3A_234, %div3A_213 : i32
        %jit3A_236 = arith.constant 2 : i32
        %eq3A_237 = arith.constant 0 : i32
        %eq3A_238 = arith.cmpi eq, %jit3A_236, %eq3A_237 : i32
        %jit3A_239 = arith.constant 1 : i32
        %select_n3A_240 = arith.select %eq3A_238, %jit3A_239, %jit3A_236 : i32
        %rem3A_241 = arith.remsi %select_n3A_235, %select_n3A_240 : i32
        %ne3A_242 = arith.constant 0 : i32
        %ne3A_243 = arith.cmpi ne, %rem3A_241, %ne3A_242 : i32
        %lt3A_244 = arith.constant 0 : i32
        %lt3A_245 = arith.cmpi slt, %rem3A_241, %lt3A_244 : i32
        %lt3A_246 = arith.constant 0 : i32
        %lt3A_247 = arith.cmpi slt, %select_n3A_240, %lt3A_246 : i32
        %ne3A_248 = arith.xori %lt3A_245, %lt3A_247 : i1
        %and3A_249 = arith.andi %ne3A_248, %ne3A_243 : i1
        %add3A_250 = arith.addi %rem3A_241, %select_n3A_240 : i32
        %select_n3A_251 = arith.select %and3A_249, %add3A_250, %rem3A_241 : i32
        %jit3A_252 = arith.constant 8 : i32
        %eq3A_253 = arith.constant 0 : i32
        %eq3A_254 = arith.cmpi eq, %jit3A_252, %eq3A_253 : i32
        %jit3A_255 = arith.constant 1 : i32
        %select_n3A_256 = arith.select %eq3A_254, %jit3A_255, %jit3A_252 : i32
        %rem3A_257 = arith.remsi %mul3A_146, %select_n3A_256 : i32
        %ne3A_258 = arith.constant 0 : i32
        %ne3A_259 = arith.cmpi ne, %rem3A_257, %ne3A_258 : i32
        %lt3A_260 = arith.constant 0 : i32
        %lt3A_261 = arith.cmpi slt, %rem3A_257, %lt3A_260 : i32
        %lt3A_262 = arith.constant 0 : i32
        %lt3A_263 = arith.cmpi slt, %select_n3A_256, %lt3A_262 : i32
        %ne3A_264 = arith.xori %lt3A_261, %lt3A_263 : i1
        %and3A_265 = arith.andi %ne3A_264, %ne3A_259 : i1
        %add3A_266 = arith.addi %rem3A_257, %select_n3A_256 : i32
        %select_n3A_267 = arith.select %and3A_265, %add3A_266, %rem3A_257 : i32
        %dma_start3A_268 = arith.constant 0 : i32
        %dma_start3A_269 = arith.constant 0 : i32
        %dma_start3A_270 = arith.constant 0 : i32
        %dma_start3A_271 = tpu.memref_slice %arg9[%dma_start3A_268, %dma_start3A_269, %dma_start3A_270] : memref<2x128x128xf32, #tpu.memory_space<vmem>> -> memref<1x128x128xf32, #tpu.memory_space<vmem>>
        %dma_start3A_272 = tpu.memref_squeeze %dma_start3A_271 : memref<1x128x128xf32, #tpu.memory_space<vmem>> -> memref<128x128xf32, #tpu.memory_space<vmem>>
        %dma_start3A_273 = arith.constant 0 : i32
        %dma_start3A_274 = tpu.memref_slice %arg8[%select_n3A_251, %select_n3A_267, %dma_start3A_273] : memref<2x8x128xi32, #tpu.memory_space<vmem>> -> memref<1x1x128xi32, #tpu.memory_space<vmem>>
        %dma_start3A_275 = tpu.memref_squeeze %dma_start3A_274 : memref<1x1x128xi32, #tpu.memory_space<vmem>> -> memref<128xi32, #tpu.memory_space<vmem>>
        %dma_start3A_276 = arith.constant 0 : i32
        %dma_start3A_277 = arith.constant 0 : i32
        %dma_start3A_278 = tpu.memref_slice %arg10[%dma_start3A_276, %dma_start3A_277] : memref<10240x128xf32, #tpu.memory_space<vmem_shared>> -> memref<10240x128xf32, #tpu.memory_space<vmem_shared>>
        tpu.enqueue_indirect_dma source(%dma_start3A_272 : memref<128x128xf32, #tpu.memory_space<vmem>>) target(%dma_start3A_278 : memref<10240x128xf32, #tpu.memory_space<vmem_shared>>) offsets(%dma_start3A_275 : memref<128xi32, #tpu.memory_space<vmem>>) semaphore(%arg12 : memref<!tpu.dma_semaphore, #tpu.memory_space<semaphore_mem>>) {add = true}
        %jit3A_279 = arith.constant 8 : i32
        %div3A_280 = arith.divsi %mul3A_146, %jit3A_279 : i32
        %sign3A_281 = arith.constant 0 : i32
        %sign3A_282 = arith.cmpi sgt, %mul3A_146, %sign3A_281 : i32
        %sign3A_283 = arith.extui %sign3A_282 : i1 to i32
        %sign3A_284 = arith.constant 0 : i32
        %sign3A_285 = arith.cmpi slt, %mul3A_146, %sign3A_284 : i32
        %sign3A_286 = arith.extui %sign3A_285 : i1 to i32
        %sign3A_287 = arith.subi %sign3A_283, %sign3A_286 : i32
        %sign3A_288 = arith.constant 0 : i32
        %sign3A_289 = arith.cmpi sgt, %jit3A_279, %sign3A_288 : i32
        %sign3A_290 = arith.extui %sign3A_289 : i1 to i32
        %sign3A_291 = arith.constant 0 : i32
        %sign3A_292 = arith.cmpi slt, %jit3A_279, %sign3A_291 : i32
        %sign3A_293 = arith.extui %sign3A_292 : i1 to i32
        %sign3A_294 = arith.subi %sign3A_290, %sign3A_293 : i32
        %ne3A_295 = arith.cmpi ne, %sign3A_287, %sign3A_294 : i32
        %rem3A_296 = arith.remsi %mul3A_146, %jit3A_279 : i32
        %ne3A_297 = arith.constant 0 : i32
        %ne3A_298 = arith.cmpi ne, %rem3A_296, %ne3A_297 : i32
        %and3A_299 = arith.andi %ne3A_295, %ne3A_298 : i1
        %sub3A_300 = arith.constant 1 : i32
        %sub3A_301 = arith.subi %div3A_280, %sub3A_300 : i32
        %select_n3A_302 = arith.select %and3A_299, %sub3A_301, %div3A_280 : i32
        %jit3A_303 = arith.constant 2 : i32
        %eq3A_304 = arith.constant 0 : i32
        %eq3A_305 = arith.cmpi eq, %jit3A_303, %eq3A_304 : i32
        %jit3A_306 = arith.constant 1 : i32
        %select_n3A_307 = arith.select %eq3A_305, %jit3A_306, %jit3A_303 : i32
        %rem3A_308 = arith.remsi %select_n3A_302, %select_n3A_307 : i32
        %ne3A_309 = arith.constant 0 : i32
        %ne3A_310 = arith.cmpi ne, %rem3A_308, %ne3A_309 : i32
        %lt3A_311 = arith.constant 0 : i32
        %lt3A_312 = arith.cmpi slt, %rem3A_308, %lt3A_311 : i32
        %lt3A_313 = arith.constant 0 : i32
        %lt3A_314 = arith.cmpi slt, %select_n3A_307, %lt3A_313 : i32
        %ne3A_315 = arith.xori %lt3A_312, %lt3A_314 : i1
        %and3A_316 = arith.andi %ne3A_315, %ne3A_310 : i1
        %add3A_317 = arith.addi %rem3A_308, %select_n3A_307 : i32
        %select_n3A_318 = arith.select %and3A_316, %add3A_317, %rem3A_308 : i32
        %jit3A_319 = arith.constant 8 : i32
        %eq3A_320 = arith.constant 0 : i32
        %eq3A_321 = arith.cmpi eq, %jit3A_319, %eq3A_320 : i32
        %jit3A_322 = arith.constant 1 : i32
        %select_n3A_323 = arith.select %eq3A_321, %jit3A_322, %jit3A_319 : i32
        %rem3A_324 = arith.remsi %mul3A_146, %select_n3A_323 : i32
        %ne3A_325 = arith.constant 0 : i32
        %ne3A_326 = arith.cmpi ne, %rem3A_324, %ne3A_325 : i32
        %lt3A_327 = arith.constant 0 : i32
        %lt3A_328 = arith.cmpi slt, %rem3A_324, %lt3A_327 : i32
        %lt3A_329 = arith.constant 0 : i32
        %lt3A_330 = arith.cmpi slt, %select_n3A_323, %lt3A_329 : i32
        %ne3A_331 = arith.xori %lt3A_328, %lt3A_330 : i1
        %and3A_332 = arith.andi %ne3A_331, %ne3A_326 : i1
        %add3A_333 = arith.addi %rem3A_324, %select_n3A_323 : i32
        %select_n3A_334 = arith.select %and3A_332, %add3A_333, %rem3A_324 : i32
        %get3A = arith.index_cast %select_n3A_318 : i32 to index
        %get3A_335 = arith.index_cast %select_n3A_334 : i32 to index
        %get3A_336 = arith.constant 0 : index
        %get3A_337 = tpu.vector_load %arg8[%get3A, %get3A_335, %get3A_336] {strides = array<i32>} : memref<2x8x128xi32, #tpu.memory_space<vmem>>, vector<16xi32>,
        tpu.vector_store_idx %arg14[%get3A_337], %broadcast_in_dim3A_41 {add = true} : memref<10240xf32, #tpu.memory_space<vmem>>[vector<16xi32>], vector<16xf32>,
        %get3A_338 = arith.index_cast %select_n3A_318 : i32 to index
        %get3A_339 = arith.index_cast %select_n3A_334 : i32 to index
        %get3A_340 = arith.constant 16 : index
        %get3A_341 = tpu.vector_load %arg8[%get3A_338, %get3A_339, %get3A_340] {strides = array<i32>} : memref<2x8x128xi32, #tpu.memory_space<vmem>>, vector<16xi32>,
        tpu.vector_store_idx %arg14[%get3A_341], %broadcast_in_dim3A_41 {add = true} : memref<10240xf32, #tpu.memory_space<vmem>>[vector<16xi32>], vector<16xf32>,
        %get3A_342 = arith.index_cast %select_n3A_318 : i32 to index
        %get3A_343 = arith.index_cast %select_n3A_334 : i32 to index
        %get3A_344 = arith.constant 32 : index
        %get3A_345 = tpu.vector_load %arg8[%get3A_342, %get3A_343, %get3A_344] {strides = array<i32>} : memref<2x8x128xi32, #tpu.memory_space<vmem>>, vector<16xi32>,
        tpu.vector_store_idx %arg14[%get3A_345], %broadcast_in_dim3A_41 {add = true} : memref<10240xf32, #tpu.memory_space<vmem>>[vector<16xi32>], vector<16xf32>,
        %get3A_346 = arith.index_cast %select_n3A_318 : i32 to index
        %get3A_347 = arith.index_cast %select_n3A_334 : i32 to index
        %get3A_348 = arith.constant 48 : index
        %get3A_349 = tpu.vector_load %arg8[%get3A_346, %get3A_347, %get3A_348] {strides = array<i32>} : memref<2x8x128xi32, #tpu.memory_space<vmem>>, vector<16xi32>,
        tpu.vector_store_idx %arg14[%get3A_349], %broadcast_in_dim3A_41 {add = true} : memref<10240xf32, #tpu.memory_space<vmem>>[vector<16xi32>], vector<16xf32>,
        %get3A_350 = arith.index_cast %select_n3A_318 : i32 to index
        %get3A_351 = arith.index_cast %select_n3A_334 : i32 to index
        %get3A_352 = arith.constant 64 : index
        %get3A_353 = tpu.vector_load %arg8[%get3A_350, %get3A_351, %get3A_352] {strides = array<i32>} : memref<2x8x128xi32, #tpu.memory_space<vmem>>, vector<16xi32>,
        tpu.vector_store_idx %arg14[%get3A_353], %broadcast_in_dim3A_41 {add = true} : memref<10240xf32, #tpu.memory_space<vmem>>[vector<16xi32>], vector<16xf32>,
        %get3A_354 = arith.index_cast %select_n3A_318 : i32 to index
        %get3A_355 = arith.index_cast %select_n3A_334 : i32 to index
        %get3A_356 = arith.constant 80 : index
        %get3A_357 = tpu.vector_load %arg8[%get3A_354, %get3A_355, %get3A_356] {strides = array<i32>} : memref<2x8x128xi32, #tpu.memory_space<vmem>>, vector<16xi32>,
        tpu.vector_store_idx %arg14[%get3A_357], %broadcast_in_dim3A_41 {add = true} : memref<10240xf32, #tpu.memory_space<vmem>>[vector<16xi32>], vector<16xf32>,
        %get3A_358 = arith.index_cast %select_n3A_318 : i32 to index
        %get3A_359 = arith.index_cast %select_n3A_334 : i32 to index
        %get3A_360 = arith.constant 96 : index
        %get3A_361 = tpu.vector_load %arg8[%get3A_358, %get3A_359, %get3A_360] {strides = array<i32>} : memref<2x8x128xi32, #tpu.memory_space<vmem>>, vector<16xi32>,
        tpu.vector_store_idx %arg14[%get3A_361], %broadcast_in_dim3A_41 {add = true} : memref<10240xf32, #tpu.memory_space<vmem>>[vector<16xi32>], vector<16xf32>,
        %get3A_362 = arith.index_cast %select_n3A_318 : i32 to index
        %get3A_363 = arith.index_cast %select_n3A_334 : i32 to index
        %get3A_364 = arith.constant 112 : index
        %get3A_365 = tpu.vector_load %arg8[%get3A_362, %get3A_363, %get3A_364] {strides = array<i32>} : memref<2x8x128xi32, #tpu.memory_space<vmem>>, vector<16xi32>,
        tpu.vector_store_idx %arg14[%get3A_365], %broadcast_in_dim3A_41 {add = true} : memref<10240xf32, #tpu.memory_space<vmem>>[vector<16xi32>], vector<16xf32>,
        %mul3A_366 = arith.constant 2 : i32
        %mul3A_367 = arith.muli %mul3A_366, %scan3A_144 : i32
        %add3A_368 = arith.constant 1 : i32
        %add3A_369 = arith.addi %mul3A_367, %add3A_368 : i32
        %jit3A_370 = arith.constant 8 : i32
        %div3A_371 = arith.divsi %add3A_369, %jit3A_370 : i32
        %sign3A_372 = arith.constant 0 : i32
        %sign3A_373 = arith.cmpi sgt, %add3A_369, %sign3A_372 : i32
        %sign3A_374 = arith.extui %sign3A_373 : i1 to i32
        %sign3A_375 = arith.constant 0 : i32
        %sign3A_376 = arith.cmpi slt, %add3A_369, %sign3A_375 : i32
        %sign3A_377 = arith.extui %sign3A_376 : i1 to i32
        %sign3A_378 = arith.subi %sign3A_374, %sign3A_377 : i32
        %sign3A_379 = arith.constant 0 : i32
        %sign3A_380 = arith.cmpi sgt, %jit3A_370, %sign3A_379 : i32
        %sign3A_381 = arith.extui %sign3A_380 : i1 to i32
        %sign3A_382 = arith.constant 0 : i32
        %sign3A_383 = arith.cmpi slt, %jit3A_370, %sign3A_382 : i32
        %sign3A_384 = arith.extui %sign3A_383 : i1 to i32
        %sign3A_385 = arith.subi %sign3A_381, %sign3A_384 : i32
        %ne3A_386 = arith.cmpi ne, %sign3A_378, %sign3A_385 : i32
        %rem3A_387 = arith.remsi %add3A_369, %jit3A_370 : i32
        %ne3A_388 = arith.constant 0 : i32
        %ne3A_389 = arith.cmpi ne, %rem3A_387, %ne3A_388 : i32
        %and3A_390 = arith.andi %ne3A_386, %ne3A_389 : i1
        %sub3A_391 = arith.constant 1 : i32
        %sub3A_392 = arith.subi %div3A_371, %sub3A_391 : i32
        %select_n3A_393 = arith.select %and3A_390, %sub3A_392, %div3A_371 : i32
        %jit3A_394 = arith.constant 8 : i32
        %eq3A_395 = arith.constant 0 : i32
        %eq3A_396 = arith.cmpi eq, %jit3A_394, %eq3A_395 : i32
        %jit3A_397 = arith.constant 1 : i32
        %select_n3A_398 = arith.select %eq3A_396, %jit3A_397, %jit3A_394 : i32
        %rem3A_399 = arith.remsi %add3A_369, %select_n3A_398 : i32
        %ne3A_400 = arith.constant 0 : i32
        %ne3A_401 = arith.cmpi ne, %rem3A_399, %ne3A_400 : i32
        %lt3A_402 = arith.constant 0 : i32
        %lt3A_403 = arith.cmpi slt, %rem3A_399, %lt3A_402 : i32
        %lt3A_404 = arith.constant 0 : i32
        %lt3A_405 = arith.cmpi slt, %select_n3A_398, %lt3A_404 : i32
        %ne3A_406 = arith.xori %lt3A_403, %lt3A_405 : i1
        %and3A_407 = arith.andi %ne3A_406, %ne3A_401 : i1
        %add3A_408 = arith.addi %rem3A_399, %select_n3A_398 : i32
        %select_n3A_409 = arith.select %and3A_407, %add3A_408, %rem3A_399 : i32
        %dma_wait3A_410 = arith.constant 0 : i32
        %dma_wait3A_411 = arith.constant 0 : i32
        %dma_wait3A_412 = arith.constant 1 : i32
        %dma_wait3A_413 = arith.constant 0 : i32
        %dma_wait3A_414 = arith.constant 0 : i32
        %dma_wait3A_415 = tpu.memref_slice %arg9[%dma_wait3A_412, %dma_wait3A_413, %dma_wait3A_414] : memref<2x128x128xf32, #tpu.memory_space<vmem>> -> memref<1x128x128xf32, #tpu.memory_space<vmem>>
        %dma_wait3A_416 = tpu.memref_squeeze %dma_wait3A_415 : memref<1x128x128xf32, #tpu.memory_space<vmem>> -> memref<128x128xf32, #tpu.memory_space<vmem>>
        %dma_wait3A_417 = arith.constant 0 : i32
        %dma_wait3A_418 = tpu.memref_slice %arg7[%dma_wait3A_410, %dma_wait3A_411, %dma_wait3A_417] : memref<2x8x128xi32, #tpu.memory_space<vmem>> -> memref<1x1x128xi32, #tpu.memory_space<vmem>>
        %dma_wait3A_419 = tpu.memref_squeeze %dma_wait3A_418 : memref<1x1x128xi32, #tpu.memory_space<vmem>> -> memref<128xi32, #tpu.memory_space<vmem>>
        %dma_wait3A_420 = arith.constant 0 : i32
        %dma_wait3A_421 = arith.constant 0 : i32
        %dma_wait3A_422 = tpu.memref_slice %arg2[%dma_wait3A_420, %dma_wait3A_421] : memref<10000x128xf32, #tpu.memory_space<hbm>> -> memref<10000x128xf32, #tpu.memory_space<hbm>>
        tpu.wait_indirect_dma semaphore(%arg11 : memref<!tpu.dma_semaphore, #tpu.memory_space<semaphore_mem>>) src(%dma_wait3A_422 : memref<10000x128xf32, #tpu.memory_space<hbm>>) dst(%dma_wait3A_416 : memref<128x128xf32, #tpu.memory_space<vmem>>)
        %gt3A_423 = arith.constant 0 : i32
        %gt3A_424 = arith.cmpi sgt, %add3A_369, %gt3A_423 : i32
        %convert_element_type3A_425 = arith.extui %gt3A_424 : i1 to i32
        %cond3A_426 = arith.constant 0 : i32
        %cond3A_427 = arith.cmpi ne, %convert_element_type3A_425, %cond3A_426 : i32
        scf.if %cond3A_427 {
          %dma_wait3A_600 = arith.constant 0 : i32
          %dma_wait3A_601 = arith.constant 0 : i32
          %dma_wait3A_602 = arith.constant 0 : i32
          %dma_wait3A_603 = arith.constant 0 : i32
          %dma_wait3A_604 = arith.constant 0 : i32
          %dma_wait3A_605 = tpu.memref_slice %arg9[%dma_wait3A_600, %dma_wait3A_603, %dma_wait3A_604] : memref<2x128x128xf32, #tpu.memory_space<vmem>> -> memref<1x128x128xf32, #tpu.memory_space<vmem>>
          %dma_wait3A_606 = tpu.memref_squeeze %dma_wait3A_605 : memref<1x128x128xf32, #tpu.memory_space<vmem>> -> memref<128x128xf32, #tpu.memory_space<vmem>>
          %dma_wait3A_607 = arith.constant 0 : i32
          %dma_wait3A_608 = tpu.memref_slice %arg8[%dma_wait3A_601, %dma_wait3A_602, %dma_wait3A_607] : memref<2x8x128xi32, #tpu.memory_space<vmem>> -> memref<1x1x128xi32, #tpu.memory_space<vmem>>
          %dma_wait3A_609 = tpu.memref_squeeze %dma_wait3A_608 : memref<1x1x128xi32, #tpu.memory_space<vmem>> -> memref<128xi32, #tpu.memory_space<vmem>>
          %dma_wait3A_610 = arith.constant 0 : i32
          %dma_wait3A_611 = arith.constant 0 : i32
          %dma_wait3A_612 = tpu.memref_slice %arg10[%dma_wait3A_610, %dma_wait3A_611] : memref<10240x128xf32, #tpu.memory_space<vmem_shared>> -> memref<10240x128xf32, #tpu.memory_space<vmem_shared>>
          tpu.wait_indirect_dma semaphore(%arg12 : memref<!tpu.dma_semaphore, #tpu.memory_space<semaphore_mem>>) src(%dma_wait3A_606 : memref<128x128xf32, #tpu.memory_space<vmem>>) dst(%dma_wait3A_612 : memref<10240x128xf32, #tpu.memory_space<vmem_shared>>)
        } else {
        }
        %eq3A_428 = arith.constant 2 : i32
        %eq3A_429 = arith.cmpi eq, %select_n3A_409, %eq3A_428 : i32
        %add3A_430 = arith.constant 1 : i32
        %add3A_431 = arith.addi %select_n3A_393, %add3A_430 : i32
        %lt3A_432 = arith.constant 1 : i32
        %lt3A_433 = arith.cmpi slt, %add3A_431, %lt3A_432 : i32
        %and3A_434 = arith.andi %eq3A_429, %lt3A_433 : i1
        %convert_element_type3A_435 = arith.extui %and3A_434 : i1 to i32
        %cond3A_436 = arith.constant 0 : i32
        %cond3A_437 = arith.cmpi ne, %convert_element_type3A_435, %cond3A_436 : i32
        scf.if %cond3A_437 {
          %add3A_600 = arith.constant 1 : i32
          %add3A_601 = arith.addi %select_n3A_393, %add3A_600 : i32
          %add3A_602 = arith.constant 1 : i32
          %add3A_603 = arith.addi %select_n3A_393, %add3A_602 : i32
          %jit3A_604 = arith.constant 2 : i32
          %eq3A_605 = arith.constant 0 : i32
          %eq3A_606 = arith.cmpi eq, %jit3A_604, %eq3A_605 : i32
          %jit3A_607 = arith.constant 1 : i32
          %select_n3A_608 = arith.select %eq3A_606, %jit3A_607, %jit3A_604 : i32
          %rem3A_609 = arith.remsi %add3A_603, %select_n3A_608 : i32
          %ne3A_610 = arith.constant 0 : i32
          %ne3A_611 = arith.cmpi ne, %rem3A_609, %ne3A_610 : i32
          %lt3A_612 = arith.constant 0 : i32
          %lt3A_613 = arith.cmpi slt, %rem3A_609, %lt3A_612 : i32
          %lt3A_614 = arith.constant 0 : i32
          %lt3A_615 = arith.cmpi slt, %select_n3A_608, %lt3A_614 : i32
          %ne3A_616 = arith.xori %lt3A_613, %lt3A_615 : i1
          %and3A_617 = arith.andi %ne3A_616, %ne3A_611 : i1
          %add3A_618 = arith.addi %rem3A_609, %select_n3A_608 : i32
          %select_n3A_619 = arith.select %and3A_617, %add3A_618, %rem3A_609 : i32
          %mul3A_620 = arith.constant 8 : i32
          %mul3A_621 = arith.muli %add3A_601, %mul3A_620 : i32
          %add3A_622 = arith.addi %add3A_55, %mul3A_621 : i32
          %dma_start3A_623 = arith.constant 0 : i32
          %dma_start3A_624 = arith.constant 0 : i32
          %dma_start3A_625 = tpu.memref_slice %arg7[%select_n3A_619, %dma_start3A_623, %dma_start3A_624] : memref<2x8x128xi32, #tpu.memory_space<vmem>> -> memref<1x8x128xi32, #tpu.memory_space<vmem>>
          %dma_start3A_626 = tpu.memref_squeeze %dma_start3A_625 : memref<1x8x128xi32, #tpu.memory_space<vmem>> -> memref<8x128xi32, #tpu.memory_space<vmem>>
          %dma_start3A_627 = arith.constant 0 : i32
          %dma_start3A_628 = tpu.memref_slice %arg3[%add3A_622, %dma_start3A_627] : memref<2560x128xi32, #tpu.memory_space<hbm>> -> memref<8x128xi32, #tpu.memory_space<hbm>>
          %dma_start3A_629 = arith.constant 0 : i32
          %dma_start3A_630 = arith.constant 0 : i32
          %dma_start3A_631 = tpu.memref_slice %arg7[%select_n3A_619, %dma_start3A_629, %dma_start3A_630] : memref<2x8x128xi32, #tpu.memory_space<vmem>> -> memref<1x8x128xi32, #tpu.memory_space<vmem>>
          %dma_start3A_632 = tpu.memref_squeeze %dma_start3A_631 : memref<1x8x128xi32, #tpu.memory_space<vmem>> -> memref<8x128xi32, #tpu.memory_space<vmem>>
          %dma_start3A_633 = arith.constant 0 : i32
          %dma_start3A_634 = tpu.memref_slice %arg3[%add3A_622, %dma_start3A_633] : memref<2560x128xi32, #tpu.memory_space<hbm>> -> memref<8x128xi32, #tpu.memory_space<hbm>>
          tpu.enqueue_dma source(%dma_start3A_634 : memref<8x128xi32, #tpu.memory_space<hbm>>) target(%dma_start3A_632 : memref<8x128xi32, #tpu.memory_space<vmem>>) target_semaphore(%arg13 : memref<!tpu.dma_semaphore, #tpu.memory_space<semaphore_mem>>)
          %dma_start3A_635 = arith.constant 0 : i32
          %dma_start3A_636 = arith.constant 0 : i32
          %dma_start3A_637 = tpu.memref_slice %arg8[%select_n3A_619, %dma_start3A_635, %dma_start3A_636] : memref<2x8x128xi32, #tpu.memory_space<vmem>> -> memref<1x8x128xi32, #tpu.memory_space<vmem>>
          %dma_start3A_638 = tpu.memref_squeeze %dma_start3A_637 : memref<1x8x128xi32, #tpu.memory_space<vmem>> -> memref<8x128xi32, #tpu.memory_space<vmem>>
          %dma_start3A_639 = arith.constant 0 : i32
          %dma_start3A_640 = tpu.memref_slice %arg4[%add3A_622, %dma_start3A_639] : memref<2560x128xi32, #tpu.memory_space<hbm>> -> memref<8x128xi32, #tpu.memory_space<hbm>>
          %dma_start3A_641 = arith.constant 0 : i32
          %dma_start3A_642 = arith.constant 0 : i32
          %dma_start3A_643 = tpu.memref_slice %arg8[%select_n3A_619, %dma_start3A_641, %dma_start3A_642] : memref<2x8x128xi32, #tpu.memory_space<vmem>> -> memref<1x8x128xi32, #tpu.memory_space<vmem>>
          %dma_start3A_644 = tpu.memref_squeeze %dma_start3A_643 : memref<1x8x128xi32, #tpu.memory_space<vmem>> -> memref<8x128xi32, #tpu.memory_space<vmem>>
          %dma_start3A_645 = arith.constant 0 : i32
          %dma_start3A_646 = tpu.memref_slice %arg4[%add3A_622, %dma_start3A_645] : memref<2560x128xi32, #tpu.memory_space<hbm>> -> memref<8x128xi32, #tpu.memory_space<hbm>>
          tpu.enqueue_dma source(%dma_start3A_646 : memref<8x128xi32, #tpu.memory_space<hbm>>) target(%dma_start3A_644 : memref<8x128xi32, #tpu.memory_space<vmem>>) target_semaphore(%arg13 : memref<!tpu.dma_semaphore, #tpu.memory_space<semaphore_mem>>)
        } else {
        }
        %add3A_438 = arith.constant 1 : i32
        %add3A_439 = arith.addi %add3A_369, %add3A_438 : i32
        %lt3A_440 = arith.constant 8 : i32
        %lt3A_441 = arith.cmpi slt, %add3A_439, %lt3A_440 : i32
        %convert_element_type3A_442 = arith.extui %lt3A_441 : i1 to i32
        %cond3A_443 = arith.constant 0 : i32
        %cond3A_444 = arith.cmpi ne, %convert_element_type3A_442, %cond3A_443 : i32
        scf.if %cond3A_444 {
          %eq3A_600 = arith.constant 7 : i32
          %eq3A_601 = arith.cmpi eq, %select_n3A_409, %eq3A_600 : i32
          %convert_element_type3A_602 = arith.extui %eq3A_601 : i1 to i32
          %cond3A_603 = arith.constant 0 : i32
          %cond3A_604 = arith.cmpi ne, %convert_element_type3A_602, %cond3A_603 : i32
          scf.if %cond3A_604 {
            %dma_wait3A_674 = arith.constant 0 : i32
            %dma_wait3A_675 = arith.constant 0 : i32
            %dma_wait3A_676 = arith.constant 0 : i32
            %dma_wait3A_677 = tpu.memref_slice %arg7[%dma_wait3A_674, %dma_wait3A_675, %dma_wait3A_676] : memref<2x8x128xi32, #tpu.memory_space<vmem>> -> memref<1x8x128xi32, #tpu.memory_space<vmem>>
            %dma_wait3A_678 = tpu.memref_squeeze %dma_wait3A_677 : memref<1x8x128xi32, #tpu.memory_space<vmem>> -> memref<8x128xi32, #tpu.memory_space<vmem>>
            %dma_wait3A_679 = arith.constant 0 : i32
            %dma_wait3A_680 = arith.constant 0 : i32
            %dma_wait3A_681 = tpu.memref_slice %arg3[%dma_wait3A_679, %dma_wait3A_680] : memref<2560x128xi32, #tpu.memory_space<hbm>> -> memref<8x128xi32, #tpu.memory_space<hbm>>
            %dma_wait3A_682 = arith.constant 0 : i32
            %dma_wait3A_683 = arith.constant 0 : i32
            %dma_wait3A_684 = tpu.memref_slice %arg7[%dma_wait3A_674, %dma_wait3A_682, %dma_wait3A_683] : memref<2x8x128xi32, #tpu.memory_space<vmem>> -> memref<1x8x128xi32, #tpu.memory_space<vmem>>
            %dma_wait3A_685 = tpu.memref_squeeze %dma_wait3A_684 : memref<1x8x128xi32, #tpu.memory_space<vmem>> -> memref<8x128xi32, #tpu.memory_space<vmem>>
            %dma_wait3A_686 = arith.constant 0 : i32
            %dma_wait3A_687 = arith.constant 0 : i32
            %dma_wait3A_688 = tpu.memref_slice %arg3[%dma_wait3A_686, %dma_wait3A_687] : memref<2560x128xi32, #tpu.memory_space<hbm>> -> memref<8x128xi32, #tpu.memory_space<hbm>>
            tpu.wait_dma2 semaphore(%arg13 : memref<!tpu.dma_semaphore, #tpu.memory_space<semaphore_mem>>) src(%dma_wait3A_688 : memref<8x128xi32, #tpu.memory_space<hbm>>) dst(%dma_wait3A_685 : memref<8x128xi32, #tpu.memory_space<vmem>>)
            %dma_wait3A_689 = arith.constant 0 : i32
            %dma_wait3A_690 = arith.constant 0 : i32
            %dma_wait3A_691 = arith.constant 0 : i32
            %dma_wait3A_692 = tpu.memref_slice %arg7[%dma_wait3A_689, %dma_wait3A_690, %dma_wait3A_691] : memref<2x8x128xi32, #tpu.memory_space<vmem>> -> memref<1x8x128xi32, #tpu.memory_space<vmem>>
            %dma_wait3A_693 = tpu.memref_squeeze %dma_wait3A_692 : memref<1x8x128xi32, #tpu.memory_space<vmem>> -> memref<8x128xi32, #tpu.memory_space<vmem>>
            %dma_wait3A_694 = arith.constant 0 : i32
            %dma_wait3A_695 = arith.constant 0 : i32
            %dma_wait3A_696 = tpu.memref_slice %arg3[%dma_wait3A_694, %dma_wait3A_695] : memref<2560x128xi32, #tpu.memory_space<hbm>> -> memref<8x128xi32, #tpu.memory_space<hbm>>
            %dma_wait3A_697 = arith.constant 0 : i32
            %dma_wait3A_698 = arith.constant 0 : i32
            %dma_wait3A_699 = tpu.memref_slice %arg7[%dma_wait3A_689, %dma_wait3A_697, %dma_wait3A_698] : memref<2x8x128xi32, #tpu.memory_space<vmem>> -> memref<1x8x128xi32, #tpu.memory_space<vmem>>
            %dma_wait3A_700 = tpu.memref_squeeze %dma_wait3A_699 : memref<1x8x128xi32, #tpu.memory_space<vmem>> -> memref<8x128xi32, #tpu.memory_space<vmem>>
            %dma_wait3A_701 = arith.constant 0 : i32
            %dma_wait3A_702 = arith.constant 0 : i32
            %dma_wait3A_703 = tpu.memref_slice %arg3[%dma_wait3A_701, %dma_wait3A_702] : memref<2560x128xi32, #tpu.memory_space<hbm>> -> memref<8x128xi32, #tpu.memory_space<hbm>>
            tpu.wait_dma2 semaphore(%arg13 : memref<!tpu.dma_semaphore, #tpu.memory_space<semaphore_mem>>) src(%dma_wait3A_703 : memref<8x128xi32, #tpu.memory_space<hbm>>) dst(%dma_wait3A_700 : memref<8x128xi32, #tpu.memory_space<vmem>>)
          } else {
          }
          %add3A_605 = arith.constant 1 : i32
          %add3A_606 = arith.addi %add3A_369, %add3A_605 : i32
          %jit3A_607 = arith.constant 8 : i32
          %div3A_608 = arith.divsi %add3A_606, %jit3A_607 : i32
          %sign3A_609 = arith.constant 0 : i32
          %sign3A_610 = arith.cmpi sgt, %add3A_606, %sign3A_609 : i32
          %sign3A_611 = arith.extui %sign3A_610 : i1 to i32
          %sign3A_612 = arith.constant 0 : i32
          %sign3A_613 = arith.cmpi slt, %add3A_606, %sign3A_612 : i32
          %sign3A_614 = arith.extui %sign3A_613 : i1 to i32
          %sign3A_615 = arith.subi %sign3A_611, %sign3A_614 : i32
          %sign3A_616 = arith.constant 0 : i32
          %sign3A_617 = arith.cmpi sgt, %jit3A_607, %sign3A_616 : i32
          %sign3A_618 = arith.extui %sign3A_617 : i1 to i32
          %sign3A_619 = arith.constant 0 : i32
          %sign3A_620 = arith.cmpi slt, %jit3A_607, %sign3A_619 : i32
          %sign3A_621 = arith.extui %sign3A_620 : i1 to i32
          %sign3A_622 = arith.subi %sign3A_618, %sign3A_621 : i32
          %ne3A_623 = arith.cmpi ne, %sign3A_615, %sign3A_622 : i32
          %rem3A_624 = arith.remsi %add3A_606, %jit3A_607 : i32
          %ne3A_625 = arith.constant 0 : i32
          %ne3A_626 = arith.cmpi ne, %rem3A_624, %ne3A_625 : i32
          %and3A_627 = arith.andi %ne3A_623, %ne3A_626 : i1
          %sub3A_628 = arith.constant 1 : i32
          %sub3A_629 = arith.subi %div3A_608, %sub3A_628 : i32
          %select_n3A_630 = arith.select %and3A_627, %sub3A_629, %div3A_608 : i32
          %jit3A_631 = arith.constant 2 : i32
          %eq3A_632 = arith.constant 0 : i32
          %eq3A_633 = arith.cmpi eq, %jit3A_631, %eq3A_632 : i32
          %jit3A_634 = arith.constant 1 : i32
          %select_n3A_635 = arith.select %eq3A_633, %jit3A_634, %jit3A_631 : i32
          %rem3A_636 = arith.remsi %select_n3A_630, %select_n3A_635 : i32
          %ne3A_637 = arith.constant 0 : i32
          %ne3A_638 = arith.cmpi ne, %rem3A_636, %ne3A_637 : i32
          %lt3A_639 = arith.constant 0 : i32
          %lt3A_640 = arith.cmpi slt, %rem3A_636, %lt3A_639 : i32
          %lt3A_641 = arith.constant 0 : i32
          %lt3A_642 = arith.cmpi slt, %select_n3A_635, %lt3A_641 : i32
          %ne3A_643 = arith.xori %lt3A_640, %lt3A_642 : i1
          %and3A_644 = arith.andi %ne3A_643, %ne3A_638 : i1
          %add3A_645 = arith.addi %rem3A_636, %select_n3A_635 : i32
          %select_n3A_646 = arith.select %and3A_644, %add3A_645, %rem3A_636 : i32
          %jit3A_647 = arith.constant 8 : i32
          %eq3A_648 = arith.constant 0 : i32
          %eq3A_649 = arith.cmpi eq, %jit3A_647, %eq3A_648 : i32
          %jit3A_650 = arith.constant 1 : i32
          %select_n3A_651 = arith.select %eq3A_649, %jit3A_650, %jit3A_647 : i32
          %rem3A_652 = arith.remsi %add3A_606, %select_n3A_651 : i32
          %ne3A_653 = arith.constant 0 : i32
          %ne3A_654 = arith.cmpi ne, %rem3A_652, %ne3A_653 : i32
          %lt3A_655 = arith.constant 0 : i32
          %lt3A_656 = arith.cmpi slt, %rem3A_652, %lt3A_655 : i32
          %lt3A_657 = arith.constant 0 : i32
          %lt3A_658 = arith.cmpi slt, %select_n3A_651, %lt3A_657 : i32
          %ne3A_659 = arith.xori %lt3A_656, %lt3A_658 : i1
          %and3A_660 = arith.andi %ne3A_659, %ne3A_654 : i1
          %add3A_661 = arith.addi %rem3A_652, %select_n3A_651 : i32
          %select_n3A_662 = arith.select %and3A_660, %add3A_661, %rem3A_652 : i32
          %dma_start3A_663 = arith.constant 0 : i32
          %dma_start3A_664 = arith.constant 0 : i32
          %dma_start3A_665 = arith.constant 0 : i32
          %dma_start3A_666 = tpu.memref_slice %arg9[%dma_start3A_663, %dma_start3A_664, %dma_start3A_665] : memref<2x128x128xf32, #tpu.memory_space<vmem>> -> memref<1x128x128xf32, #tpu.memory_space<vmem>>
          %dma_start3A_667 = tpu.memref_squeeze %dma_start3A_666 : memref<1x128x128xf32, #tpu.memory_space<vmem>> -> memref<128x128xf32, #tpu.memory_space<vmem>>
          %dma_start3A_668 = arith.constant 0 : i32
          %dma_start3A_669 = tpu.memref_slice %arg7[%select_n3A_646, %select_n3A_662, %dma_start3A_668] : memref<2x8x128xi32, #tpu.memory_space<vmem>> -> memref<1x1x128xi32, #tpu.memory_space<vmem>>
          %dma_start3A_670 = tpu.memref_squeeze %dma_start3A_669 : memref<1x1x128xi32, #tpu.memory_space<vmem>> -> memref<128xi32, #tpu.memory_space<vmem>>
          %dma_start3A_671 = arith.constant 0 : i32
          %dma_start3A_672 = arith.constant 0 : i32
          %dma_start3A_673 = tpu.memref_slice %arg2[%dma_start3A_671, %dma_start3A_672] : memref<10000x128xf32, #tpu.memory_space<hbm>> -> memref<10000x128xf32, #tpu.memory_space<hbm>>
          tpu.enqueue_indirect_dma source(%dma_start3A_673 : memref<10000x128xf32, #tpu.memory_space<hbm>>) target(%dma_start3A_667 : memref<128x128xf32, #tpu.memory_space<vmem>>) offsets(%dma_start3A_670 : memref<128xi32, #tpu.memory_space<vmem>>) semaphore(%arg11 : memref<!tpu.dma_semaphore, #tpu.memory_space<semaphore_mem>>)
        } else {
        }
        %jit3A_445 = arith.constant 8 : i32
        %div3A_446 = arith.divsi %add3A_369, %jit3A_445 : i32
        %sign3A_447 = arith.constant 0 : i32
        %sign3A_448 = arith.cmpi sgt, %add3A_369, %sign3A_447 : i32
        %sign3A_449 = arith.extui %sign3A_448 : i1 to i32
        %sign3A_450 = arith.constant 0 : i32
        %sign3A_451 = arith.cmpi slt, %add3A_369, %sign3A_450 : i32
        %sign3A_452 = arith.extui %sign3A_451 : i1 to i32
        %sign3A_453 = arith.subi %sign3A_449, %sign3A_452 : i32
        %sign3A_454 = arith.constant 0 : i32
        %sign3A_455 = arith.cmpi sgt, %jit3A_445, %sign3A_454 : i32
        %sign3A_456 = arith.extui %sign3A_455 : i1 to i32
        %sign3A_457 = arith.constant 0 : i32
        %sign3A_458 = arith.cmpi slt, %jit3A_445, %sign3A_457 : i32
        %sign3A_459 = arith.extui %sign3A_458 : i1 to i32
        %sign3A_460 = arith.subi %sign3A_456, %sign3A_459 : i32
        %ne3A_461 = arith.cmpi ne, %sign3A_453, %sign3A_460 : i32
        %rem3A_462 = arith.remsi %add3A_369, %jit3A_445 : i32
        %ne3A_463 = arith.constant 0 : i32
        %ne3A_464 = arith.cmpi ne, %rem3A_462, %ne3A_463 : i32
        %and3A_465 = arith.andi %ne3A_461, %ne3A_464 : i1
        %sub3A_466 = arith.constant 1 : i32
        %sub3A_467 = arith.subi %div3A_446, %sub3A_466 : i32
        %select_n3A_468 = arith.select %and3A_465, %sub3A_467, %div3A_446 : i32
        %jit3A_469 = arith.constant 2 : i32
        %eq3A_470 = arith.constant 0 : i32
        %eq3A_471 = arith.cmpi eq, %jit3A_469, %eq3A_470 : i32
        %jit3A_472 = arith.constant 1 : i32
        %select_n3A_473 = arith.select %eq3A_471, %jit3A_472, %jit3A_469 : i32
        %rem3A_474 = arith.remsi %select_n3A_468, %select_n3A_473 : i32
        %ne3A_475 = arith.constant 0 : i32
        %ne3A_476 = arith.cmpi ne, %rem3A_474, %ne3A_475 : i32
        %lt3A_477 = arith.constant 0 : i32
        %lt3A_478 = arith.cmpi slt, %rem3A_474, %lt3A_477 : i32
        %lt3A_479 = arith.constant 0 : i32
        %lt3A_480 = arith.cmpi slt, %select_n3A_473, %lt3A_479 : i32
        %ne3A_481 = arith.xori %lt3A_478, %lt3A_480 : i1
        %and3A_482 = arith.andi %ne3A_481, %ne3A_476 : i1
        %add3A_483 = arith.addi %rem3A_474, %select_n3A_473 : i32
        %select_n3A_484 = arith.select %and3A_482, %add3A_483, %rem3A_474 : i32
        %jit3A_485 = arith.constant 8 : i32
        %eq3A_486 = arith.constant 0 : i32
        %eq3A_487 = arith.cmpi eq, %jit3A_485, %eq3A_486 : i32
        %jit3A_488 = arith.constant 1 : i32
        %select_n3A_489 = arith.select %eq3A_487, %jit3A_488, %jit3A_485 : i32
        %rem3A_490 = arith.remsi %add3A_369, %select_n3A_489 : i32
        %ne3A_491 = arith.constant 0 : i32
        %ne3A_492 = arith.cmpi ne, %rem3A_490, %ne3A_491 : i32
        %lt3A_493 = arith.constant 0 : i32
        %lt3A_494 = arith.cmpi slt, %rem3A_490, %lt3A_493 : i32
        %lt3A_495 = arith.constant 0 : i32
        %lt3A_496 = arith.cmpi slt, %select_n3A_489, %lt3A_495 : i32
        %ne3A_497 = arith.xori %lt3A_494, %lt3A_496 : i1
        %and3A_498 = arith.andi %ne3A_497, %ne3A_492 : i1
        %add3A_499 = arith.addi %rem3A_490, %select_n3A_489 : i32
        %select_n3A_500 = arith.select %and3A_498, %add3A_499, %rem3A_490 : i32
        %dma_start3A_501 = arith.constant 1 : i32
        %dma_start3A_502 = arith.constant 0 : i32
        %dma_start3A_503 = arith.constant 0 : i32
        %dma_start3A_504 = tpu.memref_slice %arg9[%dma_start3A_501, %dma_start3A_502, %dma_start3A_503] : memref<2x128x128xf32, #tpu.memory_space<vmem>> -> memref<1x128x128xf32, #tpu.memory_space<vmem>>
        %dma_start3A_505 = tpu.memref_squeeze %dma_start3A_504 : memref<1x128x128xf32, #tpu.memory_space<vmem>> -> memref<128x128xf32, #tpu.memory_space<vmem>>
        %dma_start3A_506 = arith.constant 0 : i32
        %dma_start3A_507 = tpu.memref_slice %arg8[%select_n3A_484, %select_n3A_500, %dma_start3A_506] : memref<2x8x128xi32, #tpu.memory_space<vmem>> -> memref<1x1x128xi32, #tpu.memory_space<vmem>>
        %dma_start3A_508 = tpu.memref_squeeze %dma_start3A_507 : memref<1x1x128xi32, #tpu.memory_space<vmem>> -> memref<128xi32, #tpu.memory_space<vmem>>
        %dma_start3A_509 = arith.constant 0 : i32
        %dma_start3A_510 = arith.constant 0 : i32
        %dma_start3A_511 = tpu.memref_slice %arg10[%dma_start3A_509, %dma_start3A_510] : memref<10240x128xf32, #tpu.memory_space<vmem_shared>> -> memref<10240x128xf32, #tpu.memory_space<vmem_shared>>
        tpu.enqueue_indirect_dma source(%dma_start3A_505 : memref<128x128xf32, #tpu.memory_space<vmem>>) target(%dma_start3A_511 : memref<10240x128xf32, #tpu.memory_space<vmem_shared>>) offsets(%dma_start3A_508 : memref<128xi32, #tpu.memory_space<vmem>>) semaphore(%arg12 : memref<!tpu.dma_semaphore, #tpu.memory_space<semaphore_mem>>) {add = true}
        %jit3A_512 = arith.constant 8 : i32
        %div3A_513 = arith.divsi %add3A_369, %jit3A_512 : i32
        %sign3A_514 = arith.constant 0 : i32
        %sign3A_515 = arith.cmpi sgt, %add3A_369, %sign3A_514 : i32
        %sign3A_516 = arith.extui %sign3A_515 : i1 to i32
        %sign3A_517 = arith.constant 0 : i32
        %sign3A_518 = arith.cmpi slt, %add3A_369, %sign3A_517 : i32
        %sign3A_519 = arith.extui %sign3A_518 : i1 to i32
        %sign3A_520 = arith.subi %sign3A_516, %sign3A_519 : i32
        %sign3A_521 = arith.constant 0 : i32
        %sign3A_522 = arith.cmpi sgt, %jit3A_512, %sign3A_521 : i32
        %sign3A_523 = arith.extui %sign3A_522 : i1 to i32
        %sign3A_524 = arith.constant 0 : i32
        %sign3A_525 = arith.cmpi slt, %jit3A_512, %sign3A_524 : i32
        %sign3A_526 = arith.extui %sign3A_525 : i1 to i32
        %sign3A_527 = arith.subi %sign3A_523, %sign3A_526 : i32
        %ne3A_528 = arith.cmpi ne, %sign3A_520, %sign3A_527 : i32
        %rem3A_529 = arith.remsi %add3A_369, %jit3A_512 : i32
        %ne3A_530 = arith.constant 0 : i32
        %ne3A_531 = arith.cmpi ne, %rem3A_529, %ne3A_530 : i32
        %and3A_532 = arith.andi %ne3A_528, %ne3A_531 : i1
        %sub3A_533 = arith.constant 1 : i32
        %sub3A_534 = arith.subi %div3A_513, %sub3A_533 : i32
        %select_n3A_535 = arith.select %and3A_532, %sub3A_534, %div3A_513 : i32
        %jit3A_536 = arith.constant 2 : i32
        %eq3A_537 = arith.constant 0 : i32
        %eq3A_538 = arith.cmpi eq, %jit3A_536, %eq3A_537 : i32
        %jit3A_539 = arith.constant 1 : i32
        %select_n3A_540 = arith.select %eq3A_538, %jit3A_539, %jit3A_536 : i32
        %rem3A_541 = arith.remsi %select_n3A_535, %select_n3A_540 : i32
        %ne3A_542 = arith.constant 0 : i32
        %ne3A_543 = arith.cmpi ne, %rem3A_541, %ne3A_542 : i32
        %lt3A_544 = arith.constant 0 : i32
        %lt3A_545 = arith.cmpi slt, %rem3A_541, %lt3A_544 : i32
        %lt3A_546 = arith.constant 0 : i32
        %lt3A_547 = arith.cmpi slt, %select_n3A_540, %lt3A_546 : i32
        %ne3A_548 = arith.xori %lt3A_545, %lt3A_547 : i1
        %and3A_549 = arith.andi %ne3A_548, %ne3A_543 : i1
        %add3A_550 = arith.addi %rem3A_541, %select_n3A_540 : i32
        %select_n3A_551 = arith.select %and3A_549, %add3A_550, %rem3A_541 : i32
        %jit3A_552 = arith.constant 8 : i32
        %eq3A_553 = arith.constant 0 : i32
        %eq3A_554 = arith.cmpi eq, %jit3A_552, %eq3A_553 : i32
        %jit3A_555 = arith.constant 1 : i32
        %select_n3A_556 = arith.select %eq3A_554, %jit3A_555, %jit3A_552 : i32
        %rem3A_557 = arith.remsi %add3A_369, %select_n3A_556 : i32
        %ne3A_558 = arith.constant 0 : i32
        %ne3A_559 = arith.cmpi ne, %rem3A_557, %ne3A_558 : i32
        %lt3A_560 = arith.constant 0 : i32
        %lt3A_561 = arith.cmpi slt, %rem3A_557, %lt3A_560 : i32
        %lt3A_562 = arith.constant 0 : i32
        %lt3A_563 = arith.cmpi slt, %select_n3A_556, %lt3A_562 : i32
        %ne3A_564 = arith.xori %lt3A_561, %lt3A_563 : i1
        %and3A_565 = arith.andi %ne3A_564, %ne3A_559 : i1
        %add3A_566 = arith.addi %rem3A_557, %select_n3A_556 : i32
        %select_n3A_567 = arith.select %and3A_565, %add3A_566, %rem3A_557 : i32
        %get3A_568 = arith.index_cast %select_n3A_551 : i32 to index
        %get3A_569 = arith.index_cast %select_n3A_567 : i32 to index
        %get3A_570 = arith.constant 0 : index
        %get3A_571 = tpu.vector_load %arg8[%get3A_568, %get3A_569, %get3A_570] {strides = array<i32>} : memref<2x8x128xi32, #tpu.memory_space<vmem>>, vector<16xi32>,
        tpu.vector_store_idx %arg14[%get3A_571], %broadcast_in_dim3A_41 {add = true} : memref<10240xf32, #tpu.memory_space<vmem>>[vector<16xi32>], vector<16xf32>,
        %get3A_572 = arith.index_cast %select_n3A_551 : i32 to index
        %get3A_573 = arith.index_cast %select_n3A_567 : i32 to index
        %get3A_574 = arith.constant 16 : index
        %get3A_575 = tpu.vector_load %arg8[%get3A_572, %get3A_573, %get3A_574] {strides = array<i32>} : memref<2x8x128xi32, #tpu.memory_space<vmem>>, vector<16xi32>,
        tpu.vector_store_idx %arg14[%get3A_575], %broadcast_in_dim3A_41 {add = true} : memref<10240xf32, #tpu.memory_space<vmem>>[vector<16xi32>], vector<16xf32>,
        %get3A_576 = arith.index_cast %select_n3A_551 : i32 to index
        %get3A_577 = arith.index_cast %select_n3A_567 : i32 to index
        %get3A_578 = arith.constant 32 : index
        %get3A_579 = tpu.vector_load %arg8[%get3A_576, %get3A_577, %get3A_578] {strides = array<i32>} : memref<2x8x128xi32, #tpu.memory_space<vmem>>, vector<16xi32>,
        tpu.vector_store_idx %arg14[%get3A_579], %broadcast_in_dim3A_41 {add = true} : memref<10240xf32, #tpu.memory_space<vmem>>[vector<16xi32>], vector<16xf32>,
        %get3A_580 = arith.index_cast %select_n3A_551 : i32 to index
        %get3A_581 = arith.index_cast %select_n3A_567 : i32 to index
        %get3A_582 = arith.constant 48 : index
        %get3A_583 = tpu.vector_load %arg8[%get3A_580, %get3A_581, %get3A_582] {strides = array<i32>} : memref<2x8x128xi32, #tpu.memory_space<vmem>>, vector<16xi32>,
        tpu.vector_store_idx %arg14[%get3A_583], %broadcast_in_dim3A_41 {add = true} : memref<10240xf32, #tpu.memory_space<vmem>>[vector<16xi32>], vector<16xf32>,
        %get3A_584 = arith.index_cast %select_n3A_551 : i32 to index
        %get3A_585 = arith.index_cast %select_n3A_567 : i32 to index
        %get3A_586 = arith.constant 64 : index
        %get3A_587 = tpu.vector_load %arg8[%get3A_584, %get3A_585, %get3A_586] {strides = array<i32>} : memref<2x8x128xi32, #tpu.memory_space<vmem>>, vector<16xi32>,
        tpu.vector_store_idx %arg14[%get3A_587], %broadcast_in_dim3A_41 {add = true} : memref<10240xf32, #tpu.memory_space<vmem>>[vector<16xi32>], vector<16xf32>,
        %get3A_588 = arith.index_cast %select_n3A_551 : i32 to index
        %get3A_589 = arith.index_cast %select_n3A_567 : i32 to index
        %get3A_590 = arith.constant 80 : index
        %get3A_591 = tpu.vector_load %arg8[%get3A_588, %get3A_589, %get3A_590] {strides = array<i32>} : memref<2x8x128xi32, #tpu.memory_space<vmem>>, vector<16xi32>,
        tpu.vector_store_idx %arg14[%get3A_591], %broadcast_in_dim3A_41 {add = true} : memref<10240xf32, #tpu.memory_space<vmem>>[vector<16xi32>], vector<16xf32>,
        %get3A_592 = arith.index_cast %select_n3A_551 : i32 to index
        %get3A_593 = arith.index_cast %select_n3A_567 : i32 to index
        %get3A_594 = arith.constant 96 : index
        %get3A_595 = tpu.vector_load %arg8[%get3A_592, %get3A_593, %get3A_594] {strides = array<i32>} : memref<2x8x128xi32, #tpu.memory_space<vmem>>, vector<16xi32>,
        tpu.vector_store_idx %arg14[%get3A_595], %broadcast_in_dim3A_41 {add = true} : memref<10240xf32, #tpu.memory_space<vmem>>[vector<16xi32>], vector<16xf32>,
        %get3A_596 = arith.index_cast %select_n3A_551 : i32 to index
        %get3A_597 = arith.index_cast %select_n3A_567 : i32 to index
        %get3A_598 = arith.constant 112 : index
        %get3A_599 = tpu.vector_load %arg8[%get3A_596, %get3A_597, %get3A_598] {strides = array<i32>} : memref<2x8x128xi32, #tpu.memory_space<vmem>>, vector<16xi32>,
        tpu.vector_store_idx %arg14[%get3A_599], %broadcast_in_dim3A_41 {add = true} : memref<10240xf32, #tpu.memory_space<vmem>>[vector<16xi32>], vector<16xf32>,
      }
      %scan3A_130 = arith.constant 4 : i32
      %dma_wait3A_131 = arith.constant 1 : i32
      %dma_wait3A_132 = arith.constant 0 : i32
      %dma_wait3A_133 = arith.constant 0 : i32
      %dma_wait3A_134 = arith.constant 0 : i32
      %dma_wait3A_135 = arith.constant 0 : i32
      %dma_wait3A_136 = tpu.memref_slice %arg9[%dma_wait3A_131, %dma_wait3A_134, %dma_wait3A_135] : memref<2x128x128xf32, #tpu.memory_space<vmem>> -> memref<1x128x128xf32, #tpu.memory_space<vmem>>
      %dma_wait3A_137 = tpu.memref_squeeze %dma_wait3A_136 : memref<1x128x128xf32, #tpu.memory_space<vmem>> -> memref<128x128xf32, #tpu.memory_space<vmem>>
      %dma_wait3A_138 = arith.constant 0 : i32
      %dma_wait3A_139 = tpu.memref_slice %arg8[%dma_wait3A_132, %dma_wait3A_133, %dma_wait3A_138] : memref<2x8x128xi32, #tpu.memory_space<vmem>> -> memref<1x1x128xi32, #tpu.memory_space<vmem>>
      %dma_wait3A_140 = tpu.memref_squeeze %dma_wait3A_139 : memref<1x1x128xi32, #tpu.memory_space<vmem>> -> memref<128xi32, #tpu.memory_space<vmem>>
      %dma_wait3A_141 = arith.constant 0 : i32
      %dma_wait3A_142 = arith.constant 0 : i32
      %dma_wait3A_143 = tpu.memref_slice %arg10[%dma_wait3A_141, %dma_wait3A_142] : memref<10240x128xf32, #tpu.memory_space<vmem_shared>> -> memref<10240x128xf32, #tpu.memory_space<vmem_shared>>
      tpu.wait_indirect_dma semaphore(%arg12 : memref<!tpu.dma_semaphore, #tpu.memory_space<semaphore_mem>>) src(%dma_wait3A_137 : memref<128x128xf32, #tpu.memory_space<vmem>>) dst(%dma_wait3A_143 : memref<10240x128xf32, #tpu.memory_space<vmem_shared>>)
    } else {
    }
    %barrier3A_49 = arith.constant 0 : index
    tpu.barrier barrier_id(%barrier3A_49)
    %mul3A_50 = arith.constant 640 : i32
    %mul3A_51 = arith.muli %arg1, %mul3A_50 : i32
    "tpu.region"() ({
      %run_scoped3A_52 = tpu.sem_alloc : memref<!tpu.dma_semaphore, #tpu.memory_space<semaphore_mem>>
      %dma_start3A = arith.constant 0 : i32
      %dma_start3A_53 = arith.constant 0 : i32
      %dma_start3A_54 = tpu.memref_slice %arg5[%arg0, %dma_start3A, %dma_start3A_53] : memref<2x10240x128xf32, #tpu.memory_space<hbm>> -> memref<1x10240x128xf32, #tpu.memory_space<hbm>>
      %dma_start3A_55 = tpu.memref_squeeze %dma_start3A_54 : memref<1x10240x128xf32, #tpu.memory_space<hbm>> -> memref<10240x128xf32, #tpu.memory_space<hbm>>
      %dma_start3A_56 = arith.constant 0 : i32
      %dma_start3A_57 = tpu.memref_slice %dma_start3A_55[%mul3A_51, %dma_start3A_56] : memref<10240x128xf32, #tpu.memory_space<hbm>> -> memref<640x128xf32, #tpu.memory_space<hbm>>
      %dma_start3A_58 = arith.constant 0 : i32
      %dma_start3A_59 = tpu.memref_slice %arg10[%mul3A_51, %dma_start3A_58] : memref<10240x128xf32, #tpu.memory_space<vmem_shared>> -> memref<640x128xf32, #tpu.memory_space<vmem_shared>>
      tpu.enqueue_dma source(%dma_start3A_59 : memref<640x128xf32, #tpu.memory_space<vmem_shared>>) target(%dma_start3A_57 : memref<640x128xf32, #tpu.memory_space<hbm>>) target_semaphore(%run_scoped3A_52 : memref<!tpu.dma_semaphore, #tpu.memory_space<semaphore_mem>>)
      %dma_wait3A = arith.constant 0 : i32
      %dma_wait3A_60 = arith.constant 0 : i32
      %dma_wait3A_61 = tpu.memref_slice %arg5[%arg0, %dma_wait3A, %dma_wait3A_60] : memref<2x10240x128xf32, #tpu.memory_space<hbm>> -> memref<1x10240x128xf32, #tpu.memory_space<hbm>>
      %dma_wait3A_62 = tpu.memref_squeeze %dma_wait3A_61 : memref<1x10240x128xf32, #tpu.memory_space<hbm>> -> memref<10240x128xf32, #tpu.memory_space<hbm>>
      %dma_wait3A_63 = arith.constant 0 : i32
      %dma_wait3A_64 = tpu.memref_slice %dma_wait3A_62[%mul3A_51, %dma_wait3A_63] : memref<10240x128xf32, #tpu.memory_space<hbm>> -> memref<640x128xf32, #tpu.memory_space<hbm>>
      %dma_wait3A_65 = arith.constant 0 : i32
      %dma_wait3A_66 = tpu.memref_slice %arg10[%mul3A_51, %dma_wait3A_65] : memref<10240x128xf32, #tpu.memory_space<vmem_shared>> -> memref<640x128xf32, #tpu.memory_space<vmem_shared>>
      tpu.wait_dma2 semaphore(%run_scoped3A_52 : memref<!tpu.dma_semaphore, #tpu.memory_space<semaphore_mem>>) src(%dma_wait3A_66 : memref<640x128xf32, #tpu.memory_space<vmem_shared>>) dst(%dma_wait3A_64 : memref<640x128xf32, #tpu.memory_space<hbm>>)
      tpu.yield
    }) : () -> ()
    "tpu.region"() ({
      %run_scoped3A_52 = tpu.sem_alloc : memref<!tpu.dma_semaphore, #tpu.memory_space<semaphore_mem>>
      %dma_start3A = arith.constant 0 : i32
      %dma_start3A_53 = tpu.memref_slice %arg6[%add3A, %dma_start3A] : memref<32x10240xf32, #tpu.memory_space<hbm>> -> memref<1x10240xf32, #tpu.memory_space<hbm>>
      %dma_start3A_54 = tpu.memref_squeeze %dma_start3A_53 : memref<1x10240xf32, #tpu.memory_space<hbm>> -> memref<10240xf32, #tpu.memory_space<hbm>>
      %dma_start3A_55 = arith.constant 0 : i32
      %dma_start3A_56 = tpu.memref_slice %arg6[%add3A, %dma_start3A_55] : memref<32x10240xf32, #tpu.memory_space<hbm>> -> memref<1x10240xf32, #tpu.memory_space<hbm>>
      %dma_start3A_57 = tpu.memref_squeeze %dma_start3A_56 : memref<1x10240xf32, #tpu.memory_space<hbm>> -> memref<10240xf32, #tpu.memory_space<hbm>>
      tpu.enqueue_dma source(%arg14 : memref<10240xf32, #tpu.memory_space<vmem>>) target(%dma_start3A_57 : memref<10240xf32, #tpu.memory_space<hbm>>) target_semaphore(%run_scoped3A_52 : memref<!tpu.dma_semaphore, #tpu.memory_space<semaphore_mem>>)
      %dma_wait3A = arith.constant 0 : i32
      %dma_wait3A_58 = tpu.memref_slice %arg6[%add3A, %dma_wait3A] : memref<32x10240xf32, #tpu.memory_space<hbm>> -> memref<1x10240xf32, #tpu.memory_space<hbm>>
      %dma_wait3A_59 = tpu.memref_squeeze %dma_wait3A_58 : memref<1x10240xf32, #tpu.memory_space<hbm>> -> memref<10240xf32, #tpu.memory_space<hbm>>
      %dma_wait3A_60 = arith.constant 0 : i32
      %dma_wait3A_61 = tpu.memref_slice %arg6[%add3A, %dma_wait3A_60] : memref<32x10240xf32, #tpu.memory_space<hbm>> -> memref<1x10240xf32, #tpu.memory_space<hbm>>
      %dma_wait3A_62 = tpu.memref_squeeze %dma_wait3A_61 : memref<1x10240xf32, #tpu.memory_space<hbm>> -> memref<10240xf32, #tpu.memory_space<hbm>>
      tpu.wait_dma2 semaphore(%run_scoped3A_52 : memref<!tpu.dma_semaphore, #tpu.memory_space<semaphore_mem>>) src(%arg14 : memref<10240xf32, #tpu.memory_space<vmem>>) dst(%dma_wait3A_62 : memref<10240xf32, #tpu.memory_space<hbm>>)
      tpu.yield
    }) : () -> ()
    return
  }
}

#map = affine_map<(d0, d1) -> (0, 0)>
#map1 = affine_map<(d0, d1) -> (0, 0, 0)>
module attributes {stable_mosaic.version = 14 : i64} {
  func.func @body(%arg0: i32, %arg1: i32, %arg2: memref<10240x128xf32, #tpu.memory_space<hbm>>, %arg3: memref<2560x128xi32, #tpu.memory_space<hbm>>, %arg4: memref<2560x128xi32, #tpu.memory_space<hbm>>, %arg5: memref<2x10240x128xf32, #tpu.memory_space<hbm>>, %arg6: memref<2x8x128xi32, #tpu.memory_space<vmem>>, %arg7: memref<2x8x128xi32, #tpu.memory_space<vmem>>, %arg8: memref<2x128x128xf32, #tpu.memory_space<vmem>>, %arg9: memref<10240x128xf32, #tpu.memory_space<vmem_shared>>, %arg10: memref<!tpu.dma_semaphore, #tpu.memory_space<semaphore_mem>>, %arg11: memref<!tpu.dma_semaphore, #tpu.memory_space<semaphore_mem>>, %arg12: memref<!tpu.dma_semaphore, #tpu.memory_space<semaphore_mem>>) attributes {dimension_semantics = [#tpu.dimension_semantics<core_parallel>, #tpu.dimension_semantics<subcore_parallel>], iteration_bounds = array<i64: 2, 16>, scalar_prefetch = 0 : i64, scratch_operands = 7 : i64, tpu.core_type = #tpu.core_type<sc_vector_subcore>, window_params = [{transform_indices = #map}, {transform_indices = #map}, {transform_indices = #map}, {transform_indices = #map1}]} {
    %mul3A = arith.constant 2 : i32
    %mul3A_0 = arith.muli %arg1, %mul3A : i32
    %add3A = arith.addi %mul3A_0, %arg0 : i32
    %broadcast_in_dim3A = arith.constant 0.000000e+00 : f32
    %broadcast_in_dim3A_1 = vector.broadcast %broadcast_in_dim3A : f32 to vector<16xf32>
    %scan3A = arith.constant 0 : i32
    %scan3A_2 = arith.constant 0 : i32
    %scan3A_3 = arith.constant 0 : i32
    %scan3A_4 = arith.constant 1024 : i32
    %scan3A_5 = arith.addi %scan3A_3, %scan3A_4 : i32
    %scan3A_6 = arith.constant 1 : i32
    scf.for %scan3A_44 = %scan3A_3 to %scan3A_5 step %scan3A_6  : i32 {
      %jit3A = arith.constant 8 : i32
      %div3A = arith.divsi %scan3A_44, %jit3A : i32
      %sign3A = arith.constant 0 : i32
      %sign3A_45 = arith.cmpi sgt, %scan3A_44, %sign3A : i32
      %sign3A_46 = arith.extui %sign3A_45 : i1 to i32
      %sign3A_47 = arith.constant 0 : i32
      %sign3A_48 = arith.cmpi slt, %scan3A_44, %sign3A_47 : i32
      %sign3A_49 = arith.extui %sign3A_48 : i1 to i32
      %sign3A_50 = arith.subi %sign3A_46, %sign3A_49 : i32
      %sign3A_51 = arith.constant 0 : i32
      %sign3A_52 = arith.cmpi sgt, %jit3A, %sign3A_51 : i32
      %sign3A_53 = arith.extui %sign3A_52 : i1 to i32
      %sign3A_54 = arith.constant 0 : i32
      %sign3A_55 = arith.cmpi slt, %jit3A, %sign3A_54 : i32
      %sign3A_56 = arith.extui %sign3A_55 : i1 to i32
      %sign3A_57 = arith.subi %sign3A_53, %sign3A_56 : i32
      %ne3A = arith.cmpi ne, %sign3A_50, %sign3A_57 : i32
      %rem3A = arith.remsi %scan3A_44, %jit3A : i32
      %ne3A_58 = arith.constant 0 : i32
      %ne3A_59 = arith.cmpi ne, %rem3A, %ne3A_58 : i32
      %and3A = arith.andi %ne3A, %ne3A_59 : i1
      %sub3A = arith.constant 1 : i32
      %sub3A_60 = arith.subi %div3A, %sub3A : i32
      %select_n3A = arith.select %and3A, %sub3A_60, %div3A : i32
      %jit3A_61 = arith.constant 8 : i32
      %eq3A_62 = arith.constant 0 : i32
      %eq3A_63 = arith.cmpi eq, %jit3A_61, %eq3A_62 : i32
      %jit3A_64 = arith.constant 1 : i32
      %select_n3A_65 = arith.select %eq3A_63, %jit3A_64, %jit3A_61 : i32
      %rem3A_66 = arith.remsi %scan3A_44, %select_n3A_65 : i32
      %ne3A_67 = arith.constant 0 : i32
      %ne3A_68 = arith.cmpi ne, %rem3A_66, %ne3A_67 : i32
      %lt3A = arith.constant 0 : i32
      %lt3A_69 = arith.cmpi slt, %rem3A_66, %lt3A : i32
      %lt3A_70 = arith.constant 0 : i32
      %lt3A_71 = arith.cmpi slt, %select_n3A_65, %lt3A_70 : i32
      %ne3A_72 = arith.xori %lt3A_69, %lt3A_71 : i1
      %and3A_73 = arith.andi %ne3A_72, %ne3A_68 : i1
      %add3A_74 = arith.addi %rem3A_66, %select_n3A_65 : i32
      %select_n3A_75 = arith.select %and3A_73, %add3A_74, %rem3A_66 : i32
      %mul3A_76 = arith.constant 16 : i32
      %mul3A_77 = arith.muli %select_n3A_75, %mul3A_76 : i32
      %swap3A = arith.constant 0 : i32
      %swap3A_78 = arith.constant 0 : i32
      %swap3A_79 = tpu.memref_slice %arg8[%scan3A_2, %swap3A, %swap3A_78] : memref<2x128x128xf32, #tpu.memory_space<vmem>> -> memref<1x128x128xf32, #tpu.memory_space<vmem>>
      %swap3A_80 = tpu.memref_squeeze %swap3A_79 : memref<1x128x128xf32, #tpu.memory_space<vmem>> -> memref<128x128xf32, #tpu.memory_space<vmem>>
      %swap3A_81 = arith.index_cast %select_n3A : i32 to index
      %swap3A_82 = arith.index_cast %mul3A_77 : i32 to index
      %swap3A_83 = tpu.vector_load %swap3A_80[%swap3A_81, %swap3A_82] {strides = array<i32>} : memref<128x128xf32, #tpu.memory_space<vmem>>, vector<16xf32>,
      tpu.vector_store %swap3A_80[%swap3A_81, %swap3A_82], %broadcast_in_dim3A_1 {strides = array<i32>} : memref<128x128xf32, #tpu.memory_space<vmem>>, vector<16xf32>,
    }
    %scan3A_7 = arith.constant 1024 : i32
    %mul3A_8 = arith.constant 640 : i32
    %mul3A_9 = arith.muli %arg1, %mul3A_8 : i32
    %add3A_10 = arith.constant 0 : i32
    %add3A_11 = arith.addi %mul3A_9, %add3A_10 : i32
    %run_scoped3A = arith.constant 0 : i32
    "tpu.region"() ({
      %run_scoped3A_44 = tpu.sem_alloc : memref<!tpu.dma_semaphore, #tpu.memory_space<semaphore_mem>>
      %dma_start3A = arith.constant 0 : i32
      %dma_start3A_45 = arith.constant 0 : i32
      %dma_start3A_46 = tpu.memref_slice %arg8[%run_scoped3A, %dma_start3A, %dma_start3A_45] : memref<2x128x128xf32, #tpu.memory_space<vmem>> -> memref<1x128x128xf32, #tpu.memory_space<vmem>>
      %dma_start3A_47 = tpu.memref_squeeze %dma_start3A_46 : memref<1x128x128xf32, #tpu.memory_space<vmem>> -> memref<128x128xf32, #tpu.memory_space<vmem>>
      %dma_start3A_48 = arith.constant 0 : i32
      %dma_start3A_49 = tpu.memref_slice %arg9[%add3A_11, %dma_start3A_48] : memref<10240x128xf32, #tpu.memory_space<vmem_shared>> -> memref<128x128xf32, #tpu.memory_space<vmem_shared>>
      %dma_start3A_50 = arith.constant 0 : i32
      %dma_start3A_51 = tpu.memref_slice %arg9[%add3A_11, %dma_start3A_50] : memref<10240x128xf32, #tpu.memory_space<vmem_shared>> -> memref<128x128xf32, #tpu.memory_space<vmem_shared>>
      %dma_start3A_52 = arith.constant 0 : i32
      %dma_start3A_53 = arith.constant 0 : i32
      %dma_start3A_54 = tpu.memref_slice %arg8[%run_scoped3A, %dma_start3A_52, %dma_start3A_53] : memref<2x128x128xf32, #tpu.memory_space<vmem>> -> memref<1x128x128xf32, #tpu.memory_space<vmem>>
      %dma_start3A_55 = tpu.memref_squeeze %dma_start3A_54 : memref<1x128x128xf32, #tpu.memory_space<vmem>> -> memref<128x128xf32, #tpu.memory_space<vmem>>
      tpu.enqueue_dma source(%dma_start3A_55 : memref<128x128xf32, #tpu.memory_space<vmem>>) target(%dma_start3A_51 : memref<128x128xf32, #tpu.memory_space<vmem_shared>>) target_semaphore(%run_scoped3A_44 : memref<!tpu.dma_semaphore, #tpu.memory_space<semaphore_mem>>)
      %dma_wait3A = arith.constant 0 : i32
      %dma_wait3A_56 = arith.constant 0 : i32
      %dma_wait3A_57 = tpu.memref_slice %arg8[%run_scoped3A, %dma_wait3A, %dma_wait3A_56] : memref<2x128x128xf32, #tpu.memory_space<vmem>> -> memref<1x128x128xf32, #tpu.memory_space<vmem>>
      %dma_wait3A_58 = tpu.memref_squeeze %dma_wait3A_57 : memref<1x128x128xf32, #tpu.memory_space<vmem>> -> memref<128x128xf32, #tpu.memory_space<vmem>>
      %dma_wait3A_59 = arith.constant 0 : i32
      %dma_wait3A_60 = tpu.memref_slice %arg9[%add3A_11, %dma_wait3A_59] : memref<10240x128xf32, #tpu.memory_space<vmem_shared>> -> memref<128x128xf32, #tpu.memory_space<vmem_shared>>
      %dma_wait3A_61 = arith.constant 0 : i32
      %dma_wait3A_62 = tpu.memref_slice %arg9[%add3A_11, %dma_wait3A_61] : memref<10240x128xf32, #tpu.memory_space<vmem_shared>> -> memref<128x128xf32, #tpu.memory_space<vmem_shared>>
      %dma_wait3A_63 = arith.constant 0 : i32
      %dma_wait3A_64 = arith.constant 0 : i32
      %dma_wait3A_65 = tpu.memref_slice %arg8[%run_scoped3A, %dma_wait3A_63, %dma_wait3A_64] : memref<2x128x128xf32, #tpu.memory_space<vmem>> -> memref<1x128x128xf32, #tpu.memory_space<vmem>>
      %dma_wait3A_66 = tpu.memref_squeeze %dma_wait3A_65 : memref<1x128x128xf32, #tpu.memory_space<vmem>> -> memref<128x128xf32, #tpu.memory_space<vmem>>
      tpu.wait_dma2 semaphore(%run_scoped3A_44 : memref<!tpu.dma_semaphore, #tpu.memory_space<semaphore_mem>>) src(%dma_wait3A_66 : memref<128x128xf32, #tpu.memory_space<vmem>>) dst(%dma_wait3A_62 : memref<128x128xf32, #tpu.memory_space<vmem_shared>>)
      tpu.yield
    }) : () -> ()
    %mul3A_12 = arith.constant 640 : i32
    %mul3A_13 = arith.muli %arg1, %mul3A_12 : i32
    %add3A_14 = arith.constant 128 : i32
    %add3A_15 = arith.addi %mul3A_13, %add3A_14 : i32
    %run_scoped3A_16 = arith.constant 0 : i32
    "tpu.region"() ({
      %run_scoped3A_44 = tpu.sem_alloc : memref<!tpu.dma_semaphore, #tpu.memory_space<semaphore_mem>>
      %dma_start3A = arith.constant 0 : i32
      %dma_start3A_45 = arith.constant 0 : i32
      %dma_start3A_46 = tpu.memref_slice %arg8[%run_scoped3A_16, %dma_start3A, %dma_start3A_45] : memref<2x128x128xf32, #tpu.memory_space<vmem>> -> memref<1x128x128xf32, #tpu.memory_space<vmem>>
      %dma_start3A_47 = tpu.memref_squeeze %dma_start3A_46 : memref<1x128x128xf32, #tpu.memory_space<vmem>> -> memref<128x128xf32, #tpu.memory_space<vmem>>
      %dma_start3A_48 = arith.constant 0 : i32
      %dma_start3A_49 = tpu.memref_slice %arg9[%add3A_15, %dma_start3A_48] : memref<10240x128xf32, #tpu.memory_space<vmem_shared>> -> memref<128x128xf32, #tpu.memory_space<vmem_shared>>
      %dma_start3A_50 = arith.constant 0 : i32
      %dma_start3A_51 = tpu.memref_slice %arg9[%add3A_15, %dma_start3A_50] : memref<10240x128xf32, #tpu.memory_space<vmem_shared>> -> memref<128x128xf32, #tpu.memory_space<vmem_shared>>
      %dma_start3A_52 = arith.constant 0 : i32
      %dma_start3A_53 = arith.constant 0 : i32
      %dma_start3A_54 = tpu.memref_slice %arg8[%run_scoped3A_16, %dma_start3A_52, %dma_start3A_53] : memref<2x128x128xf32, #tpu.memory_space<vmem>> -> memref<1x128x128xf32, #tpu.memory_space<vmem>>
      %dma_start3A_55 = tpu.memref_squeeze %dma_start3A_54 : memref<1x128x128xf32, #tpu.memory_space<vmem>> -> memref<128x128xf32, #tpu.memory_space<vmem>>
      tpu.enqueue_dma source(%dma_start3A_55 : memref<128x128xf32, #tpu.memory_space<vmem>>) target(%dma_start3A_51 : memref<128x128xf32, #tpu.memory_space<vmem_shared>>) target_semaphore(%run_scoped3A_44 : memref<!tpu.dma_semaphore, #tpu.memory_space<semaphore_mem>>)
      %dma_wait3A = arith.constant 0 : i32
      %dma_wait3A_56 = arith.constant 0 : i32
      %dma_wait3A_57 = tpu.memref_slice %arg8[%run_scoped3A_16, %dma_wait3A, %dma_wait3A_56] : memref<2x128x128xf32, #tpu.memory_space<vmem>> -> memref<1x128x128xf32, #tpu.memory_space<vmem>>
      %dma_wait3A_58 = tpu.memref_squeeze %dma_wait3A_57 : memref<1x128x128xf32, #tpu.memory_space<vmem>> -> memref<128x128xf32, #tpu.memory_space<vmem>>
      %dma_wait3A_59 = arith.constant 0 : i32
      %dma_wait3A_60 = tpu.memref_slice %arg9[%add3A_15, %dma_wait3A_59] : memref<10240x128xf32, #tpu.memory_space<vmem_shared>> -> memref<128x128xf32, #tpu.memory_space<vmem_shared>>
      %dma_wait3A_61 = arith.constant 0 : i32
      %dma_wait3A_62 = tpu.memref_slice %arg9[%add3A_15, %dma_wait3A_61] : memref<10240x128xf32, #tpu.memory_space<vmem_shared>> -> memref<128x128xf32, #tpu.memory_space<vmem_shared>>
      %dma_wait3A_63 = arith.constant 0 : i32
      %dma_wait3A_64 = arith.constant 0 : i32
      %dma_wait3A_65 = tpu.memref_slice %arg8[%run_scoped3A_16, %dma_wait3A_63, %dma_wait3A_64] : memref<2x128x128xf32, #tpu.memory_space<vmem>> -> memref<1x128x128xf32, #tpu.memory_space<vmem>>
      %dma_wait3A_66 = tpu.memref_squeeze %dma_wait3A_65 : memref<1x128x128xf32, #tpu.memory_space<vmem>> -> memref<128x128xf32, #tpu.memory_space<vmem>>
      tpu.wait_dma2 semaphore(%run_scoped3A_44 : memref<!tpu.dma_semaphore, #tpu.memory_space<semaphore_mem>>) src(%dma_wait3A_66 : memref<128x128xf32, #tpu.memory_space<vmem>>) dst(%dma_wait3A_62 : memref<128x128xf32, #tpu.memory_space<vmem_shared>>)
      tpu.yield
    }) : () -> ()
    %mul3A_17 = arith.constant 640 : i32
    %mul3A_18 = arith.muli %arg1, %mul3A_17 : i32
    %add3A_19 = arith.constant 256 : i32
    %add3A_20 = arith.addi %mul3A_18, %add3A_19 : i32
    %run_scoped3A_21 = arith.constant 0 : i32
    "tpu.region"() ({
      %run_scoped3A_44 = tpu.sem_alloc : memref<!tpu.dma_semaphore, #tpu.memory_space<semaphore_mem>>
      %dma_start3A = arith.constant 0 : i32
      %dma_start3A_45 = arith.constant 0 : i32
      %dma_start3A_46 = tpu.memref_slice %arg8[%run_scoped3A_21, %dma_start3A, %dma_start3A_45] : memref<2x128x128xf32, #tpu.memory_space<vmem>> -> memref<1x128x128xf32, #tpu.memory_space<vmem>>
      %dma_start3A_47 = tpu.memref_squeeze %dma_start3A_46 : memref<1x128x128xf32, #tpu.memory_space<vmem>> -> memref<128x128xf32, #tpu.memory_space<vmem>>
      %dma_start3A_48 = arith.constant 0 : i32
      %dma_start3A_49 = tpu.memref_slice %arg9[%add3A_20, %dma_start3A_48] : memref<10240x128xf32, #tpu.memory_space<vmem_shared>> -> memref<128x128xf32, #tpu.memory_space<vmem_shared>>
      %dma_start3A_50 = arith.constant 0 : i32
      %dma_start3A_51 = tpu.memref_slice %arg9[%add3A_20, %dma_start3A_50] : memref<10240x128xf32, #tpu.memory_space<vmem_shared>> -> memref<128x128xf32, #tpu.memory_space<vmem_shared>>
      %dma_start3A_52 = arith.constant 0 : i32
      %dma_start3A_53 = arith.constant 0 : i32
      %dma_start3A_54 = tpu.memref_slice %arg8[%run_scoped3A_21, %dma_start3A_52, %dma_start3A_53] : memref<2x128x128xf32, #tpu.memory_space<vmem>> -> memref<1x128x128xf32, #tpu.memory_space<vmem>>
      %dma_start3A_55 = tpu.memref_squeeze %dma_start3A_54 : memref<1x128x128xf32, #tpu.memory_space<vmem>> -> memref<128x128xf32, #tpu.memory_space<vmem>>
      tpu.enqueue_dma source(%dma_start3A_55 : memref<128x128xf32, #tpu.memory_space<vmem>>) target(%dma_start3A_51 : memref<128x128xf32, #tpu.memory_space<vmem_shared>>) target_semaphore(%run_scoped3A_44 : memref<!tpu.dma_semaphore, #tpu.memory_space<semaphore_mem>>)
      %dma_wait3A = arith.constant 0 : i32
      %dma_wait3A_56 = arith.constant 0 : i32
      %dma_wait3A_57 = tpu.memref_slice %arg8[%run_scoped3A_21, %dma_wait3A, %dma_wait3A_56] : memref<2x128x128xf32, #tpu.memory_space<vmem>> -> memref<1x128x128xf32, #tpu.memory_space<vmem>>
      %dma_wait3A_58 = tpu.memref_squeeze %dma_wait3A_57 : memref<1x128x128xf32, #tpu.memory_space<vmem>> -> memref<128x128xf32, #tpu.memory_space<vmem>>
      %dma_wait3A_59 = arith.constant 0 : i32
      %dma_wait3A_60 = tpu.memref_slice %arg9[%add3A_20, %dma_wait3A_59] : memref<10240x128xf32, #tpu.memory_space<vmem_shared>> -> memref<128x128xf32, #tpu.memory_space<vmem_shared>>
      %dma_wait3A_61 = arith.constant 0 : i32
      %dma_wait3A_62 = tpu.memref_slice %arg9[%add3A_20, %dma_wait3A_61] : memref<10240x128xf32, #tpu.memory_space<vmem_shared>> -> memref<128x128xf32, #tpu.memory_space<vmem_shared>>
      %dma_wait3A_63 = arith.constant 0 : i32
      %dma_wait3A_64 = arith.constant 0 : i32
      %dma_wait3A_65 = tpu.memref_slice %arg8[%run_scoped3A_21, %dma_wait3A_63, %dma_wait3A_64] : memref<2x128x128xf32, #tpu.memory_space<vmem>> -> memref<1x128x128xf32, #tpu.memory_space<vmem>>
      %dma_wait3A_66 = tpu.memref_squeeze %dma_wait3A_65 : memref<1x128x128xf32, #tpu.memory_space<vmem>> -> memref<128x128xf32, #tpu.memory_space<vmem>>
      tpu.wait_dma2 semaphore(%run_scoped3A_44 : memref<!tpu.dma_semaphore, #tpu.memory_space<semaphore_mem>>) src(%dma_wait3A_66 : memref<128x128xf32, #tpu.memory_space<vmem>>) dst(%dma_wait3A_62 : memref<128x128xf32, #tpu.memory_space<vmem_shared>>)
      tpu.yield
    }) : () -> ()
    %mul3A_22 = arith.constant 640 : i32
    %mul3A_23 = arith.muli %arg1, %mul3A_22 : i32
    %add3A_24 = arith.constant 384 : i32
    %add3A_25 = arith.addi %mul3A_23, %add3A_24 : i32
    %run_scoped3A_26 = arith.constant 0 : i32
    "tpu.region"() ({
      %run_scoped3A_44 = tpu.sem_alloc : memref<!tpu.dma_semaphore, #tpu.memory_space<semaphore_mem>>
      %dma_start3A = arith.constant 0 : i32
      %dma_start3A_45 = arith.constant 0 : i32
      %dma_start3A_46 = tpu.memref_slice %arg8[%run_scoped3A_26, %dma_start3A, %dma_start3A_45] : memref<2x128x128xf32, #tpu.memory_space<vmem>> -> memref<1x128x128xf32, #tpu.memory_space<vmem>>
      %dma_start3A_47 = tpu.memref_squeeze %dma_start3A_46 : memref<1x128x128xf32, #tpu.memory_space<vmem>> -> memref<128x128xf32, #tpu.memory_space<vmem>>
      %dma_start3A_48 = arith.constant 0 : i32
      %dma_start3A_49 = tpu.memref_slice %arg9[%add3A_25, %dma_start3A_48] : memref<10240x128xf32, #tpu.memory_space<vmem_shared>> -> memref<128x128xf32, #tpu.memory_space<vmem_shared>>
      %dma_start3A_50 = arith.constant 0 : i32
      %dma_start3A_51 = tpu.memref_slice %arg9[%add3A_25, %dma_start3A_50] : memref<10240x128xf32, #tpu.memory_space<vmem_shared>> -> memref<128x128xf32, #tpu.memory_space<vmem_shared>>
      %dma_start3A_52 = arith.constant 0 : i32
      %dma_start3A_53 = arith.constant 0 : i32
      %dma_start3A_54 = tpu.memref_slice %arg8[%run_scoped3A_26, %dma_start3A_52, %dma_start3A_53] : memref<2x128x128xf32, #tpu.memory_space<vmem>> -> memref<1x128x128xf32, #tpu.memory_space<vmem>>
      %dma_start3A_55 = tpu.memref_squeeze %dma_start3A_54 : memref<1x128x128xf32, #tpu.memory_space<vmem>> -> memref<128x128xf32, #tpu.memory_space<vmem>>
      tpu.enqueue_dma source(%dma_start3A_55 : memref<128x128xf32, #tpu.memory_space<vmem>>) target(%dma_start3A_51 : memref<128x128xf32, #tpu.memory_space<vmem_shared>>) target_semaphore(%run_scoped3A_44 : memref<!tpu.dma_semaphore, #tpu.memory_space<semaphore_mem>>)
      %dma_wait3A = arith.constant 0 : i32
      %dma_wait3A_56 = arith.constant 0 : i32
      %dma_wait3A_57 = tpu.memref_slice %arg8[%run_scoped3A_26, %dma_wait3A, %dma_wait3A_56] : memref<2x128x128xf32, #tpu.memory_space<vmem>> -> memref<1x128x128xf32, #tpu.memory_space<vmem>>
      %dma_wait3A_58 = tpu.memref_squeeze %dma_wait3A_57 : memref<1x128x128xf32, #tpu.memory_space<vmem>> -> memref<128x128xf32, #tpu.memory_space<vmem>>
      %dma_wait3A_59 = arith.constant 0 : i32
      %dma_wait3A_60 = tpu.memref_slice %arg9[%add3A_25, %dma_wait3A_59] : memref<10240x128xf32, #tpu.memory_space<vmem_shared>> -> memref<128x128xf32, #tpu.memory_space<vmem_shared>>
      %dma_wait3A_61 = arith.constant 0 : i32
      %dma_wait3A_62 = tpu.memref_slice %arg9[%add3A_25, %dma_wait3A_61] : memref<10240x128xf32, #tpu.memory_space<vmem_shared>> -> memref<128x128xf32, #tpu.memory_space<vmem_shared>>
      %dma_wait3A_63 = arith.constant 0 : i32
      %dma_wait3A_64 = arith.constant 0 : i32
      %dma_wait3A_65 = tpu.memref_slice %arg8[%run_scoped3A_26, %dma_wait3A_63, %dma_wait3A_64] : memref<2x128x128xf32, #tpu.memory_space<vmem>> -> memref<1x128x128xf32, #tpu.memory_space<vmem>>
      %dma_wait3A_66 = tpu.memref_squeeze %dma_wait3A_65 : memref<1x128x128xf32, #tpu.memory_space<vmem>> -> memref<128x128xf32, #tpu.memory_space<vmem>>
      tpu.wait_dma2 semaphore(%run_scoped3A_44 : memref<!tpu.dma_semaphore, #tpu.memory_space<semaphore_mem>>) src(%dma_wait3A_66 : memref<128x128xf32, #tpu.memory_space<vmem>>) dst(%dma_wait3A_62 : memref<128x128xf32, #tpu.memory_space<vmem_shared>>)
      tpu.yield
    }) : () -> ()
    %mul3A_27 = arith.constant 640 : i32
    %mul3A_28 = arith.muli %arg1, %mul3A_27 : i32
    %add3A_29 = arith.constant 512 : i32
    %add3A_30 = arith.addi %mul3A_28, %add3A_29 : i32
    %run_scoped3A_31 = arith.constant 0 : i32
    "tpu.region"() ({
      %run_scoped3A_44 = tpu.sem_alloc : memref<!tpu.dma_semaphore, #tpu.memory_space<semaphore_mem>>
      %dma_start3A = arith.constant 0 : i32
      %dma_start3A_45 = arith.constant 0 : i32
      %dma_start3A_46 = tpu.memref_slice %arg8[%run_scoped3A_31, %dma_start3A, %dma_start3A_45] : memref<2x128x128xf32, #tpu.memory_space<vmem>> -> memref<1x128x128xf32, #tpu.memory_space<vmem>>
      %dma_start3A_47 = tpu.memref_squeeze %dma_start3A_46 : memref<1x128x128xf32, #tpu.memory_space<vmem>> -> memref<128x128xf32, #tpu.memory_space<vmem>>
      %dma_start3A_48 = arith.constant 0 : i32
      %dma_start3A_49 = tpu.memref_slice %arg9[%add3A_30, %dma_start3A_48] : memref<10240x128xf32, #tpu.memory_space<vmem_shared>> -> memref<128x128xf32, #tpu.memory_space<vmem_shared>>
      %dma_start3A_50 = arith.constant 0 : i32
      %dma_start3A_51 = tpu.memref_slice %arg9[%add3A_30, %dma_start3A_50] : memref<10240x128xf32, #tpu.memory_space<vmem_shared>> -> memref<128x128xf32, #tpu.memory_space<vmem_shared>>
      %dma_start3A_52 = arith.constant 0 : i32
      %dma_start3A_53 = arith.constant 0 : i32
      %dma_start3A_54 = tpu.memref_slice %arg8[%run_scoped3A_31, %dma_start3A_52, %dma_start3A_53] : memref<2x128x128xf32, #tpu.memory_space<vmem>> -> memref<1x128x128xf32, #tpu.memory_space<vmem>>
      %dma_start3A_55 = tpu.memref_squeeze %dma_start3A_54 : memref<1x128x128xf32, #tpu.memory_space<vmem>> -> memref<128x128xf32, #tpu.memory_space<vmem>>
      tpu.enqueue_dma source(%dma_start3A_55 : memref<128x128xf32, #tpu.memory_space<vmem>>) target(%dma_start3A_51 : memref<128x128xf32, #tpu.memory_space<vmem_shared>>) target_semaphore(%run_scoped3A_44 : memref<!tpu.dma_semaphore, #tpu.memory_space<semaphore_mem>>)
      %dma_wait3A = arith.constant 0 : i32
      %dma_wait3A_56 = arith.constant 0 : i32
      %dma_wait3A_57 = tpu.memref_slice %arg8[%run_scoped3A_31, %dma_wait3A, %dma_wait3A_56] : memref<2x128x128xf32, #tpu.memory_space<vmem>> -> memref<1x128x128xf32, #tpu.memory_space<vmem>>
      %dma_wait3A_58 = tpu.memref_squeeze %dma_wait3A_57 : memref<1x128x128xf32, #tpu.memory_space<vmem>> -> memref<128x128xf32, #tpu.memory_space<vmem>>
      %dma_wait3A_59 = arith.constant 0 : i32
      %dma_wait3A_60 = tpu.memref_slice %arg9[%add3A_30, %dma_wait3A_59] : memref<10240x128xf32, #tpu.memory_space<vmem_shared>> -> memref<128x128xf32, #tpu.memory_space<vmem_shared>>
      %dma_wait3A_61 = arith.constant 0 : i32
      %dma_wait3A_62 = tpu.memref_slice %arg9[%add3A_30, %dma_wait3A_61] : memref<10240x128xf32, #tpu.memory_space<vmem_shared>> -> memref<128x128xf32, #tpu.memory_space<vmem_shared>>
      %dma_wait3A_63 = arith.constant 0 : i32
      %dma_wait3A_64 = arith.constant 0 : i32
      %dma_wait3A_65 = tpu.memref_slice %arg8[%run_scoped3A_31, %dma_wait3A_63, %dma_wait3A_64] : memref<2x128x128xf32, #tpu.memory_space<vmem>> -> memref<1x128x128xf32, #tpu.memory_space<vmem>>
      %dma_wait3A_66 = tpu.memref_squeeze %dma_wait3A_65 : memref<1x128x128xf32, #tpu.memory_space<vmem>> -> memref<128x128xf32, #tpu.memory_space<vmem>>
      tpu.wait_dma2 semaphore(%run_scoped3A_44 : memref<!tpu.dma_semaphore, #tpu.memory_space<semaphore_mem>>) src(%dma_wait3A_66 : memref<128x128xf32, #tpu.memory_space<vmem>>) dst(%dma_wait3A_62 : memref<128x128xf32, #tpu.memory_space<vmem_shared>>)
      tpu.yield
    }) : () -> ()
    %barrier3A = arith.constant 0 : index
    tpu.barrier barrier_id(%barrier3A)
    %broadcast_in_dim3A_32 = arith.constant 1.000000e+00 : f32
    %broadcast_in_dim3A_33 = vector.broadcast %broadcast_in_dim3A_32 : f32 to vector<16xf32>
    %eq3A = arith.constant 0 : i32
    %eq3A_34 = arith.cmpi eq, %arg0, %eq3A : i32
    %convert_element_type3A = arith.extui %eq3A_34 : i1 to i32
    %cond3A = arith.constant 0 : i32
    %cond3A_35 = arith.cmpi ne, %convert_element_type3A, %cond3A : i32
    scf.if %cond3A_35 {
      %mul3A_44 = arith.constant 152 : i32
      %mul3A_45 = arith.muli %arg1, %mul3A_44 : i32
      %add3A_46 = arith.constant 0 : i32
      %add3A_47 = arith.addi %mul3A_45, %add3A_46 : i32
      %dma_start3A = arith.constant 0 : i32
      %dma_start3A_48 = arith.constant 0 : i32
      %dma_start3A_49 = arith.constant 0 : i32
      %dma_start3A_50 = tpu.memref_slice %arg6[%dma_start3A, %dma_start3A_48, %dma_start3A_49] : memref<2x8x128xi32, #tpu.memory_space<vmem>> -> memref<1x8x128xi32, #tpu.memory_space<vmem>>
      %dma_start3A_51 = tpu.memref_squeeze %dma_start3A_50 : memref<1x8x128xi32, #tpu.memory_space<vmem>> -> memref<8x128xi32, #tpu.memory_space<vmem>>
      %dma_start3A_52 = arith.constant 0 : i32
      %dma_start3A_53 = tpu.memref_slice %arg3[%add3A_47, %dma_start3A_52] : memref<2560x128xi32, #tpu.memory_space<hbm>> -> memref<8x128xi32, #tpu.memory_space<hbm>>
      %dma_start3A_54 = arith.constant 0 : i32
      %dma_start3A_55 = arith.constant 0 : i32
      %dma_start3A_56 = tpu.memref_slice %arg6[%dma_start3A, %dma_start3A_54, %dma_start3A_55] : memref<2x8x128xi32, #tpu.memory_space<vmem>> -> memref<1x8x128xi32, #tpu.memory_space<vmem>>
      %dma_start3A_57 = tpu.memref_squeeze %dma_start3A_56 : memref<1x8x128xi32, #tpu.memory_space<vmem>> -> memref<8x128xi32, #tpu.memory_space<vmem>>
      %dma_start3A_58 = arith.constant 0 : i32
      %dma_start3A_59 = tpu.memref_slice %arg3[%add3A_47, %dma_start3A_58] : memref<2560x128xi32, #tpu.memory_space<hbm>> -> memref<8x128xi32, #tpu.memory_space<hbm>>
      tpu.enqueue_dma source(%dma_start3A_59 : memref<8x128xi32, #tpu.memory_space<hbm>>) target(%dma_start3A_57 : memref<8x128xi32, #tpu.memory_space<vmem>>) target_semaphore(%arg12 : memref<!tpu.dma_semaphore, #tpu.memory_space<semaphore_mem>>)
      %dma_start3A_60 = arith.constant 0 : i32
      %dma_start3A_61 = arith.constant 0 : i32
      %dma_start3A_62 = arith.constant 0 : i32
      %dma_start3A_63 = tpu.memref_slice %arg7[%dma_start3A_60, %dma_start3A_61, %dma_start3A_62] : memref<2x8x128xi32, #tpu.memory_space<vmem>> -> memref<1x8x128xi32, #tpu.memory_space<vmem>>
      %dma_start3A_64 = tpu.memref_squeeze %dma_start3A_63 : memref<1x8x128xi32, #tpu.memory_space<vmem>> -> memref<8x128xi32, #tpu.memory_space<vmem>>
      %dma_start3A_65 = arith.constant 0 : i32
      %dma_start3A_66 = tpu.memref_slice %arg4[%add3A_47, %dma_start3A_65] : memref<2560x128xi32, #tpu.memory_space<hbm>> -> memref<8x128xi32, #tpu.memory_space<hbm>>
      %dma_start3A_67 = arith.constant 0 : i32
      %dma_start3A_68 = arith.constant 0 : i32
      %dma_start3A_69 = tpu.memref_slice %arg7[%dma_start3A_60, %dma_start3A_67, %dma_start3A_68] : memref<2x8x128xi32, #tpu.memory_space<vmem>> -> memref<1x8x128xi32, #tpu.memory_space<vmem>>
      %dma_start3A_70 = tpu.memref_squeeze %dma_start3A_69 : memref<1x8x128xi32, #tpu.memory_space<vmem>> -> memref<8x128xi32, #tpu.memory_space<vmem>>
      %dma_start3A_71 = arith.constant 0 : i32
      %dma_start3A_72 = tpu.memref_slice %arg4[%add3A_47, %dma_start3A_71] : memref<2560x128xi32, #tpu.memory_space<hbm>> -> memref<8x128xi32, #tpu.memory_space<hbm>>
      tpu.enqueue_dma source(%dma_start3A_72 : memref<8x128xi32, #tpu.memory_space<hbm>>) target(%dma_start3A_70 : memref<8x128xi32, #tpu.memory_space<vmem>>) target_semaphore(%arg12 : memref<!tpu.dma_semaphore, #tpu.memory_space<semaphore_mem>>)
      %dma_wait3A = arith.constant 0 : i32
      %dma_wait3A_73 = arith.constant 0 : i32
      %dma_wait3A_74 = arith.constant 0 : i32
      %dma_wait3A_75 = tpu.memref_slice %arg6[%dma_wait3A, %dma_wait3A_73, %dma_wait3A_74] : memref<2x8x128xi32, #tpu.memory_space<vmem>> -> memref<1x8x128xi32, #tpu.memory_space<vmem>>
      %dma_wait3A_76 = tpu.memref_squeeze %dma_wait3A_75 : memref<1x8x128xi32, #tpu.memory_space<vmem>> -> memref<8x128xi32, #tpu.memory_space<vmem>>
      %dma_wait3A_77 = arith.constant 0 : i32
      %dma_wait3A_78 = arith.constant 0 : i32
      %dma_wait3A_79 = tpu.memref_slice %arg3[%dma_wait3A_77, %dma_wait3A_78] : memref<2560x128xi32, #tpu.memory_space<hbm>> -> memref<8x128xi32, #tpu.memory_space<hbm>>
      %dma_wait3A_80 = arith.constant 0 : i32
      %dma_wait3A_81 = arith.constant 0 : i32
      %dma_wait3A_82 = tpu.memref_slice %arg6[%dma_wait3A, %dma_wait3A_80, %dma_wait3A_81] : memref<2x8x128xi32, #tpu.memory_space<vmem>> -> memref<1x8x128xi32, #tpu.memory_space<vmem>>
      %dma_wait3A_83 = tpu.memref_squeeze %dma_wait3A_82 : memref<1x8x128xi32, #tpu.memory_space<vmem>> -> memref<8x128xi32, #tpu.memory_space<vmem>>
      %dma_wait3A_84 = arith.constant 0 : i32
      %dma_wait3A_85 = arith.constant 0 : i32
      %dma_wait3A_86 = tpu.memref_slice %arg3[%dma_wait3A_84, %dma_wait3A_85] : memref<2560x128xi32, #tpu.memory_space<hbm>> -> memref<8x128xi32, #tpu.memory_space<hbm>>
      tpu.wait_dma2 semaphore(%arg12 : memref<!tpu.dma_semaphore, #tpu.memory_space<semaphore_mem>>) src(%dma_wait3A_86 : memref<8x128xi32, #tpu.memory_space<hbm>>) dst(%dma_wait3A_83 : memref<8x128xi32, #tpu.memory_space<vmem>>)
      %dma_wait3A_87 = arith.constant 0 : i32
      %dma_wait3A_88 = arith.constant 0 : i32
      %dma_wait3A_89 = arith.constant 0 : i32
      %dma_wait3A_90 = tpu.memref_slice %arg6[%dma_wait3A_87, %dma_wait3A_88, %dma_wait3A_89] : memref<2x8x128xi32, #tpu.memory_space<vmem>> -> memref<1x8x128xi32, #tpu.memory_space<vmem>>
      %dma_wait3A_91 = tpu.memref_squeeze %dma_wait3A_90 : memref<1x8x128xi32, #tpu.memory_space<vmem>> -> memref<8x128xi32, #tpu.memory_space<vmem>>
      %dma_wait3A_92 = arith.constant 0 : i32
      %dma_wait3A_93 = arith.constant 0 : i32
      %dma_wait3A_94 = tpu.memref_slice %arg3[%dma_wait3A_92, %dma_wait3A_93] : memref<2560x128xi32, #tpu.memory_space<hbm>> -> memref<8x128xi32, #tpu.memory_space<hbm>>
      %dma_wait3A_95 = arith.constant 0 : i32
      %dma_wait3A_96 = arith.constant 0 : i32
      %dma_wait3A_97 = tpu.memref_slice %arg6[%dma_wait3A_87, %dma_wait3A_95, %dma_wait3A_96] : memref<2x8x128xi32, #tpu.memory_space<vmem>> -> memref<1x8x128xi32, #tpu.memory_space<vmem>>
      %dma_wait3A_98 = tpu.memref_squeeze %dma_wait3A_97 : memref<1x8x128xi32, #tpu.memory_space<vmem>> -> memref<8x128xi32, #tpu.memory_space<vmem>>
      %dma_wait3A_99 = arith.constant 0 : i32
      %dma_wait3A_100 = arith.constant 0 : i32
      %dma_wait3A_101 = tpu.memref_slice %arg3[%dma_wait3A_99, %dma_wait3A_100] : memref<2560x128xi32, #tpu.memory_space<hbm>> -> memref<8x128xi32, #tpu.memory_space<hbm>>
      tpu.wait_dma2 semaphore(%arg12 : memref<!tpu.dma_semaphore, #tpu.memory_space<semaphore_mem>>) src(%dma_wait3A_101 : memref<8x128xi32, #tpu.memory_space<hbm>>) dst(%dma_wait3A_98 : memref<8x128xi32, #tpu.memory_space<vmem>>)
      %dma_start3A_102 = arith.constant 0 : i32
      %dma_start3A_103 = arith.constant 0 : i32
      %dma_start3A_104 = arith.constant 0 : i32
      %dma_start3A_105 = arith.constant 0 : i32
      %dma_start3A_106 = arith.constant 0 : i32
      %dma_start3A_107 = tpu.memref_slice %arg8[%dma_start3A_104, %dma_start3A_105, %dma_start3A_106] : memref<2x128x128xf32, #tpu.memory_space<vmem>> -> memref<1x128x128xf32, #tpu.memory_space<vmem>>
      %dma_start3A_108 = tpu.memref_squeeze %dma_start3A_107 : memref<1x128x128xf32, #tpu.memory_space<vmem>> -> memref<128x128xf32, #tpu.memory_space<vmem>>
      %dma_start3A_109 = arith.constant 0 : i32
      %dma_start3A_110 = tpu.memref_slice %arg6[%dma_start3A_102, %dma_start3A_103, %dma_start3A_109] : memref<2x8x128xi32, #tpu.memory_space<vmem>> -> memref<1x1x128xi32, #tpu.memory_space<vmem>>
      %dma_start3A_111 = tpu.memref_squeeze %dma_start3A_110 : memref<1x1x128xi32, #tpu.memory_space<vmem>> -> memref<128xi32, #tpu.memory_space<vmem>>
      %dma_start3A_112 = arith.constant 0 : i32
      %dma_start3A_113 = arith.constant 0 : i32
      %dma_start3A_114 = tpu.memref_slice %arg2[%dma_start3A_112, %dma_start3A_113] : memref<10240x128xf32, #tpu.memory_space<hbm>> -> memref<10240x128xf32, #tpu.memory_space<hbm>>
      tpu.enqueue_indirect_dma source(%dma_start3A_114 : memref<10240x128xf32, #tpu.memory_space<hbm>>) target(%dma_start3A_108 : memref<128x128xf32, #tpu.memory_space<vmem>>) offsets(%dma_start3A_111 : memref<128xi32, #tpu.memory_space<vmem>>) semaphore(%arg10 : memref<!tpu.dma_semaphore, #tpu.memory_space<semaphore_mem>>)
      %scan3A_115 = arith.constant 0 : i32
      %scan3A_116 = arith.constant 0 : i32
      %scan3A_117 = arith.constant 76 : i32
      %scan3A_118 = arith.addi %scan3A_116, %scan3A_117 : i32
      %scan3A_119 = arith.constant 1 : i32
      scf.for %scan3A_134 = %scan3A_116 to %scan3A_118 step %scan3A_119  : i32 {
        %mul3A_135 = arith.constant 2 : i32
        %mul3A_136 = arith.muli %mul3A_135, %scan3A_134 : i32
        %jit3A = arith.constant 8 : i32
        %div3A = arith.divsi %mul3A_136, %jit3A : i32
        %sign3A = arith.constant 0 : i32
        %sign3A_137 = arith.cmpi sgt, %mul3A_136, %sign3A : i32
        %sign3A_138 = arith.extui %sign3A_137 : i1 to i32
        %sign3A_139 = arith.constant 0 : i32
        %sign3A_140 = arith.cmpi slt, %mul3A_136, %sign3A_139 : i32
        %sign3A_141 = arith.extui %sign3A_140 : i1 to i32
        %sign3A_142 = arith.subi %sign3A_138, %sign3A_141 : i32
        %sign3A_143 = arith.constant 0 : i32
        %sign3A_144 = arith.cmpi sgt, %jit3A, %sign3A_143 : i32
        %sign3A_145 = arith.extui %sign3A_144 : i1 to i32
        %sign3A_146 = arith.constant 0 : i32
        %sign3A_147 = arith.cmpi slt, %jit3A, %sign3A_146 : i32
        %sign3A_148 = arith.extui %sign3A_147 : i1 to i32
        %sign3A_149 = arith.subi %sign3A_145, %sign3A_148 : i32
        %ne3A = arith.cmpi ne, %sign3A_142, %sign3A_149 : i32
        %rem3A = arith.remsi %mul3A_136, %jit3A : i32
        %ne3A_150 = arith.constant 0 : i32
        %ne3A_151 = arith.cmpi ne, %rem3A, %ne3A_150 : i32
        %and3A = arith.andi %ne3A, %ne3A_151 : i1
        %sub3A = arith.constant 1 : i32
        %sub3A_152 = arith.subi %div3A, %sub3A : i32
        %select_n3A = arith.select %and3A, %sub3A_152, %div3A : i32
        %jit3A_153 = arith.constant 8 : i32
        %eq3A_154 = arith.constant 0 : i32
        %eq3A_155 = arith.cmpi eq, %jit3A_153, %eq3A_154 : i32
        %jit3A_156 = arith.constant 1 : i32
        %select_n3A_157 = arith.select %eq3A_155, %jit3A_156, %jit3A_153 : i32
        %rem3A_158 = arith.remsi %mul3A_136, %select_n3A_157 : i32
        %ne3A_159 = arith.constant 0 : i32
        %ne3A_160 = arith.cmpi ne, %rem3A_158, %ne3A_159 : i32
        %lt3A = arith.constant 0 : i32
        %lt3A_161 = arith.cmpi slt, %rem3A_158, %lt3A : i32
        %lt3A_162 = arith.constant 0 : i32
        %lt3A_163 = arith.cmpi slt, %select_n3A_157, %lt3A_162 : i32
        %ne3A_164 = arith.xori %lt3A_161, %lt3A_163 : i1
        %and3A_165 = arith.andi %ne3A_164, %ne3A_160 : i1
        %add3A_166 = arith.addi %rem3A_158, %select_n3A_157 : i32
        %select_n3A_167 = arith.select %and3A_165, %add3A_166, %rem3A_158 : i32
        %dma_wait3A_168 = arith.constant 0 : i32
        %dma_wait3A_169 = arith.constant 0 : i32
        %dma_wait3A_170 = arith.constant 0 : i32
        %dma_wait3A_171 = arith.constant 0 : i32
        %dma_wait3A_172 = arith.constant 0 : i32
        %dma_wait3A_173 = tpu.memref_slice %arg8[%dma_wait3A_170, %dma_wait3A_171, %dma_wait3A_172] : memref<2x128x128xf32, #tpu.memory_space<vmem>> -> memref<1x128x128xf32, #tpu.memory_space<vmem>>
        %dma_wait3A_174 = tpu.memref_squeeze %dma_wait3A_173 : memref<1x128x128xf32, #tpu.memory_space<vmem>> -> memref<128x128xf32, #tpu.memory_space<vmem>>
        %dma_wait3A_175 = arith.constant 0 : i32
        %dma_wait3A_176 = tpu.memref_slice %arg6[%dma_wait3A_168, %dma_wait3A_169, %dma_wait3A_175] : memref<2x8x128xi32, #tpu.memory_space<vmem>> -> memref<1x1x128xi32, #tpu.memory_space<vmem>>
        %dma_wait3A_177 = tpu.memref_squeeze %dma_wait3A_176 : memref<1x1x128xi32, #tpu.memory_space<vmem>> -> memref<128xi32, #tpu.memory_space<vmem>>
        %dma_wait3A_178 = arith.constant 0 : i32
        %dma_wait3A_179 = arith.constant 0 : i32
        %dma_wait3A_180 = tpu.memref_slice %arg2[%dma_wait3A_178, %dma_wait3A_179] : memref<10240x128xf32, #tpu.memory_space<hbm>> -> memref<10240x128xf32, #tpu.memory_space<hbm>>
        tpu.wait_indirect_dma semaphore(%arg10 : memref<!tpu.dma_semaphore, #tpu.memory_space<semaphore_mem>>) src(%dma_wait3A_180 : memref<10240x128xf32, #tpu.memory_space<hbm>>) dst(%dma_wait3A_174 : memref<128x128xf32, #tpu.memory_space<vmem>>)
        %gt3A = arith.constant 0 : i32
        %gt3A_181 = arith.cmpi sgt, %mul3A_136, %gt3A : i32
        %convert_element_type3A_182 = arith.extui %gt3A_181 : i1 to i32
        %cond3A_183 = arith.constant 0 : i32
        %cond3A_184 = arith.cmpi ne, %convert_element_type3A_182, %cond3A_183 : i32
        scf.if %cond3A_184 {
          %dma_wait3A_415 = arith.constant 1 : i32
          %dma_wait3A_416 = arith.constant 0 : i32
          %dma_wait3A_417 = arith.constant 0 : i32
          %dma_wait3A_418 = arith.constant 0 : i32
          %dma_wait3A_419 = arith.constant 0 : i32
          %dma_wait3A_420 = tpu.memref_slice %arg8[%dma_wait3A_415, %dma_wait3A_418, %dma_wait3A_419] : memref<2x128x128xf32, #tpu.memory_space<vmem>> -> memref<1x128x128xf32, #tpu.memory_space<vmem>>
          %dma_wait3A_421 = tpu.memref_squeeze %dma_wait3A_420 : memref<1x128x128xf32, #tpu.memory_space<vmem>> -> memref<128x128xf32, #tpu.memory_space<vmem>>
          %dma_wait3A_422 = arith.constant 0 : i32
          %dma_wait3A_423 = tpu.memref_slice %arg7[%dma_wait3A_416, %dma_wait3A_417, %dma_wait3A_422] : memref<2x8x128xi32, #tpu.memory_space<vmem>> -> memref<1x1x128xi32, #tpu.memory_space<vmem>>
          %dma_wait3A_424 = tpu.memref_squeeze %dma_wait3A_423 : memref<1x1x128xi32, #tpu.memory_space<vmem>> -> memref<128xi32, #tpu.memory_space<vmem>>
          %dma_wait3A_425 = arith.constant 0 : i32
          %dma_wait3A_426 = arith.constant 0 : i32
          %dma_wait3A_427 = tpu.memref_slice %arg9[%dma_wait3A_425, %dma_wait3A_426] : memref<10240x128xf32, #tpu.memory_space<vmem_shared>> -> memref<10240x128xf32, #tpu.memory_space<vmem_shared>>
          tpu.wait_indirect_dma semaphore(%arg11 : memref<!tpu.dma_semaphore, #tpu.memory_space<semaphore_mem>>) src(%dma_wait3A_421 : memref<128x128xf32, #tpu.memory_space<vmem>>) dst(%dma_wait3A_427 : memref<10240x128xf32, #tpu.memory_space<vmem_shared>>)
        } else {
        }
        %eq3A_185 = arith.constant 2 : i32
        %eq3A_186 = arith.cmpi eq, %select_n3A_167, %eq3A_185 : i32
        %add3A_187 = arith.constant 1 : i32
        %add3A_188 = arith.addi %select_n3A, %add3A_187 : i32
        %lt3A_189 = arith.constant 19 : i32
        %lt3A_190 = arith.cmpi slt, %add3A_188, %lt3A_189 : i32
        %and3A_191 = arith.andi %eq3A_186, %lt3A_190 : i1
        %convert_element_type3A_192 = arith.extui %and3A_191 : i1 to i32
        %cond3A_193 = arith.constant 0 : i32
        %cond3A_194 = arith.cmpi ne, %convert_element_type3A_192, %cond3A_193 : i32
        scf.if %cond3A_194 {
          %add3A_415 = arith.constant 1 : i32
          %add3A_416 = arith.addi %select_n3A, %add3A_415 : i32
          %add3A_417 = arith.constant 1 : i32
          %add3A_418 = arith.addi %select_n3A, %add3A_417 : i32
          %jit3A_419 = arith.constant 2 : i32
          %eq3A_420 = arith.constant 0 : i32
          %eq3A_421 = arith.cmpi eq, %jit3A_419, %eq3A_420 : i32
          %jit3A_422 = arith.constant 1 : i32
          %select_n3A_423 = arith.select %eq3A_421, %jit3A_422, %jit3A_419 : i32
          %rem3A_424 = arith.remsi %add3A_418, %select_n3A_423 : i32
          %ne3A_425 = arith.constant 0 : i32
          %ne3A_426 = arith.cmpi ne, %rem3A_424, %ne3A_425 : i32
          %lt3A_427 = arith.constant 0 : i32
          %lt3A_428 = arith.cmpi slt, %rem3A_424, %lt3A_427 : i32
          %lt3A_429 = arith.constant 0 : i32
          %lt3A_430 = arith.cmpi slt, %select_n3A_423, %lt3A_429 : i32
          %ne3A_431 = arith.xori %lt3A_428, %lt3A_430 : i1
          %and3A_432 = arith.andi %ne3A_431, %ne3A_426 : i1
          %add3A_433 = arith.addi %rem3A_424, %select_n3A_423 : i32
          %select_n3A_434 = arith.select %and3A_432, %add3A_433, %rem3A_424 : i32
          %mul3A_435 = arith.constant 8 : i32
          %mul3A_436 = arith.muli %add3A_416, %mul3A_435 : i32
          %add3A_437 = arith.addi %mul3A_45, %mul3A_436 : i32
          %dma_start3A_438 = arith.constant 0 : i32
          %dma_start3A_439 = arith.constant 0 : i32
          %dma_start3A_440 = tpu.memref_slice %arg6[%select_n3A_434, %dma_start3A_438, %dma_start3A_439] : memref<2x8x128xi32, #tpu.memory_space<vmem>> -> memref<1x8x128xi32, #tpu.memory_space<vmem>>
          %dma_start3A_441 = tpu.memref_squeeze %dma_start3A_440 : memref<1x8x128xi32, #tpu.memory_space<vmem>> -> memref<8x128xi32, #tpu.memory_space<vmem>>
          %dma_start3A_442 = arith.constant 0 : i32
          %dma_start3A_443 = tpu.memref_slice %arg3[%add3A_437, %dma_start3A_442] : memref<2560x128xi32, #tpu.memory_space<hbm>> -> memref<8x128xi32, #tpu.memory_space<hbm>>
          %dma_start3A_444 = arith.constant 0 : i32
          %dma_start3A_445 = arith.constant 0 : i32
          %dma_start3A_446 = tpu.memref_slice %arg6[%select_n3A_434, %dma_start3A_444, %dma_start3A_445] : memref<2x8x128xi32, #tpu.memory_space<vmem>> -> memref<1x8x128xi32, #tpu.memory_space<vmem>>
          %dma_start3A_447 = tpu.memref_squeeze %dma_start3A_446 : memref<1x8x128xi32, #tpu.memory_space<vmem>> -> memref<8x128xi32, #tpu.memory_space<vmem>>
          %dma_start3A_448 = arith.constant 0 : i32
          %dma_start3A_449 = tpu.memref_slice %arg3[%add3A_437, %dma_start3A_448] : memref<2560x128xi32, #tpu.memory_space<hbm>> -> memref<8x128xi32, #tpu.memory_space<hbm>>
          tpu.enqueue_dma source(%dma_start3A_449 : memref<8x128xi32, #tpu.memory_space<hbm>>) target(%dma_start3A_447 : memref<8x128xi32, #tpu.memory_space<vmem>>) target_semaphore(%arg12 : memref<!tpu.dma_semaphore, #tpu.memory_space<semaphore_mem>>)
          %dma_start3A_450 = arith.constant 0 : i32
          %dma_start3A_451 = arith.constant 0 : i32
          %dma_start3A_452 = tpu.memref_slice %arg7[%select_n3A_434, %dma_start3A_450, %dma_start3A_451] : memref<2x8x128xi32, #tpu.memory_space<vmem>> -> memref<1x8x128xi32, #tpu.memory_space<vmem>>
          %dma_start3A_453 = tpu.memref_squeeze %dma_start3A_452 : memref<1x8x128xi32, #tpu.memory_space<vmem>> -> memref<8x128xi32, #tpu.memory_space<vmem>>
          %dma_start3A_454 = arith.constant 0 : i32
          %dma_start3A_455 = tpu.memref_slice %arg4[%add3A_437, %dma_start3A_454] : memref<2560x128xi32, #tpu.memory_space<hbm>> -> memref<8x128xi32, #tpu.memory_space<hbm>>
          %dma_start3A_456 = arith.constant 0 : i32
          %dma_start3A_457 = arith.constant 0 : i32
          %dma_start3A_458 = tpu.memref_slice %arg7[%select_n3A_434, %dma_start3A_456, %dma_start3A_457] : memref<2x8x128xi32, #tpu.memory_space<vmem>> -> memref<1x8x128xi32, #tpu.memory_space<vmem>>
          %dma_start3A_459 = tpu.memref_squeeze %dma_start3A_458 : memref<1x8x128xi32, #tpu.memory_space<vmem>> -> memref<8x128xi32, #tpu.memory_space<vmem>>
          %dma_start3A_460 = arith.constant 0 : i32
          %dma_start3A_461 = tpu.memref_slice %arg4[%add3A_437, %dma_start3A_460] : memref<2560x128xi32, #tpu.memory_space<hbm>> -> memref<8x128xi32, #tpu.memory_space<hbm>>
          tpu.enqueue_dma source(%dma_start3A_461 : memref<8x128xi32, #tpu.memory_space<hbm>>) target(%dma_start3A_459 : memref<8x128xi32, #tpu.memory_space<vmem>>) target_semaphore(%arg12 : memref<!tpu.dma_semaphore, #tpu.memory_space<semaphore_mem>>)
        } else {
        }
        %add3A_195 = arith.constant 1 : i32
        %add3A_196 = arith.addi %mul3A_136, %add3A_195 : i32
        %lt3A_197 = arith.constant 152 : i32
        %lt3A_198 = arith.cmpi slt, %add3A_196, %lt3A_197 : i32
        %convert_element_type3A_199 = arith.extui %lt3A_198 : i1 to i32
        %cond3A_200 = arith.constant 0 : i32
        %cond3A_201 = arith.cmpi ne, %convert_element_type3A_199, %cond3A_200 : i32
        scf.if %cond3A_201 {
          %eq3A_415 = arith.constant 7 : i32
          %eq3A_416 = arith.cmpi eq, %select_n3A_167, %eq3A_415 : i32
          %convert_element_type3A_417 = arith.extui %eq3A_416 : i1 to i32
          %cond3A_418 = arith.constant 0 : i32
          %cond3A_419 = arith.cmpi ne, %convert_element_type3A_417, %cond3A_418 : i32
          scf.if %cond3A_419 {
            %dma_wait3A_489 = arith.constant 0 : i32
            %dma_wait3A_490 = arith.constant 0 : i32
            %dma_wait3A_491 = arith.constant 0 : i32
            %dma_wait3A_492 = tpu.memref_slice %arg6[%dma_wait3A_489, %dma_wait3A_490, %dma_wait3A_491] : memref<2x8x128xi32, #tpu.memory_space<vmem>> -> memref<1x8x128xi32, #tpu.memory_space<vmem>>
            %dma_wait3A_493 = tpu.memref_squeeze %dma_wait3A_492 : memref<1x8x128xi32, #tpu.memory_space<vmem>> -> memref<8x128xi32, #tpu.memory_space<vmem>>
            %dma_wait3A_494 = arith.constant 0 : i32
            %dma_wait3A_495 = arith.constant 0 : i32
            %dma_wait3A_496 = tpu.memref_slice %arg3[%dma_wait3A_494, %dma_wait3A_495] : memref<2560x128xi32, #tpu.memory_space<hbm>> -> memref<8x128xi32, #tpu.memory_space<hbm>>
            %dma_wait3A_497 = arith.constant 0 : i32
            %dma_wait3A_498 = arith.constant 0 : i32
            %dma_wait3A_499 = tpu.memref_slice %arg6[%dma_wait3A_489, %dma_wait3A_497, %dma_wait3A_498] : memref<2x8x128xi32, #tpu.memory_space<vmem>> -> memref<1x8x128xi32, #tpu.memory_space<vmem>>
            %dma_wait3A_500 = tpu.memref_squeeze %dma_wait3A_499 : memref<1x8x128xi32, #tpu.memory_space<vmem>> -> memref<8x128xi32, #tpu.memory_space<vmem>>
            %dma_wait3A_501 = arith.constant 0 : i32
            %dma_wait3A_502 = arith.constant 0 : i32
            %dma_wait3A_503 = tpu.memref_slice %arg3[%dma_wait3A_501, %dma_wait3A_502] : memref<2560x128xi32, #tpu.memory_space<hbm>> -> memref<8x128xi32, #tpu.memory_space<hbm>>
            tpu.wait_dma2 semaphore(%arg12 : memref<!tpu.dma_semaphore, #tpu.memory_space<semaphore_mem>>) src(%dma_wait3A_503 : memref<8x128xi32, #tpu.memory_space<hbm>>) dst(%dma_wait3A_500 : memref<8x128xi32, #tpu.memory_space<vmem>>)
            %dma_wait3A_504 = arith.constant 0 : i32
            %dma_wait3A_505 = arith.constant 0 : i32
            %dma_wait3A_506 = arith.constant 0 : i32
            %dma_wait3A_507 = tpu.memref_slice %arg6[%dma_wait3A_504, %dma_wait3A_505, %dma_wait3A_506] : memref<2x8x128xi32, #tpu.memory_space<vmem>> -> memref<1x8x128xi32, #tpu.memory_space<vmem>>
            %dma_wait3A_508 = tpu.memref_squeeze %dma_wait3A_507 : memref<1x8x128xi32, #tpu.memory_space<vmem>> -> memref<8x128xi32, #tpu.memory_space<vmem>>
            %dma_wait3A_509 = arith.constant 0 : i32
            %dma_wait3A_510 = arith.constant 0 : i32
            %dma_wait3A_511 = tpu.memref_slice %arg3[%dma_wait3A_509, %dma_wait3A_510] : memref<2560x128xi32, #tpu.memory_space<hbm>> -> memref<8x128xi32, #tpu.memory_space<hbm>>
            %dma_wait3A_512 = arith.constant 0 : i32
            %dma_wait3A_513 = arith.constant 0 : i32
            %dma_wait3A_514 = tpu.memref_slice %arg6[%dma_wait3A_504, %dma_wait3A_512, %dma_wait3A_513] : memref<2x8x128xi32, #tpu.memory_space<vmem>> -> memref<1x8x128xi32, #tpu.memory_space<vmem>>
            %dma_wait3A_515 = tpu.memref_squeeze %dma_wait3A_514 : memref<1x8x128xi32, #tpu.memory_space<vmem>> -> memref<8x128xi32, #tpu.memory_space<vmem>>
            %dma_wait3A_516 = arith.constant 0 : i32
            %dma_wait3A_517 = arith.constant 0 : i32
            %dma_wait3A_518 = tpu.memref_slice %arg3[%dma_wait3A_516, %dma_wait3A_517] : memref<2560x128xi32, #tpu.memory_space<hbm>> -> memref<8x128xi32, #tpu.memory_space<hbm>>
            tpu.wait_dma2 semaphore(%arg12 : memref<!tpu.dma_semaphore, #tpu.memory_space<semaphore_mem>>) src(%dma_wait3A_518 : memref<8x128xi32, #tpu.memory_space<hbm>>) dst(%dma_wait3A_515 : memref<8x128xi32, #tpu.memory_space<vmem>>)
          } else {
          }
          %add3A_420 = arith.constant 1 : i32
          %add3A_421 = arith.addi %mul3A_136, %add3A_420 : i32
          %jit3A_422 = arith.constant 8 : i32
          %div3A_423 = arith.divsi %add3A_421, %jit3A_422 : i32
          %sign3A_424 = arith.constant 0 : i32
          %sign3A_425 = arith.cmpi sgt, %add3A_421, %sign3A_424 : i32
          %sign3A_426 = arith.extui %sign3A_425 : i1 to i32
          %sign3A_427 = arith.constant 0 : i32
          %sign3A_428 = arith.cmpi slt, %add3A_421, %sign3A_427 : i32
          %sign3A_429 = arith.extui %sign3A_428 : i1 to i32
          %sign3A_430 = arith.subi %sign3A_426, %sign3A_429 : i32
          %sign3A_431 = arith.constant 0 : i32
          %sign3A_432 = arith.cmpi sgt, %jit3A_422, %sign3A_431 : i32
          %sign3A_433 = arith.extui %sign3A_432 : i1 to i32
          %sign3A_434 = arith.constant 0 : i32
          %sign3A_435 = arith.cmpi slt, %jit3A_422, %sign3A_434 : i32
          %sign3A_436 = arith.extui %sign3A_435 : i1 to i32
          %sign3A_437 = arith.subi %sign3A_433, %sign3A_436 : i32
          %ne3A_438 = arith.cmpi ne, %sign3A_430, %sign3A_437 : i32
          %rem3A_439 = arith.remsi %add3A_421, %jit3A_422 : i32
          %ne3A_440 = arith.constant 0 : i32
          %ne3A_441 = arith.cmpi ne, %rem3A_439, %ne3A_440 : i32
          %and3A_442 = arith.andi %ne3A_438, %ne3A_441 : i1
          %sub3A_443 = arith.constant 1 : i32
          %sub3A_444 = arith.subi %div3A_423, %sub3A_443 : i32
          %select_n3A_445 = arith.select %and3A_442, %sub3A_444, %div3A_423 : i32
          %jit3A_446 = arith.constant 2 : i32
          %eq3A_447 = arith.constant 0 : i32
          %eq3A_448 = arith.cmpi eq, %jit3A_446, %eq3A_447 : i32
          %jit3A_449 = arith.constant 1 : i32
          %select_n3A_450 = arith.select %eq3A_448, %jit3A_449, %jit3A_446 : i32
          %rem3A_451 = arith.remsi %select_n3A_445, %select_n3A_450 : i32
          %ne3A_452 = arith.constant 0 : i32
          %ne3A_453 = arith.cmpi ne, %rem3A_451, %ne3A_452 : i32
          %lt3A_454 = arith.constant 0 : i32
          %lt3A_455 = arith.cmpi slt, %rem3A_451, %lt3A_454 : i32
          %lt3A_456 = arith.constant 0 : i32
          %lt3A_457 = arith.cmpi slt, %select_n3A_450, %lt3A_456 : i32
          %ne3A_458 = arith.xori %lt3A_455, %lt3A_457 : i1
          %and3A_459 = arith.andi %ne3A_458, %ne3A_453 : i1
          %add3A_460 = arith.addi %rem3A_451, %select_n3A_450 : i32
          %select_n3A_461 = arith.select %and3A_459, %add3A_460, %rem3A_451 : i32
          %jit3A_462 = arith.constant 8 : i32
          %eq3A_463 = arith.constant 0 : i32
          %eq3A_464 = arith.cmpi eq, %jit3A_462, %eq3A_463 : i32
          %jit3A_465 = arith.constant 1 : i32
          %select_n3A_466 = arith.select %eq3A_464, %jit3A_465, %jit3A_462 : i32
          %rem3A_467 = arith.remsi %add3A_421, %select_n3A_466 : i32
          %ne3A_468 = arith.constant 0 : i32
          %ne3A_469 = arith.cmpi ne, %rem3A_467, %ne3A_468 : i32
          %lt3A_470 = arith.constant 0 : i32
          %lt3A_471 = arith.cmpi slt, %rem3A_467, %lt3A_470 : i32
          %lt3A_472 = arith.constant 0 : i32
          %lt3A_473 = arith.cmpi slt, %select_n3A_466, %lt3A_472 : i32
          %ne3A_474 = arith.xori %lt3A_471, %lt3A_473 : i1
          %and3A_475 = arith.andi %ne3A_474, %ne3A_469 : i1
          %add3A_476 = arith.addi %rem3A_467, %select_n3A_466 : i32
          %select_n3A_477 = arith.select %and3A_475, %add3A_476, %rem3A_467 : i32
          %dma_start3A_478 = arith.constant 1 : i32
          %dma_start3A_479 = arith.constant 0 : i32
          %dma_start3A_480 = arith.constant 0 : i32
          %dma_start3A_481 = tpu.memref_slice %arg8[%dma_start3A_478, %dma_start3A_479, %dma_start3A_480] : memref<2x128x128xf32, #tpu.memory_space<vmem>> -> memref<1x128x128xf32, #tpu.memory_space<vmem>>
          %dma_start3A_482 = tpu.memref_squeeze %dma_start3A_481 : memref<1x128x128xf32, #tpu.memory_space<vmem>> -> memref<128x128xf32, #tpu.memory_space<vmem>>
          %dma_start3A_483 = arith.constant 0 : i32
          %dma_start3A_484 = tpu.memref_slice %arg6[%select_n3A_461, %select_n3A_477, %dma_start3A_483] : memref<2x8x128xi32, #tpu.memory_space<vmem>> -> memref<1x1x128xi32, #tpu.memory_space<vmem>>
          %dma_start3A_485 = tpu.memref_squeeze %dma_start3A_484 : memref<1x1x128xi32, #tpu.memory_space<vmem>> -> memref<128xi32, #tpu.memory_space<vmem>>
          %dma_start3A_486 = arith.constant 0 : i32
          %dma_start3A_487 = arith.constant 0 : i32
          %dma_start3A_488 = tpu.memref_slice %arg2[%dma_start3A_486, %dma_start3A_487] : memref<10240x128xf32, #tpu.memory_space<hbm>> -> memref<10240x128xf32, #tpu.memory_space<hbm>>
          tpu.enqueue_indirect_dma source(%dma_start3A_488 : memref<10240x128xf32, #tpu.memory_space<hbm>>) target(%dma_start3A_482 : memref<128x128xf32, #tpu.memory_space<vmem>>) offsets(%dma_start3A_485 : memref<128xi32, #tpu.memory_space<vmem>>) semaphore(%arg10 : memref<!tpu.dma_semaphore, #tpu.memory_space<semaphore_mem>>)
        } else {
        }
        %jit3A_202 = arith.constant 8 : i32
        %div3A_203 = arith.divsi %mul3A_136, %jit3A_202 : i32
        %sign3A_204 = arith.constant 0 : i32
        %sign3A_205 = arith.cmpi sgt, %mul3A_136, %sign3A_204 : i32
        %sign3A_206 = arith.extui %sign3A_205 : i1 to i32
        %sign3A_207 = arith.constant 0 : i32
        %sign3A_208 = arith.cmpi slt, %mul3A_136, %sign3A_207 : i32
        %sign3A_209 = arith.extui %sign3A_208 : i1 to i32
        %sign3A_210 = arith.subi %sign3A_206, %sign3A_209 : i32
        %sign3A_211 = arith.constant 0 : i32
        %sign3A_212 = arith.cmpi sgt, %jit3A_202, %sign3A_211 : i32
        %sign3A_213 = arith.extui %sign3A_212 : i1 to i32
        %sign3A_214 = arith.constant 0 : i32
        %sign3A_215 = arith.cmpi slt, %jit3A_202, %sign3A_214 : i32
        %sign3A_216 = arith.extui %sign3A_215 : i1 to i32
        %sign3A_217 = arith.subi %sign3A_213, %sign3A_216 : i32
        %ne3A_218 = arith.cmpi ne, %sign3A_210, %sign3A_217 : i32
        %rem3A_219 = arith.remsi %mul3A_136, %jit3A_202 : i32
        %ne3A_220 = arith.constant 0 : i32
        %ne3A_221 = arith.cmpi ne, %rem3A_219, %ne3A_220 : i32
        %and3A_222 = arith.andi %ne3A_218, %ne3A_221 : i1
        %sub3A_223 = arith.constant 1 : i32
        %sub3A_224 = arith.subi %div3A_203, %sub3A_223 : i32
        %select_n3A_225 = arith.select %and3A_222, %sub3A_224, %div3A_203 : i32
        %jit3A_226 = arith.constant 2 : i32
        %eq3A_227 = arith.constant 0 : i32
        %eq3A_228 = arith.cmpi eq, %jit3A_226, %eq3A_227 : i32
        %jit3A_229 = arith.constant 1 : i32
        %select_n3A_230 = arith.select %eq3A_228, %jit3A_229, %jit3A_226 : i32
        %rem3A_231 = arith.remsi %select_n3A_225, %select_n3A_230 : i32
        %ne3A_232 = arith.constant 0 : i32
        %ne3A_233 = arith.cmpi ne, %rem3A_231, %ne3A_232 : i32
        %lt3A_234 = arith.constant 0 : i32
        %lt3A_235 = arith.cmpi slt, %rem3A_231, %lt3A_234 : i32
        %lt3A_236 = arith.constant 0 : i32
        %lt3A_237 = arith.cmpi slt, %select_n3A_230, %lt3A_236 : i32
        %ne3A_238 = arith.xori %lt3A_235, %lt3A_237 : i1
        %and3A_239 = arith.andi %ne3A_238, %ne3A_233 : i1
        %add3A_240 = arith.addi %rem3A_231, %select_n3A_230 : i32
        %select_n3A_241 = arith.select %and3A_239, %add3A_240, %rem3A_231 : i32
        %jit3A_242 = arith.constant 8 : i32
        %eq3A_243 = arith.constant 0 : i32
        %eq3A_244 = arith.cmpi eq, %jit3A_242, %eq3A_243 : i32
        %jit3A_245 = arith.constant 1 : i32
        %select_n3A_246 = arith.select %eq3A_244, %jit3A_245, %jit3A_242 : i32
        %rem3A_247 = arith.remsi %mul3A_136, %select_n3A_246 : i32
        %ne3A_248 = arith.constant 0 : i32
        %ne3A_249 = arith.cmpi ne, %rem3A_247, %ne3A_248 : i32
        %lt3A_250 = arith.constant 0 : i32
        %lt3A_251 = arith.cmpi slt, %rem3A_247, %lt3A_250 : i32
        %lt3A_252 = arith.constant 0 : i32
        %lt3A_253 = arith.cmpi slt, %select_n3A_246, %lt3A_252 : i32
        %ne3A_254 = arith.xori %lt3A_251, %lt3A_253 : i1
        %and3A_255 = arith.andi %ne3A_254, %ne3A_249 : i1
        %add3A_256 = arith.addi %rem3A_247, %select_n3A_246 : i32
        %select_n3A_257 = arith.select %and3A_255, %add3A_256, %rem3A_247 : i32
        %dma_start3A_258 = arith.constant 0 : i32
        %dma_start3A_259 = arith.constant 0 : i32
        %dma_start3A_260 = arith.constant 0 : i32
        %dma_start3A_261 = tpu.memref_slice %arg8[%dma_start3A_258, %dma_start3A_259, %dma_start3A_260] : memref<2x128x128xf32, #tpu.memory_space<vmem>> -> memref<1x128x128xf32, #tpu.memory_space<vmem>>
        %dma_start3A_262 = tpu.memref_squeeze %dma_start3A_261 : memref<1x128x128xf32, #tpu.memory_space<vmem>> -> memref<128x128xf32, #tpu.memory_space<vmem>>
        %dma_start3A_263 = arith.constant 0 : i32
        %dma_start3A_264 = tpu.memref_slice %arg7[%select_n3A_241, %select_n3A_257, %dma_start3A_263] : memref<2x8x128xi32, #tpu.memory_space<vmem>> -> memref<1x1x128xi32, #tpu.memory_space<vmem>>
        %dma_start3A_265 = tpu.memref_squeeze %dma_start3A_264 : memref<1x1x128xi32, #tpu.memory_space<vmem>> -> memref<128xi32, #tpu.memory_space<vmem>>
        %dma_start3A_266 = arith.constant 0 : i32
        %dma_start3A_267 = arith.constant 0 : i32
        %dma_start3A_268 = tpu.memref_slice %arg9[%dma_start3A_266, %dma_start3A_267] : memref<10240x128xf32, #tpu.memory_space<vmem_shared>> -> memref<10240x128xf32, #tpu.memory_space<vmem_shared>>
        tpu.enqueue_indirect_dma source(%dma_start3A_262 : memref<128x128xf32, #tpu.memory_space<vmem>>) target(%dma_start3A_268 : memref<10240x128xf32, #tpu.memory_space<vmem_shared>>) offsets(%dma_start3A_265 : memref<128xi32, #tpu.memory_space<vmem>>) semaphore(%arg11 : memref<!tpu.dma_semaphore, #tpu.memory_space<semaphore_mem>>) {add = true}
        %mul3A_269 = arith.constant 2 : i32
        %mul3A_270 = arith.muli %mul3A_269, %scan3A_134 : i32
        %add3A_271 = arith.constant 1 : i32
        %add3A_272 = arith.addi %mul3A_270, %add3A_271 : i32
        %jit3A_273 = arith.constant 8 : i32
        %div3A_274 = arith.divsi %add3A_272, %jit3A_273 : i32
        %sign3A_275 = arith.constant 0 : i32
        %sign3A_276 = arith.cmpi sgt, %add3A_272, %sign3A_275 : i32
        %sign3A_277 = arith.extui %sign3A_276 : i1 to i32
        %sign3A_278 = arith.constant 0 : i32
        %sign3A_279 = arith.cmpi slt, %add3A_272, %sign3A_278 : i32
        %sign3A_280 = arith.extui %sign3A_279 : i1 to i32
        %sign3A_281 = arith.subi %sign3A_277, %sign3A_280 : i32
        %sign3A_282 = arith.constant 0 : i32
        %sign3A_283 = arith.cmpi sgt, %jit3A_273, %sign3A_282 : i32
        %sign3A_284 = arith.extui %sign3A_283 : i1 to i32
        %sign3A_285 = arith.constant 0 : i32
        %sign3A_286 = arith.cmpi slt, %jit3A_273, %sign3A_285 : i32
        %sign3A_287 = arith.extui %sign3A_286 : i1 to i32
        %sign3A_288 = arith.subi %sign3A_284, %sign3A_287 : i32
        %ne3A_289 = arith.cmpi ne, %sign3A_281, %sign3A_288 : i32
        %rem3A_290 = arith.remsi %add3A_272, %jit3A_273 : i32
        %ne3A_291 = arith.constant 0 : i32
        %ne3A_292 = arith.cmpi ne, %rem3A_290, %ne3A_291 : i32
        %and3A_293 = arith.andi %ne3A_289, %ne3A_292 : i1
        %sub3A_294 = arith.constant 1 : i32
        %sub3A_295 = arith.subi %div3A_274, %sub3A_294 : i32
        %select_n3A_296 = arith.select %and3A_293, %sub3A_295, %div3A_274 : i32
        %jit3A_297 = arith.constant 8 : i32
        %eq3A_298 = arith.constant 0 : i32
        %eq3A_299 = arith.cmpi eq, %jit3A_297, %eq3A_298 : i32
        %jit3A_300 = arith.constant 1 : i32
        %select_n3A_301 = arith.select %eq3A_299, %jit3A_300, %jit3A_297 : i32
        %rem3A_302 = arith.remsi %add3A_272, %select_n3A_301 : i32
        %ne3A_303 = arith.constant 0 : i32
        %ne3A_304 = arith.cmpi ne, %rem3A_302, %ne3A_303 : i32
        %lt3A_305 = arith.constant 0 : i32
        %lt3A_306 = arith.cmpi slt, %rem3A_302, %lt3A_305 : i32
        %lt3A_307 = arith.constant 0 : i32
        %lt3A_308 = arith.cmpi slt, %select_n3A_301, %lt3A_307 : i32
        %ne3A_309 = arith.xori %lt3A_306, %lt3A_308 : i1
        %and3A_310 = arith.andi %ne3A_309, %ne3A_304 : i1
        %add3A_311 = arith.addi %rem3A_302, %select_n3A_301 : i32
        %select_n3A_312 = arith.select %and3A_310, %add3A_311, %rem3A_302 : i32
        %dma_wait3A_313 = arith.constant 0 : i32
        %dma_wait3A_314 = arith.constant 0 : i32
        %dma_wait3A_315 = arith.constant 1 : i32
        %dma_wait3A_316 = arith.constant 0 : i32
        %dma_wait3A_317 = arith.constant 0 : i32
        %dma_wait3A_318 = tpu.memref_slice %arg8[%dma_wait3A_315, %dma_wait3A_316, %dma_wait3A_317] : memref<2x128x128xf32, #tpu.memory_space<vmem>> -> memref<1x128x128xf32, #tpu.memory_space<vmem>>
        %dma_wait3A_319 = tpu.memref_squeeze %dma_wait3A_318 : memref<1x128x128xf32, #tpu.memory_space<vmem>> -> memref<128x128xf32, #tpu.memory_space<vmem>>
        %dma_wait3A_320 = arith.constant 0 : i32
        %dma_wait3A_321 = tpu.memref_slice %arg6[%dma_wait3A_313, %dma_wait3A_314, %dma_wait3A_320] : memref<2x8x128xi32, #tpu.memory_space<vmem>> -> memref<1x1x128xi32, #tpu.memory_space<vmem>>
        %dma_wait3A_322 = tpu.memref_squeeze %dma_wait3A_321 : memref<1x1x128xi32, #tpu.memory_space<vmem>> -> memref<128xi32, #tpu.memory_space<vmem>>
        %dma_wait3A_323 = arith.constant 0 : i32
        %dma_wait3A_324 = arith.constant 0 : i32
        %dma_wait3A_325 = tpu.memref_slice %arg2[%dma_wait3A_323, %dma_wait3A_324] : memref<10240x128xf32, #tpu.memory_space<hbm>> -> memref<10240x128xf32, #tpu.memory_space<hbm>>
        tpu.wait_indirect_dma semaphore(%arg10 : memref<!tpu.dma_semaphore, #tpu.memory_space<semaphore_mem>>) src(%dma_wait3A_325 : memref<10240x128xf32, #tpu.memory_space<hbm>>) dst(%dma_wait3A_319 : memref<128x128xf32, #tpu.memory_space<vmem>>)
        %gt3A_326 = arith.constant 0 : i32
        %gt3A_327 = arith.cmpi sgt, %add3A_272, %gt3A_326 : i32
        %convert_element_type3A_328 = arith.extui %gt3A_327 : i1 to i32
        %cond3A_329 = arith.constant 0 : i32
        %cond3A_330 = arith.cmpi ne, %convert_element_type3A_328, %cond3A_329 : i32
        scf.if %cond3A_330 {
          %dma_wait3A_415 = arith.constant 0 : i32
          %dma_wait3A_416 = arith.constant 0 : i32
          %dma_wait3A_417 = arith.constant 0 : i32
          %dma_wait3A_418 = arith.constant 0 : i32
          %dma_wait3A_419 = arith.constant 0 : i32
          %dma_wait3A_420 = tpu.memref_slice %arg8[%dma_wait3A_415, %dma_wait3A_418, %dma_wait3A_419] : memref<2x128x128xf32, #tpu.memory_space<vmem>> -> memref<1x128x128xf32, #tpu.memory_space<vmem>>
          %dma_wait3A_421 = tpu.memref_squeeze %dma_wait3A_420 : memref<1x128x128xf32, #tpu.memory_space<vmem>> -> memref<128x128xf32, #tpu.memory_space<vmem>>
          %dma_wait3A_422 = arith.constant 0 : i32
          %dma_wait3A_423 = tpu.memref_slice %arg7[%dma_wait3A_416, %dma_wait3A_417, %dma_wait3A_422] : memref<2x8x128xi32, #tpu.memory_space<vmem>> -> memref<1x1x128xi32, #tpu.memory_space<vmem>>
          %dma_wait3A_424 = tpu.memref_squeeze %dma_wait3A_423 : memref<1x1x128xi32, #tpu.memory_space<vmem>> -> memref<128xi32, #tpu.memory_space<vmem>>
          %dma_wait3A_425 = arith.constant 0 : i32
          %dma_wait3A_426 = arith.constant 0 : i32
          %dma_wait3A_427 = tpu.memref_slice %arg9[%dma_wait3A_425, %dma_wait3A_426] : memref<10240x128xf32, #tpu.memory_space<vmem_shared>> -> memref<10240x128xf32, #tpu.memory_space<vmem_shared>>
          tpu.wait_indirect_dma semaphore(%arg11 : memref<!tpu.dma_semaphore, #tpu.memory_space<semaphore_mem>>) src(%dma_wait3A_421 : memref<128x128xf32, #tpu.memory_space<vmem>>) dst(%dma_wait3A_427 : memref<10240x128xf32, #tpu.memory_space<vmem_shared>>)
        } else {
        }
        %eq3A_331 = arith.constant 2 : i32
        %eq3A_332 = arith.cmpi eq, %select_n3A_312, %eq3A_331 : i32
        %add3A_333 = arith.constant 1 : i32
        %add3A_334 = arith.addi %select_n3A_296, %add3A_333 : i32
        %lt3A_335 = arith.constant 19 : i32
        %lt3A_336 = arith.cmpi slt, %add3A_334, %lt3A_335 : i32
        %and3A_337 = arith.andi %eq3A_332, %lt3A_336 : i1
        %convert_element_type3A_338 = arith.extui %and3A_337 : i1 to i32
        %cond3A_339 = arith.constant 0 : i32
        %cond3A_340 = arith.cmpi ne, %convert_element_type3A_338, %cond3A_339 : i32
        scf.if %cond3A_340 {
          %add3A_415 = arith.constant 1 : i32
          %add3A_416 = arith.addi %select_n3A_296, %add3A_415 : i32
          %add3A_417 = arith.constant 1 : i32
          %add3A_418 = arith.addi %select_n3A_296, %add3A_417 : i32
          %jit3A_419 = arith.constant 2 : i32
          %eq3A_420 = arith.constant 0 : i32
          %eq3A_421 = arith.cmpi eq, %jit3A_419, %eq3A_420 : i32
          %jit3A_422 = arith.constant 1 : i32
          %select_n3A_423 = arith.select %eq3A_421, %jit3A_422, %jit3A_419 : i32
          %rem3A_424 = arith.remsi %add3A_418, %select_n3A_423 : i32
          %ne3A_425 = arith.constant 0 : i32
          %ne3A_426 = arith.cmpi ne, %rem3A_424, %ne3A_425 : i32
          %lt3A_427 = arith.constant 0 : i32
          %lt3A_428 = arith.cmpi slt, %rem3A_424, %lt3A_427 : i32
          %lt3A_429 = arith.constant 0 : i32
          %lt3A_430 = arith.cmpi slt, %select_n3A_423, %lt3A_429 : i32
          %ne3A_431 = arith.xori %lt3A_428, %lt3A_430 : i1
          %and3A_432 = arith.andi %ne3A_431, %ne3A_426 : i1
          %add3A_433 = arith.addi %rem3A_424, %select_n3A_423 : i32
          %select_n3A_434 = arith.select %and3A_432, %add3A_433, %rem3A_424 : i32
          %mul3A_435 = arith.constant 8 : i32
          %mul3A_436 = arith.muli %add3A_416, %mul3A_435 : i32
          %add3A_437 = arith.addi %mul3A_45, %mul3A_436 : i32
          %dma_start3A_438 = arith.constant 0 : i32
          %dma_start3A_439 = arith.constant 0 : i32
          %dma_start3A_440 = tpu.memref_slice %arg6[%select_n3A_434, %dma_start3A_438, %dma_start3A_439] : memref<2x8x128xi32, #tpu.memory_space<vmem>> -> memref<1x8x128xi32, #tpu.memory_space<vmem>>
          %dma_start3A_441 = tpu.memref_squeeze %dma_start3A_440 : memref<1x8x128xi32, #tpu.memory_space<vmem>> -> memref<8x128xi32, #tpu.memory_space<vmem>>
          %dma_start3A_442 = arith.constant 0 : i32
          %dma_start3A_443 = tpu.memref_slice %arg3[%add3A_437, %dma_start3A_442] : memref<2560x128xi32, #tpu.memory_space<hbm>> -> memref<8x128xi32, #tpu.memory_space<hbm>>
          %dma_start3A_444 = arith.constant 0 : i32
          %dma_start3A_445 = arith.constant 0 : i32
          %dma_start3A_446 = tpu.memref_slice %arg6[%select_n3A_434, %dma_start3A_444, %dma_start3A_445] : memref<2x8x128xi32, #tpu.memory_space<vmem>> -> memref<1x8x128xi32, #tpu.memory_space<vmem>>
          %dma_start3A_447 = tpu.memref_squeeze %dma_start3A_446 : memref<1x8x128xi32, #tpu.memory_space<vmem>> -> memref<8x128xi32, #tpu.memory_space<vmem>>
          %dma_start3A_448 = arith.constant 0 : i32
          %dma_start3A_449 = tpu.memref_slice %arg3[%add3A_437, %dma_start3A_448] : memref<2560x128xi32, #tpu.memory_space<hbm>> -> memref<8x128xi32, #tpu.memory_space<hbm>>
          tpu.enqueue_dma source(%dma_start3A_449 : memref<8x128xi32, #tpu.memory_space<hbm>>) target(%dma_start3A_447 : memref<8x128xi32, #tpu.memory_space<vmem>>) target_semaphore(%arg12 : memref<!tpu.dma_semaphore, #tpu.memory_space<semaphore_mem>>)
          %dma_start3A_450 = arith.constant 0 : i32
          %dma_start3A_451 = arith.constant 0 : i32
          %dma_start3A_452 = tpu.memref_slice %arg7[%select_n3A_434, %dma_start3A_450, %dma_start3A_451] : memref<2x8x128xi32, #tpu.memory_space<vmem>> -> memref<1x8x128xi32, #tpu.memory_space<vmem>>
          %dma_start3A_453 = tpu.memref_squeeze %dma_start3A_452 : memref<1x8x128xi32, #tpu.memory_space<vmem>> -> memref<8x128xi32, #tpu.memory_space<vmem>>
          %dma_start3A_454 = arith.constant 0 : i32
          %dma_start3A_455 = tpu.memref_slice %arg4[%add3A_437, %dma_start3A_454] : memref<2560x128xi32, #tpu.memory_space<hbm>> -> memref<8x128xi32, #tpu.memory_space<hbm>>
          %dma_start3A_456 = arith.constant 0 : i32
          %dma_start3A_457 = arith.constant 0 : i32
          %dma_start3A_458 = tpu.memref_slice %arg7[%select_n3A_434, %dma_start3A_456, %dma_start3A_457] : memref<2x8x128xi32, #tpu.memory_space<vmem>> -> memref<1x8x128xi32, #tpu.memory_space<vmem>>
          %dma_start3A_459 = tpu.memref_squeeze %dma_start3A_458 : memref<1x8x128xi32, #tpu.memory_space<vmem>> -> memref<8x128xi32, #tpu.memory_space<vmem>>
          %dma_start3A_460 = arith.constant 0 : i32
          %dma_start3A_461 = tpu.memref_slice %arg4[%add3A_437, %dma_start3A_460] : memref<2560x128xi32, #tpu.memory_space<hbm>> -> memref<8x128xi32, #tpu.memory_space<hbm>>
          tpu.enqueue_dma source(%dma_start3A_461 : memref<8x128xi32, #tpu.memory_space<hbm>>) target(%dma_start3A_459 : memref<8x128xi32, #tpu.memory_space<vmem>>) target_semaphore(%arg12 : memref<!tpu.dma_semaphore, #tpu.memory_space<semaphore_mem>>)
        } else {
        }
        %add3A_341 = arith.constant 1 : i32
        %add3A_342 = arith.addi %add3A_272, %add3A_341 : i32
        %lt3A_343 = arith.constant 152 : i32
        %lt3A_344 = arith.cmpi slt, %add3A_342, %lt3A_343 : i32
        %convert_element_type3A_345 = arith.extui %lt3A_344 : i1 to i32
        %cond3A_346 = arith.constant 0 : i32
        %cond3A_347 = arith.cmpi ne, %convert_element_type3A_345, %cond3A_346 : i32
        scf.if %cond3A_347 {
          %eq3A_415 = arith.constant 7 : i32
          %eq3A_416 = arith.cmpi eq, %select_n3A_312, %eq3A_415 : i32
          %convert_element_type3A_417 = arith.extui %eq3A_416 : i1 to i32
          %cond3A_418 = arith.constant 0 : i32
          %cond3A_419 = arith.cmpi ne, %convert_element_type3A_417, %cond3A_418 : i32
          scf.if %cond3A_419 {
            %dma_wait3A_489 = arith.constant 0 : i32
            %dma_wait3A_490 = arith.constant 0 : i32
            %dma_wait3A_491 = arith.constant 0 : i32
            %dma_wait3A_492 = tpu.memref_slice %arg6[%dma_wait3A_489, %dma_wait3A_490, %dma_wait3A_491] : memref<2x8x128xi32, #tpu.memory_space<vmem>> -> memref<1x8x128xi32, #tpu.memory_space<vmem>>
            %dma_wait3A_493 = tpu.memref_squeeze %dma_wait3A_492 : memref<1x8x128xi32, #tpu.memory_space<vmem>> -> memref<8x128xi32, #tpu.memory_space<vmem>>
            %dma_wait3A_494 = arith.constant 0 : i32
            %dma_wait3A_495 = arith.constant 0 : i32
            %dma_wait3A_496 = tpu.memref_slice %arg3[%dma_wait3A_494, %dma_wait3A_495] : memref<2560x128xi32, #tpu.memory_space<hbm>> -> memref<8x128xi32, #tpu.memory_space<hbm>>
            %dma_wait3A_497 = arith.constant 0 : i32
            %dma_wait3A_498 = arith.constant 0 : i32
            %dma_wait3A_499 = tpu.memref_slice %arg6[%dma_wait3A_489, %dma_wait3A_497, %dma_wait3A_498] : memref<2x8x128xi32, #tpu.memory_space<vmem>> -> memref<1x8x128xi32, #tpu.memory_space<vmem>>
            %dma_wait3A_500 = tpu.memref_squeeze %dma_wait3A_499 : memref<1x8x128xi32, #tpu.memory_space<vmem>> -> memref<8x128xi32, #tpu.memory_space<vmem>>
            %dma_wait3A_501 = arith.constant 0 : i32
            %dma_wait3A_502 = arith.constant 0 : i32
            %dma_wait3A_503 = tpu.memref_slice %arg3[%dma_wait3A_501, %dma_wait3A_502] : memref<2560x128xi32, #tpu.memory_space<hbm>> -> memref<8x128xi32, #tpu.memory_space<hbm>>
            tpu.wait_dma2 semaphore(%arg12 : memref<!tpu.dma_semaphore, #tpu.memory_space<semaphore_mem>>) src(%dma_wait3A_503 : memref<8x128xi32, #tpu.memory_space<hbm>>) dst(%dma_wait3A_500 : memref<8x128xi32, #tpu.memory_space<vmem>>)
            %dma_wait3A_504 = arith.constant 0 : i32
            %dma_wait3A_505 = arith.constant 0 : i32
            %dma_wait3A_506 = arith.constant 0 : i32
            %dma_wait3A_507 = tpu.memref_slice %arg6[%dma_wait3A_504, %dma_wait3A_505, %dma_wait3A_506] : memref<2x8x128xi32, #tpu.memory_space<vmem>> -> memref<1x8x128xi32, #tpu.memory_space<vmem>>
            %dma_wait3A_508 = tpu.memref_squeeze %dma_wait3A_507 : memref<1x8x128xi32, #tpu.memory_space<vmem>> -> memref<8x128xi32, #tpu.memory_space<vmem>>
            %dma_wait3A_509 = arith.constant 0 : i32
            %dma_wait3A_510 = arith.constant 0 : i32
            %dma_wait3A_511 = tpu.memref_slice %arg3[%dma_wait3A_509, %dma_wait3A_510] : memref<2560x128xi32, #tpu.memory_space<hbm>> -> memref<8x128xi32, #tpu.memory_space<hbm>>
            %dma_wait3A_512 = arith.constant 0 : i32
            %dma_wait3A_513 = arith.constant 0 : i32
            %dma_wait3A_514 = tpu.memref_slice %arg6[%dma_wait3A_504, %dma_wait3A_512, %dma_wait3A_513] : memref<2x8x128xi32, #tpu.memory_space<vmem>> -> memref<1x8x128xi32, #tpu.memory_space<vmem>>
            %dma_wait3A_515 = tpu.memref_squeeze %dma_wait3A_514 : memref<1x8x128xi32, #tpu.memory_space<vmem>> -> memref<8x128xi32, #tpu.memory_space<vmem>>
            %dma_wait3A_516 = arith.constant 0 : i32
            %dma_wait3A_517 = arith.constant 0 : i32
            %dma_wait3A_518 = tpu.memref_slice %arg3[%dma_wait3A_516, %dma_wait3A_517] : memref<2560x128xi32, #tpu.memory_space<hbm>> -> memref<8x128xi32, #tpu.memory_space<hbm>>
            tpu.wait_dma2 semaphore(%arg12 : memref<!tpu.dma_semaphore, #tpu.memory_space<semaphore_mem>>) src(%dma_wait3A_518 : memref<8x128xi32, #tpu.memory_space<hbm>>) dst(%dma_wait3A_515 : memref<8x128xi32, #tpu.memory_space<vmem>>)
          } else {
          }
          %add3A_420 = arith.constant 1 : i32
          %add3A_421 = arith.addi %add3A_272, %add3A_420 : i32
          %jit3A_422 = arith.constant 8 : i32
          %div3A_423 = arith.divsi %add3A_421, %jit3A_422 : i32
          %sign3A_424 = arith.constant 0 : i32
          %sign3A_425 = arith.cmpi sgt, %add3A_421, %sign3A_424 : i32
          %sign3A_426 = arith.extui %sign3A_425 : i1 to i32
          %sign3A_427 = arith.constant 0 : i32
          %sign3A_428 = arith.cmpi slt, %add3A_421, %sign3A_427 : i32
          %sign3A_429 = arith.extui %sign3A_428 : i1 to i32
          %sign3A_430 = arith.subi %sign3A_426, %sign3A_429 : i32
          %sign3A_431 = arith.constant 0 : i32
          %sign3A_432 = arith.cmpi sgt, %jit3A_422, %sign3A_431 : i32
          %sign3A_433 = arith.extui %sign3A_432 : i1 to i32
          %sign3A_434 = arith.constant 0 : i32
          %sign3A_435 = arith.cmpi slt, %jit3A_422, %sign3A_434 : i32
          %sign3A_436 = arith.extui %sign3A_435 : i1 to i32
          %sign3A_437 = arith.subi %sign3A_433, %sign3A_436 : i32
          %ne3A_438 = arith.cmpi ne, %sign3A_430, %sign3A_437 : i32
          %rem3A_439 = arith.remsi %add3A_421, %jit3A_422 : i32
          %ne3A_440 = arith.constant 0 : i32
          %ne3A_441 = arith.cmpi ne, %rem3A_439, %ne3A_440 : i32
          %and3A_442 = arith.andi %ne3A_438, %ne3A_441 : i1
          %sub3A_443 = arith.constant 1 : i32
          %sub3A_444 = arith.subi %div3A_423, %sub3A_443 : i32
          %select_n3A_445 = arith.select %and3A_442, %sub3A_444, %div3A_423 : i32
          %jit3A_446 = arith.constant 2 : i32
          %eq3A_447 = arith.constant 0 : i32
          %eq3A_448 = arith.cmpi eq, %jit3A_446, %eq3A_447 : i32
          %jit3A_449 = arith.constant 1 : i32
          %select_n3A_450 = arith.select %eq3A_448, %jit3A_449, %jit3A_446 : i32
          %rem3A_451 = arith.remsi %select_n3A_445, %select_n3A_450 : i32
          %ne3A_452 = arith.constant 0 : i32
          %ne3A_453 = arith.cmpi ne, %rem3A_451, %ne3A_452 : i32
          %lt3A_454 = arith.constant 0 : i32
          %lt3A_455 = arith.cmpi slt, %rem3A_451, %lt3A_454 : i32
          %lt3A_456 = arith.constant 0 : i32
          %lt3A_457 = arith.cmpi slt, %select_n3A_450, %lt3A_456 : i32
          %ne3A_458 = arith.xori %lt3A_455, %lt3A_457 : i1
          %and3A_459 = arith.andi %ne3A_458, %ne3A_453 : i1
          %add3A_460 = arith.addi %rem3A_451, %select_n3A_450 : i32
          %select_n3A_461 = arith.select %and3A_459, %add3A_460, %rem3A_451 : i32
          %jit3A_462 = arith.constant 8 : i32
          %eq3A_463 = arith.constant 0 : i32
          %eq3A_464 = arith.cmpi eq, %jit3A_462, %eq3A_463 : i32
          %jit3A_465 = arith.constant 1 : i32
          %select_n3A_466 = arith.select %eq3A_464, %jit3A_465, %jit3A_462 : i32
          %rem3A_467 = arith.remsi %add3A_421, %select_n3A_466 : i32
          %ne3A_468 = arith.constant 0 : i32
          %ne3A_469 = arith.cmpi ne, %rem3A_467, %ne3A_468 : i32
          %lt3A_470 = arith.constant 0 : i32
          %lt3A_471 = arith.cmpi slt, %rem3A_467, %lt3A_470 : i32
          %lt3A_472 = arith.constant 0 : i32
          %lt3A_473 = arith.cmpi slt, %select_n3A_466, %lt3A_472 : i32
          %ne3A_474 = arith.xori %lt3A_471, %lt3A_473 : i1
          %and3A_475 = arith.andi %ne3A_474, %ne3A_469 : i1
          %add3A_476 = arith.addi %rem3A_467, %select_n3A_466 : i32
          %select_n3A_477 = arith.select %and3A_475, %add3A_476, %rem3A_467 : i32
          %dma_start3A_478 = arith.constant 0 : i32
          %dma_start3A_479 = arith.constant 0 : i32
          %dma_start3A_480 = arith.constant 0 : i32
          %dma_start3A_481 = tpu.memref_slice %arg8[%dma_start3A_478, %dma_start3A_479, %dma_start3A_480] : memref<2x128x128xf32, #tpu.memory_space<vmem>> -> memref<1x128x128xf32, #tpu.memory_space<vmem>>
          %dma_start3A_482 = tpu.memref_squeeze %dma_start3A_481 : memref<1x128x128xf32, #tpu.memory_space<vmem>> -> memref<128x128xf32, #tpu.memory_space<vmem>>
          %dma_start3A_483 = arith.constant 0 : i32
          %dma_start3A_484 = tpu.memref_slice %arg6[%select_n3A_461, %select_n3A_477, %dma_start3A_483] : memref<2x8x128xi32, #tpu.memory_space<vmem>> -> memref<1x1x128xi32, #tpu.memory_space<vmem>>
          %dma_start3A_485 = tpu.memref_squeeze %dma_start3A_484 : memref<1x1x128xi32, #tpu.memory_space<vmem>> -> memref<128xi32, #tpu.memory_space<vmem>>
          %dma_start3A_486 = arith.constant 0 : i32
          %dma_start3A_487 = arith.constant 0 : i32
          %dma_start3A_488 = tpu.memref_slice %arg2[%dma_start3A_486, %dma_start3A_487] : memref<10240x128xf32, #tpu.memory_space<hbm>> -> memref<10240x128xf32, #tpu.memory_space<hbm>>
          tpu.enqueue_indirect_dma source(%dma_start3A_488 : memref<10240x128xf32, #tpu.memory_space<hbm>>) target(%dma_start3A_482 : memref<128x128xf32, #tpu.memory_space<vmem>>) offsets(%dma_start3A_485 : memref<128xi32, #tpu.memory_space<vmem>>) semaphore(%arg10 : memref<!tpu.dma_semaphore, #tpu.memory_space<semaphore_mem>>)
        } else {
        }
        %jit3A_348 = arith.constant 8 : i32
        %div3A_349 = arith.divsi %add3A_272, %jit3A_348 : i32
        %sign3A_350 = arith.constant 0 : i32
        %sign3A_351 = arith.cmpi sgt, %add3A_272, %sign3A_350 : i32
        %sign3A_352 = arith.extui %sign3A_351 : i1 to i32
        %sign3A_353 = arith.constant 0 : i32
        %sign3A_354 = arith.cmpi slt, %add3A_272, %sign3A_353 : i32
        %sign3A_355 = arith.extui %sign3A_354 : i1 to i32
        %sign3A_356 = arith.subi %sign3A_352, %sign3A_355 : i32
        %sign3A_357 = arith.constant 0 : i32
        %sign3A_358 = arith.cmpi sgt, %jit3A_348, %sign3A_357 : i32
        %sign3A_359 = arith.extui %sign3A_358 : i1 to i32
        %sign3A_360 = arith.constant 0 : i32
        %sign3A_361 = arith.cmpi slt, %jit3A_348, %sign3A_360 : i32
        %sign3A_362 = arith.extui %sign3A_361 : i1 to i32
        %sign3A_363 = arith.subi %sign3A_359, %sign3A_362 : i32
        %ne3A_364 = arith.cmpi ne, %sign3A_356, %sign3A_363 : i32
        %rem3A_365 = arith.remsi %add3A_272, %jit3A_348 : i32
        %ne3A_366 = arith.constant 0 : i32
        %ne3A_367 = arith.cmpi ne, %rem3A_365, %ne3A_366 : i32
        %and3A_368 = arith.andi %ne3A_364, %ne3A_367 : i1
        %sub3A_369 = arith.constant 1 : i32
        %sub3A_370 = arith.subi %div3A_349, %sub3A_369 : i32
        %select_n3A_371 = arith.select %and3A_368, %sub3A_370, %div3A_349 : i32
        %jit3A_372 = arith.constant 2 : i32
        %eq3A_373 = arith.constant 0 : i32
        %eq3A_374 = arith.cmpi eq, %jit3A_372, %eq3A_373 : i32
        %jit3A_375 = arith.constant 1 : i32
        %select_n3A_376 = arith.select %eq3A_374, %jit3A_375, %jit3A_372 : i32
        %rem3A_377 = arith.remsi %select_n3A_371, %select_n3A_376 : i32
        %ne3A_378 = arith.constant 0 : i32
        %ne3A_379 = arith.cmpi ne, %rem3A_377, %ne3A_378 : i32
        %lt3A_380 = arith.constant 0 : i32
        %lt3A_381 = arith.cmpi slt, %rem3A_377, %lt3A_380 : i32
        %lt3A_382 = arith.constant 0 : i32
        %lt3A_383 = arith.cmpi slt, %select_n3A_376, %lt3A_382 : i32
        %ne3A_384 = arith.xori %lt3A_381, %lt3A_383 : i1
        %and3A_385 = arith.andi %ne3A_384, %ne3A_379 : i1
        %add3A_386 = arith.addi %rem3A_377, %select_n3A_376 : i32
        %select_n3A_387 = arith.select %and3A_385, %add3A_386, %rem3A_377 : i32
        %jit3A_388 = arith.constant 8 : i32
        %eq3A_389 = arith.constant 0 : i32
        %eq3A_390 = arith.cmpi eq, %jit3A_388, %eq3A_389 : i32
        %jit3A_391 = arith.constant 1 : i32
        %select_n3A_392 = arith.select %eq3A_390, %jit3A_391, %jit3A_388 : i32
        %rem3A_393 = arith.remsi %add3A_272, %select_n3A_392 : i32
        %ne3A_394 = arith.constant 0 : i32
        %ne3A_395 = arith.cmpi ne, %rem3A_393, %ne3A_394 : i32
        %lt3A_396 = arith.constant 0 : i32
        %lt3A_397 = arith.cmpi slt, %rem3A_393, %lt3A_396 : i32
        %lt3A_398 = arith.constant 0 : i32
        %lt3A_399 = arith.cmpi slt, %select_n3A_392, %lt3A_398 : i32
        %ne3A_400 = arith.xori %lt3A_397, %lt3A_399 : i1
        %and3A_401 = arith.andi %ne3A_400, %ne3A_395 : i1
        %add3A_402 = arith.addi %rem3A_393, %select_n3A_392 : i32
        %select_n3A_403 = arith.select %and3A_401, %add3A_402, %rem3A_393 : i32
        %dma_start3A_404 = arith.constant 1 : i32
        %dma_start3A_405 = arith.constant 0 : i32
        %dma_start3A_406 = arith.constant 0 : i32
        %dma_start3A_407 = tpu.memref_slice %arg8[%dma_start3A_404, %dma_start3A_405, %dma_start3A_406] : memref<2x128x128xf32, #tpu.memory_space<vmem>> -> memref<1x128x128xf32, #tpu.memory_space<vmem>>
        %dma_start3A_408 = tpu.memref_squeeze %dma_start3A_407 : memref<1x128x128xf32, #tpu.memory_space<vmem>> -> memref<128x128xf32, #tpu.memory_space<vmem>>
        %dma_start3A_409 = arith.constant 0 : i32
        %dma_start3A_410 = tpu.memref_slice %arg7[%select_n3A_387, %select_n3A_403, %dma_start3A_409] : memref<2x8x128xi32, #tpu.memory_space<vmem>> -> memref<1x1x128xi32, #tpu.memory_space<vmem>>
        %dma_start3A_411 = tpu.memref_squeeze %dma_start3A_410 : memref<1x1x128xi32, #tpu.memory_space<vmem>> -> memref<128xi32, #tpu.memory_space<vmem>>
        %dma_start3A_412 = arith.constant 0 : i32
        %dma_start3A_413 = arith.constant 0 : i32
        %dma_start3A_414 = tpu.memref_slice %arg9[%dma_start3A_412, %dma_start3A_413] : memref<10240x128xf32, #tpu.memory_space<vmem_shared>> -> memref<10240x128xf32, #tpu.memory_space<vmem_shared>>
        tpu.enqueue_indirect_dma source(%dma_start3A_408 : memref<128x128xf32, #tpu.memory_space<vmem>>) target(%dma_start3A_414 : memref<10240x128xf32, #tpu.memory_space<vmem_shared>>) offsets(%dma_start3A_411 : memref<128xi32, #tpu.memory_space<vmem>>) semaphore(%arg11 : memref<!tpu.dma_semaphore, #tpu.memory_space<semaphore_mem>>) {add = true}
      }
      %scan3A_120 = arith.constant 76 : i32
      %dma_wait3A_121 = arith.constant 1 : i32
      %dma_wait3A_122 = arith.constant 0 : i32
      %dma_wait3A_123 = arith.constant 0 : i32
      %dma_wait3A_124 = arith.constant 0 : i32
      %dma_wait3A_125 = arith.constant 0 : i32
      %dma_wait3A_126 = tpu.memref_slice %arg8[%dma_wait3A_121, %dma_wait3A_124, %dma_wait3A_125] : memref<2x128x128xf32, #tpu.memory_space<vmem>> -> memref<1x128x128xf32, #tpu.memory_space<vmem>>
      %dma_wait3A_127 = tpu.memref_squeeze %dma_wait3A_126 : memref<1x128x128xf32, #tpu.memory_space<vmem>> -> memref<128x128xf32, #tpu.memory_space<vmem>>
      %dma_wait3A_128 = arith.constant 0 : i32
      %dma_wait3A_129 = tpu.memref_slice %arg7[%dma_wait3A_122, %dma_wait3A_123, %dma_wait3A_128] : memref<2x8x128xi32, #tpu.memory_space<vmem>> -> memref<1x1x128xi32, #tpu.memory_space<vmem>>
      %dma_wait3A_130 = tpu.memref_squeeze %dma_wait3A_129 : memref<1x1x128xi32, #tpu.memory_space<vmem>> -> memref<128xi32, #tpu.memory_space<vmem>>
      %dma_wait3A_131 = arith.constant 0 : i32
      %dma_wait3A_132 = arith.constant 0 : i32
      %dma_wait3A_133 = tpu.memref_slice %arg9[%dma_wait3A_131, %dma_wait3A_132] : memref<10240x128xf32, #tpu.memory_space<vmem_shared>> -> memref<10240x128xf32, #tpu.memory_space<vmem_shared>>
      tpu.wait_indirect_dma semaphore(%arg11 : memref<!tpu.dma_semaphore, #tpu.memory_space<semaphore_mem>>) src(%dma_wait3A_127 : memref<128x128xf32, #tpu.memory_space<vmem>>) dst(%dma_wait3A_133 : memref<10240x128xf32, #tpu.memory_space<vmem_shared>>)
    } else {
    }
    %eq3A_36 = arith.constant 1 : i32
    %eq3A_37 = arith.cmpi eq, %arg0, %eq3A_36 : i32
    %convert_element_type3A_38 = arith.extui %eq3A_37 : i1 to i32
    %cond3A_39 = arith.constant 0 : i32
    %cond3A_40 = arith.cmpi ne, %convert_element_type3A_38, %cond3A_39 : i32
    scf.if %cond3A_40 {
      %mul3A_44 = arith.constant 8 : i32
      %mul3A_45 = arith.muli %arg1, %mul3A_44 : i32
      %add3A_46 = arith.constant 2432 : i32
      %add3A_47 = arith.addi %add3A_46, %mul3A_45 : i32
      %add3A_48 = arith.constant 0 : i32
      %add3A_49 = arith.addi %add3A_47, %add3A_48 : i32
      %dma_start3A = arith.constant 0 : i32
      %dma_start3A_50 = arith.constant 0 : i32
      %dma_start3A_51 = arith.constant 0 : i32
      %dma_start3A_52 = tpu.memref_slice %arg6[%dma_start3A, %dma_start3A_50, %dma_start3A_51] : memref<2x8x128xi32, #tpu.memory_space<vmem>> -> memref<1x8x128xi32, #tpu.memory_space<vmem>>
      %dma_start3A_53 = tpu.memref_squeeze %dma_start3A_52 : memref<1x8x128xi32, #tpu.memory_space<vmem>> -> memref<8x128xi32, #tpu.memory_space<vmem>>
      %dma_start3A_54 = arith.constant 0 : i32
      %dma_start3A_55 = tpu.memref_slice %arg3[%add3A_49, %dma_start3A_54] : memref<2560x128xi32, #tpu.memory_space<hbm>> -> memref<8x128xi32, #tpu.memory_space<hbm>>
      %dma_start3A_56 = arith.constant 0 : i32
      %dma_start3A_57 = arith.constant 0 : i32
      %dma_start3A_58 = tpu.memref_slice %arg6[%dma_start3A, %dma_start3A_56, %dma_start3A_57] : memref<2x8x128xi32, #tpu.memory_space<vmem>> -> memref<1x8x128xi32, #tpu.memory_space<vmem>>
      %dma_start3A_59 = tpu.memref_squeeze %dma_start3A_58 : memref<1x8x128xi32, #tpu.memory_space<vmem>> -> memref<8x128xi32, #tpu.memory_space<vmem>>
      %dma_start3A_60 = arith.constant 0 : i32
      %dma_start3A_61 = tpu.memref_slice %arg3[%add3A_49, %dma_start3A_60] : memref<2560x128xi32, #tpu.memory_space<hbm>> -> memref<8x128xi32, #tpu.memory_space<hbm>>
      tpu.enqueue_dma source(%dma_start3A_61 : memref<8x128xi32, #tpu.memory_space<hbm>>) target(%dma_start3A_59 : memref<8x128xi32, #tpu.memory_space<vmem>>) target_semaphore(%arg12 : memref<!tpu.dma_semaphore, #tpu.memory_space<semaphore_mem>>)
      %dma_start3A_62 = arith.constant 0 : i32
      %dma_start3A_63 = arith.constant 0 : i32
      %dma_start3A_64 = arith.constant 0 : i32
      %dma_start3A_65 = tpu.memref_slice %arg7[%dma_start3A_62, %dma_start3A_63, %dma_start3A_64] : memref<2x8x128xi32, #tpu.memory_space<vmem>> -> memref<1x8x128xi32, #tpu.memory_space<vmem>>
      %dma_start3A_66 = tpu.memref_squeeze %dma_start3A_65 : memref<1x8x128xi32, #tpu.memory_space<vmem>> -> memref<8x128xi32, #tpu.memory_space<vmem>>
      %dma_start3A_67 = arith.constant 0 : i32
      %dma_start3A_68 = tpu.memref_slice %arg4[%add3A_49, %dma_start3A_67] : memref<2560x128xi32, #tpu.memory_space<hbm>> -> memref<8x128xi32, #tpu.memory_space<hbm>>
      %dma_start3A_69 = arith.constant 0 : i32
      %dma_start3A_70 = arith.constant 0 : i32
      %dma_start3A_71 = tpu.memref_slice %arg7[%dma_start3A_62, %dma_start3A_69, %dma_start3A_70] : memref<2x8x128xi32, #tpu.memory_space<vmem>> -> memref<1x8x128xi32, #tpu.memory_space<vmem>>
      %dma_start3A_72 = tpu.memref_squeeze %dma_start3A_71 : memref<1x8x128xi32, #tpu.memory_space<vmem>> -> memref<8x128xi32, #tpu.memory_space<vmem>>
      %dma_start3A_73 = arith.constant 0 : i32
      %dma_start3A_74 = tpu.memref_slice %arg4[%add3A_49, %dma_start3A_73] : memref<2560x128xi32, #tpu.memory_space<hbm>> -> memref<8x128xi32, #tpu.memory_space<hbm>>
      tpu.enqueue_dma source(%dma_start3A_74 : memref<8x128xi32, #tpu.memory_space<hbm>>) target(%dma_start3A_72 : memref<8x128xi32, #tpu.memory_space<vmem>>) target_semaphore(%arg12 : memref<!tpu.dma_semaphore, #tpu.memory_space<semaphore_mem>>)
      %dma_wait3A = arith.constant 0 : i32
      %dma_wait3A_75 = arith.constant 0 : i32
      %dma_wait3A_76 = arith.constant 0 : i32
      %dma_wait3A_77 = tpu.memref_slice %arg6[%dma_wait3A, %dma_wait3A_75, %dma_wait3A_76] : memref<2x8x128xi32, #tpu.memory_space<vmem>> -> memref<1x8x128xi32, #tpu.memory_space<vmem>>
      %dma_wait3A_78 = tpu.memref_squeeze %dma_wait3A_77 : memref<1x8x128xi32, #tpu.memory_space<vmem>> -> memref<8x128xi32, #tpu.memory_space<vmem>>
      %dma_wait3A_79 = arith.constant 0 : i32
      %dma_wait3A_80 = arith.constant 0 : i32
      %dma_wait3A_81 = tpu.memref_slice %arg3[%dma_wait3A_79, %dma_wait3A_80] : memref<2560x128xi32, #tpu.memory_space<hbm>> -> memref<8x128xi32, #tpu.memory_space<hbm>>
      %dma_wait3A_82 = arith.constant 0 : i32
      %dma_wait3A_83 = arith.constant 0 : i32
      %dma_wait3A_84 = tpu.memref_slice %arg6[%dma_wait3A, %dma_wait3A_82, %dma_wait3A_83] : memref<2x8x128xi32, #tpu.memory_space<vmem>> -> memref<1x8x128xi32, #tpu.memory_space<vmem>>
      %dma_wait3A_85 = tpu.memref_squeeze %dma_wait3A_84 : memref<1x8x128xi32, #tpu.memory_space<vmem>> -> memref<8x128xi32, #tpu.memory_space<vmem>>
      %dma_wait3A_86 = arith.constant 0 : i32
      %dma_wait3A_87 = arith.constant 0 : i32
      %dma_wait3A_88 = tpu.memref_slice %arg3[%dma_wait3A_86, %dma_wait3A_87] : memref<2560x128xi32, #tpu.memory_space<hbm>> -> memref<8x128xi32, #tpu.memory_space<hbm>>
      tpu.wait_dma2 semaphore(%arg12 : memref<!tpu.dma_semaphore, #tpu.memory_space<semaphore_mem>>) src(%dma_wait3A_88 : memref<8x128xi32, #tpu.memory_space<hbm>>) dst(%dma_wait3A_85 : memref<8x128xi32, #tpu.memory_space<vmem>>)
      %dma_wait3A_89 = arith.constant 0 : i32
      %dma_wait3A_90 = arith.constant 0 : i32
      %dma_wait3A_91 = arith.constant 0 : i32
      %dma_wait3A_92 = tpu.memref_slice %arg6[%dma_wait3A_89, %dma_wait3A_90, %dma_wait3A_91] : memref<2x8x128xi32, #tpu.memory_space<vmem>> -> memref<1x8x128xi32, #tpu.memory_space<vmem>>
      %dma_wait3A_93 = tpu.memref_squeeze %dma_wait3A_92 : memref<1x8x128xi32, #tpu.memory_space<vmem>> -> memref<8x128xi32, #tpu.memory_space<vmem>>
      %dma_wait3A_94 = arith.constant 0 : i32
      %dma_wait3A_95 = arith.constant 0 : i32
      %dma_wait3A_96 = tpu.memref_slice %arg3[%dma_wait3A_94, %dma_wait3A_95] : memref<2560x128xi32, #tpu.memory_space<hbm>> -> memref<8x128xi32, #tpu.memory_space<hbm>>
      %dma_wait3A_97 = arith.constant 0 : i32
      %dma_wait3A_98 = arith.constant 0 : i32
      %dma_wait3A_99 = tpu.memref_slice %arg6[%dma_wait3A_89, %dma_wait3A_97, %dma_wait3A_98] : memref<2x8x128xi32, #tpu.memory_space<vmem>> -> memref<1x8x128xi32, #tpu.memory_space<vmem>>
      %dma_wait3A_100 = tpu.memref_squeeze %dma_wait3A_99 : memref<1x8x128xi32, #tpu.memory_space<vmem>> -> memref<8x128xi32, #tpu.memory_space<vmem>>
      %dma_wait3A_101 = arith.constant 0 : i32
      %dma_wait3A_102 = arith.constant 0 : i32
      %dma_wait3A_103 = tpu.memref_slice %arg3[%dma_wait3A_101, %dma_wait3A_102] : memref<2560x128xi32, #tpu.memory_space<hbm>> -> memref<8x128xi32, #tpu.memory_space<hbm>>
      tpu.wait_dma2 semaphore(%arg12 : memref<!tpu.dma_semaphore, #tpu.memory_space<semaphore_mem>>) src(%dma_wait3A_103 : memref<8x128xi32, #tpu.memory_space<hbm>>) dst(%dma_wait3A_100 : memref<8x128xi32, #tpu.memory_space<vmem>>)
      %dma_start3A_104 = arith.constant 0 : i32
      %dma_start3A_105 = arith.constant 0 : i32
      %dma_start3A_106 = arith.constant 0 : i32
      %dma_start3A_107 = arith.constant 0 : i32
      %dma_start3A_108 = arith.constant 0 : i32
      %dma_start3A_109 = tpu.memref_slice %arg8[%dma_start3A_106, %dma_start3A_107, %dma_start3A_108] : memref<2x128x128xf32, #tpu.memory_space<vmem>> -> memref<1x128x128xf32, #tpu.memory_space<vmem>>
      %dma_start3A_110 = tpu.memref_squeeze %dma_start3A_109 : memref<1x128x128xf32, #tpu.memory_space<vmem>> -> memref<128x128xf32, #tpu.memory_space<vmem>>
      %dma_start3A_111 = arith.constant 0 : i32
      %dma_start3A_112 = tpu.memref_slice %arg6[%dma_start3A_104, %dma_start3A_105, %dma_start3A_111] : memref<2x8x128xi32, #tpu.memory_space<vmem>> -> memref<1x1x128xi32, #tpu.memory_space<vmem>>
      %dma_start3A_113 = tpu.memref_squeeze %dma_start3A_112 : memref<1x1x128xi32, #tpu.memory_space<vmem>> -> memref<128xi32, #tpu.memory_space<vmem>>
      %dma_start3A_114 = arith.constant 0 : i32
      %dma_start3A_115 = arith.constant 0 : i32
      %dma_start3A_116 = tpu.memref_slice %arg2[%dma_start3A_114, %dma_start3A_115] : memref<10240x128xf32, #tpu.memory_space<hbm>> -> memref<10240x128xf32, #tpu.memory_space<hbm>>
      tpu.enqueue_indirect_dma source(%dma_start3A_116 : memref<10240x128xf32, #tpu.memory_space<hbm>>) target(%dma_start3A_110 : memref<128x128xf32, #tpu.memory_space<vmem>>) offsets(%dma_start3A_113 : memref<128xi32, #tpu.memory_space<vmem>>) semaphore(%arg10 : memref<!tpu.dma_semaphore, #tpu.memory_space<semaphore_mem>>)
      %scan3A_117 = arith.constant 0 : i32
      %scan3A_118 = arith.constant 0 : i32
      %scan3A_119 = arith.constant 4 : i32
      %scan3A_120 = arith.addi %scan3A_118, %scan3A_119 : i32
      %scan3A_121 = arith.constant 1 : i32
      scf.for %scan3A_136 = %scan3A_118 to %scan3A_120 step %scan3A_121  : i32 {
        %mul3A_137 = arith.constant 2 : i32
        %mul3A_138 = arith.muli %mul3A_137, %scan3A_136 : i32
        %jit3A = arith.constant 8 : i32
        %div3A = arith.divsi %mul3A_138, %jit3A : i32
        %sign3A = arith.constant 0 : i32
        %sign3A_139 = arith.cmpi sgt, %mul3A_138, %sign3A : i32
        %sign3A_140 = arith.extui %sign3A_139 : i1 to i32
        %sign3A_141 = arith.constant 0 : i32
        %sign3A_142 = arith.cmpi slt, %mul3A_138, %sign3A_141 : i32
        %sign3A_143 = arith.extui %sign3A_142 : i1 to i32
        %sign3A_144 = arith.subi %sign3A_140, %sign3A_143 : i32
        %sign3A_145 = arith.constant 0 : i32
        %sign3A_146 = arith.cmpi sgt, %jit3A, %sign3A_145 : i32
        %sign3A_147 = arith.extui %sign3A_146 : i1 to i32
        %sign3A_148 = arith.constant 0 : i32
        %sign3A_149 = arith.cmpi slt, %jit3A, %sign3A_148 : i32
        %sign3A_150 = arith.extui %sign3A_149 : i1 to i32
        %sign3A_151 = arith.subi %sign3A_147, %sign3A_150 : i32
        %ne3A = arith.cmpi ne, %sign3A_144, %sign3A_151 : i32
        %rem3A = arith.remsi %mul3A_138, %jit3A : i32
        %ne3A_152 = arith.constant 0 : i32
        %ne3A_153 = arith.cmpi ne, %rem3A, %ne3A_152 : i32
        %and3A = arith.andi %ne3A, %ne3A_153 : i1
        %sub3A = arith.constant 1 : i32
        %sub3A_154 = arith.subi %div3A, %sub3A : i32
        %select_n3A = arith.select %and3A, %sub3A_154, %div3A : i32
        %jit3A_155 = arith.constant 8 : i32
        %eq3A_156 = arith.constant 0 : i32
        %eq3A_157 = arith.cmpi eq, %jit3A_155, %eq3A_156 : i32
        %jit3A_158 = arith.constant 1 : i32
        %select_n3A_159 = arith.select %eq3A_157, %jit3A_158, %jit3A_155 : i32
        %rem3A_160 = arith.remsi %mul3A_138, %select_n3A_159 : i32
        %ne3A_161 = arith.constant 0 : i32
        %ne3A_162 = arith.cmpi ne, %rem3A_160, %ne3A_161 : i32
        %lt3A = arith.constant 0 : i32
        %lt3A_163 = arith.cmpi slt, %rem3A_160, %lt3A : i32
        %lt3A_164 = arith.constant 0 : i32
        %lt3A_165 = arith.cmpi slt, %select_n3A_159, %lt3A_164 : i32
        %ne3A_166 = arith.xori %lt3A_163, %lt3A_165 : i1
        %and3A_167 = arith.andi %ne3A_166, %ne3A_162 : i1
        %add3A_168 = arith.addi %rem3A_160, %select_n3A_159 : i32
        %select_n3A_169 = arith.select %and3A_167, %add3A_168, %rem3A_160 : i32
        %dma_wait3A_170 = arith.constant 0 : i32
        %dma_wait3A_171 = arith.constant 0 : i32
        %dma_wait3A_172 = arith.constant 0 : i32
        %dma_wait3A_173 = arith.constant 0 : i32
        %dma_wait3A_174 = arith.constant 0 : i32
        %dma_wait3A_175 = tpu.memref_slice %arg8[%dma_wait3A_172, %dma_wait3A_173, %dma_wait3A_174] : memref<2x128x128xf32, #tpu.memory_space<vmem>> -> memref<1x128x128xf32, #tpu.memory_space<vmem>>
        %dma_wait3A_176 = tpu.memref_squeeze %dma_wait3A_175 : memref<1x128x128xf32, #tpu.memory_space<vmem>> -> memref<128x128xf32, #tpu.memory_space<vmem>>
        %dma_wait3A_177 = arith.constant 0 : i32
        %dma_wait3A_178 = tpu.memref_slice %arg6[%dma_wait3A_170, %dma_wait3A_171, %dma_wait3A_177] : memref<2x8x128xi32, #tpu.memory_space<vmem>> -> memref<1x1x128xi32, #tpu.memory_space<vmem>>
        %dma_wait3A_179 = tpu.memref_squeeze %dma_wait3A_178 : memref<1x1x128xi32, #tpu.memory_space<vmem>> -> memref<128xi32, #tpu.memory_space<vmem>>
        %dma_wait3A_180 = arith.constant 0 : i32
        %dma_wait3A_181 = arith.constant 0 : i32
        %dma_wait3A_182 = tpu.memref_slice %arg2[%dma_wait3A_180, %dma_wait3A_181] : memref<10240x128xf32, #tpu.memory_space<hbm>> -> memref<10240x128xf32, #tpu.memory_space<hbm>>
        tpu.wait_indirect_dma semaphore(%arg10 : memref<!tpu.dma_semaphore, #tpu.memory_space<semaphore_mem>>) src(%dma_wait3A_182 : memref<10240x128xf32, #tpu.memory_space<hbm>>) dst(%dma_wait3A_176 : memref<128x128xf32, #tpu.memory_space<vmem>>)
        %gt3A = arith.constant 0 : i32
        %gt3A_183 = arith.cmpi sgt, %mul3A_138, %gt3A : i32
        %convert_element_type3A_184 = arith.extui %gt3A_183 : i1 to i32
        %cond3A_185 = arith.constant 0 : i32
        %cond3A_186 = arith.cmpi ne, %convert_element_type3A_184, %cond3A_185 : i32
        scf.if %cond3A_186 {
          %dma_wait3A_417 = arith.constant 1 : i32
          %dma_wait3A_418 = arith.constant 0 : i32
          %dma_wait3A_419 = arith.constant 0 : i32
          %dma_wait3A_420 = arith.constant 0 : i32
          %dma_wait3A_421 = arith.constant 0 : i32
          %dma_wait3A_422 = tpu.memref_slice %arg8[%dma_wait3A_417, %dma_wait3A_420, %dma_wait3A_421] : memref<2x128x128xf32, #tpu.memory_space<vmem>> -> memref<1x128x128xf32, #tpu.memory_space<vmem>>
          %dma_wait3A_423 = tpu.memref_squeeze %dma_wait3A_422 : memref<1x128x128xf32, #tpu.memory_space<vmem>> -> memref<128x128xf32, #tpu.memory_space<vmem>>
          %dma_wait3A_424 = arith.constant 0 : i32
          %dma_wait3A_425 = tpu.memref_slice %arg7[%dma_wait3A_418, %dma_wait3A_419, %dma_wait3A_424] : memref<2x8x128xi32, #tpu.memory_space<vmem>> -> memref<1x1x128xi32, #tpu.memory_space<vmem>>
          %dma_wait3A_426 = tpu.memref_squeeze %dma_wait3A_425 : memref<1x1x128xi32, #tpu.memory_space<vmem>> -> memref<128xi32, #tpu.memory_space<vmem>>
          %dma_wait3A_427 = arith.constant 0 : i32
          %dma_wait3A_428 = arith.constant 0 : i32
          %dma_wait3A_429 = tpu.memref_slice %arg9[%dma_wait3A_427, %dma_wait3A_428] : memref<10240x128xf32, #tpu.memory_space<vmem_shared>> -> memref<10240x128xf32, #tpu.memory_space<vmem_shared>>
          tpu.wait_indirect_dma semaphore(%arg11 : memref<!tpu.dma_semaphore, #tpu.memory_space<semaphore_mem>>) src(%dma_wait3A_423 : memref<128x128xf32, #tpu.memory_space<vmem>>) dst(%dma_wait3A_429 : memref<10240x128xf32, #tpu.memory_space<vmem_shared>>)
        } else {
        }
        %eq3A_187 = arith.constant 2 : i32
        %eq3A_188 = arith.cmpi eq, %select_n3A_169, %eq3A_187 : i32
        %add3A_189 = arith.constant 1 : i32
        %add3A_190 = arith.addi %select_n3A, %add3A_189 : i32
        %lt3A_191 = arith.constant 1 : i32
        %lt3A_192 = arith.cmpi slt, %add3A_190, %lt3A_191 : i32
        %and3A_193 = arith.andi %eq3A_188, %lt3A_192 : i1
        %convert_element_type3A_194 = arith.extui %and3A_193 : i1 to i32
        %cond3A_195 = arith.constant 0 : i32
        %cond3A_196 = arith.cmpi ne, %convert_element_type3A_194, %cond3A_195 : i32
        scf.if %cond3A_196 {
          %add3A_417 = arith.constant 1 : i32
          %add3A_418 = arith.addi %select_n3A, %add3A_417 : i32
          %add3A_419 = arith.constant 1 : i32
          %add3A_420 = arith.addi %select_n3A, %add3A_419 : i32
          %jit3A_421 = arith.constant 2 : i32
          %eq3A_422 = arith.constant 0 : i32
          %eq3A_423 = arith.cmpi eq, %jit3A_421, %eq3A_422 : i32
          %jit3A_424 = arith.constant 1 : i32
          %select_n3A_425 = arith.select %eq3A_423, %jit3A_424, %jit3A_421 : i32
          %rem3A_426 = arith.remsi %add3A_420, %select_n3A_425 : i32
          %ne3A_427 = arith.constant 0 : i32
          %ne3A_428 = arith.cmpi ne, %rem3A_426, %ne3A_427 : i32
          %lt3A_429 = arith.constant 0 : i32
          %lt3A_430 = arith.cmpi slt, %rem3A_426, %lt3A_429 : i32
          %lt3A_431 = arith.constant 0 : i32
          %lt3A_432 = arith.cmpi slt, %select_n3A_425, %lt3A_431 : i32
          %ne3A_433 = arith.xori %lt3A_430, %lt3A_432 : i1
          %and3A_434 = arith.andi %ne3A_433, %ne3A_428 : i1
          %add3A_435 = arith.addi %rem3A_426, %select_n3A_425 : i32
          %select_n3A_436 = arith.select %and3A_434, %add3A_435, %rem3A_426 : i32
          %mul3A_437 = arith.constant 8 : i32
          %mul3A_438 = arith.muli %add3A_418, %mul3A_437 : i32
          %add3A_439 = arith.addi %add3A_47, %mul3A_438 : i32
          %dma_start3A_440 = arith.constant 0 : i32
          %dma_start3A_441 = arith.constant 0 : i32
          %dma_start3A_442 = tpu.memref_slice %arg6[%select_n3A_436, %dma_start3A_440, %dma_start3A_441] : memref<2x8x128xi32, #tpu.memory_space<vmem>> -> memref<1x8x128xi32, #tpu.memory_space<vmem>>
          %dma_start3A_443 = tpu.memref_squeeze %dma_start3A_442 : memref<1x8x128xi32, #tpu.memory_space<vmem>> -> memref<8x128xi32, #tpu.memory_space<vmem>>
          %dma_start3A_444 = arith.constant 0 : i32
          %dma_start3A_445 = tpu.memref_slice %arg3[%add3A_439, %dma_start3A_444] : memref<2560x128xi32, #tpu.memory_space<hbm>> -> memref<8x128xi32, #tpu.memory_space<hbm>>
          %dma_start3A_446 = arith.constant 0 : i32
          %dma_start3A_447 = arith.constant 0 : i32
          %dma_start3A_448 = tpu.memref_slice %arg6[%select_n3A_436, %dma_start3A_446, %dma_start3A_447] : memref<2x8x128xi32, #tpu.memory_space<vmem>> -> memref<1x8x128xi32, #tpu.memory_space<vmem>>
          %dma_start3A_449 = tpu.memref_squeeze %dma_start3A_448 : memref<1x8x128xi32, #tpu.memory_space<vmem>> -> memref<8x128xi32, #tpu.memory_space<vmem>>
          %dma_start3A_450 = arith.constant 0 : i32
          %dma_start3A_451 = tpu.memref_slice %arg3[%add3A_439, %dma_start3A_450] : memref<2560x128xi32, #tpu.memory_space<hbm>> -> memref<8x128xi32, #tpu.memory_space<hbm>>
          tpu.enqueue_dma source(%dma_start3A_451 : memref<8x128xi32, #tpu.memory_space<hbm>>) target(%dma_start3A_449 : memref<8x128xi32, #tpu.memory_space<vmem>>) target_semaphore(%arg12 : memref<!tpu.dma_semaphore, #tpu.memory_space<semaphore_mem>>)
          %dma_start3A_452 = arith.constant 0 : i32
          %dma_start3A_453 = arith.constant 0 : i32
          %dma_start3A_454 = tpu.memref_slice %arg7[%select_n3A_436, %dma_start3A_452, %dma_start3A_453] : memref<2x8x128xi32, #tpu.memory_space<vmem>> -> memref<1x8x128xi32, #tpu.memory_space<vmem>>
          %dma_start3A_455 = tpu.memref_squeeze %dma_start3A_454 : memref<1x8x128xi32, #tpu.memory_space<vmem>> -> memref<8x128xi32, #tpu.memory_space<vmem>>
          %dma_start3A_456 = arith.constant 0 : i32
          %dma_start3A_457 = tpu.memref_slice %arg4[%add3A_439, %dma_start3A_456] : memref<2560x128xi32, #tpu.memory_space<hbm>> -> memref<8x128xi32, #tpu.memory_space<hbm>>
          %dma_start3A_458 = arith.constant 0 : i32
          %dma_start3A_459 = arith.constant 0 : i32
          %dma_start3A_460 = tpu.memref_slice %arg7[%select_n3A_436, %dma_start3A_458, %dma_start3A_459] : memref<2x8x128xi32, #tpu.memory_space<vmem>> -> memref<1x8x128xi32, #tpu.memory_space<vmem>>
          %dma_start3A_461 = tpu.memref_squeeze %dma_start3A_460 : memref<1x8x128xi32, #tpu.memory_space<vmem>> -> memref<8x128xi32, #tpu.memory_space<vmem>>
          %dma_start3A_462 = arith.constant 0 : i32
          %dma_start3A_463 = tpu.memref_slice %arg4[%add3A_439, %dma_start3A_462] : memref<2560x128xi32, #tpu.memory_space<hbm>> -> memref<8x128xi32, #tpu.memory_space<hbm>>
          tpu.enqueue_dma source(%dma_start3A_463 : memref<8x128xi32, #tpu.memory_space<hbm>>) target(%dma_start3A_461 : memref<8x128xi32, #tpu.memory_space<vmem>>) target_semaphore(%arg12 : memref<!tpu.dma_semaphore, #tpu.memory_space<semaphore_mem>>)
        } else {
        }
        %add3A_197 = arith.constant 1 : i32
        %add3A_198 = arith.addi %mul3A_138, %add3A_197 : i32
        %lt3A_199 = arith.constant 8 : i32
        %lt3A_200 = arith.cmpi slt, %add3A_198, %lt3A_199 : i32
        %convert_element_type3A_201 = arith.extui %lt3A_200 : i1 to i32
        %cond3A_202 = arith.constant 0 : i32
        %cond3A_203 = arith.cmpi ne, %convert_element_type3A_201, %cond3A_202 : i32
        scf.if %cond3A_203 {
          %eq3A_417 = arith.constant 7 : i32
          %eq3A_418 = arith.cmpi eq, %select_n3A_169, %eq3A_417 : i32
          %convert_element_type3A_419 = arith.extui %eq3A_418 : i1 to i32
          %cond3A_420 = arith.constant 0 : i32
          %cond3A_421 = arith.cmpi ne, %convert_element_type3A_419, %cond3A_420 : i32
          scf.if %cond3A_421 {
            %dma_wait3A_491 = arith.constant 0 : i32
            %dma_wait3A_492 = arith.constant 0 : i32
            %dma_wait3A_493 = arith.constant 0 : i32
            %dma_wait3A_494 = tpu.memref_slice %arg6[%dma_wait3A_491, %dma_wait3A_492, %dma_wait3A_493] : memref<2x8x128xi32, #tpu.memory_space<vmem>> -> memref<1x8x128xi32, #tpu.memory_space<vmem>>
            %dma_wait3A_495 = tpu.memref_squeeze %dma_wait3A_494 : memref<1x8x128xi32, #tpu.memory_space<vmem>> -> memref<8x128xi32, #tpu.memory_space<vmem>>
            %dma_wait3A_496 = arith.constant 0 : i32
            %dma_wait3A_497 = arith.constant 0 : i32
            %dma_wait3A_498 = tpu.memref_slice %arg3[%dma_wait3A_496, %dma_wait3A_497] : memref<2560x128xi32, #tpu.memory_space<hbm>> -> memref<8x128xi32, #tpu.memory_space<hbm>>
            %dma_wait3A_499 = arith.constant 0 : i32
            %dma_wait3A_500 = arith.constant 0 : i32
            %dma_wait3A_501 = tpu.memref_slice %arg6[%dma_wait3A_491, %dma_wait3A_499, %dma_wait3A_500] : memref<2x8x128xi32, #tpu.memory_space<vmem>> -> memref<1x8x128xi32, #tpu.memory_space<vmem>>
            %dma_wait3A_502 = tpu.memref_squeeze %dma_wait3A_501 : memref<1x8x128xi32, #tpu.memory_space<vmem>> -> memref<8x128xi32, #tpu.memory_space<vmem>>
            %dma_wait3A_503 = arith.constant 0 : i32
            %dma_wait3A_504 = arith.constant 0 : i32
            %dma_wait3A_505 = tpu.memref_slice %arg3[%dma_wait3A_503, %dma_wait3A_504] : memref<2560x128xi32, #tpu.memory_space<hbm>> -> memref<8x128xi32, #tpu.memory_space<hbm>>
            tpu.wait_dma2 semaphore(%arg12 : memref<!tpu.dma_semaphore, #tpu.memory_space<semaphore_mem>>) src(%dma_wait3A_505 : memref<8x128xi32, #tpu.memory_space<hbm>>) dst(%dma_wait3A_502 : memref<8x128xi32, #tpu.memory_space<vmem>>)
            %dma_wait3A_506 = arith.constant 0 : i32
            %dma_wait3A_507 = arith.constant 0 : i32
            %dma_wait3A_508 = arith.constant 0 : i32
            %dma_wait3A_509 = tpu.memref_slice %arg6[%dma_wait3A_506, %dma_wait3A_507, %dma_wait3A_508] : memref<2x8x128xi32, #tpu.memory_space<vmem>> -> memref<1x8x128xi32, #tpu.memory_space<vmem>>
            %dma_wait3A_510 = tpu.memref_squeeze %dma_wait3A_509 : memref<1x8x128xi32, #tpu.memory_space<vmem>> -> memref<8x128xi32, #tpu.memory_space<vmem>>
            %dma_wait3A_511 = arith.constant 0 : i32
            %dma_wait3A_512 = arith.constant 0 : i32
            %dma_wait3A_513 = tpu.memref_slice %arg3[%dma_wait3A_511, %dma_wait3A_512] : memref<2560x128xi32, #tpu.memory_space<hbm>> -> memref<8x128xi32, #tpu.memory_space<hbm>>
            %dma_wait3A_514 = arith.constant 0 : i32
            %dma_wait3A_515 = arith.constant 0 : i32
            %dma_wait3A_516 = tpu.memref_slice %arg6[%dma_wait3A_506, %dma_wait3A_514, %dma_wait3A_515] : memref<2x8x128xi32, #tpu.memory_space<vmem>> -> memref<1x8x128xi32, #tpu.memory_space<vmem>>
            %dma_wait3A_517 = tpu.memref_squeeze %dma_wait3A_516 : memref<1x8x128xi32, #tpu.memory_space<vmem>> -> memref<8x128xi32, #tpu.memory_space<vmem>>
            %dma_wait3A_518 = arith.constant 0 : i32
            %dma_wait3A_519 = arith.constant 0 : i32
            %dma_wait3A_520 = tpu.memref_slice %arg3[%dma_wait3A_518, %dma_wait3A_519] : memref<2560x128xi32, #tpu.memory_space<hbm>> -> memref<8x128xi32, #tpu.memory_space<hbm>>
            tpu.wait_dma2 semaphore(%arg12 : memref<!tpu.dma_semaphore, #tpu.memory_space<semaphore_mem>>) src(%dma_wait3A_520 : memref<8x128xi32, #tpu.memory_space<hbm>>) dst(%dma_wait3A_517 : memref<8x128xi32, #tpu.memory_space<vmem>>)
          } else {
          }
          %add3A_422 = arith.constant 1 : i32
          %add3A_423 = arith.addi %mul3A_138, %add3A_422 : i32
          %jit3A_424 = arith.constant 8 : i32
          %div3A_425 = arith.divsi %add3A_423, %jit3A_424 : i32
          %sign3A_426 = arith.constant 0 : i32
          %sign3A_427 = arith.cmpi sgt, %add3A_423, %sign3A_426 : i32
          %sign3A_428 = arith.extui %sign3A_427 : i1 to i32
          %sign3A_429 = arith.constant 0 : i32
          %sign3A_430 = arith.cmpi slt, %add3A_423, %sign3A_429 : i32
          %sign3A_431 = arith.extui %sign3A_430 : i1 to i32
          %sign3A_432 = arith.subi %sign3A_428, %sign3A_431 : i32
          %sign3A_433 = arith.constant 0 : i32
          %sign3A_434 = arith.cmpi sgt, %jit3A_424, %sign3A_433 : i32
          %sign3A_435 = arith.extui %sign3A_434 : i1 to i32
          %sign3A_436 = arith.constant 0 : i32
          %sign3A_437 = arith.cmpi slt, %jit3A_424, %sign3A_436 : i32
          %sign3A_438 = arith.extui %sign3A_437 : i1 to i32
          %sign3A_439 = arith.subi %sign3A_435, %sign3A_438 : i32
          %ne3A_440 = arith.cmpi ne, %sign3A_432, %sign3A_439 : i32
          %rem3A_441 = arith.remsi %add3A_423, %jit3A_424 : i32
          %ne3A_442 = arith.constant 0 : i32
          %ne3A_443 = arith.cmpi ne, %rem3A_441, %ne3A_442 : i32
          %and3A_444 = arith.andi %ne3A_440, %ne3A_443 : i1
          %sub3A_445 = arith.constant 1 : i32
          %sub3A_446 = arith.subi %div3A_425, %sub3A_445 : i32
          %select_n3A_447 = arith.select %and3A_444, %sub3A_446, %div3A_425 : i32
          %jit3A_448 = arith.constant 2 : i32
          %eq3A_449 = arith.constant 0 : i32
          %eq3A_450 = arith.cmpi eq, %jit3A_448, %eq3A_449 : i32
          %jit3A_451 = arith.constant 1 : i32
          %select_n3A_452 = arith.select %eq3A_450, %jit3A_451, %jit3A_448 : i32
          %rem3A_453 = arith.remsi %select_n3A_447, %select_n3A_452 : i32
          %ne3A_454 = arith.constant 0 : i32
          %ne3A_455 = arith.cmpi ne, %rem3A_453, %ne3A_454 : i32
          %lt3A_456 = arith.constant 0 : i32
          %lt3A_457 = arith.cmpi slt, %rem3A_453, %lt3A_456 : i32
          %lt3A_458 = arith.constant 0 : i32
          %lt3A_459 = arith.cmpi slt, %select_n3A_452, %lt3A_458 : i32
          %ne3A_460 = arith.xori %lt3A_457, %lt3A_459 : i1
          %and3A_461 = arith.andi %ne3A_460, %ne3A_455 : i1
          %add3A_462 = arith.addi %rem3A_453, %select_n3A_452 : i32
          %select_n3A_463 = arith.select %and3A_461, %add3A_462, %rem3A_453 : i32
          %jit3A_464 = arith.constant 8 : i32
          %eq3A_465 = arith.constant 0 : i32
          %eq3A_466 = arith.cmpi eq, %jit3A_464, %eq3A_465 : i32
          %jit3A_467 = arith.constant 1 : i32
          %select_n3A_468 = arith.select %eq3A_466, %jit3A_467, %jit3A_464 : i32
          %rem3A_469 = arith.remsi %add3A_423, %select_n3A_468 : i32
          %ne3A_470 = arith.constant 0 : i32
          %ne3A_471 = arith.cmpi ne, %rem3A_469, %ne3A_470 : i32
          %lt3A_472 = arith.constant 0 : i32
          %lt3A_473 = arith.cmpi slt, %rem3A_469, %lt3A_472 : i32
          %lt3A_474 = arith.constant 0 : i32
          %lt3A_475 = arith.cmpi slt, %select_n3A_468, %lt3A_474 : i32
          %ne3A_476 = arith.xori %lt3A_473, %lt3A_475 : i1
          %and3A_477 = arith.andi %ne3A_476, %ne3A_471 : i1
          %add3A_478 = arith.addi %rem3A_469, %select_n3A_468 : i32
          %select_n3A_479 = arith.select %and3A_477, %add3A_478, %rem3A_469 : i32
          %dma_start3A_480 = arith.constant 1 : i32
          %dma_start3A_481 = arith.constant 0 : i32
          %dma_start3A_482 = arith.constant 0 : i32
          %dma_start3A_483 = tpu.memref_slice %arg8[%dma_start3A_480, %dma_start3A_481, %dma_start3A_482] : memref<2x128x128xf32, #tpu.memory_space<vmem>> -> memref<1x128x128xf32, #tpu.memory_space<vmem>>
          %dma_start3A_484 = tpu.memref_squeeze %dma_start3A_483 : memref<1x128x128xf32, #tpu.memory_space<vmem>> -> memref<128x128xf32, #tpu.memory_space<vmem>>
          %dma_start3A_485 = arith.constant 0 : i32
          %dma_start3A_486 = tpu.memref_slice %arg6[%select_n3A_463, %select_n3A_479, %dma_start3A_485] : memref<2x8x128xi32, #tpu.memory_space<vmem>> -> memref<1x1x128xi32, #tpu.memory_space<vmem>>
          %dma_start3A_487 = tpu.memref_squeeze %dma_start3A_486 : memref<1x1x128xi32, #tpu.memory_space<vmem>> -> memref<128xi32, #tpu.memory_space<vmem>>
          %dma_start3A_488 = arith.constant 0 : i32
          %dma_start3A_489 = arith.constant 0 : i32
          %dma_start3A_490 = tpu.memref_slice %arg2[%dma_start3A_488, %dma_start3A_489] : memref<10240x128xf32, #tpu.memory_space<hbm>> -> memref<10240x128xf32, #tpu.memory_space<hbm>>
          tpu.enqueue_indirect_dma source(%dma_start3A_490 : memref<10240x128xf32, #tpu.memory_space<hbm>>) target(%dma_start3A_484 : memref<128x128xf32, #tpu.memory_space<vmem>>) offsets(%dma_start3A_487 : memref<128xi32, #tpu.memory_space<vmem>>) semaphore(%arg10 : memref<!tpu.dma_semaphore, #tpu.memory_space<semaphore_mem>>)
        } else {
        }
        %jit3A_204 = arith.constant 8 : i32
        %div3A_205 = arith.divsi %mul3A_138, %jit3A_204 : i32
        %sign3A_206 = arith.constant 0 : i32
        %sign3A_207 = arith.cmpi sgt, %mul3A_138, %sign3A_206 : i32
        %sign3A_208 = arith.extui %sign3A_207 : i1 to i32
        %sign3A_209 = arith.constant 0 : i32
        %sign3A_210 = arith.cmpi slt, %mul3A_138, %sign3A_209 : i32
        %sign3A_211 = arith.extui %sign3A_210 : i1 to i32
        %sign3A_212 = arith.subi %sign3A_208, %sign3A_211 : i32
        %sign3A_213 = arith.constant 0 : i32
        %sign3A_214 = arith.cmpi sgt, %jit3A_204, %sign3A_213 : i32
        %sign3A_215 = arith.extui %sign3A_214 : i1 to i32
        %sign3A_216 = arith.constant 0 : i32
        %sign3A_217 = arith.cmpi slt, %jit3A_204, %sign3A_216 : i32
        %sign3A_218 = arith.extui %sign3A_217 : i1 to i32
        %sign3A_219 = arith.subi %sign3A_215, %sign3A_218 : i32
        %ne3A_220 = arith.cmpi ne, %sign3A_212, %sign3A_219 : i32
        %rem3A_221 = arith.remsi %mul3A_138, %jit3A_204 : i32
        %ne3A_222 = arith.constant 0 : i32
        %ne3A_223 = arith.cmpi ne, %rem3A_221, %ne3A_222 : i32
        %and3A_224 = arith.andi %ne3A_220, %ne3A_223 : i1
        %sub3A_225 = arith.constant 1 : i32
        %sub3A_226 = arith.subi %div3A_205, %sub3A_225 : i32
        %select_n3A_227 = arith.select %and3A_224, %sub3A_226, %div3A_205 : i32
        %jit3A_228 = arith.constant 2 : i32
        %eq3A_229 = arith.constant 0 : i32
        %eq3A_230 = arith.cmpi eq, %jit3A_228, %eq3A_229 : i32
        %jit3A_231 = arith.constant 1 : i32
        %select_n3A_232 = arith.select %eq3A_230, %jit3A_231, %jit3A_228 : i32
        %rem3A_233 = arith.remsi %select_n3A_227, %select_n3A_232 : i32
        %ne3A_234 = arith.constant 0 : i32
        %ne3A_235 = arith.cmpi ne, %rem3A_233, %ne3A_234 : i32
        %lt3A_236 = arith.constant 0 : i32
        %lt3A_237 = arith.cmpi slt, %rem3A_233, %lt3A_236 : i32
        %lt3A_238 = arith.constant 0 : i32
        %lt3A_239 = arith.cmpi slt, %select_n3A_232, %lt3A_238 : i32
        %ne3A_240 = arith.xori %lt3A_237, %lt3A_239 : i1
        %and3A_241 = arith.andi %ne3A_240, %ne3A_235 : i1
        %add3A_242 = arith.addi %rem3A_233, %select_n3A_232 : i32
        %select_n3A_243 = arith.select %and3A_241, %add3A_242, %rem3A_233 : i32
        %jit3A_244 = arith.constant 8 : i32
        %eq3A_245 = arith.constant 0 : i32
        %eq3A_246 = arith.cmpi eq, %jit3A_244, %eq3A_245 : i32
        %jit3A_247 = arith.constant 1 : i32
        %select_n3A_248 = arith.select %eq3A_246, %jit3A_247, %jit3A_244 : i32
        %rem3A_249 = arith.remsi %mul3A_138, %select_n3A_248 : i32
        %ne3A_250 = arith.constant 0 : i32
        %ne3A_251 = arith.cmpi ne, %rem3A_249, %ne3A_250 : i32
        %lt3A_252 = arith.constant 0 : i32
        %lt3A_253 = arith.cmpi slt, %rem3A_249, %lt3A_252 : i32
        %lt3A_254 = arith.constant 0 : i32
        %lt3A_255 = arith.cmpi slt, %select_n3A_248, %lt3A_254 : i32
        %ne3A_256 = arith.xori %lt3A_253, %lt3A_255 : i1
        %and3A_257 = arith.andi %ne3A_256, %ne3A_251 : i1
        %add3A_258 = arith.addi %rem3A_249, %select_n3A_248 : i32
        %select_n3A_259 = arith.select %and3A_257, %add3A_258, %rem3A_249 : i32
        %dma_start3A_260 = arith.constant 0 : i32
        %dma_start3A_261 = arith.constant 0 : i32
        %dma_start3A_262 = arith.constant 0 : i32
        %dma_start3A_263 = tpu.memref_slice %arg8[%dma_start3A_260, %dma_start3A_261, %dma_start3A_262] : memref<2x128x128xf32, #tpu.memory_space<vmem>> -> memref<1x128x128xf32, #tpu.memory_space<vmem>>
        %dma_start3A_264 = tpu.memref_squeeze %dma_start3A_263 : memref<1x128x128xf32, #tpu.memory_space<vmem>> -> memref<128x128xf32, #tpu.memory_space<vmem>>
        %dma_start3A_265 = arith.constant 0 : i32
        %dma_start3A_266 = tpu.memref_slice %arg7[%select_n3A_243, %select_n3A_259, %dma_start3A_265] : memref<2x8x128xi32, #tpu.memory_space<vmem>> -> memref<1x1x128xi32, #tpu.memory_space<vmem>>
        %dma_start3A_267 = tpu.memref_squeeze %dma_start3A_266 : memref<1x1x128xi32, #tpu.memory_space<vmem>> -> memref<128xi32, #tpu.memory_space<vmem>>
        %dma_start3A_268 = arith.constant 0 : i32
        %dma_start3A_269 = arith.constant 0 : i32
        %dma_start3A_270 = tpu.memref_slice %arg9[%dma_start3A_268, %dma_start3A_269] : memref<10240x128xf32, #tpu.memory_space<vmem_shared>> -> memref<10240x128xf32, #tpu.memory_space<vmem_shared>>
        tpu.enqueue_indirect_dma source(%dma_start3A_264 : memref<128x128xf32, #tpu.memory_space<vmem>>) target(%dma_start3A_270 : memref<10240x128xf32, #tpu.memory_space<vmem_shared>>) offsets(%dma_start3A_267 : memref<128xi32, #tpu.memory_space<vmem>>) semaphore(%arg11 : memref<!tpu.dma_semaphore, #tpu.memory_space<semaphore_mem>>) {add = true}
        %mul3A_271 = arith.constant 2 : i32
        %mul3A_272 = arith.muli %mul3A_271, %scan3A_136 : i32
        %add3A_273 = arith.constant 1 : i32
        %add3A_274 = arith.addi %mul3A_272, %add3A_273 : i32
        %jit3A_275 = arith.constant 8 : i32
        %div3A_276 = arith.divsi %add3A_274, %jit3A_275 : i32
        %sign3A_277 = arith.constant 0 : i32
        %sign3A_278 = arith.cmpi sgt, %add3A_274, %sign3A_277 : i32
        %sign3A_279 = arith.extui %sign3A_278 : i1 to i32
        %sign3A_280 = arith.constant 0 : i32
        %sign3A_281 = arith.cmpi slt, %add3A_274, %sign3A_280 : i32
        %sign3A_282 = arith.extui %sign3A_281 : i1 to i32
        %sign3A_283 = arith.subi %sign3A_279, %sign3A_282 : i32
        %sign3A_284 = arith.constant 0 : i32
        %sign3A_285 = arith.cmpi sgt, %jit3A_275, %sign3A_284 : i32
        %sign3A_286 = arith.extui %sign3A_285 : i1 to i32
        %sign3A_287 = arith.constant 0 : i32
        %sign3A_288 = arith.cmpi slt, %jit3A_275, %sign3A_287 : i32
        %sign3A_289 = arith.extui %sign3A_288 : i1 to i32
        %sign3A_290 = arith.subi %sign3A_286, %sign3A_289 : i32
        %ne3A_291 = arith.cmpi ne, %sign3A_283, %sign3A_290 : i32
        %rem3A_292 = arith.remsi %add3A_274, %jit3A_275 : i32
        %ne3A_293 = arith.constant 0 : i32
        %ne3A_294 = arith.cmpi ne, %rem3A_292, %ne3A_293 : i32
        %and3A_295 = arith.andi %ne3A_291, %ne3A_294 : i1
        %sub3A_296 = arith.constant 1 : i32
        %sub3A_297 = arith.subi %div3A_276, %sub3A_296 : i32
        %select_n3A_298 = arith.select %and3A_295, %sub3A_297, %div3A_276 : i32
        %jit3A_299 = arith.constant 8 : i32
        %eq3A_300 = arith.constant 0 : i32
        %eq3A_301 = arith.cmpi eq, %jit3A_299, %eq3A_300 : i32
        %jit3A_302 = arith.constant 1 : i32
        %select_n3A_303 = arith.select %eq3A_301, %jit3A_302, %jit3A_299 : i32
        %rem3A_304 = arith.remsi %add3A_274, %select_n3A_303 : i32
        %ne3A_305 = arith.constant 0 : i32
        %ne3A_306 = arith.cmpi ne, %rem3A_304, %ne3A_305 : i32
        %lt3A_307 = arith.constant 0 : i32
        %lt3A_308 = arith.cmpi slt, %rem3A_304, %lt3A_307 : i32
        %lt3A_309 = arith.constant 0 : i32
        %lt3A_310 = arith.cmpi slt, %select_n3A_303, %lt3A_309 : i32
        %ne3A_311 = arith.xori %lt3A_308, %lt3A_310 : i1
        %and3A_312 = arith.andi %ne3A_311, %ne3A_306 : i1
        %add3A_313 = arith.addi %rem3A_304, %select_n3A_303 : i32
        %select_n3A_314 = arith.select %and3A_312, %add3A_313, %rem3A_304 : i32
        %dma_wait3A_315 = arith.constant 0 : i32
        %dma_wait3A_316 = arith.constant 0 : i32
        %dma_wait3A_317 = arith.constant 1 : i32
        %dma_wait3A_318 = arith.constant 0 : i32
        %dma_wait3A_319 = arith.constant 0 : i32
        %dma_wait3A_320 = tpu.memref_slice %arg8[%dma_wait3A_317, %dma_wait3A_318, %dma_wait3A_319] : memref<2x128x128xf32, #tpu.memory_space<vmem>> -> memref<1x128x128xf32, #tpu.memory_space<vmem>>
        %dma_wait3A_321 = tpu.memref_squeeze %dma_wait3A_320 : memref<1x128x128xf32, #tpu.memory_space<vmem>> -> memref<128x128xf32, #tpu.memory_space<vmem>>
        %dma_wait3A_322 = arith.constant 0 : i32
        %dma_wait3A_323 = tpu.memref_slice %arg6[%dma_wait3A_315, %dma_wait3A_316, %dma_wait3A_322] : memref<2x8x128xi32, #tpu.memory_space<vmem>> -> memref<1x1x128xi32, #tpu.memory_space<vmem>>
        %dma_wait3A_324 = tpu.memref_squeeze %dma_wait3A_323 : memref<1x1x128xi32, #tpu.memory_space<vmem>> -> memref<128xi32, #tpu.memory_space<vmem>>
        %dma_wait3A_325 = arith.constant 0 : i32
        %dma_wait3A_326 = arith.constant 0 : i32
        %dma_wait3A_327 = tpu.memref_slice %arg2[%dma_wait3A_325, %dma_wait3A_326] : memref<10240x128xf32, #tpu.memory_space<hbm>> -> memref<10240x128xf32, #tpu.memory_space<hbm>>
        tpu.wait_indirect_dma semaphore(%arg10 : memref<!tpu.dma_semaphore, #tpu.memory_space<semaphore_mem>>) src(%dma_wait3A_327 : memref<10240x128xf32, #tpu.memory_space<hbm>>) dst(%dma_wait3A_321 : memref<128x128xf32, #tpu.memory_space<vmem>>)
        %gt3A_328 = arith.constant 0 : i32
        %gt3A_329 = arith.cmpi sgt, %add3A_274, %gt3A_328 : i32
        %convert_element_type3A_330 = arith.extui %gt3A_329 : i1 to i32
        %cond3A_331 = arith.constant 0 : i32
        %cond3A_332 = arith.cmpi ne, %convert_element_type3A_330, %cond3A_331 : i32
        scf.if %cond3A_332 {
          %dma_wait3A_417 = arith.constant 0 : i32
          %dma_wait3A_418 = arith.constant 0 : i32
          %dma_wait3A_419 = arith.constant 0 : i32
          %dma_wait3A_420 = arith.constant 0 : i32
          %dma_wait3A_421 = arith.constant 0 : i32
          %dma_wait3A_422 = tpu.memref_slice %arg8[%dma_wait3A_417, %dma_wait3A_420, %dma_wait3A_421] : memref<2x128x128xf32, #tpu.memory_space<vmem>> -> memref<1x128x128xf32, #tpu.memory_space<vmem>>
          %dma_wait3A_423 = tpu.memref_squeeze %dma_wait3A_422 : memref<1x128x128xf32, #tpu.memory_space<vmem>> -> memref<128x128xf32, #tpu.memory_space<vmem>>
          %dma_wait3A_424 = arith.constant 0 : i32
          %dma_wait3A_425 = tpu.memref_slice %arg7[%dma_wait3A_418, %dma_wait3A_419, %dma_wait3A_424] : memref<2x8x128xi32, #tpu.memory_space<vmem>> -> memref<1x1x128xi32, #tpu.memory_space<vmem>>
          %dma_wait3A_426 = tpu.memref_squeeze %dma_wait3A_425 : memref<1x1x128xi32, #tpu.memory_space<vmem>> -> memref<128xi32, #tpu.memory_space<vmem>>
          %dma_wait3A_427 = arith.constant 0 : i32
          %dma_wait3A_428 = arith.constant 0 : i32
          %dma_wait3A_429 = tpu.memref_slice %arg9[%dma_wait3A_427, %dma_wait3A_428] : memref<10240x128xf32, #tpu.memory_space<vmem_shared>> -> memref<10240x128xf32, #tpu.memory_space<vmem_shared>>
          tpu.wait_indirect_dma semaphore(%arg11 : memref<!tpu.dma_semaphore, #tpu.memory_space<semaphore_mem>>) src(%dma_wait3A_423 : memref<128x128xf32, #tpu.memory_space<vmem>>) dst(%dma_wait3A_429 : memref<10240x128xf32, #tpu.memory_space<vmem_shared>>)
        } else {
        }
        %eq3A_333 = arith.constant 2 : i32
        %eq3A_334 = arith.cmpi eq, %select_n3A_314, %eq3A_333 : i32
        %add3A_335 = arith.constant 1 : i32
        %add3A_336 = arith.addi %select_n3A_298, %add3A_335 : i32
        %lt3A_337 = arith.constant 1 : i32
        %lt3A_338 = arith.cmpi slt, %add3A_336, %lt3A_337 : i32
        %and3A_339 = arith.andi %eq3A_334, %lt3A_338 : i1
        %convert_element_type3A_340 = arith.extui %and3A_339 : i1 to i32
        %cond3A_341 = arith.constant 0 : i32
        %cond3A_342 = arith.cmpi ne, %convert_element_type3A_340, %cond3A_341 : i32
        scf.if %cond3A_342 {
          %add3A_417 = arith.constant 1 : i32
          %add3A_418 = arith.addi %select_n3A_298, %add3A_417 : i32
          %add3A_419 = arith.constant 1 : i32
          %add3A_420 = arith.addi %select_n3A_298, %add3A_419 : i32
          %jit3A_421 = arith.constant 2 : i32
          %eq3A_422 = arith.constant 0 : i32
          %eq3A_423 = arith.cmpi eq, %jit3A_421, %eq3A_422 : i32
          %jit3A_424 = arith.constant 1 : i32
          %select_n3A_425 = arith.select %eq3A_423, %jit3A_424, %jit3A_421 : i32
          %rem3A_426 = arith.remsi %add3A_420, %select_n3A_425 : i32
          %ne3A_427 = arith.constant 0 : i32
          %ne3A_428 = arith.cmpi ne, %rem3A_426, %ne3A_427 : i32
          %lt3A_429 = arith.constant 0 : i32
          %lt3A_430 = arith.cmpi slt, %rem3A_426, %lt3A_429 : i32
          %lt3A_431 = arith.constant 0 : i32
          %lt3A_432 = arith.cmpi slt, %select_n3A_425, %lt3A_431 : i32
          %ne3A_433 = arith.xori %lt3A_430, %lt3A_432 : i1
          %and3A_434 = arith.andi %ne3A_433, %ne3A_428 : i1
          %add3A_435 = arith.addi %rem3A_426, %select_n3A_425 : i32
          %select_n3A_436 = arith.select %and3A_434, %add3A_435, %rem3A_426 : i32
          %mul3A_437 = arith.constant 8 : i32
          %mul3A_438 = arith.muli %add3A_418, %mul3A_437 : i32
          %add3A_439 = arith.addi %add3A_47, %mul3A_438 : i32
          %dma_start3A_440 = arith.constant 0 : i32
          %dma_start3A_441 = arith.constant 0 : i32
          %dma_start3A_442 = tpu.memref_slice %arg6[%select_n3A_436, %dma_start3A_440, %dma_start3A_441] : memref<2x8x128xi32, #tpu.memory_space<vmem>> -> memref<1x8x128xi32, #tpu.memory_space<vmem>>
          %dma_start3A_443 = tpu.memref_squeeze %dma_start3A_442 : memref<1x8x128xi32, #tpu.memory_space<vmem>> -> memref<8x128xi32, #tpu.memory_space<vmem>>
          %dma_start3A_444 = arith.constant 0 : i32
          %dma_start3A_445 = tpu.memref_slice %arg3[%add3A_439, %dma_start3A_444] : memref<2560x128xi32, #tpu.memory_space<hbm>> -> memref<8x128xi32, #tpu.memory_space<hbm>>
          %dma_start3A_446 = arith.constant 0 : i32
          %dma_start3A_447 = arith.constant 0 : i32
          %dma_start3A_448 = tpu.memref_slice %arg6[%select_n3A_436, %dma_start3A_446, %dma_start3A_447] : memref<2x8x128xi32, #tpu.memory_space<vmem>> -> memref<1x8x128xi32, #tpu.memory_space<vmem>>
          %dma_start3A_449 = tpu.memref_squeeze %dma_start3A_448 : memref<1x8x128xi32, #tpu.memory_space<vmem>> -> memref<8x128xi32, #tpu.memory_space<vmem>>
          %dma_start3A_450 = arith.constant 0 : i32
          %dma_start3A_451 = tpu.memref_slice %arg3[%add3A_439, %dma_start3A_450] : memref<2560x128xi32, #tpu.memory_space<hbm>> -> memref<8x128xi32, #tpu.memory_space<hbm>>
          tpu.enqueue_dma source(%dma_start3A_451 : memref<8x128xi32, #tpu.memory_space<hbm>>) target(%dma_start3A_449 : memref<8x128xi32, #tpu.memory_space<vmem>>) target_semaphore(%arg12 : memref<!tpu.dma_semaphore, #tpu.memory_space<semaphore_mem>>)
          %dma_start3A_452 = arith.constant 0 : i32
          %dma_start3A_453 = arith.constant 0 : i32
          %dma_start3A_454 = tpu.memref_slice %arg7[%select_n3A_436, %dma_start3A_452, %dma_start3A_453] : memref<2x8x128xi32, #tpu.memory_space<vmem>> -> memref<1x8x128xi32, #tpu.memory_space<vmem>>
          %dma_start3A_455 = tpu.memref_squeeze %dma_start3A_454 : memref<1x8x128xi32, #tpu.memory_space<vmem>> -> memref<8x128xi32, #tpu.memory_space<vmem>>
          %dma_start3A_456 = arith.constant 0 : i32
          %dma_start3A_457 = tpu.memref_slice %arg4[%add3A_439, %dma_start3A_456] : memref<2560x128xi32, #tpu.memory_space<hbm>> -> memref<8x128xi32, #tpu.memory_space<hbm>>
          %dma_start3A_458 = arith.constant 0 : i32
          %dma_start3A_459 = arith.constant 0 : i32
          %dma_start3A_460 = tpu.memref_slice %arg7[%select_n3A_436, %dma_start3A_458, %dma_start3A_459] : memref<2x8x128xi32, #tpu.memory_space<vmem>> -> memref<1x8x128xi32, #tpu.memory_space<vmem>>
          %dma_start3A_461 = tpu.memref_squeeze %dma_start3A_460 : memref<1x8x128xi32, #tpu.memory_space<vmem>> -> memref<8x128xi32, #tpu.memory_space<vmem>>
          %dma_start3A_462 = arith.constant 0 : i32
          %dma_start3A_463 = tpu.memref_slice %arg4[%add3A_439, %dma_start3A_462] : memref<2560x128xi32, #tpu.memory_space<hbm>> -> memref<8x128xi32, #tpu.memory_space<hbm>>
          tpu.enqueue_dma source(%dma_start3A_463 : memref<8x128xi32, #tpu.memory_space<hbm>>) target(%dma_start3A_461 : memref<8x128xi32, #tpu.memory_space<vmem>>) target_semaphore(%arg12 : memref<!tpu.dma_semaphore, #tpu.memory_space<semaphore_mem>>)
        } else {
        }
        %add3A_343 = arith.constant 1 : i32
        %add3A_344 = arith.addi %add3A_274, %add3A_343 : i32
        %lt3A_345 = arith.constant 8 : i32
        %lt3A_346 = arith.cmpi slt, %add3A_344, %lt3A_345 : i32
        %convert_element_type3A_347 = arith.extui %lt3A_346 : i1 to i32
        %cond3A_348 = arith.constant 0 : i32
        %cond3A_349 = arith.cmpi ne, %convert_element_type3A_347, %cond3A_348 : i32
        scf.if %cond3A_349 {
          %eq3A_417 = arith.constant 7 : i32
          %eq3A_418 = arith.cmpi eq, %select_n3A_314, %eq3A_417 : i32
          %convert_element_type3A_419 = arith.extui %eq3A_418 : i1 to i32
          %cond3A_420 = arith.constant 0 : i32
          %cond3A_421 = arith.cmpi ne, %convert_element_type3A_419, %cond3A_420 : i32
          scf.if %cond3A_421 {
            %dma_wait3A_491 = arith.constant 0 : i32
            %dma_wait3A_492 = arith.constant 0 : i32
            %dma_wait3A_493 = arith.constant 0 : i32
            %dma_wait3A_494 = tpu.memref_slice %arg6[%dma_wait3A_491, %dma_wait3A_492, %dma_wait3A_493] : memref<2x8x128xi32, #tpu.memory_space<vmem>> -> memref<1x8x128xi32, #tpu.memory_space<vmem>>
            %dma_wait3A_495 = tpu.memref_squeeze %dma_wait3A_494 : memref<1x8x128xi32, #tpu.memory_space<vmem>> -> memref<8x128xi32, #tpu.memory_space<vmem>>
            %dma_wait3A_496 = arith.constant 0 : i32
            %dma_wait3A_497 = arith.constant 0 : i32
            %dma_wait3A_498 = tpu.memref_slice %arg3[%dma_wait3A_496, %dma_wait3A_497] : memref<2560x128xi32, #tpu.memory_space<hbm>> -> memref<8x128xi32, #tpu.memory_space<hbm>>
            %dma_wait3A_499 = arith.constant 0 : i32
            %dma_wait3A_500 = arith.constant 0 : i32
            %dma_wait3A_501 = tpu.memref_slice %arg6[%dma_wait3A_491, %dma_wait3A_499, %dma_wait3A_500] : memref<2x8x128xi32, #tpu.memory_space<vmem>> -> memref<1x8x128xi32, #tpu.memory_space<vmem>>
            %dma_wait3A_502 = tpu.memref_squeeze %dma_wait3A_501 : memref<1x8x128xi32, #tpu.memory_space<vmem>> -> memref<8x128xi32, #tpu.memory_space<vmem>>
            %dma_wait3A_503 = arith.constant 0 : i32
            %dma_wait3A_504 = arith.constant 0 : i32
            %dma_wait3A_505 = tpu.memref_slice %arg3[%dma_wait3A_503, %dma_wait3A_504] : memref<2560x128xi32, #tpu.memory_space<hbm>> -> memref<8x128xi32, #tpu.memory_space<hbm>>
            tpu.wait_dma2 semaphore(%arg12 : memref<!tpu.dma_semaphore, #tpu.memory_space<semaphore_mem>>) src(%dma_wait3A_505 : memref<8x128xi32, #tpu.memory_space<hbm>>) dst(%dma_wait3A_502 : memref<8x128xi32, #tpu.memory_space<vmem>>)
            %dma_wait3A_506 = arith.constant 0 : i32
            %dma_wait3A_507 = arith.constant 0 : i32
            %dma_wait3A_508 = arith.constant 0 : i32
            %dma_wait3A_509 = tpu.memref_slice %arg6[%dma_wait3A_506, %dma_wait3A_507, %dma_wait3A_508] : memref<2x8x128xi32, #tpu.memory_space<vmem>> -> memref<1x8x128xi32, #tpu.memory_space<vmem>>
            %dma_wait3A_510 = tpu.memref_squeeze %dma_wait3A_509 : memref<1x8x128xi32, #tpu.memory_space<vmem>> -> memref<8x128xi32, #tpu.memory_space<vmem>>
            %dma_wait3A_511 = arith.constant 0 : i32
            %dma_wait3A_512 = arith.constant 0 : i32
            %dma_wait3A_513 = tpu.memref_slice %arg3[%dma_wait3A_511, %dma_wait3A_512] : memref<2560x128xi32, #tpu.memory_space<hbm>> -> memref<8x128xi32, #tpu.memory_space<hbm>>
            %dma_wait3A_514 = arith.constant 0 : i32
            %dma_wait3A_515 = arith.constant 0 : i32
            %dma_wait3A_516 = tpu.memref_slice %arg6[%dma_wait3A_506, %dma_wait3A_514, %dma_wait3A_515] : memref<2x8x128xi32, #tpu.memory_space<vmem>> -> memref<1x8x128xi32, #tpu.memory_space<vmem>>
            %dma_wait3A_517 = tpu.memref_squeeze %dma_wait3A_516 : memref<1x8x128xi32, #tpu.memory_space<vmem>> -> memref<8x128xi32, #tpu.memory_space<vmem>>
            %dma_wait3A_518 = arith.constant 0 : i32
            %dma_wait3A_519 = arith.constant 0 : i32
            %dma_wait3A_520 = tpu.memref_slice %arg3[%dma_wait3A_518, %dma_wait3A_519] : memref<2560x128xi32, #tpu.memory_space<hbm>> -> memref<8x128xi32, #tpu.memory_space<hbm>>
            tpu.wait_dma2 semaphore(%arg12 : memref<!tpu.dma_semaphore, #tpu.memory_space<semaphore_mem>>) src(%dma_wait3A_520 : memref<8x128xi32, #tpu.memory_space<hbm>>) dst(%dma_wait3A_517 : memref<8x128xi32, #tpu.memory_space<vmem>>)
          } else {
          }
          %add3A_422 = arith.constant 1 : i32
          %add3A_423 = arith.addi %add3A_274, %add3A_422 : i32
          %jit3A_424 = arith.constant 8 : i32
          %div3A_425 = arith.divsi %add3A_423, %jit3A_424 : i32
          %sign3A_426 = arith.constant 0 : i32
          %sign3A_427 = arith.cmpi sgt, %add3A_423, %sign3A_426 : i32
          %sign3A_428 = arith.extui %sign3A_427 : i1 to i32
          %sign3A_429 = arith.constant 0 : i32
          %sign3A_430 = arith.cmpi slt, %add3A_423, %sign3A_429 : i32
          %sign3A_431 = arith.extui %sign3A_430 : i1 to i32
          %sign3A_432 = arith.subi %sign3A_428, %sign3A_431 : i32
          %sign3A_433 = arith.constant 0 : i32
          %sign3A_434 = arith.cmpi sgt, %jit3A_424, %sign3A_433 : i32
          %sign3A_435 = arith.extui %sign3A_434 : i1 to i32
          %sign3A_436 = arith.constant 0 : i32
          %sign3A_437 = arith.cmpi slt, %jit3A_424, %sign3A_436 : i32
          %sign3A_438 = arith.extui %sign3A_437 : i1 to i32
          %sign3A_439 = arith.subi %sign3A_435, %sign3A_438 : i32
          %ne3A_440 = arith.cmpi ne, %sign3A_432, %sign3A_439 : i32
          %rem3A_441 = arith.remsi %add3A_423, %jit3A_424 : i32
          %ne3A_442 = arith.constant 0 : i32
          %ne3A_443 = arith.cmpi ne, %rem3A_441, %ne3A_442 : i32
          %and3A_444 = arith.andi %ne3A_440, %ne3A_443 : i1
          %sub3A_445 = arith.constant 1 : i32
          %sub3A_446 = arith.subi %div3A_425, %sub3A_445 : i32
          %select_n3A_447 = arith.select %and3A_444, %sub3A_446, %div3A_425 : i32
          %jit3A_448 = arith.constant 2 : i32
          %eq3A_449 = arith.constant 0 : i32
          %eq3A_450 = arith.cmpi eq, %jit3A_448, %eq3A_449 : i32
          %jit3A_451 = arith.constant 1 : i32
          %select_n3A_452 = arith.select %eq3A_450, %jit3A_451, %jit3A_448 : i32
          %rem3A_453 = arith.remsi %select_n3A_447, %select_n3A_452 : i32
          %ne3A_454 = arith.constant 0 : i32
          %ne3A_455 = arith.cmpi ne, %rem3A_453, %ne3A_454 : i32
          %lt3A_456 = arith.constant 0 : i32
          %lt3A_457 = arith.cmpi slt, %rem3A_453, %lt3A_456 : i32
          %lt3A_458 = arith.constant 0 : i32
          %lt3A_459 = arith.cmpi slt, %select_n3A_452, %lt3A_458 : i32
          %ne3A_460 = arith.xori %lt3A_457, %lt3A_459 : i1
          %and3A_461 = arith.andi %ne3A_460, %ne3A_455 : i1
          %add3A_462 = arith.addi %rem3A_453, %select_n3A_452 : i32
          %select_n3A_463 = arith.select %and3A_461, %add3A_462, %rem3A_453 : i32
          %jit3A_464 = arith.constant 8 : i32
          %eq3A_465 = arith.constant 0 : i32
          %eq3A_466 = arith.cmpi eq, %jit3A_464, %eq3A_465 : i32
          %jit3A_467 = arith.constant 1 : i32
          %select_n3A_468 = arith.select %eq3A_466, %jit3A_467, %jit3A_464 : i32
          %rem3A_469 = arith.remsi %add3A_423, %select_n3A_468 : i32
          %ne3A_470 = arith.constant 0 : i32
          %ne3A_471 = arith.cmpi ne, %rem3A_469, %ne3A_470 : i32
          %lt3A_472 = arith.constant 0 : i32
          %lt3A_473 = arith.cmpi slt, %rem3A_469, %lt3A_472 : i32
          %lt3A_474 = arith.constant 0 : i32
          %lt3A_475 = arith.cmpi slt, %select_n3A_468, %lt3A_474 : i32
          %ne3A_476 = arith.xori %lt3A_473, %lt3A_475 : i1
          %and3A_477 = arith.andi %ne3A_476, %ne3A_471 : i1
          %add3A_478 = arith.addi %rem3A_469, %select_n3A_468 : i32
          %select_n3A_479 = arith.select %and3A_477, %add3A_478, %rem3A_469 : i32
          %dma_start3A_480 = arith.constant 0 : i32
          %dma_start3A_481 = arith.constant 0 : i32
          %dma_start3A_482 = arith.constant 0 : i32
          %dma_start3A_483 = tpu.memref_slice %arg8[%dma_start3A_480, %dma_start3A_481, %dma_start3A_482] : memref<2x128x128xf32, #tpu.memory_space<vmem>> -> memref<1x128x128xf32, #tpu.memory_space<vmem>>
          %dma_start3A_484 = tpu.memref_squeeze %dma_start3A_483 : memref<1x128x128xf32, #tpu.memory_space<vmem>> -> memref<128x128xf32, #tpu.memory_space<vmem>>
          %dma_start3A_485 = arith.constant 0 : i32
          %dma_start3A_486 = tpu.memref_slice %arg6[%select_n3A_463, %select_n3A_479, %dma_start3A_485] : memref<2x8x128xi32, #tpu.memory_space<vmem>> -> memref<1x1x128xi32, #tpu.memory_space<vmem>>
          %dma_start3A_487 = tpu.memref_squeeze %dma_start3A_486 : memref<1x1x128xi32, #tpu.memory_space<vmem>> -> memref<128xi32, #tpu.memory_space<vmem>>
          %dma_start3A_488 = arith.constant 0 : i32
          %dma_start3A_489 = arith.constant 0 : i32
          %dma_start3A_490 = tpu.memref_slice %arg2[%dma_start3A_488, %dma_start3A_489] : memref<10240x128xf32, #tpu.memory_space<hbm>> -> memref<10240x128xf32, #tpu.memory_space<hbm>>
          tpu.enqueue_indirect_dma source(%dma_start3A_490 : memref<10240x128xf32, #tpu.memory_space<hbm>>) target(%dma_start3A_484 : memref<128x128xf32, #tpu.memory_space<vmem>>) offsets(%dma_start3A_487 : memref<128xi32, #tpu.memory_space<vmem>>) semaphore(%arg10 : memref<!tpu.dma_semaphore, #tpu.memory_space<semaphore_mem>>)
        } else {
        }
        %jit3A_350 = arith.constant 8 : i32
        %div3A_351 = arith.divsi %add3A_274, %jit3A_350 : i32
        %sign3A_352 = arith.constant 0 : i32
        %sign3A_353 = arith.cmpi sgt, %add3A_274, %sign3A_352 : i32
        %sign3A_354 = arith.extui %sign3A_353 : i1 to i32
        %sign3A_355 = arith.constant 0 : i32
        %sign3A_356 = arith.cmpi slt, %add3A_274, %sign3A_355 : i32
        %sign3A_357 = arith.extui %sign3A_356 : i1 to i32
        %sign3A_358 = arith.subi %sign3A_354, %sign3A_357 : i32
        %sign3A_359 = arith.constant 0 : i32
        %sign3A_360 = arith.cmpi sgt, %jit3A_350, %sign3A_359 : i32
        %sign3A_361 = arith.extui %sign3A_360 : i1 to i32
        %sign3A_362 = arith.constant 0 : i32
        %sign3A_363 = arith.cmpi slt, %jit3A_350, %sign3A_362 : i32
        %sign3A_364 = arith.extui %sign3A_363 : i1 to i32
        %sign3A_365 = arith.subi %sign3A_361, %sign3A_364 : i32
        %ne3A_366 = arith.cmpi ne, %sign3A_358, %sign3A_365 : i32
        %rem3A_367 = arith.remsi %add3A_274, %jit3A_350 : i32
        %ne3A_368 = arith.constant 0 : i32
        %ne3A_369 = arith.cmpi ne, %rem3A_367, %ne3A_368 : i32
        %and3A_370 = arith.andi %ne3A_366, %ne3A_369 : i1
        %sub3A_371 = arith.constant 1 : i32
        %sub3A_372 = arith.subi %div3A_351, %sub3A_371 : i32
        %select_n3A_373 = arith.select %and3A_370, %sub3A_372, %div3A_351 : i32
        %jit3A_374 = arith.constant 2 : i32
        %eq3A_375 = arith.constant 0 : i32
        %eq3A_376 = arith.cmpi eq, %jit3A_374, %eq3A_375 : i32
        %jit3A_377 = arith.constant 1 : i32
        %select_n3A_378 = arith.select %eq3A_376, %jit3A_377, %jit3A_374 : i32
        %rem3A_379 = arith.remsi %select_n3A_373, %select_n3A_378 : i32
        %ne3A_380 = arith.constant 0 : i32
        %ne3A_381 = arith.cmpi ne, %rem3A_379, %ne3A_380 : i32
        %lt3A_382 = arith.constant 0 : i32
        %lt3A_383 = arith.cmpi slt, %rem3A_379, %lt3A_382 : i32
        %lt3A_384 = arith.constant 0 : i32
        %lt3A_385 = arith.cmpi slt, %select_n3A_378, %lt3A_384 : i32
        %ne3A_386 = arith.xori %lt3A_383, %lt3A_385 : i1
        %and3A_387 = arith.andi %ne3A_386, %ne3A_381 : i1
        %add3A_388 = arith.addi %rem3A_379, %select_n3A_378 : i32
        %select_n3A_389 = arith.select %and3A_387, %add3A_388, %rem3A_379 : i32
        %jit3A_390 = arith.constant 8 : i32
        %eq3A_391 = arith.constant 0 : i32
        %eq3A_392 = arith.cmpi eq, %jit3A_390, %eq3A_391 : i32
        %jit3A_393 = arith.constant 1 : i32
        %select_n3A_394 = arith.select %eq3A_392, %jit3A_393, %jit3A_390 : i32
        %rem3A_395 = arith.remsi %add3A_274, %select_n3A_394 : i32
        %ne3A_396 = arith.constant 0 : i32
        %ne3A_397 = arith.cmpi ne, %rem3A_395, %ne3A_396 : i32
        %lt3A_398 = arith.constant 0 : i32
        %lt3A_399 = arith.cmpi slt, %rem3A_395, %lt3A_398 : i32
        %lt3A_400 = arith.constant 0 : i32
        %lt3A_401 = arith.cmpi slt, %select_n3A_394, %lt3A_400 : i32
        %ne3A_402 = arith.xori %lt3A_399, %lt3A_401 : i1
        %and3A_403 = arith.andi %ne3A_402, %ne3A_397 : i1
        %add3A_404 = arith.addi %rem3A_395, %select_n3A_394 : i32
        %select_n3A_405 = arith.select %and3A_403, %add3A_404, %rem3A_395 : i32
        %dma_start3A_406 = arith.constant 1 : i32
        %dma_start3A_407 = arith.constant 0 : i32
        %dma_start3A_408 = arith.constant 0 : i32
        %dma_start3A_409 = tpu.memref_slice %arg8[%dma_start3A_406, %dma_start3A_407, %dma_start3A_408] : memref<2x128x128xf32, #tpu.memory_space<vmem>> -> memref<1x128x128xf32, #tpu.memory_space<vmem>>
        %dma_start3A_410 = tpu.memref_squeeze %dma_start3A_409 : memref<1x128x128xf32, #tpu.memory_space<vmem>> -> memref<128x128xf32, #tpu.memory_space<vmem>>
        %dma_start3A_411 = arith.constant 0 : i32
        %dma_start3A_412 = tpu.memref_slice %arg7[%select_n3A_389, %select_n3A_405, %dma_start3A_411] : memref<2x8x128xi32, #tpu.memory_space<vmem>> -> memref<1x1x128xi32, #tpu.memory_space<vmem>>
        %dma_start3A_413 = tpu.memref_squeeze %dma_start3A_412 : memref<1x1x128xi32, #tpu.memory_space<vmem>> -> memref<128xi32, #tpu.memory_space<vmem>>
        %dma_start3A_414 = arith.constant 0 : i32
        %dma_start3A_415 = arith.constant 0 : i32
        %dma_start3A_416 = tpu.memref_slice %arg9[%dma_start3A_414, %dma_start3A_415] : memref<10240x128xf32, #tpu.memory_space<vmem_shared>> -> memref<10240x128xf32, #tpu.memory_space<vmem_shared>>
        tpu.enqueue_indirect_dma source(%dma_start3A_410 : memref<128x128xf32, #tpu.memory_space<vmem>>) target(%dma_start3A_416 : memref<10240x128xf32, #tpu.memory_space<vmem_shared>>) offsets(%dma_start3A_413 : memref<128xi32, #tpu.memory_space<vmem>>) semaphore(%arg11 : memref<!tpu.dma_semaphore, #tpu.memory_space<semaphore_mem>>) {add = true}
      }
      %scan3A_122 = arith.constant 4 : i32
      %dma_wait3A_123 = arith.constant 1 : i32
      %dma_wait3A_124 = arith.constant 0 : i32
      %dma_wait3A_125 = arith.constant 0 : i32
      %dma_wait3A_126 = arith.constant 0 : i32
      %dma_wait3A_127 = arith.constant 0 : i32
      %dma_wait3A_128 = tpu.memref_slice %arg8[%dma_wait3A_123, %dma_wait3A_126, %dma_wait3A_127] : memref<2x128x128xf32, #tpu.memory_space<vmem>> -> memref<1x128x128xf32, #tpu.memory_space<vmem>>
      %dma_wait3A_129 = tpu.memref_squeeze %dma_wait3A_128 : memref<1x128x128xf32, #tpu.memory_space<vmem>> -> memref<128x128xf32, #tpu.memory_space<vmem>>
      %dma_wait3A_130 = arith.constant 0 : i32
      %dma_wait3A_131 = tpu.memref_slice %arg7[%dma_wait3A_124, %dma_wait3A_125, %dma_wait3A_130] : memref<2x8x128xi32, #tpu.memory_space<vmem>> -> memref<1x1x128xi32, #tpu.memory_space<vmem>>
      %dma_wait3A_132 = tpu.memref_squeeze %dma_wait3A_131 : memref<1x1x128xi32, #tpu.memory_space<vmem>> -> memref<128xi32, #tpu.memory_space<vmem>>
      %dma_wait3A_133 = arith.constant 0 : i32
      %dma_wait3A_134 = arith.constant 0 : i32
      %dma_wait3A_135 = tpu.memref_slice %arg9[%dma_wait3A_133, %dma_wait3A_134] : memref<10240x128xf32, #tpu.memory_space<vmem_shared>> -> memref<10240x128xf32, #tpu.memory_space<vmem_shared>>
      tpu.wait_indirect_dma semaphore(%arg11 : memref<!tpu.dma_semaphore, #tpu.memory_space<semaphore_mem>>) src(%dma_wait3A_129 : memref<128x128xf32, #tpu.memory_space<vmem>>) dst(%dma_wait3A_135 : memref<10240x128xf32, #tpu.memory_space<vmem_shared>>)
    } else {
    }
    %barrier3A_41 = arith.constant 0 : index
    tpu.barrier barrier_id(%barrier3A_41)
    %mul3A_42 = arith.constant 640 : i32
    %mul3A_43 = arith.muli %arg1, %mul3A_42 : i32
    "tpu.region"() ({
      %run_scoped3A_44 = tpu.sem_alloc : memref<!tpu.dma_semaphore, #tpu.memory_space<semaphore_mem>>
      %dma_start3A = arith.constant 0 : i32
      %dma_start3A_45 = arith.constant 0 : i32
      %dma_start3A_46 = tpu.memref_slice %arg5[%arg0, %dma_start3A, %dma_start3A_45] : memref<2x10240x128xf32, #tpu.memory_space<hbm>> -> memref<1x10240x128xf32, #tpu.memory_space<hbm>>
      %dma_start3A_47 = tpu.memref_squeeze %dma_start3A_46 : memref<1x10240x128xf32, #tpu.memory_space<hbm>> -> memref<10240x128xf32, #tpu.memory_space<hbm>>
      %dma_start3A_48 = arith.constant 0 : i32
      %dma_start3A_49 = tpu.memref_slice %dma_start3A_47[%mul3A_43, %dma_start3A_48] : memref<10240x128xf32, #tpu.memory_space<hbm>> -> memref<640x128xf32, #tpu.memory_space<hbm>>
      %dma_start3A_50 = arith.constant 0 : i32
      %dma_start3A_51 = tpu.memref_slice %arg9[%mul3A_43, %dma_start3A_50] : memref<10240x128xf32, #tpu.memory_space<vmem_shared>> -> memref<640x128xf32, #tpu.memory_space<vmem_shared>>
      tpu.enqueue_dma source(%dma_start3A_51 : memref<640x128xf32, #tpu.memory_space<vmem_shared>>) target(%dma_start3A_49 : memref<640x128xf32, #tpu.memory_space<hbm>>) target_semaphore(%run_scoped3A_44 : memref<!tpu.dma_semaphore, #tpu.memory_space<semaphore_mem>>)
      %dma_wait3A = arith.constant 0 : i32
      %dma_wait3A_52 = arith.constant 0 : i32
      %dma_wait3A_53 = tpu.memref_slice %arg5[%arg0, %dma_wait3A, %dma_wait3A_52] : memref<2x10240x128xf32, #tpu.memory_space<hbm>> -> memref<1x10240x128xf32, #tpu.memory_space<hbm>>
      %dma_wait3A_54 = tpu.memref_squeeze %dma_wait3A_53 : memref<1x10240x128xf32, #tpu.memory_space<hbm>> -> memref<10240x128xf32, #tpu.memory_space<hbm>>
      %dma_wait3A_55 = arith.constant 0 : i32
      %dma_wait3A_56 = tpu.memref_slice %dma_wait3A_54[%mul3A_43, %dma_wait3A_55] : memref<10240x128xf32, #tpu.memory_space<hbm>> -> memref<640x128xf32, #tpu.memory_space<hbm>>
      %dma_wait3A_57 = arith.constant 0 : i32
      %dma_wait3A_58 = tpu.memref_slice %arg9[%mul3A_43, %dma_wait3A_57] : memref<10240x128xf32, #tpu.memory_space<vmem_shared>> -> memref<640x128xf32, #tpu.memory_space<vmem_shared>>
      tpu.wait_dma2 semaphore(%run_scoped3A_44 : memref<!tpu.dma_semaphore, #tpu.memory_space<semaphore_mem>>) src(%dma_wait3A_58 : memref<640x128xf32, #tpu.memory_space<vmem_shared>>) dst(%dma_wait3A_56 : memref<640x128xf32, #tpu.memory_space<hbm>>)
      tpu.yield
    }) : () -> ()
    return
  }
}

module attributes {stable_mosaic.version = 14 : i64} {
  func.func @body(%arg0: i32, %arg1: memref<2x2048x128xf32, #tpu.memory_space<vmem>>, %arg2: memref<32x2048xf32, #tpu.memory_space<vmem>>, %arg3: memref<128x128xf32, #tpu.memory_space<vmem>>, %arg4: memref<1x128xf32, #tpu.memory_space<vmem>>, %arg5: memref<2048x128xf32, #tpu.memory_space<vmem>>) attributes {dimension_semantics = [#tpu.dimension_semantics<arbitrary>], iteration_bounds = array<i64: 5>, scalar_prefetch = 0 : i64, scratch_operands = 0 : i64, tpu.core_type = #tpu.core_type<tc>, window_params = [{transform_indices = @transform_0, window_bounds = array<i64: 2, 2048, 128>}, {transform_indices = @transform_1, window_bounds = array<i64: 32, 2048>}, {pipeline_mode = #tpu.pipeline_mode<synchronous>, transform_indices = @transform_2, window_bounds = array<i64: 128, 128>}, {pipeline_mode = #tpu.pipeline_mode<synchronous>, transform_indices = @transform_3, window_bounds = array<i64: 1, 128>}, {transform_indices = @transform_4, window_bounds = array<i64: 2048, 128>}]} {
    %get3A = arith.constant 0 : index
    %get3A_0 = arith.constant 0 : index
    %get3A_1 = vector.load %arg2[%get3A, %get3A_0] : memref<32x2048xf32, #tpu.memory_space<vmem>>, vector<32x2048xf32>
    %reduce_sum3A = arith.constant dense<0.000000e+00> : vector<2048xf32>
    %reduce_sum3A_2 = vector.multi_reduction <add>, %get3A_1, %reduce_sum3A [0] : vector<32x2048xf32> to vector<2048xf32>
    %max3A = arith.constant 1.000000e+00 : f32
    %max3A_3 = vector.broadcast %max3A : f32 to vector<2048xf32>
    %max3A_4 = arith.maximumf %reduce_sum3A_2, %max3A_3 : vector<2048xf32>
    %get3A_5 = arith.constant 0 : index
    %get3A_6 = arith.constant 0 : index
    %get3A_7 = arith.constant 0 : index
    %get3A_8 = vector.load %arg1[%get3A_5, %get3A_6, %get3A_7] : memref<2x2048x128xf32, #tpu.memory_space<vmem>>, vector<1x2048x128xf32>
    %get3A_9 = vector.shape_cast %get3A_8 : vector<1x2048x128xf32> to vector<2048x128xf32>
    %get3A_10 = arith.constant 1 : index
    %get3A_11 = arith.constant 0 : index
    %get3A_12 = arith.constant 0 : index
    %get3A_13 = vector.load %arg1[%get3A_10, %get3A_11, %get3A_12] : memref<2x2048x128xf32, #tpu.memory_space<vmem>>, vector<1x2048x128xf32>
    %get3A_14 = vector.shape_cast %get3A_13 : vector<1x2048x128xf32> to vector<2048x128xf32>
    %add3A = arith.addf %get3A_9, %get3A_14 : vector<2048x128xf32>
    %div3A = arith.constant 1.000000e+00 : f32
    %div3A_15 = vector.broadcast %div3A : f32 to vector<2048xf32>
    %div3A_16 = arith.divf %div3A_15, %max3A_4 : vector<2048xf32>
    %broadcast_in_dim3A = vector.shape_cast %div3A_16 : vector<2048xf32> to vector<2048x1xf32>
    %mul3A = vector.broadcast %broadcast_in_dim3A : vector<2048x1xf32> to vector<2048x128xf32>
    %mul3A_17 = arith.mulf %add3A, %mul3A : vector<2048x128xf32>
    %get3A_18 = arith.constant 0 : index
    %get3A_19 = arith.constant 0 : index
    %get3A_20 = vector.load %arg3[%get3A_18, %get3A_19] : memref<128x128xf32, #tpu.memory_space<vmem>>, vector<128x128xf32>
    %dot_general3A = arith.constant dense<0.000000e+00> : vector<2048x128xf32>
    %dot_general3A_21 = tpu.matmul %mul3A_17, %get3A_20, %dot_general3A {dimension_numbers = #tpu.dot_dimension_numbers<[1], [0], [0], [1], [0, 0, 1, 1], [], []>, transpose_lhs_hint = false} : vector<2048x128xf32>, vector<128x128xf32>, vector<2048x128xf32> -> vector<2048x128xf32>
    %get3A_22 = arith.constant 0 : index
    %get3A_23 = arith.constant 0 : index
    %get3A_24 = vector.load %arg4[%get3A_22, %get3A_23] : memref<1x128xf32, #tpu.memory_space<vmem>>, vector<1x128xf32>
    %add3A_25 = vector.broadcast %get3A_24 : vector<1x128xf32> to vector<2048x128xf32>
    %add3A_26 = arith.addf %dot_general3A_21, %add3A_25 : vector<2048x128xf32>
    %max3A_27 = arith.constant 0.000000e+00 : f32
    %max3A_28 = vector.broadcast %max3A_27 : f32 to vector<2048x128xf32>
    %max3A_29 = arith.maximumf %add3A_26, %max3A_28 : vector<2048x128xf32>
    %swap3A = arith.constant 0 : index
    %swap3A_30 = arith.constant 0 : index
    %swap3A_31 = vector.load %arg5[%swap3A, %swap3A_30] : memref<2048x128xf32, #tpu.memory_space<vmem>>, vector<2048x128xf32>
    tpu.vector_store %arg5[%swap3A, %swap3A_30], %max3A_29 {strides = array<i32>} : memref<2048x128xf32, #tpu.memory_space<vmem>>, vector<2048x128xf32>,
    return
  }
  func.func @transform_0(%arg0: i32) -> (i32, i32, i32) {
    %c0_i32 = arith.constant 0 : i32
    %c0_i32_0 = arith.constant 0 : i32
    %c0_i32_1 = arith.constant 0 : i32
    return %c0_i32, %arg0, %c0_i32_0 : i32, i32, i32
  }
  func.func @transform_1(%arg0: i32) -> (i32, i32) {
    %c0_i32 = arith.constant 0 : i32
    %c0_i32_0 = arith.constant 0 : i32
    return %c0_i32, %arg0 : i32, i32
  }
  func.func @transform_2(%arg0: i32) -> (i32, i32) {
    %c0_i32 = arith.constant 0 : i32
    %c0_i32_0 = arith.constant 0 : i32
    %c0_i32_1 = arith.constant 0 : i32
    return %c0_i32, %c0_i32_0 : i32, i32
  }
  func.func @transform_3(%arg0: i32) -> (i32, i32) {
    %c0_i32 = arith.constant 0 : i32
    %c0_i32_0 = arith.constant 0 : i32
    %c0_i32_1 = arith.constant 0 : i32
    return %c0_i32, %c0_i32_0 : i32, i32
  }
  func.func @transform_4(%arg0: i32) -> (i32, i32) {
    %c0_i32 = arith.constant 0 : i32
    %c0_i32_0 = arith.constant 0 : i32
    return %arg0, %c0_i32 : i32, i32
  }
}

module attributes {stable_mosaic.version = 14 : i64} {
  func.func @body(%arg0: i32, %arg1: memref<2x2048x128xf32, #tpu.memory_space<vmem>>, %arg2: memref<32x2048xf32, #tpu.memory_space<vmem>>, %arg3: memref<128x128xf32, #tpu.memory_space<vmem>>, %arg4: memref<1x128xf32, #tpu.memory_space<vmem>>, %arg5: memref<2048x128xf32, #tpu.memory_space<vmem>>) attributes {dimension_semantics = [#tpu.dimension_semantics<arbitrary>], iteration_bounds = array<i64: 5>, scalar_prefetch = 0 : i64, scratch_operands = 0 : i64, tpu.core_type = #tpu.core_type<tc>, window_params = [{transform_indices = @transform_0, window_bounds = array<i64: 2, 2048, 128>}, {transform_indices = @transform_1, window_bounds = array<i64: 32, 2048>}, {pipeline_mode = #tpu.pipeline_mode<synchronous>, transform_indices = @transform_2, window_bounds = array<i64: 128, 128>}, {pipeline_mode = #tpu.pipeline_mode<synchronous>, transform_indices = @transform_3, window_bounds = array<i64: 1, 128>}, {transform_indices = @transform_4, window_bounds = array<i64: 2048, 128>}]} {
    %get3A = arith.constant 0 : index
    %get3A_0 = arith.constant 0 : index
    %get3A_1 = vector.load %arg2[%get3A, %get3A_0] : memref<32x2048xf32, #tpu.memory_space<vmem>>, vector<32x2048xf32>
    %reduce_sum3A = arith.constant dense<0.000000e+00> : vector<2048xf32>
    %reduce_sum3A_2 = vector.multi_reduction <add>, %get3A_1, %reduce_sum3A [0] : vector<32x2048xf32> to vector<2048xf32>
    %max3A = arith.constant 1.000000e+00 : f32
    %max3A_3 = vector.broadcast %max3A : f32 to vector<2048xf32>
    %max3A_4 = arith.maximumf %reduce_sum3A_2, %max3A_3 : vector<2048xf32>
    %get3A_5 = arith.constant 0 : index
    %get3A_6 = arith.constant 0 : index
    %get3A_7 = arith.constant 0 : index
    %get3A_8 = vector.load %arg1[%get3A_5, %get3A_6, %get3A_7] : memref<2x2048x128xf32, #tpu.memory_space<vmem>>, vector<1x2048x128xf32>
    %get3A_9 = vector.shape_cast %get3A_8 : vector<1x2048x128xf32> to vector<2048x128xf32>
    %get3A_10 = arith.constant 1 : index
    %get3A_11 = arith.constant 0 : index
    %get3A_12 = arith.constant 0 : index
    %get3A_13 = vector.load %arg1[%get3A_10, %get3A_11, %get3A_12] : memref<2x2048x128xf32, #tpu.memory_space<vmem>>, vector<1x2048x128xf32>
    %get3A_14 = vector.shape_cast %get3A_13 : vector<1x2048x128xf32> to vector<2048x128xf32>
    %add3A = arith.addf %get3A_9, %get3A_14 : vector<2048x128xf32>
    %div3A = arith.constant 1.000000e+00 : f32
    %div3A_15 = vector.broadcast %div3A : f32 to vector<2048xf32>
    %div3A_16 = arith.divf %div3A_15, %max3A_4 : vector<2048xf32>
    %broadcast_in_dim3A = vector.shape_cast %div3A_16 : vector<2048xf32> to vector<2048x1xf32>
    %mul3A = vector.broadcast %broadcast_in_dim3A : vector<2048x1xf32> to vector<2048x128xf32>
    %mul3A_17 = arith.mulf %add3A, %mul3A : vector<2048x128xf32>
    %get3A_18 = arith.constant 0 : index
    %get3A_19 = arith.constant 0 : index
    %get3A_20 = vector.load %arg3[%get3A_18, %get3A_19] : memref<128x128xf32, #tpu.memory_space<vmem>>, vector<128x128xf32>
    %dot_general3A = arith.constant dense<0.000000e+00> : vector<2048x128xf32>
    %dot_general3A_21 = tpu.matmul %mul3A_17, %get3A_20, %dot_general3A {dimension_numbers = #tpu.dot_dimension_numbers<[1], [0], [0], [1], [0, 0, 1, 1], [], []>, transpose_lhs_hint = false} : vector<2048x128xf32>, vector<128x128xf32>, vector<2048x128xf32> -> vector<2048x128xf32>
    %get3A_22 = arith.constant 0 : index
    %get3A_23 = arith.constant 0 : index
    %get3A_24 = vector.load %arg4[%get3A_22, %get3A_23] : memref<1x128xf32, #tpu.memory_space<vmem>>, vector<1x128xf32>
    %add3A_25 = vector.broadcast %get3A_24 : vector<1x128xf32> to vector<2048x128xf32>
    %add3A_26 = arith.addf %dot_general3A_21, %add3A_25 : vector<2048x128xf32>
    %swap3A = arith.constant 0 : index
    %swap3A_27 = arith.constant 0 : index
    %swap3A_28 = vector.load %arg5[%swap3A, %swap3A_27] : memref<2048x128xf32, #tpu.memory_space<vmem>>, vector<2048x128xf32>
    tpu.vector_store %arg5[%swap3A, %swap3A_27], %add3A_26 {strides = array<i32>} : memref<2048x128xf32, #tpu.memory_space<vmem>>, vector<2048x128xf32>,
    return
  }
  func.func @transform_0(%arg0: i32) -> (i32, i32, i32) {
    %c0_i32 = arith.constant 0 : i32
    %c0_i32_0 = arith.constant 0 : i32
    %c0_i32_1 = arith.constant 0 : i32
    return %c0_i32, %arg0, %c0_i32_0 : i32, i32, i32
  }
  func.func @transform_1(%arg0: i32) -> (i32, i32) {
    %c0_i32 = arith.constant 0 : i32
    %c0_i32_0 = arith.constant 0 : i32
    return %c0_i32, %arg0 : i32, i32
  }
  func.func @transform_2(%arg0: i32) -> (i32, i32) {
    %c0_i32 = arith.constant 0 : i32
    %c0_i32_0 = arith.constant 0 : i32
    %c0_i32_1 = arith.constant 0 : i32
    return %c0_i32, %c0_i32_0 : i32, i32
  }
  func.func @transform_3(%arg0: i32) -> (i32, i32) {
    %c0_i32 = arith.constant 0 : i32
    %c0_i32_0 = arith.constant 0 : i32
    %c0_i32_1 = arith.constant 0 : i32
    return %c0_i32, %c0_i32_0 : i32, i32
  }
  func.func @transform_4(%arg0: i32) -> (i32, i32) {
    %c0_i32 = arith.constant 0 : i32
    %c0_i32_0 = arith.constant 0 : i32
    return %arg0, %c0_i32 : i32, i32
  }
}

</mosaic_0001>

<sc_bundles>
// kernel: kernel.6.cloned.1.call-start
scs
__scs_entry_jumppad:
0x0: {  	(pc) =	sbr.rel $0x88, $3  }
0x1: {  	(tag) =	ssettag $0x0;
	lr =	simm.s32 $0x1  }
0x2: {  	[smem:$0x3F9B] =	sst lr;
	_ =	strace $0xD0000000  }
0x3: {  	_ = 	snop  }
0x4: {  	_ = 	snop  }
0x5: {  	_ = 	snop  }
0x6: {  	_ = 	snop  }
0x7: {  	_ = 	snop  }
__scs_overlays_trampoline_lowered:
0x8: {  	[smem:$0x3FAA] =	sst s0  }
0x9: {  	[smem:$0x3FAB] =	sst s1  }
0xa: {  	[smem:$0x3FAC] =	sst s2  }
0xb: {  	[smem:$0x3FAD] =	sst s3  }
0xc: {  	[smem:$0x3FAE] =	sst s4  }
0xd: {  	[smem:$0x3FAF] =	sst s5  }
0xe: {  	[smem:$0x3FB0] =	sst s6  }
0xf: {  	[smem:$0x3FB1] =	sst s7  }
0x10: {  	[smem:$0x3FB2] =	sst s8  }
0x11: {  	[smem:$0x3FB3] =	sst s9;
	s0 =	simm.s32 @!p0 $0x0  }
0x12: {  	s1 =	sld [smem:$0x3F99];
	s0 =	simm.s32 @p0 $0x1  }
0x13: {  	[smem:$0x3FB4] =	sst s0;
	s0 =	simm.s32 @!p1 $0x0  }
0x14: {  	s2 =	sld [smem:$0x3F98];
	s0 =	simm.s32 @p1 $0x1  }
0x15: {  	[smem:$0x3FB5] =	sst s0;
	s0 =	simm.s32 @!p2 $0x0  }
0x16: {  	s3 =	sld [smem:$0x3FDB];
	s0 =	simm.s32 @p2 $0x1  }
0x17: {  	s4 =	simm.s32 $0x1BF5;
	[smem:$0x3FB7] =	sst s0  }
0x18: {  	s0 =	sld [smem:$0x3F9A];
	_ =	swait.ge [sflag:s4], $0x0  }
0x19: {  	s7 =	sld [smem:$0x3F9B]  }
0x1a: {  	s8 =	sadd.s32 $0xFFFFE003, lr  }
0x1b: {  	s9 =	sadd.s32 $0xFFFFFEF7, lr;
	s5 =	simm.s32 $0xFFFFFFFF;
	p2 =	slt.u32 s8, $0xFFFFF086  }
0x1c: {  	p1 =	slt.u32 s9, $0xF7A;
	s5 =	simm.s32 @!p2 $0x0  }
0x1d: {  	s5 =	simm.s32 @p1 $0x1;
	p0 =	seq.s32 s7, s2  }
0x1e: {  	s7 =	smul.u32 @!p0 $0xF7A, s2;
	p2 =	seq.s32 @!p0 s5, $0x0  }
0x1f: {  	s9 =	smul.u32 $0xF7A, s1;
	s8 =	simm.s32 @!p0 $0x1BF5;
	p2 =	por !p2, p0  }
0x20: {  	[sflag:s8] =	ssyncset.s32 @!p0 $0xFFFFF086;
	s6 =	sadd.s32 @!p0 s3, s7;
	s7 =	simm.s32 @!p0 $0x108  }
0x21: {  	s3 =	sadd.s32 s3, s9;
	s6 =	sadd.s32 @!p0 $0x88, s6;
	s7 =	simm.s32 @p2 $0x1082  }
0x22: {  	[simem:s7], [sflag:s8] =	dma.local @!p0 [hbm:s6], $0xF7A  }
0x23: {  	s9 =	sor.u32 $0xD0000000, s2;
	s6 =	simm.s32 $0x108;
	_ =	swait.ge @!p0 [sflag:s8], $0x0  }
0x24: {  	s3 =	sadd.s32 $0x88, s3;
	s6 =	simm.s32 @!p1 $0x1082;
	[sflag:s4] =	ssyncset.s32 $0xFFFFF086  }
0x25: {  	[simem:s6], [sflag:s4] =	dma.local [hbm:s3], $0xF7A  }
0x26: {  	[smem:$0x3F9B] =	sst s1;
	(tag) =	ssettag s2;
	_ =	strace s9  }
0x27: {  	s1 =	sld [smem:$0x3FAB]  }
0x28: {  	s2 =	sld [smem:$0x3FAC]  }
0x29: {  	s4 =	sld [smem:$0x3FAE]  }
0x2a: {  	p0 =	seq.s32 s5, $0x0;
	s5 =	sld [smem:$0x3FAF]  }
0x2b: {  	s6 =	sld [smem:$0x3FB0]  }
0x2c: {  	s7 =	sld [smem:$0x3FB1]  }
0x2d: {  	s3 =	simm.s32 $0x108;
	s8 =	sld [smem:$0x3FB2]  }
0x2e: {  	s3 =	simm.s32 @!p0 $0x1082;
	s9 =	sld [smem:$0x3FB3]  }
0x2f: {  	lr =	sadd.s32 s0, s3;
	s0 =	sld [smem:$0x3FAA]  }
0x30: {  	s3 =	sld [smem:$0x3FAD]  }
0x31: {  	[smem:$0x3FB6] =	sst s10  }
0x32: {  	s10 =	sld [smem:$0x3FB4];
	_ =	sdelay $0x3  }
0x33: {  	p0 =	seq.s32 s10, $0x1;
	s10 =	sld [smem:$0x3FB6];
	_ =	sdelay $0x3  }
0x34: {  	[smem:$0x3FB6] =	sst s10  }
0x35: {  	s10 =	sld [smem:$0x3FB5];
	_ =	sdelay $0x3  }
0x36: {  	p1 =	seq.s32 s10, $0x1;
	s10 =	sld [smem:$0x3FB6];
	_ =	sdelay $0x3  }
0x37: {  	[smem:$0x3FB6] =	sst s10  }
0x38: {  	s10 =	sld [smem:$0x3FB7]  }
0x39: {  	_ = 	snop;
	(pc) =	sbr.ind lr, $3  }
0x3a: {  	_ = 	snop  }
0x3b: {  	_ = 	snop  }
0x3c: {  	p2 =	seq.s32 s10, $0x1;
	s10 =	sld [smem:$0x3FB6]  }
0x3d: {  	_ =	shalt  }
0x3e: {  	_ =	shalt  }
0x3f: {  	_ =	shalt  }
0x40: {  	_ =	shalt  }
0x41: {  	_ =	shalt  }
0x42: {  	_ =	shalt  }
0x43: {  	_ =	shalt  }
0x44: {  	_ =	shalt  }
0x45: {  	_ =	shalt  }
0x46: {  	_ =	shalt  }
0x47: {  	_ =	shalt  }
0x48: {  	_ =	shalt  }
0x49: {  	_ =	shalt  }
0x4a: {  	_ =	shalt  }
0x4b: {  	_ =	shalt  }
0x4c: {  	_ =	shalt  }
0x4d: {  	_ =	shalt  }
0x4e: {  	_ =	shalt  }
0x4f: {  	_ =	shalt  }
0x50: {  	_ =	shalt  }
0x51: {  	_ =	shalt  }
0x52: {  	_ =	shalt  }
0x53: {  	_ =	shalt  }
0x54: {  	_ =	shalt  }
0x55: {  	_ =	shalt  }
0x56: {  	_ =	shalt  }
0x57: {  	_ =	shalt  }
0x58: {  	_ =	shalt  }
0x59: {  	_ =	shalt  }
0x5a: {  	_ =	shalt  }
0x5b: {  	_ =	shalt  }
0x5c: {  	_ =	shalt  }
0x5d: {  	_ =	shalt  }
0x5e: {  	_ =	shalt  }
0x5f: {  	_ =	shalt  }
0x60: {  	_ =	shalt  }
0x61: {  	_ =	shalt  }
0x62: {  	_ =	shalt  }
0x63: {  	_ =	shalt  }
0x64: {  	_ =	shalt  }
0x65: {  	_ =	shalt  }
0x66: {  	_ =	shalt  }
0x67: {  	_ =	shalt  }
0x68: {  	_ =	shalt  }
0x69: {  	_ =	shalt  }
0x6a: {  	_ =	shalt  }
0x6b: {  	_ =	shalt  }
0x6c: {  	_ =	shalt  }
0x6d: {  	_ =	shalt  }
0x6e: {  	_ =	shalt  }
0x6f: {  	_ =	shalt  }
0x70: {  	_ =	shalt  }
0x71: {  	_ =	shalt  }
0x72: {  	_ =	shalt  }
0x73: {  	_ =	shalt  }
0x74: {  	_ =	shalt  }
0x75: {  	_ =	shalt  }
0x76: {  	_ =	shalt  }
0x77: {  	_ =	shalt  }
0x78: {  	_ =	shalt  }
0x79: {  	_ =	shalt  }
0x7a: {  	_ =	shalt  }
0x7b: {  	_ =	shalt  }
0x7c: {  	_ =	shalt  }
0x7d: {  	_ =	shalt  }
0x7e: {  	_ =	shalt  }
0x7f: {  	_ =	shalt  }
0x80: {  	_ =	shalt  }
0x81: {  	_ =	shalt  }
0x82: {  	_ =	shalt  }
0x83: {  	_ =	shalt  }
0x84: {  	_ =	shalt  }
0x85: {  	_ =	shalt  }
0x86: {  	_ =	shalt  }
0x87: {  	_ =	shalt  }
.Lfunc_end0:
.L_simem_size_0:
called_computation_lowered:
.L_overlay_start_0:
0x88: {  	s2 =	sld [smem:$0x3FD9]  }
0x89: {  	s3 =	sld [smem:$0x3FFE];
	_ =	sdelay $0x1  }
0x8a: {  	s1 =	srdreg.scid  }
0x8b: {  	s0 =	sand.u32 $0x1, s1  }
0x8c: {  	s17 =	sshll.u32 s0, $0xA;
	s2 =	sadd.s32 s3, s2  }
0x8d: {  	s2 =	sadd.s32 s2, s17  }
0x8e: {  	[smem:$0x3FC2] =	sst s2  }
0x8f: {  	_ = 	snop  }
0x90: {  	s2 =	sld [smem:$0x3FC9]  }
0x91: {  	s18 =	sld [smem:$0x3FD0];
	(tm) =	ssettm $0x1  }
0x92: {  	s4 =	sld [smem:$0x3FFB];
	_ =	sdelay $0x3  }
0x93: {  	_ =	strace s4  }
0x94: {  	s4 =	sld [smem:$0x3FFC];
	_ =	sdelay $0x3  }
0x95: {  	_ =	strace s4  }
0x96: {  	s4 =	sld [smem:$0x3FFD];
	_ =	sdelay $0x3  }
0x97: {  	_ =	strace s4  }
0x98: {  	_ =	strace $0x8FFFFFFF  }
0x99: {  	s19 =	sld [smem:$0x3FDB];
	_ =	sdelay $0x1  }
0x9a: {  	s5 =	simm.s32 $_scs_section_size  }
0x9b: {  	s6 =	simm.s32 $_size__tile_overlayer_lowered;
	s7 =	simm.s32 $_tile_overlayer_lowered  }
0x9c: {  	s22 =	simm.s32 $0x1BFF;
	s21 =	sshll.u32 s7, $0x1;
	s4 =	sadd.s32 s5, s19  }
0x9d: {  	s8 =	simm.s32 $0x0;
	s20 =	sshll.u32 s6, $0x1;
	s6 =	sadd.s32 s21, s4  }
0x9e: {  	[timem:s8], [sflag:s22] =	dma.local [hbm:s6], s20  }
0x9f: {  	_ =	swait.ge [sflag:s22], s20  }
0xa0: {  	s5 =	ssub.s32 $0x0, s20;
	[sflag:s22] =	ssyncset.done $0x0  }
0xa1: {  	[sflag:s22] =	ssyncadd.s32 s5;
	_ =	sdelay $0x1  }
0xa2: {  	s23 =	simm.s32 $0x1B8B  }
0xa3: {  	_ =	swait.ge [sflag:s23], $0x1  }
0xa4: {  	[sflag:s23] =	ssyncset.done $0x0  }
0xa5: {  	s25 =	simm.s32 $0x1B8E;
	s24 =	sld [smem:$0x3FFE];
	[sflag:s23] =	ssyncadd.s32 $0xFFFFFFFF  }
0xa6: {  	s26 =	simm.s32 $execute0_lowered;
	[smem:$0x3FD2] =	sst s25  }
0xa7: {  	s6 =	sshll.u32 s26, $0x1;
	_ =	strace $0x80000046;
	[dreg:$0x1] =	wrdreg $0xFFFFFFFF  }
0xa8: {  	s28 =	simm.s32 $_size_execute0_lowered;
	s4 =	sadd.s32 s4, s6;
	[dreg:$0x0] =	wrdreg $0x0  }
0xa9: {  	s6 =	sshll.u32 s28, $0x1;
	[dreg:$0x2] =	wrdreg s4  }
0xaa: {  	[dreg:$0x3] =	wrdreg s6  }
0xab: {  	[dreg:$0x4] =	wrdreg $0xC0  }
0xac: {  	_ =	task [dreg:s8], $0x5FFFF  }
0xad: {  	[dreg:$0x1] =	wrdreg $0xFFFFFFFF  }
0xae: {  	[dreg:$0x0] =	wrdreg $0x60  }
0xaf: {  	[dreg:$0x2] =	wrdreg s2  }
0xb0: {  	[dreg:$0x3] =	wrdreg s24  }
0xb1: {  	[dreg:$0x4] =	wrdreg s18  }
0xb2: {  	[dreg:$0x5] =	wrdreg $0x90000  }
0xb3: {  	[dreg:$0x6] =	wrdreg $0x9  }
0xb4: {  	_ =	task.clear_ibuf [dreg:s8], $0x7FFFF;
	_ =	strace $0x90000046  }
0xb5: {  	s29 =	simm.s32 $0x9;
	_ =	strace $0x80000048  }
0xb6: {  	_ =	swait.ge [sflag:s29], $0x1  }
0xb7: {  	[sflag:s29] =	ssyncadd.s32 $0xFFFFFFFF  }
0xb8: {  	_ =	strace $0x90000048  }
0xb9: {  	_ =	sfence  }
0xba: {  	s30 =	sld [smem:$0x0];
	_ =	sdelay $0x2  }
0xbb: {  	s31 =	sshll.u32 s1, $0xD;
	s1 =	sshrl.u32 s1, $0x2  }
0xbc: {  	s3 =	sand.u32 $0x4000, s31;
	s1 =	sadd.s32 s1, s30  }
0xbd: {  	s0 =	sor.u32 s3, s0;
	s1 =	sshll.u32 s1, $0x11  }
0xbe: {  	s0 =	sor.u32 s1, s0  }
0xbf: {  	s0 =	sadd.s32 $0x8F2B, s0  }
0xc0: {  	[sflag:s0] =	ssyncadd.remote.s32 $0x1  }
0xc1: {  	_ =	sfence.sel $0xFFFF  }
0xc2: {  	[dreg:$0x0] =	wrdreg $0xFFFFFFFF;
	(pc) =	sbr.abs _section_cstart, $3  }
0xc3: {  	[dreg:$0x1] =	wrdreg $0xFFFFFFFF  }
0xc4: {  	_ =	task.clear_ibuf [dreg:s8], $0x2FFFF;
	_ =	strace $0x9FFFFFFF  }
0xc5: {  	(tm) =	ssettm $0x7FFFFFFF  }
tec
execute0_lowered:
.L_overlay_start_1:
0x0: {  	(tag) =	ssettag $0x1  }
0x1: {  	s1 =	rddreg [dreg:$0x0]  }
0x2: {  	s0 =	rddreg [dreg:$0x1]  }
0x3: {  	s2 =	rddreg [dreg:$0x2]  }
0x4: {  	s3 =	rddreg [dreg:$0x3];
	s4 =	srdreg.scid;
	s5 =	simm.s32 $0x0  }
0x5: {  	s28 =	simm.s32 $0x2;
	s12 =	sand.u32 $0x1, s4;
	s4 =	stileid.u32  }
0x6: {  	s31 =	simm.s32 $0x0;
	[smem:$0x7FF] =	sst s5;
	s7 =	smul.u32 $0x28000, s12  }
0x7: {  	s6 =	sshrl.u32 s4, $0x2;
	_ =	strace $0x80000047;
	s11 =	smul.u32 $0x50000, s4  }
0x8: {  	s18 =	sshll.u32 s4, $0x8;
	s9 =	sshll.u32 s12, $0x7;
	s13 =	smul.u32 $0x980, s4  }
0x9: {  	s20 =	ssub.s32 $0x2, s12;
	s14 =	smul.u32 $0x13, s4;
	s15 =	sshll.u32 s4, $0x7  }
0xa: {  	p0 =	seq.s32 s12, $0x1;
	s8 =	smul.u32 $0x14000, s6;
	s10 =	sand.u32 $0x300, s18  }
0xb: {  	s6 =	sadd.s32 $0x1800, s0;
	s23 =	sshrl.u32 s20, $0x1;
	s26 =	sor.u32 $0x9800, s15  }
0xc: {  	s18 =	simm.s32 $0x1000;
	s16 =	sadd.s32 s7, s0;
	s19 =	sor.u32 s9, s10  }
0xd: {  	s21 =	sshrl.u32 s11, $0x2;
	s25 =	sadd.s32 s6, s13;
	[dreg:$0x5] =	wrdreg s14  }
0xe: {  	s17 =	ssub.s32 s20, s23;
	s13 =	sadd.s32 s2, s13;
	[dreg:$0x6] =	wrdreg s25  }
0xf: {  	s29 =	sadd.s32 s6, s26;
	s12 =	sadd.s32 s2, s26;
	[dreg:$0x7] =	wrdreg s13  }
0x10: {  	s23 =	simm.s32 $0x1;
	s26 =	simm.s32 $0x1D000;
	[dreg:$0x8] =	wrdreg s29  }
0x11: {  	s7 =	sor.u32 s8, s19;
	[dreg:$0x9] =	wrdreg s12;
	s30 =	sadd.s32 $0xB800, s16  }
0x12: {  	s17 =	smax.u32 s17, $0x1;
	s19 =	simm.s32 $0x4;
	s8 =	simm.s32 $0x800  }
.Ltmp0:
0x13: {  	s22 =	sshrl.u32 s7, $0x3;
	s7 =	sadd.s32 s21, s3;
	(pc) =	sbr.rel .LBB2_1-.Ltmp0, $4  }
0x14: {  	s25 =	simm.s32 $0x5000;
	s21 =	simm.s32 $0x3;
	s24 =	sadd.s32 $0x4000, s7  }
0x15: {  	s0 =	sadd.s32 s22, s0;
	[dreg:$0xa] =	wrdreg s24;
	s24 =	smul.u32 $0x2800, s4  }
0x16: {  	s9 =	sadd.s32 $0x8000, s7;
	s10 =	sadd.s32 $0xC000, s7;
	s11 =	sadd.s32 $0x10000, s7  }
0x17: {  	v0 =	vimm.f32 $0.0e+00;
	v1 =	vimm.f32 $1.000000000e+00;
	s22 =	simm.s32 $0x80;
	s16 =	sadd.s32 $0x5B800, s0;
	s24 =	sadd.s32 s24, s30  }
.LBB2_8:
0x18: {  	s0 =	rddreg [dreg:$0x8]  }
0x19: {  	[tilespmem:s5], [sflag:$0x3] =	stream.linear.gather [hbm4b:s0+s5], $0x400, $0x38;
	[tilespmem:$0x1F800] =	vst v63  }
0x1a: {  	s13 =	rddreg [dreg:$0x9];
	s4 =	simm.s32 $0x800  }
0x1b: {  	[tilespmem:s4], [sflag:$0x3] =	stream.linear.gather [hbm4b:s13+s5], $0x400, $0x38;
	[tilespmem:$0x1F800] =	vst v63  }
0x1c: {  	_ =	swait.ge [sflag:s21], $0x400  }
0x1d: {  	[sflag:s21] =	ssyncset.done $0x0  }
0x1e: {  	[sflag:s21] =	ssyncadd.s32 $0xFFFFFC00  }
0x1f: {  	_ =	swait.ge [sflag:s21], $0x400  }
0x20: {  	[sflag:s21] =	ssyncset.done $0x0  }
0x21: {  	[sflag:s21] =	ssyncadd.s32 $0xFFFFFC00  }
0x22: {  	[tilespmem:s18], [sflag:$0x1] =	stream.indirect.gather [hbm4b:s1+s22], $0x80, s5, s22, $0xb8;
	[tilespmem:$0x1F800] =	vst v63  }
0x23: {  	_ =	swait.ge [sflag:s23], $0x4000  }
0x24: {  	[sflag:s23] =	ssyncset.done $0x0  }
0x25: {  	[sflag:s23] =	ssyncadd.s32 $0xFFFFC000  }
0x26: {  	[tilespmem:s25], [sflag:$0x1] =	stream.indirect.gather [hbm4b:s1+s22], $0x80, s22, s22, $0xb8;
	[tilespmem:$0x1F800] =	vst v63  }
0x27: {  	_ = 	snop  }
0x28: {  	[spmem:s3] =	stream.indirect.scatter.add.f32 [tilespmem:s18], [sflag:$0x2], $0x80, s4, s22, $0xb8;
	[tilespmem:$0x1F800] =	vst v63  }
0x29: {  	v2 =	vld [tilespmem:$0x800];
	_ =	sdelay $0x7  }
0x2a: {  	[tilespmem:v2+s26+$0x0] =	vst.idx.add.f32.msk $0xffff, v1  }
0x2b: {  	v2 =	vld [tilespmem:$0x810];
	_ =	sdelay $0x7  }
0x2c: {  	[tilespmem:v2+s26+$0x0] =	vst.idx.add.f32.msk $0xffff, v1  }
0x2d: {  	v2 =	vld [tilespmem:$0x820];
	_ =	sdelay $0x7  }
0x2e: {  	[tilespmem:v2+s26+$0x0] =	vst.idx.add.f32.msk $0xffff, v1  }
0x2f: {  	v2 =	vld [tilespmem:$0x830];
	_ =	sdelay $0x7  }
0x30: {  	[tilespmem:v2+s26+$0x0] =	vst.idx.add.f32.msk $0xffff, v1  }
0x31: {  	v2 =	vld [tilespmem:$0x840];
	_ =	sdelay $0x7  }
0x32: {  	[tilespmem:v2+s26+$0x0] =	vst.idx.add.f32.msk $0xffff, v1  }
0x33: {  	v2 =	vld [tilespmem:$0x850];
	_ =	sdelay $0x7  }
0x34: {  	[tilespmem:v2+s26+$0x0] =	vst.idx.add.f32.msk $0xffff, v1  }
0x35: {  	v2 =	vld [tilespmem:$0x860];
	_ =	sdelay $0x7  }
0x36: {  	[tilespmem:v2+s26+$0x0] =	vst.idx.add.f32.msk $0xffff, v1  }
0x37: {  	v2 =	vld [tilespmem:$0x870];
	_ =	sdelay $0x7  }
0x38: {  	[tilespmem:v2+s26+$0x0] =	vst.idx.add.f32.msk $0xffff, v1  }
0x39: {  	_ =	swait.ge [sflag:s23], $0x4000  }
0x3a: {  	[sflag:s23] =	ssyncset.done $0x0  }
0x3b: {  	[sflag:s23] =	ssyncadd.s32 $0xFFFFC000  }
0x3c: {  	_ =	swait.ge [sflag:s28], $0x4000  }
0x3d: {  	[sflag:s28] =	ssyncset.done $0x0  }
0x3e: {  	s14 =	simm.s32 $0x100;
	[sflag:s28] =	ssyncadd.s32 $0xFFFFC000  }
0x3f: {  	[tilespmem:s18], [sflag:$0x1] =	stream.indirect.gather [hbm4b:s1+s22], $0x80, s14, s22, $0xb8;
	[tilespmem:$0x1F800] =	vst v63  }
0x40: {  	s15 =	simm.s32 $0x880  }
0x41: {  	[spmem:s3] =	stream.indirect.scatter.add.f32 [tilespmem:s25], [sflag:$0x2], $0x80, s15, s22, $0xb8;
	[tilespmem:$0x1F800] =	vst v63  }
0x42: {  	v2 =	vld [tilespmem:$0x880];
	_ =	sdelay $0x7  }
0x43: {  	[tilespmem:v2+s26+$0x0] =	vst.idx.add.f32.msk $0xffff, v1  }
0x44: {  	v2 =	vld [tilespmem:$0x890];
	_ =	sdelay $0x7  }
0x45: {  	[tilespmem:v2+s26+$0x0] =	vst.idx.add.f32.msk $0xffff, v1  }
0x46: {  	v2 =	vld [tilespmem:$0x8A0];
	_ =	sdelay $0x7  }
0x47: {  	[tilespmem:v2+s26+$0x0] =	vst.idx.add.f32.msk $0xffff, v1  }
0x48: {  	v2 =	vld [tilespmem:$0x8B0];
	_ =	sdelay $0x7  }
0x49: {  	[tilespmem:v2+s26+$0x0] =	vst.idx.add.f32.msk $0xffff, v1  }
0x4a: {  	v2 =	vld [tilespmem:$0x8C0];
	_ =	sdelay $0x7  }
0x4b: {  	[tilespmem:v2+s26+$0x0] =	vst.idx.add.f32.msk $0xffff, v1  }
0x4c: {  	v2 =	vld [tilespmem:$0x8D0];
	_ =	sdelay $0x7  }
0x4d: {  	[tilespmem:v2+s26+$0x0] =	vst.idx.add.f32.msk $0xffff, v1  }
0x4e: {  	v2 =	vld [tilespmem:$0x8E0];
	_ =	sdelay $0x7  }
0x4f: {  	[tilespmem:v2+s26+$0x0] =	vst.idx.add.f32.msk $0xffff, v1  }
0x50: {  	v2 =	vld [tilespmem:$0x8F0];
	_ =	sdelay $0x7  }
0x51: {  	[tilespmem:v2+s26+$0x0] =	vst.idx.add.f32.msk $0xffff, v1  }
0x52: {  	_ =	swait.ge [sflag:s23], $0x4000  }
0x53: {  	[sflag:s23] =	ssyncset.done $0x0  }
0x54: {  	[sflag:s23] =	ssyncadd.s32 $0xFFFFC000  }
0x55: {  	_ =	swait.ge [sflag:s28], $0x4000  }
0x56: {  	[sflag:s28] =	ssyncset.done $0x0  }
0x57: {  	s20 =	simm.s32 $0x180;
	[sflag:s28] =	ssyncadd.s32 $0xFFFFC000  }
0x58: {  	[tilespmem:s25], [sflag:$0x1] =	stream.indirect.gather [hbm4b:s1+s22], $0x80, s20, s22, $0xb8;
	[tilespmem:$0x1F800] =	vst v63  }
0x59: {  	s29 =	simm.s32 $0x900  }
0x5a: {  	[spmem:s3] =	stream.indirect.scatter.add.f32 [tilespmem:s18], [sflag:$0x2], $0x80, s29, s22, $0xb8;
	[tilespmem:$0x1F800] =	vst v63  }
0x5b: {  	v2 =	vld [tilespmem:$0x900];
	_ =	sdelay $0x7  }
0x5c: {  	[tilespmem:v2+s26+$0x0] =	vst.idx.add.f32.msk $0xffff, v1  }
0x5d: {  	v2 =	vld [tilespmem:$0x910];
	_ =	sdelay $0x7  }
0x5e: {  	[tilespmem:v2+s26+$0x0] =	vst.idx.add.f32.msk $0xffff, v1  }
0x5f: {  	v2 =	vld [tilespmem:$0x920];
	_ =	sdelay $0x7  }
0x60: {  	[tilespmem:v2+s26+$0x0] =	vst.idx.add.f32.msk $0xffff, v1  }
0x61: {  	v2 =	vld [tilespmem:$0x930];
	_ =	sdelay $0x7  }
0x62: {  	[tilespmem:v2+s26+$0x0] =	vst.idx.add.f32.msk $0xffff, v1  }
0x63: {  	v2 =	vld [tilespmem:$0x940];
	_ =	sdelay $0x7  }
0x64: {  	[tilespmem:v2+s26+$0x0] =	vst.idx.add.f32.msk $0xffff, v1  }
0x65: {  	v2 =	vld [tilespmem:$0x950];
	_ =	sdelay $0x7  }
0x66: {  	[tilespmem:v2+s26+$0x0] =	vst.idx.add.f32.msk $0xffff, v1  }
0x67: {  	v2 =	vld [tilespmem:$0x960];
	_ =	sdelay $0x7  }
0x68: {  	[tilespmem:v2+s26+$0x0] =	vst.idx.add.f32.msk $0xffff, v1  }
0x69: {  	v2 =	vld [tilespmem:$0x970];
	_ =	sdelay $0x7  }
0x6a: {  	[tilespmem:v2+s26+$0x0] =	vst.idx.add.f32.msk $0xffff, v1  }
0x6b: {  	_ =	swait.ge [sflag:s23], $0x4000  }
0x6c: {  	[sflag:s23] =	ssyncset.done $0x0  }
0x6d: {  	[sflag:s23] =	ssyncadd.s32 $0xFFFFC000  }
0x6e: {  	_ =	swait.ge [sflag:s28], $0x4000  }
0x6f: {  	[sflag:s28] =	ssyncset.done $0x0  }
0x70: {  	s30 =	simm.s32 $0x200;
	[sflag:s28] =	ssyncadd.s32 $0xFFFFC000  }
0x71: {  	[tilespmem:s18], [sflag:$0x1] =	stream.indirect.gather [hbm4b:s1+s22], $0x80, s30, s22, $0xb8;
	[tilespmem:$0x1F800] =	vst v63  }
0x72: {  	s4 =	simm.s32 $0x980  }
0x73: {  	[spmem:s3] =	stream.indirect.scatter.add.f32 [tilespmem:s25], [sflag:$0x2], $0x80, s4, s22, $0xb8;
	[tilespmem:$0x1F800] =	vst v63  }
0x74: {  	v2 =	vld [tilespmem:$0x980];
	_ =	sdelay $0x7  }
0x75: {  	[tilespmem:v2+s26+$0x0] =	vst.idx.add.f32.msk $0xffff, v1  }
0x76: {  	v2 =	vld [tilespmem:$0x990];
	_ =	sdelay $0x7  }
0x77: {  	[tilespmem:v2+s26+$0x0] =	vst.idx.add.f32.msk $0xffff, v1  }
0x78: {  	v2 =	vld [tilespmem:$0x9A0];
	_ =	sdelay $0x7  }
0x79: {  	[tilespmem:v2+s26+$0x0] =	vst.idx.add.f32.msk $0xffff, v1  }
0x7a: {  	v2 =	vld [tilespmem:$0x9B0];
	_ =	sdelay $0x7  }
0x7b: {  	[tilespmem:v2+s26+$0x0] =	vst.idx.add.f32.msk $0xffff, v1  }
0x7c: {  	v2 =	vld [tilespmem:$0x9C0];
	_ =	sdelay $0x7  }
0x7d: {  	[tilespmem:v2+s26+$0x0] =	vst.idx.add.f32.msk $0xffff, v1  }
0x7e: {  	v2 =	vld [tilespmem:$0x9D0];
	_ =	sdelay $0x7  }
0x7f: {  	[tilespmem:v2+s26+$0x0] =	vst.idx.add.f32.msk $0xffff, v1  }
0x80: {  	v2 =	vld [tilespmem:$0x9E0];
	_ =	sdelay $0x7  }
0x81: {  	[tilespmem:v2+s26+$0x0] =	vst.idx.add.f32.msk $0xffff, v1  }
0x82: {  	v2 =	vld [tilespmem:$0x9F0];
	_ =	sdelay $0x7  }
0x83: {  	[tilespmem:v2+s26+$0x0] =	vst.idx.add.f32.msk $0xffff, v1  }
0x84: {  	_ =	swait.ge [sflag:s23], $0x4000  }
0x85: {  	[sflag:s23] =	ssyncset.done $0x0  }
0x86: {  	[sflag:s23] =	ssyncadd.s32 $0xFFFFC000  }
0x87: {  	_ =	swait.ge [sflag:s28], $0x4000  }
0x88: {  	[sflag:s28] =	ssyncset.done $0x0  }
0x89: {  	s12 =	simm.s32 $0x280;
	[sflag:s28] =	ssyncadd.s32 $0xFFFFC000  }
0x8a: {  	[tilespmem:s25], [sflag:$0x1] =	stream.indirect.gather [hbm4b:s1+s22], $0x80, s12, s22, $0xb8;
	[tilespmem:$0x1F800] =	vst v63  }
0x8b: {  	s13 =	simm.s32 $0xA00  }
0x8c: {  	[spmem:s3] =	stream.indirect.scatter.add.f32 [tilespmem:s18], [sflag:$0x2], $0x80, s13, s22, $0xb8;
	[tilespmem:$0x1F800] =	vst v63  }
0x8d: {  	v2 =	vld [tilespmem:$0xA00];
	_ =	sdelay $0x7  }
0x8e: {  	[tilespmem:v2+s26+$0x0] =	vst.idx.add.f32.msk $0xffff, v1  }
0x8f: {  	v2 =	vld [tilespmem:$0xA10];
	_ =	sdelay $0x7  }
0x90: {  	[tilespmem:v2+s26+$0x0] =	vst.idx.add.f32.msk $0xffff, v1  }
0x91: {  	v2 =	vld [tilespmem:$0xA20];
	_ =	sdelay $0x7  }
0x92: {  	[tilespmem:v2+s26+$0x0] =	vst.idx.add.f32.msk $0xffff, v1  }
0x93: {  	v2 =	vld [tilespmem:$0xA30];
	_ =	sdelay $0x7  }
0x94: {  	[tilespmem:v2+s26+$0x0] =	vst.idx.add.f32.msk $0xffff, v1  }
0x95: {  	v2 =	vld [tilespmem:$0xA40];
	_ =	sdelay $0x7  }
0x96: {  	[tilespmem:v2+s26+$0x0] =	vst.idx.add.f32.msk $0xffff, v1  }
0x97: {  	v2 =	vld [tilespmem:$0xA50];
	_ =	sdelay $0x7  }
0x98: {  	[tilespmem:v2+s26+$0x0] =	vst.idx.add.f32.msk $0xffff, v1  }
0x99: {  	v2 =	vld [tilespmem:$0xA60];
	_ =	sdelay $0x7  }
0x9a: {  	[tilespmem:v2+s26+$0x0] =	vst.idx.add.f32.msk $0xffff, v1  }
0x9b: {  	v2 =	vld [tilespmem:$0xA70];
	_ =	sdelay $0x7  }
0x9c: {  	[tilespmem:v2+s26+$0x0] =	vst.idx.add.f32.msk $0xffff, v1  }
0x9d: {  	_ =	swait.ge [sflag:s23], $0x4000  }
0x9e: {  	[sflag:s23] =	ssyncset.done $0x0  }
0x9f: {  	[sflag:s23] =	ssyncadd.s32 $0xFFFFC000  }
0xa0: {  	_ =	swait.ge [sflag:s28], $0x4000  }
0xa1: {  	[sflag:s28] =	ssyncset.done $0x0  }
0xa2: {  	s14 =	simm.s32 $0x300;
	[sflag:s28] =	ssyncadd.s32 $0xFFFFC000  }
0xa3: {  	[tilespmem:s18], [sflag:$0x1] =	stream.indirect.gather [hbm4b:s1+s22], $0x80, s14, s22, $0xb8;
	[tilespmem:$0x1F800] =	vst v63  }
0xa4: {  	s15 =	simm.s32 $0xA80  }
0xa5: {  	[spmem:s3] =	stream.indirect.scatter.add.f32 [tilespmem:s25], [sflag:$0x2], $0x80, s15, s22, $0xb8;
	[tilespmem:$0x1F800] =	vst v63  }
0xa6: {  	v2 =	vld [tilespmem:$0xA80];
	_ =	sdelay $0x7  }
0xa7: {  	[tilespmem:v2+s26+$0x0] =	vst.idx.add.f32.msk $0xffff, v1  }
0xa8: {  	v2 =	vld [tilespmem:$0xA90];
	_ =	sdelay $0x7  }
0xa9: {  	[tilespmem:v2+s26+$0x0] =	vst.idx.add.f32.msk $0xffff, v1  }
0xaa: {  	v2 =	vld [tilespmem:$0xAA0];
	_ =	sdelay $0x7  }
0xab: {  	[tilespmem:v2+s26+$0x0] =	vst.idx.add.f32.msk $0xffff, v1  }
0xac: {  	v2 =	vld [tilespmem:$0xAB0];
	_ =	sdelay $0x7  }
0xad: {  	[tilespmem:v2+s26+$0x0] =	vst.idx.add.f32.msk $0xffff, v1  }
0xae: {  	v2 =	vld [tilespmem:$0xAC0];
	_ =	sdelay $0x7  }
0xaf: {  	[tilespmem:v2+s26+$0x0] =	vst.idx.add.f32.msk $0xffff, v1  }
0xb0: {  	v2 =	vld [tilespmem:$0xAD0];
	_ =	sdelay $0x7  }
0xb1: {  	[tilespmem:v2+s26+$0x0] =	vst.idx.add.f32.msk $0xffff, v1  }
0xb2: {  	v2 =	vld [tilespmem:$0xAE0];
	_ =	sdelay $0x7  }
0xb3: {  	[tilespmem:v2+s26+$0x0] =	vst.idx.add.f32.msk $0xffff, v1  }
0xb4: {  	v2 =	vld [tilespmem:$0xAF0];
	_ =	sdelay $0x7  }
0xb5: {  	[tilespmem:v2+s26+$0x0] =	vst.idx.add.f32.msk $0xffff, v1  }
0xb6: {  	_ =	swait.ge [sflag:s23], $0x4000  }
0xb7: {  	[sflag:s23] =	ssyncset.done $0x0  }
0xb8: {  	[sflag:s23] =	ssyncadd.s32 $0xFFFFC000  }
0xb9: {  	_ =	swait.ge [sflag:s28], $0x4000  }
0xba: {  	[sflag:s28] =	ssyncset.done $0x0  }
0xbb: {  	s20 =	simm.s32 $0x380;
	[sflag:s28] =	ssyncadd.s32 $0xFFFFC000  }
0xbc: {  	[tilespmem:s25], [sflag:$0x1] =	stream.indirect.gather [hbm4b:s1+s22], $0x80, s20, s22, $0xb8;
	[tilespmem:$0x1F800] =	vst v63  }
0xbd: {  	s29 =	simm.s32 $0xB00  }
0xbe: {  	[spmem:s3] =	stream.indirect.scatter.add.f32 [tilespmem:s18], [sflag:$0x2], $0x80, s29, s22, $0xb8;
	[tilespmem:$0x1F800] =	vst v63  }
0xbf: {  	v2 =	vld [tilespmem:$0xB00];
	_ =	sdelay $0x7  }
0xc0: {  	[tilespmem:v2+s26+$0x0] =	vst.idx.add.f32.msk $0xffff, v1  }
0xc1: {  	v2 =	vld [tilespmem:$0xB10];
	_ =	sdelay $0x7  }
0xc2: {  	[tilespmem:v2+s26+$0x0] =	vst.idx.add.f32.msk $0xffff, v1  }
0xc3: {  	v2 =	vld [tilespmem:$0xB20];
	_ =	sdelay $0x7  }
0xc4: {  	[tilespmem:v2+s26+$0x0] =	vst.idx.add.f32.msk $0xffff, v1  }
0xc5: {  	v2 =	vld [tilespmem:$0xB30];
	_ =	sdelay $0x7  }
0xc6: {  	[tilespmem:v2+s26+$0x0] =	vst.idx.add.f32.msk $0xffff, v1  }
0xc7: {  	v2 =	vld [tilespmem:$0xB40];
	_ =	sdelay $0x7  }
0xc8: {  	[tilespmem:v2+s26+$0x0] =	vst.idx.add.f32.msk $0xffff, v1  }
0xc9: {  	v2 =	vld [tilespmem:$0xB50];
	_ =	sdelay $0x7  }
0xca: {  	[tilespmem:v2+s26+$0x0] =	vst.idx.add.f32.msk $0xffff, v1  }
0xcb: {  	v2 =	vld [tilespmem:$0xB60];
	_ =	sdelay $0x7  }
0xcc: {  	[tilespmem:v2+s26+$0x0] =	vst.idx.add.f32.msk $0xffff, v1  }
0xcd: {  	v2 =	vld [tilespmem:$0xB70];
	_ =	sdelay $0x7  }
0xce: {  	[tilespmem:v2+s26+$0x0] =	vst.idx.add.f32.msk $0xffff, v1  }
0xcf: {  	_ =	swait.ge [sflag:s23], $0x4000  }
0xd0: {  	[sflag:s23] =	ssyncset.done $0x0  }
0xd1: {  	[sflag:s23] =	ssyncadd.s32 $0xFFFFC000  }
0xd2: {  	_ =	swait.ge [sflag:s28], $0x4000  }
0xd3: {  	[sflag:s28] =	ssyncset.done $0x0  }
0xd4: {  	s30 =	simm.s32 $0xB80;
	[sflag:s28] =	ssyncadd.s32 $0xFFFFC000  }
0xd5: {  	[spmem:s3] =	stream.indirect.scatter.add.f32 [tilespmem:s25], [sflag:$0x2], $0x80, s30, s22, $0xb8;
	[tilespmem:$0x1F800] =	vst v63  }
0xd6: {  	v2 =	vld [tilespmem:$0xB80];
	_ =	sdelay $0x7  }
0xd7: {  	[tilespmem:v2+s26+$0x0] =	vst.idx.add.f32.msk $0xffff, v1  }
0xd8: {  	v2 =	vld [tilespmem:$0xB90];
	_ =	sdelay $0x7  }
0xd9: {  	[tilespmem:v2+s26+$0x0] =	vst.idx.add.f32.msk $0xffff, v1  }
0xda: {  	v2 =	vld [tilespmem:$0xBA0];
	_ =	sdelay $0x7  }
0xdb: {  	[tilespmem:v2+s26+$0x0] =	vst.idx.add.f32.msk $0xffff, v1  }
0xdc: {  	v2 =	vld [tilespmem:$0xBB0];
	_ =	sdelay $0x7  }
0xdd: {  	[tilespmem:v2+s26+$0x0] =	vst.idx.add.f32.msk $0xffff, v1  }
0xde: {  	v2 =	vld [tilespmem:$0xBC0];
	_ =	sdelay $0x7  }
0xdf: {  	[tilespmem:v2+s26+$0x0] =	vst.idx.add.f32.msk $0xffff, v1  }
0xe0: {  	v2 =	vld [tilespmem:$0xBD0];
	_ =	sdelay $0x7  }
0xe1: {  	[tilespmem:v2+s26+$0x0] =	vst.idx.add.f32.msk $0xffff, v1  }
0xe2: {  	v2 =	vld [tilespmem:$0xBE0];
	_ =	sdelay $0x7  }
0xe3: {  	[tilespmem:v2+s26+$0x0] =	vst.idx.add.f32.msk $0xffff, v1  }
0xe4: {  	v2 =	vld [tilespmem:$0xBF0];
	_ =	sdelay $0x7  }
0xe5: {  	s8 =	simm.s32 $0x800;
	[tilespmem:v2+s26+$0x0] =	vst.idx.add.f32.msk $0xffff, v1  }
.LBB2_9:
0xe6: {  	_ =	swait.ge [sflag:s28], $0x4000  }
0xe7: {  	s0 =	stileid.u32;
	[sflag:s28] =	ssyncset.done $0x0  }
0xe8: {  	s0 =	sshll.u32 s0, $0x6;
	[sflag:s28] =	ssyncadd.s32 $0xFFFFC000  }
0xe9: {  	s4 =	sshrl.u32 s7, $0x3;
	s0 =	sor.u32 $0x1C04, s0;
	[bflag:$0x0] =	sbarrier.arrive $0xFFFF  }
0xea: {  	[hbm:s24], [sflag:s0] =	dma.local [spmem:s4], $0x2800  }
0xeb: {  	s31 =	sadd.s32 $0x1, s31;
	_ =	swait.ge [sflag:s19], $0x2800  }
0xec: {  	p1 =	sne.s32 s31, s17;
	[sflag:s19] =	ssyncset.done $0x0  }
.Ltmp1:
0xed: {  	s30 =	simm.s32 $0x400;
	[sflag:s19] =	ssyncadd.s32 $0xFFFFD800;
	(pc) =	sbr.rel @!p1 .LBB2_10-.Ltmp1, $4  }
0xee: {  	[hbm4b:s16+s22] =	stream.strided.scatter [tilespmem:s26], [sflag:$0x4], $0x2800, s30, s22, $0x38;
	[tilespmem:$0x1F800] =	vst v63  }
0xef: {  	_ =	swait.ge [sflag:s19], $0x2800  }
0xf0: {  	[sflag:s19] =	ssyncset.done $0x0  }
0xf1: {  	[sflag:s19] =	ssyncadd.s32 $0xFFFFD800  }
.LBB2_1:
0xf2: {  	s0 =	sand.u32 $0xFE00, s5  }
0xf3: {  	s12 =	sand.u32 $0x70, s5;
	s29 =	sshrl.u32 s0, $0x2  }
0xf4: {  	s0 =	simm.s32 $0x40;
	s29 =	sor.u32 s12, s29;
	s12 =	simm.s32 $0x0  }
.LBB2_2:
0xf5: {  	p1 =	sne.s32 s0, $0xFFC0  }
0xf6: {  	[tilespmem:s29+$0x1000] =	vst v0;
	s12 =	sadd.s32 $0x10, s12;
	s29 =	smov.u32 s0;
	s0 =	sadd.s32 $0x40, s0  }
.Ltmp2:
0xf7: {  	(pc) =	sbr.rel @p1 .LBB2_2-.Ltmp2, $4  }
0xf8: {  	_ = 	snop  }
0xf9: {  	s29 =	sand.u32 $0xFE00, s29  }
0xfa: {  	s13 =	sand.u32 $0x70, s12;
	s29 =	sshrl.u32 s29, $0x2  }
0xfb: {  	s29 =	sor.u32 s13, s29  }
0xfc: {  	[tilespmem:s29+$0x1000] =	vst v0  }
0xfd: {  	[spmem:s7] =	stream.linear.scatter [tilespmem:s18], [sflag:$0x4], $0x4000, $0x38;
	[tilespmem:$0x1F800] =	vst v63  }
0xfe: {  	_ =	swait.ge [sflag:s19], $0x4000  }
0xff: {  	[sflag:s19] =	ssyncset.done $0x0  }
0x100: {  	s0 =	rddreg [dreg:$0xa];
	[sflag:s19] =	ssyncadd.s32 $0xFFFFC000  }
0x101: {  	[spmem:s0] =	stream.linear.scatter [tilespmem:s18], [sflag:$0x4], $0x4000, $0x38;
	[tilespmem:$0x1F800] =	vst v63  }
0x102: {  	_ =	swait.ge [sflag:s19], $0x4000  }
0x103: {  	[sflag:s19] =	ssyncset.done $0x0  }
0x104: {  	[sflag:s19] =	ssyncadd.s32 $0xFFFFC000  }
0x105: {  	[spmem:s9] =	stream.linear.scatter [tilespmem:s18], [sflag:$0x4], $0x4000, $0x38;
	[tilespmem:$0x1F800] =	vst v63  }
0x106: {  	_ =	swait.ge [sflag:s19], $0x4000  }
0x107: {  	[sflag:s19] =	ssyncset.done $0x0  }
0x108: {  	[sflag:s19] =	ssyncadd.s32 $0xFFFFC000  }
0x109: {  	[spmem:s10] =	stream.linear.scatter [tilespmem:s18], [sflag:$0x4], $0x4000, $0x38;
	[tilespmem:$0x1F800] =	vst v63  }
0x10a: {  	_ =	swait.ge [sflag:s19], $0x4000  }
0x10b: {  	[sflag:s19] =	ssyncset.done $0x0  }
0x10c: {  	[sflag:s19] =	ssyncadd.s32 $0xFFFFC000  }
0x10d: {  	[spmem:s11] =	stream.linear.scatter [tilespmem:s18], [sflag:$0x4], $0x4000, $0x38;
	[tilespmem:$0x1F800] =	vst v63  }
0x10e: {  	_ =	swait.ge [sflag:s19], $0x4000  }
0x10f: {  	[sflag:s19] =	ssyncset.done $0x0  }
0x110: {  	s12 =	simm.s32 $0x0;
	s0 =	simm.s32 $0x40;
	[sflag:s19] =	ssyncadd.s32 $0xFFFFC000  }
.LBB2_4:
0x111: {  	p1 =	sne.s32 s0, $0x9FC0;
	[tilespmem:s12+$0x1D000] =	vst v0;
	s12 =	smov.u32 s0;
	s0 =	sadd.s32 $0x40, s0  }
.Ltmp3:
0x112: {  	(pc) =	sbr.rel @p1 .LBB2_4-.Ltmp3, $2  }
0x113: {  	_ =	sdelay $0x2  }
0x114: {  	s12 =	sshra.s32 s12, $0x2  }
.Ltmp4:
0x115: {  	(pc) =	sbr.rel @p0 .LBB2_8-.Ltmp4, $3  }
0x116: {  	_ = 	snop  }
0x117: {  	[tilespmem:s12+$0x1D000] =	vst v0  }
0x118: {  	[bflag:$0x0] =	sbarrier.arrive $0xFFFF;
	_ =	sdelay $0x1  }
0x119: {  	s0 =	simm.s32 $0x0;
	s4 =	rddreg [dreg:$0x6]  }
0x11a: {  	[tilespmem:s0], [sflag:$0x3] =	stream.linear.gather [hbm4b:s4+s0], $0x400, $0x38;
	[tilespmem:$0x1F800] =	vst v63  }
0x11b: {  	s30 =	rddreg [dreg:$0x7]  }
0x11c: {  	[tilespmem:s8], [sflag:$0x3] =	stream.linear.gather [hbm4b:s30+s0], $0x400, $0x38;
	[tilespmem:$0x1F800] =	vst v63  }
0x11d: {  	_ =	swait.ge [sflag:s21], $0x400  }
0x11e: {  	[sflag:s21] =	ssyncset.done $0x0  }
0x11f: {  	[sflag:s21] =	ssyncadd.s32 $0xFFFFFC00  }
0x120: {  	_ =	swait.ge [sflag:s21], $0x400  }
0x121: {  	[sflag:s21] =	ssyncset.done $0x0  }
0x122: {  	s29 =	simm.s32 $0x100;
	s12 =	simm.s32 $0x0;
	[sflag:s21] =	ssyncadd.s32 $0xFFFFFC00  }
0x123: {  	[tilespmem:s18], [sflag:$0x1] =	stream.indirect.gather [hbm4b:s1+s22], $0x80, s0, s22, $0xb8;
	[tilespmem:$0x1F800] =	vst v63  }
.LBB2_7:
0x124: {  	_ =	swait.ge [sflag:s23], $0x4000;
	p1 =	seq.s32 s29, $0x100  }
0x125: {  	s14 =	sand.u32 $0x6, s0;
	p2 =	sgt.u32 s12, $0x47;
	[sflag:s23] =	ssyncset.done $0x0  }
0x126: {  	s13 =	simm.s32 @!p1 $0x2;
	p3 =	sne.s32 @!p2 s14, $0x2;
	[sflag:s23] =	ssyncadd.s32 $0xFFFFC000  }
0x127: {  	s30 =	sshrl.u32 s12, $0x2;
	p2 =	por p3, p2;
	_ =	swait.ge @!p1 [sflag:s13], $0x4000  }
0x128: {  	s4 =	sadd.s32 @!p2 $0x1, s30;
	s15 =	rddreg [dreg:$0x5]  }
0x129: {  	[sflag:s13] =	ssyncset.done @!p1 $0x0;
	s15 =	sadd.s32 @!p2 s15, s4  }
0x12a: {  	[sflag:s13] =	ssyncadd.s32 @!p1 $0xFFFFC000;
	s4 =	sshll.u32 @!p2 s4, $0xA;
	s13 =	sshll.u32 @!p2 s15, $0x7  }
0x12b: {  	s20 =	simm.s32 @!p2 $0x0;
	s4 =	sand.u32 @!p2 $0x400, s4;
	s15 =	sadd.s32 @!p2 s6, s13  }
0x12c: {  	[tilespmem:s4], [sflag:$0x3] =	stream.linear.gather @!p2 [hbm4b:s15+s20], $0x400, $0x38;
	[tilespmem:$0x1F800] =	vst v63  }
0x12d: {  	s13 =	sadd.s32 @!p2 s2, s13;
	s4 =	sor.u32 @!p2 $0x800, s4  }
0x12e: {  	[tilespmem:s4], [sflag:$0x3] =	stream.linear.gather @!p2 [hbm4b:s13+s20], $0x400, $0x38;
	[tilespmem:$0x1F800] =	vst v63  }
0x12f: {  	s15 =	sadd.s32 $0xFFFFFF80, s29;
	s13 =	sadd.s32 $0xFFFFFF00, s29  }
0x130: {  	s4 =	sand.u32 $0x400, s13;
	s13 =	sand.u32 $0x380, s15  }
0x131: {  	s20 =	sshll.u32 s30, $0xA;
	s13 =	sor.u32 s13, s4  }
0x132: {  	[tilespmem:s25], [sflag:$0x1] =	stream.indirect.gather [hbm4b:s1+s22], $0x80, s13, s22, $0xb8;
	[tilespmem:$0x1F800] =	vst v63  }
0x133: {  	s14 =	sshll.u32 s14, $0x7;
	s13 =	sand.u32 $0x400, s20  }
0x134: {  	s13 =	sor.u32 s14, s13  }
0x135: {  	s14 =	sor.u32 $0x800, s13  }
0x136: {  	[spmem:s3] =	stream.indirect.scatter.add.f32 [tilespmem:s18], [sflag:$0x2], $0x80, s14, s22, $0xb8;
	[tilespmem:$0x1F800] =	vst v63  }
0x137: {  	v2 =	vld [tilespmem:s13+$0x800];
	_ =	sdelay $0x7  }
0x138: {  	[tilespmem:v2+s26+$0x0] =	vst.idx.add.f32.msk $0xffff, v1  }
0x139: {  	v2 =	vld [tilespmem:s13+$0x810];
	_ =	sdelay $0x7  }
0x13a: {  	[tilespmem:v2+s26+$0x0] =	vst.idx.add.f32.msk $0xffff, v1  }
0x13b: {  	v2 =	vld [tilespmem:s13+$0x820];
	_ =	sdelay $0x7  }
0x13c: {  	[tilespmem:v2+s26+$0x0] =	vst.idx.add.f32.msk $0xffff, v1  }
0x13d: {  	v2 =	vld [tilespmem:s13+$0x830];
	_ =	sdelay $0x7  }
0x13e: {  	[tilespmem:v2+s26+$0x0] =	vst.idx.add.f32.msk $0xffff, v1  }
0x13f: {  	v2 =	vld [tilespmem:s13+$0x840];
	_ =	sdelay $0x7  }
0x140: {  	[tilespmem:v2+s26+$0x0] =	vst.idx.add.f32.msk $0xffff, v1  }
0x141: {  	v2 =	vld [tilespmem:s13+$0x850];
	_ =	sdelay $0x7  }
0x142: {  	[tilespmem:v2+s26+$0x0] =	vst.idx.add.f32.msk $0xffff, v1  }
0x143: {  	v2 =	vld [tilespmem:s13+$0x860];
	_ =	sdelay $0x7  }
0x144: {  	[tilespmem:v2+s26+$0x0] =	vst.idx.add.f32.msk $0xffff, v1  }
0x145: {  	v2 =	vld [tilespmem:s13+$0x870];
	_ =	sdelay $0x7  }
0x146: {  	[tilespmem:v2+s26+$0x0] =	vst.idx.add.f32.msk $0xffff, v1  }
0x147: {  	_ =	swait.ge [sflag:s23], $0x4000  }
0x148: {  	s30 =	sadd.s32 $0x1, s0;
	[sflag:s23] =	ssyncset.done $0x0  }
0x149: {  	p1 =	seq.s32 s29, $0x4C00;
	s13 =	sand.u32 $0x7, s30;
	[sflag:s23] =	ssyncadd.s32 $0xFFFFC000  }
0x14a: {  	p2 =	sne.s32 @!p1 s13, $0x7;
	_ =	swait.ge [sflag:s28], $0x4000  }
0x14b: {  	p2 =	por p2, p1;
	[sflag:s28] =	ssyncset.done $0x0  }
0x14c: {  	s14 =	simm.s32 @!p2 $0x3;
	[sflag:s28] =	ssyncadd.s32 $0xFFFFC000  }
0x14d: {  	_ =	swait.ge @!p2 [sflag:s14], $0x400  }
0x14e: {  	[sflag:s14] =	ssyncset.done @!p2 $0x0  }
0x14f: {  	[sflag:s14] =	ssyncadd.s32 @!p2 $0xFFFFFC00  }
0x150: {  	s15 =	simm.s32 @!p1 $0x80;
	_ =	swait.ge @!p2 [sflag:s14], $0x400  }
0x151: {  	s20 =	simm.s32 @!p1 $0x1000;
	s13 =	sshll.u32 s13, $0x7;
	[sflag:s14] =	ssyncset.done @!p2 $0x0  }
0x152: {  	s4 =	sadd.s32 s13, s4;
	[sflag:s14] =	ssyncadd.s32 @!p2 $0xFFFFFC00;
	s14 =	sand.u32 @!p1 $0x700, s29  }
0x153: {  	[tilespmem:s20], [sflag:$0x1] =	stream.indirect.gather @!p1 [hbm4b:s1+s15], $0x80, s14, s15, $0xb8;
	[tilespmem:$0x1F800] =	vst v63  }
0x154: {  	s13 =	sadd.s32 $0x800, s4  }
0x155: {  	[spmem:s3] =	stream.indirect.scatter.add.f32 [tilespmem:s25], [sflag:$0x2], $0x80, s13, s22, $0xb8;
	[tilespmem:$0x1F800] =	vst v63  }
0x156: {  	v2 =	vld [tilespmem:s4+$0x800];
	_ =	sdelay $0x7  }
0x157: {  	[tilespmem:v2+s26+$0x0] =	vst.idx.add.f32.msk $0xffff, v1  }
0x158: {  	v2 =	vld [tilespmem:s4+$0x810];
	_ =	sdelay $0x7  }
0x159: {  	[tilespmem:v2+s26+$0x0] =	vst.idx.add.f32.msk $0xffff, v1  }
0x15a: {  	v2 =	vld [tilespmem:s4+$0x820];
	_ =	sdelay $0x7  }
0x15b: {  	[tilespmem:v2+s26+$0x0] =	vst.idx.add.f32.msk $0xffff, v1  }
0x15c: {  	v2 =	vld [tilespmem:s4+$0x830];
	_ =	sdelay $0x7  }
0x15d: {  	[tilespmem:v2+s26+$0x0] =	vst.idx.add.f32.msk $0xffff, v1  }
0x15e: {  	v2 =	vld [tilespmem:s4+$0x840];
	_ =	sdelay $0x7  }
0x15f: {  	[tilespmem:v2+s26+$0x0] =	vst.idx.add.f32.msk $0xffff, v1  }
0x160: {  	v2 =	vld [tilespmem:s4+$0x850];
	_ =	sdelay $0x7  }
0x161: {  	[tilespmem:v2+s26+$0x0] =	vst.idx.add.f32.msk $0xffff, v1  }
0x162: {  	v2 =	vld [tilespmem:s4+$0x860];
	_ =	sdelay $0x7  }
0x163: {  	[tilespmem:v2+s26+$0x0] =	vst.idx.add.f32.msk $0xffff, v1  }
0x164: {  	v2 =	vld [tilespmem:s4+$0x870];
	_ =	sdelay $0x1  }
0x165: {  	s29 =	sadd.s32 $0x100, s29  }
0x166: {  	p1 =	seq.s32 s29, $0x4D00  }
.Ltmp5:
0x167: {  	_ = 	snop;
	(pc) =	sbr.rel @!p1 .LBB2_7-.Ltmp5, $2  }
0x168: {  	_ =	sdelay $0x2  }
0x169: {  	s12 =	sadd.s32 $0x1, s12;
	s0 =	sadd.s32 $0x2, s0;
	[tilespmem:v2+s26+$0x0] =	vst.idx.add.f32.msk $0xffff, v1  }
.Ltmp6:
0x16a: {  	_ = 	snop;
	(pc) =	sbr.rel .LBB2_9-.Ltmp6, $1  }
0x16b: {  	_ =	sdelay $0x3  }
.LBB2_10:
0x16c: {  	_ =	sfence.sel $0x180000  }
0x16d: {  	[bflag:$0x0] =	sbarrier.arrive $0xFFFF  }
0x16e: {  	_ =	strace $0x90000047  }
0x16f: {  	s0 =	stileid.u32;
	[bflag:$0x2] =	sbarrier.arrive $0xFFFF  }
0x170: {  	p0 =	sne.s32 s0, $0x0;
	s0 =	rddreg [dreg:$0x4]  }
0x171: {  	s0 =	sadd.s32 @!p0 $0x100000, s0  }
0x172: {  	[sflag:s0] =	ssyncadd.tile.s32 @!p0 $0x1;
	_ =	shalt  }
.Lfunc_end2:
_tile_overlayer_lowered:
.L_overlay_start_2:
0x173: {  	(tag) =	ssettag $0x2  }
0x174: {  	s0 =	rddreg [dreg:$0x0];
	s2 =	stileid.u32  }
0x175: {  	s1 =	rddreg [dreg:$0x1];
	p0 =	sne.s32 s2, $0x0  }
0x176: {  	s3 =	rddreg [dreg:$0x2];
	[bflag:$0x3] =	sbarrier.arrive $0xFFFF;
	s2 =	simm.s32 @!p0 $0x1C04  }
0x177: {  	[timem:s3], [sflag:s2] =	dma.local @!p0 [hbm:s0], s1  }
0x178: {  	s0 =	simm.s32 @!p0 $0x4  }
0x179: {  	_ =	swait.ge @!p0 [sflag:s0], s1  }
0x17a: {  	s1 =	ssub.s32 @!p0 $0x0, s1;
	[sflag:s0] =	ssyncset.done @!p0 $0x0  }
0x17b: {  	[sflag:s0] =	ssyncadd.s32 @!p0 s1  }
0x17c: {  	[bflag:$0x3] =	sbarrier.arrive $0xFFFF  }
0x17d: {  	_ =	shalt  }

// kernel: kernel.9.cloned.1.call-start
scs
__scs_entry_jumppad:
0x0: {  	(pc) =	sbr.rel $0x88, $3  }
0x1: {  	(tag) =	ssettag $0x0;
	lr =	simm.s32 $0x1  }
0x2: {  	[smem:$0x3F9B] =	sst lr;
	_ =	strace $0xD0000000  }
0x3: {  	_ = 	snop  }
0x4: {  	_ = 	snop  }
0x5: {  	_ = 	snop  }
0x6: {  	_ = 	snop  }
0x7: {  	_ = 	snop  }
__scs_overlays_trampoline_lowered:
0x8: {  	[smem:$0x3FAA] =	sst s0  }
0x9: {  	[smem:$0x3FAB] =	sst s1  }
0xa: {  	[smem:$0x3FAC] =	sst s2  }
0xb: {  	[smem:$0x3FAD] =	sst s3  }
0xc: {  	[smem:$0x3FAE] =	sst s4  }
0xd: {  	[smem:$0x3FAF] =	sst s5  }
0xe: {  	[smem:$0x3FB0] =	sst s6  }
0xf: {  	[smem:$0x3FB1] =	sst s7  }
0x10: {  	[smem:$0x3FB2] =	sst s8  }
0x11: {  	[smem:$0x3FB3] =	sst s9;
	s0 =	simm.s32 @!p0 $0x0  }
0x12: {  	s1 =	sld [smem:$0x3F99];
	s0 =	simm.s32 @p0 $0x1  }
0x13: {  	[smem:$0x3FB4] =	sst s0;
	s0 =	simm.s32 @!p1 $0x0  }
0x14: {  	s2 =	sld [smem:$0x3F98];
	s0 =	simm.s32 @p1 $0x1  }
0x15: {  	[smem:$0x3FB5] =	sst s0;
	s0 =	simm.s32 @!p2 $0x0  }
0x16: {  	s3 =	sld [smem:$0x3FDB];
	s0 =	simm.s32 @p2 $0x1  }
0x17: {  	s4 =	simm.s32 $0x1BF5;
	[smem:$0x3FB7] =	sst s0  }
0x18: {  	s0 =	sld [smem:$0x3F9A];
	_ =	swait.ge [sflag:s4], $0x0  }
0x19: {  	s7 =	sld [smem:$0x3F9B]  }
0x1a: {  	s8 =	sadd.s32 $0xFFFFE003, lr  }
0x1b: {  	s9 =	sadd.s32 $0xFFFFFEF7, lr;
	s5 =	simm.s32 $0xFFFFFFFF;
	p2 =	slt.u32 s8, $0xFFFFF086  }
0x1c: {  	p1 =	slt.u32 s9, $0xF7A;
	s5 =	simm.s32 @!p2 $0x0  }
0x1d: {  	s5 =	simm.s32 @p1 $0x1;
	p0 =	seq.s32 s7, s2  }
0x1e: {  	s7 =	smul.u32 @!p0 $0xF7A, s2;
	p2 =	seq.s32 @!p0 s5, $0x0  }
0x1f: {  	s9 =	smul.u32 $0xF7A, s1;
	s8 =	simm.s32 @!p0 $0x1BF5;
	p2 =	por !p2, p0  }
0x20: {  	[sflag:s8] =	ssyncset.s32 @!p0 $0xFFFFF086;
	s6 =	sadd.s32 @!p0 s3, s7;
	s7 =	simm.s32 @!p0 $0x108  }
0x21: {  	s3 =	sadd.s32 s3, s9;
	s6 =	sadd.s32 @!p0 $0x88, s6;
	s7 =	simm.s32 @p2 $0x1082  }
0x22: {  	[simem:s7], [sflag:s8] =	dma.local @!p0 [hbm:s6], $0xF7A  }
0x23: {  	s9 =	sor.u32 $0xD0000000, s2;
	s6 =	simm.s32 $0x108;
	_ =	swait.ge @!p0 [sflag:s8], $0x0  }
0x24: {  	s3 =	sadd.s32 $0x88, s3;
	s6 =	simm.s32 @!p1 $0x1082;
	[sflag:s4] =	ssyncset.s32 $0xFFFFF086  }
0x25: {  	[simem:s6], [sflag:s4] =	dma.local [hbm:s3], $0xF7A  }
0x26: {  	[smem:$0x3F9B] =	sst s1;
	(tag) =	ssettag s2;
	_ =	strace s9  }
0x27: {  	s1 =	sld [smem:$0x3FAB]  }
0x28: {  	s2 =	sld [smem:$0x3FAC]  }
0x29: {  	s4 =	sld [smem:$0x3FAE]  }
0x2a: {  	p0 =	seq.s32 s5, $0x0;
	s5 =	sld [smem:$0x3FAF]  }
0x2b: {  	s6 =	sld [smem:$0x3FB0]  }
0x2c: {  	s7 =	sld [smem:$0x3FB1]  }
0x2d: {  	s3 =	simm.s32 $0x108;
	s8 =	sld [smem:$0x3FB2]  }
0x2e: {  	s3 =	simm.s32 @!p0 $0x1082;
	s9 =	sld [smem:$0x3FB3]  }
0x2f: {  	lr =	sadd.s32 s0, s3;
	s0 =	sld [smem:$0x3FAA]  }
0x30: {  	s3 =	sld [smem:$0x3FAD]  }
0x31: {  	[smem:$0x3FB6] =	sst s10  }
0x32: {  	s10 =	sld [smem:$0x3FB4];
	_ =	sdelay $0x3  }
0x33: {  	p0 =	seq.s32 s10, $0x1;
	s10 =	sld [smem:$0x3FB6];
	_ =	sdelay $0x3  }
0x34: {  	[smem:$0x3FB6] =	sst s10  }
0x35: {  	s10 =	sld [smem:$0x3FB5];
	_ =	sdelay $0x3  }
0x36: {  	p1 =	seq.s32 s10, $0x1;
	s10 =	sld [smem:$0x3FB6];
	_ =	sdelay $0x3  }
0x37: {  	[smem:$0x3FB6] =	sst s10  }
0x38: {  	s10 =	sld [smem:$0x3FB7]  }
0x39: {  	_ = 	snop;
	(pc) =	sbr.ind lr, $3  }
0x3a: {  	_ = 	snop  }
0x3b: {  	_ = 	snop  }
0x3c: {  	p2 =	seq.s32 s10, $0x1;
	s10 =	sld [smem:$0x3FB6]  }
0x3d: {  	_ =	shalt  }
0x3e: {  	_ =	shalt  }
0x3f: {  	_ =	shalt  }
0x40: {  	_ =	shalt  }
0x41: {  	_ =	shalt  }
0x42: {  	_ =	shalt  }
0x43: {  	_ =	shalt  }
0x44: {  	_ =	shalt  }
0x45: {  	_ =	shalt  }
0x46: {  	_ =	shalt  }
0x47: {  	_ =	shalt  }
0x48: {  	_ =	shalt  }
0x49: {  	_ =	shalt  }
0x4a: {  	_ =	shalt  }
0x4b: {  	_ =	shalt  }
0x4c: {  	_ =	shalt  }
0x4d: {  	_ =	shalt  }
0x4e: {  	_ =	shalt  }
0x4f: {  	_ =	shalt  }
0x50: {  	_ =	shalt  }
0x51: {  	_ =	shalt  }
0x52: {  	_ =	shalt  }
0x53: {  	_ =	shalt  }
0x54: {  	_ =	shalt  }
0x55: {  	_ =	shalt  }
0x56: {  	_ =	shalt  }
0x57: {  	_ =	shalt  }
0x58: {  	_ =	shalt  }
0x59: {  	_ =	shalt  }
0x5a: {  	_ =	shalt  }
0x5b: {  	_ =	shalt  }
0x5c: {  	_ =	shalt  }
0x5d: {  	_ =	shalt  }
0x5e: {  	_ =	shalt  }
0x5f: {  	_ =	shalt  }
0x60: {  	_ =	shalt  }
0x61: {  	_ =	shalt  }
0x62: {  	_ =	shalt  }
0x63: {  	_ =	shalt  }
0x64: {  	_ =	shalt  }
0x65: {  	_ =	shalt  }
0x66: {  	_ =	shalt  }
0x67: {  	_ =	shalt  }
0x68: {  	_ =	shalt  }
0x69: {  	_ =	shalt  }
0x6a: {  	_ =	shalt  }
0x6b: {  	_ =	shalt  }
0x6c: {  	_ =	shalt  }
0x6d: {  	_ =	shalt  }
0x6e: {  	_ =	shalt  }
0x6f: {  	_ =	shalt  }
0x70: {  	_ =	shalt  }
0x71: {  	_ =	shalt  }
0x72: {  	_ =	shalt  }
0x73: {  	_ =	shalt  }
0x74: {  	_ =	shalt  }
0x75: {  	_ =	shalt  }
0x76: {  	_ =	shalt  }
0x77: {  	_ =	shalt  }
0x78: {  	_ =	shalt  }
0x79: {  	_ =	shalt  }
0x7a: {  	_ =	shalt  }
0x7b: {  	_ =	shalt  }
0x7c: {  	_ =	shalt  }
0x7d: {  	_ =	shalt  }
0x7e: {  	_ =	shalt  }
0x7f: {  	_ =	shalt  }
0x80: {  	_ =	shalt  }
0x81: {  	_ =	shalt  }
0x82: {  	_ =	shalt  }
0x83: {  	_ =	shalt  }
0x84: {  	_ =	shalt  }
0x85: {  	_ =	shalt  }
0x86: {  	_ =	shalt  }
0x87: {  	_ =	shalt  }
.Lfunc_end0:
.L_simem_size_0:
called_computation.1_lowered:
.L_overlay_start_0:
0x88: {  	s2 =	sld [smem:$0x3FD9]  }
0x89: {  	s3 =	sld [smem:$0x3FFE];
	_ =	sdelay $0x1  }
0x8a: {  	s1 =	srdreg.scid  }
0x8b: {  	s0 =	sand.u32 $0x1, s1  }
0x8c: {  	s17 =	sshll.u32 s0, $0xA;
	s2 =	sadd.s32 s3, s2  }
0x8d: {  	s2 =	sadd.s32 s2, s17  }
0x8e: {  	[smem:$0x3FC2] =	sst s2  }
0x8f: {  	_ = 	snop  }
0x90: {  	s2 =	sld [smem:$0x3FD0];
	(tm) =	ssettm $0x1  }
0x91: {  	s18 =	sld [smem:$0x3FFB];
	_ =	sdelay $0x3  }
0x92: {  	_ =	strace s18  }
0x93: {  	s3 =	sld [smem:$0x3FFC];
	_ =	sdelay $0x3  }
0x94: {  	_ =	strace s3  }
0x95: {  	s3 =	sld [smem:$0x3FFD];
	_ =	sdelay $0x3  }
0x96: {  	_ =	strace s3  }
0x97: {  	_ =	strace $0x8FFFFFFF  }
0x98: {  	s19 =	sld [smem:$0x3FDB];
	_ =	sdelay $0x1  }
0x99: {  	s4 =	simm.s32 $_scs_section_size  }
0x9a: {  	s5 =	simm.s32 $_size__tile_overlayer_lowered;
	s6 =	simm.s32 $_tile_overlayer_lowered  }
0x9b: {  	s22 =	simm.s32 $0x1BFF;
	s21 =	sshll.u32 s6, $0x1;
	s3 =	sadd.s32 s4, s19  }
0x9c: {  	s7 =	simm.s32 $0x0;
	s20 =	sshll.u32 s5, $0x1;
	s5 =	sadd.s32 s21, s3  }
0x9d: {  	[timem:s7], [sflag:s22] =	dma.local [hbm:s5], s20  }
0x9e: {  	_ =	swait.ge [sflag:s22], s20  }
0x9f: {  	s4 =	ssub.s32 $0x0, s20;
	[sflag:s22] =	ssyncset.done $0x0  }
0xa0: {  	[sflag:s22] =	ssyncadd.s32 s4;
	_ =	sdelay $0x1  }
0xa1: {  	s23 =	simm.s32 $0x1B8B  }
0xa2: {  	_ =	swait.ge [sflag:s23], $0x1  }
0xa3: {  	[sflag:s23] =	ssyncset.done $0x0  }
0xa4: {  	s25 =	simm.s32 $0x1B8E;
	s24 =	sld [smem:$0x3FFE];
	[sflag:s23] =	ssyncadd.s32 $0xFFFFFFFF  }
0xa5: {  	s26 =	simm.s32 $execute0_lowered;
	[smem:$0x3FD2] =	sst s25  }
0xa6: {  	s5 =	sshll.u32 s26, $0x1;
	_ =	strace $0x80000049;
	[dreg:$0x1] =	wrdreg $0xFFFFFFFF  }
0xa7: {  	s28 =	simm.s32 $_size_execute0_lowered;
	s3 =	sadd.s32 s3, s5;
	[dreg:$0x0] =	wrdreg $0x0  }
0xa8: {  	s5 =	sshll.u32 s28, $0x1;
	[dreg:$0x2] =	wrdreg s3  }
0xa9: {  	[dreg:$0x3] =	wrdreg s5  }
0xaa: {  	[dreg:$0x4] =	wrdreg $0xC0  }
0xab: {  	_ =	task [dreg:s7], $0x5FFFF  }
0xac: {  	[dreg:$0x1] =	wrdreg $0xFFFFFFFF  }
0xad: {  	[dreg:$0x0] =	wrdreg $0x60  }
0xae: {  	[dreg:$0x2] =	wrdreg s24  }
0xaf: {  	[dreg:$0x3] =	wrdreg s2  }
0xb0: {  	[dreg:$0x4] =	wrdreg $0x90000  }
0xb1: {  	[dreg:$0x5] =	wrdreg $0x9  }
0xb2: {  	_ =	task.clear_ibuf [dreg:s7], $0x6FFFF;
	_ =	strace $0x90000049  }
0xb3: {  	s29 =	simm.s32 $0x9;
	_ =	strace $0x8000004B  }
0xb4: {  	_ =	swait.ge [sflag:s29], $0x1  }
0xb5: {  	[sflag:s29] =	ssyncadd.s32 $0xFFFFFFFF  }
0xb6: {  	_ =	strace $0x9000004B  }
0xb7: {  	_ =	sfence  }
0xb8: {  	s30 =	sld [smem:$0x0];
	_ =	sdelay $0x2  }
0xb9: {  	s31 =	sshll.u32 s1, $0xD;
	s1 =	sshrl.u32 s1, $0x2  }
0xba: {  	s3 =	sand.u32 $0x4000, s31;
	s1 =	sadd.s32 s1, s30  }
0xbb: {  	s0 =	sor.u32 s3, s0;
	s1 =	sshll.u32 s1, $0x11  }
0xbc: {  	s0 =	sor.u32 s1, s0  }
0xbd: {  	s0 =	sadd.s32 $0x8F2B, s0  }
0xbe: {  	[sflag:s0] =	ssyncadd.remote.s32 $0x1  }
0xbf: {  	_ =	sfence.sel $0xFFFF  }
0xc0: {  	[dreg:$0x0] =	wrdreg $0xFFFFFFFF;
	(pc) =	sbr.abs _section_cstart, $3  }
0xc1: {  	[dreg:$0x1] =	wrdreg $0xFFFFFFFF  }
0xc2: {  	_ =	task.clear_ibuf [dreg:s7], $0x2FFFF;
	_ =	strace $0x9FFFFFFF  }
0xc3: {  	(tm) =	ssettm $0x7FFFFFFF  }
tec
execute0_lowered:
.L_overlay_start_1:
0x0: {  	(tag) =	ssettag $0x1  }
0x1: {  	s0 =	rddreg [dreg:$0x0]  }
0x2: {  	s1 =	rddreg [dreg:$0x1]  }
0x3: {  	s3 =	rddreg [dreg:$0x2];
	s4 =	simm.s32 $0x0  }
0x4: {  	s5 =	srdreg.scid;
	s2 =	stileid.u32;
	s18 =	simm.s32 $0x1000  }
0x5: {  	s19 =	simm.s32 $0x4;
	s20 =	simm.s32 $0x3;
	s21 =	simm.s32 $0x80  }
0x6: {  	s22 =	simm.s32 $0x1;
	s23 =	simm.s32 $0x5000;
	s7 =	smul.u32 $0x50000, s2  }
0x7: {  	s28 =	simm.s32 $0x0;
	[smem:$0x7FF] =	sst s4;
	s13 =	smul.u32 $0x980, s2  }
0x8: {  	s12 =	sand.u32 $0x1, s5;
	s5 =	sadd.s32 $0xB800, s0;
	s14 =	smul.u32 $0x13, s2  }
0x9: {  	s6 =	sadd.s32 $0x1800, s0;
	s15 =	sshll.u32 s2, $0x7;
	s24 =	smul.u32 $0x2800, s2  }
0xa: {  	_ =	strace $0x8000004A;
	s8 =	smul.u32 $0x28000, s12;
	s9 =	ssub.s32 $0x2, s12  }
0xb: {  	p0 =	seq.s32 s12, $0x1;
	s16 =	sor.u32 $0x9800, s15;
	s7 =	sshrl.u32 s7, $0x2  }
0xc: {  	s25 =	sshrl.u32 s9, $0x1;
	s26 =	sadd.s32 s6, s13;
	s29 =	sadd.s32 s1, s13  }
0xd: {  	s30 =	sadd.s32 s6, s16;
	s31 =	sadd.s32 s1, s16;
	[dreg:$0x4] =	wrdreg s26  }
.Ltmp0:
0xe: {  	s0 =	sadd.s32 s8, s0;
	[dreg:$0x5] =	wrdreg s29;
	(pc) =	sbr.rel .LBB2_1-.Ltmp0, $4  }
0xf: {  	s7 =	sadd.s32 s7, s3;
	s17 =	ssub.s32 s9, s25;
	[dreg:$0x6] =	wrdreg s30  }
0x10: {  	[dreg:$0x7] =	wrdreg s31;
	s25 =	simm.s32 $0x2;
	s8 =	sadd.s32 $0x4000, s7  }
0x11: {  	s9 =	sadd.s32 $0x8000, s7;
	s10 =	sadd.s32 $0xC000, s7;
	s0 =	sadd.s32 $0x65800, s0  }
0x12: {  	v0 =	vimm.f32 $0.0e+00;
	s11 =	sadd.s32 $0x10000, s7;
	s17 =	smax.u32 s17, $0x1;
	s24 =	sadd.s32 s24, s0  }
.LBB2_8:
0x13: {  	s0 =	rddreg [dreg:$0x6]  }
0x14: {  	[tilespmem:s4], [sflag:$0x3] =	stream.linear.gather [hbm4b:s0+s4], $0x400, $0x38;
	[tilespmem:$0x1D000] =	vst v63  }
0x15: {  	s29 =	simm.s32 $0x800;
	s13 =	rddreg [dreg:$0x7]  }
0x16: {  	[tilespmem:s29], [sflag:$0x3] =	stream.linear.gather [hbm4b:s13+s4], $0x400, $0x38;
	[tilespmem:$0x1D000] =	vst v63  }
0x17: {  	_ =	swait.ge [sflag:s20], $0x400  }
0x18: {  	[sflag:s20] =	ssyncset.done $0x0  }
0x19: {  	[sflag:s20] =	ssyncadd.s32 $0xFFFFFC00  }
0x1a: {  	_ =	swait.ge [sflag:s20], $0x400  }
0x1b: {  	[sflag:s20] =	ssyncset.done $0x0  }
0x1c: {  	[sflag:s20] =	ssyncadd.s32 $0xFFFFFC00  }
0x1d: {  	[tilespmem:s18], [sflag:$0x1] =	stream.indirect.gather [hbm4b:s5+s21], $0x80, s4, s21, $0xb8;
	[tilespmem:$0x1D000] =	vst v63  }
0x1e: {  	_ =	swait.ge [sflag:s22], $0x4000  }
0x1f: {  	[sflag:s22] =	ssyncset.done $0x0  }
0x20: {  	[sflag:s22] =	ssyncadd.s32 $0xFFFFC000  }
0x21: {  	[tilespmem:s23], [sflag:$0x1] =	stream.indirect.gather [hbm4b:s5+s21], $0x80, s21, s21, $0xb8;
	[tilespmem:$0x1D000] =	vst v63  }
0x22: {  	_ = 	snop  }
0x23: {  	[spmem:s3] =	stream.indirect.scatter.add.f32 [tilespmem:s18], [sflag:$0x2], $0x80, s29, s21, $0xb8;
	[tilespmem:$0x1D000] =	vst v63  }
0x24: {  	_ =	swait.ge [sflag:s22], $0x4000  }
0x25: {  	[sflag:s22] =	ssyncset.done $0x0  }
0x26: {  	[sflag:s22] =	ssyncadd.s32 $0xFFFFC000  }
0x27: {  	_ =	swait.ge [sflag:s25], $0x4000  }
0x28: {  	[sflag:s25] =	ssyncset.done $0x0  }
0x29: {  	s15 =	simm.s32 $0x100;
	[sflag:s25] =	ssyncadd.s32 $0xFFFFC000  }
0x2a: {  	[tilespmem:s18], [sflag:$0x1] =	stream.indirect.gather [hbm4b:s5+s21], $0x80, s15, s21, $0xb8;
	[tilespmem:$0x1D000] =	vst v63  }
0x2b: {  	s16 =	simm.s32 $0x880  }
0x2c: {  	[spmem:s3] =	stream.indirect.scatter.add.f32 [tilespmem:s23], [sflag:$0x2], $0x80, s16, s21, $0xb8;
	[tilespmem:$0x1D000] =	vst v63  }
0x2d: {  	_ =	swait.ge [sflag:s22], $0x4000  }
0x2e: {  	[sflag:s22] =	ssyncset.done $0x0  }
0x2f: {  	[sflag:s22] =	ssyncadd.s32 $0xFFFFC000  }
0x30: {  	_ =	swait.ge [sflag:s25], $0x4000  }
0x31: {  	[sflag:s25] =	ssyncset.done $0x0  }
0x32: {  	s26 =	simm.s32 $0x180;
	[sflag:s25] =	ssyncadd.s32 $0xFFFFC000  }
0x33: {  	[tilespmem:s23], [sflag:$0x1] =	stream.indirect.gather [hbm4b:s5+s21], $0x80, s26, s21, $0xb8;
	[tilespmem:$0x1D000] =	vst v63  }
0x34: {  	s30 =	simm.s32 $0x900  }
0x35: {  	[spmem:s3] =	stream.indirect.scatter.add.f32 [tilespmem:s18], [sflag:$0x2], $0x80, s30, s21, $0xb8;
	[tilespmem:$0x1D000] =	vst v63  }
0x36: {  	_ =	swait.ge [sflag:s22], $0x4000  }
0x37: {  	[sflag:s22] =	ssyncset.done $0x0  }
0x38: {  	[sflag:s22] =	ssyncadd.s32 $0xFFFFC000  }
0x39: {  	_ =	swait.ge [sflag:s25], $0x4000  }
0x3a: {  	[sflag:s25] =	ssyncset.done $0x0  }
0x3b: {  	s31 =	simm.s32 $0x200;
	[sflag:s25] =	ssyncadd.s32 $0xFFFFC000  }
0x3c: {  	[tilespmem:s18], [sflag:$0x1] =	stream.indirect.gather [hbm4b:s5+s21], $0x80, s31, s21, $0xb8;
	[tilespmem:$0x1D000] =	vst v63  }
0x3d: {  	s12 =	simm.s32 $0x980  }
0x3e: {  	[spmem:s3] =	stream.indirect.scatter.add.f32 [tilespmem:s23], [sflag:$0x2], $0x80, s12, s21, $0xb8;
	[tilespmem:$0x1D000] =	vst v63  }
0x3f: {  	_ =	swait.ge [sflag:s22], $0x4000  }
0x40: {  	[sflag:s22] =	ssyncset.done $0x0  }
0x41: {  	[sflag:s22] =	ssyncadd.s32 $0xFFFFC000  }
0x42: {  	_ =	swait.ge [sflag:s25], $0x4000  }
0x43: {  	[sflag:s25] =	ssyncset.done $0x0  }
0x44: {  	s13 =	simm.s32 $0x280;
	[sflag:s25] =	ssyncadd.s32 $0xFFFFC000  }
0x45: {  	[tilespmem:s23], [sflag:$0x1] =	stream.indirect.gather [hbm4b:s5+s21], $0x80, s13, s21, $0xb8;
	[tilespmem:$0x1D000] =	vst v63  }
0x46: {  	s15 =	simm.s32 $0xA00  }
0x47: {  	[spmem:s3] =	stream.indirect.scatter.add.f32 [tilespmem:s18], [sflag:$0x2], $0x80, s15, s21, $0xb8;
	[tilespmem:$0x1D000] =	vst v63  }
0x48: {  	_ =	swait.ge [sflag:s22], $0x4000  }
0x49: {  	[sflag:s22] =	ssyncset.done $0x0  }
0x4a: {  	[sflag:s22] =	ssyncadd.s32 $0xFFFFC000  }
0x4b: {  	_ =	swait.ge [sflag:s25], $0x4000  }
0x4c: {  	[sflag:s25] =	ssyncset.done $0x0  }
0x4d: {  	s16 =	simm.s32 $0x300;
	[sflag:s25] =	ssyncadd.s32 $0xFFFFC000  }
0x4e: {  	[tilespmem:s18], [sflag:$0x1] =	stream.indirect.gather [hbm4b:s5+s21], $0x80, s16, s21, $0xb8;
	[tilespmem:$0x1D000] =	vst v63  }
0x4f: {  	s26 =	simm.s32 $0xA80  }
0x50: {  	[spmem:s3] =	stream.indirect.scatter.add.f32 [tilespmem:s23], [sflag:$0x2], $0x80, s26, s21, $0xb8;
	[tilespmem:$0x1D000] =	vst v63  }
0x51: {  	_ =	swait.ge [sflag:s22], $0x4000  }
0x52: {  	[sflag:s22] =	ssyncset.done $0x0  }
0x53: {  	[sflag:s22] =	ssyncadd.s32 $0xFFFFC000  }
0x54: {  	_ =	swait.ge [sflag:s25], $0x4000  }
0x55: {  	[sflag:s25] =	ssyncset.done $0x0  }
0x56: {  	s30 =	simm.s32 $0x380;
	[sflag:s25] =	ssyncadd.s32 $0xFFFFC000  }
0x57: {  	[tilespmem:s23], [sflag:$0x1] =	stream.indirect.gather [hbm4b:s5+s21], $0x80, s30, s21, $0xb8;
	[tilespmem:$0x1D000] =	vst v63  }
0x58: {  	s31 =	simm.s32 $0xB00  }
0x59: {  	[spmem:s3] =	stream.indirect.scatter.add.f32 [tilespmem:s18], [sflag:$0x2], $0x80, s31, s21, $0xb8;
	[tilespmem:$0x1D000] =	vst v63  }
0x5a: {  	_ =	swait.ge [sflag:s22], $0x4000  }
0x5b: {  	[sflag:s22] =	ssyncset.done $0x0  }
0x5c: {  	[sflag:s22] =	ssyncadd.s32 $0xFFFFC000  }
0x5d: {  	_ =	swait.ge [sflag:s25], $0x4000  }
0x5e: {  	[sflag:s25] =	ssyncset.done $0x0  }
0x5f: {  	[sflag:s25] =	ssyncadd.s32 $0xFFFFC000  }
.LBB2_9:
0x60: {  	s0 =	sadd.s32 $0x380, s29  }
0x61: {  	[spmem:s3] =	stream.indirect.scatter.add.f32 [tilespmem:s23], [sflag:$0x2], $0x80, s0, s21, $0xb8;
	[tilespmem:$0x1D000] =	vst v63  }
0x62: {  	_ =	swait.ge [sflag:s25], $0x4000  }
0x63: {  	s31 =	sshll.u32 s2, $0x6;
	s28 =	sadd.s32 $0x1, s28;
	[sflag:s25] =	ssyncset.done $0x0  }
0x64: {  	s12 =	sshrl.u32 s7, $0x3;
	p1 =	sne.s32 s28, s17;
	[sflag:s25] =	ssyncadd.s32 $0xFFFFC000  }
.Ltmp1:
0x65: {  	s0 =	sor.u32 $0x1C04, s31;
	[bflag:$0x0] =	sbarrier.arrive $0xFFFF;
	(pc) =	sbr.rel @!p1 .LBB2_10-.Ltmp1, $4  }
0x66: {  	[hbm:s24], [sflag:s0] =	dma.local [spmem:s12], $0x2800  }
0x67: {  	_ =	swait.ge [sflag:s19], $0x2800  }
0x68: {  	[sflag:s19] =	ssyncset.done $0x0  }
0x69: {  	[sflag:s19] =	ssyncadd.s32 $0xFFFFD800  }
.LBB2_1:
0x6a: {  	s0 =	sand.u32 $0xFE00, s4  }
0x6b: {  	s29 =	sand.u32 $0x70, s4;
	s30 =	sshrl.u32 s0, $0x2  }
0x6c: {  	s0 =	simm.s32 $0x40;
	s30 =	sor.u32 s29, s30;
	s29 =	simm.s32 $0x0  }
.LBB2_2:
0x6d: {  	p1 =	sne.s32 s0, $0xFFC0  }
0x6e: {  	[tilespmem:s30+$0x1000] =	vst v0;
	s29 =	sadd.s32 $0x10, s29;
	s30 =	smov.u32 s0;
	s0 =	sadd.s32 $0x40, s0  }
.Ltmp2:
0x6f: {  	(pc) =	sbr.rel @p1 .LBB2_2-.Ltmp2, $4  }
0x70: {  	_ = 	snop  }
0x71: {  	s30 =	sand.u32 $0xFE00, s30  }
0x72: {  	s31 =	sand.u32 $0x70, s29;
	s30 =	sshrl.u32 s30, $0x2  }
0x73: {  	s30 =	sor.u32 s31, s30  }
0x74: {  	[tilespmem:s30+$0x1000] =	vst v0  }
0x75: {  	[spmem:s7] =	stream.linear.scatter [tilespmem:s18], [sflag:$0x4], $0x4000, $0x38;
	[tilespmem:$0x1D000] =	vst v63  }
0x76: {  	_ =	swait.ge [sflag:s19], $0x4000  }
0x77: {  	[sflag:s19] =	ssyncset.done $0x0  }
0x78: {  	[sflag:s19] =	ssyncadd.s32 $0xFFFFC000  }
0x79: {  	[spmem:s8] =	stream.linear.scatter [tilespmem:s18], [sflag:$0x4], $0x4000, $0x38;
	[tilespmem:$0x1D000] =	vst v63  }
0x7a: {  	_ =	swait.ge [sflag:s19], $0x4000  }
0x7b: {  	[sflag:s19] =	ssyncset.done $0x0  }
0x7c: {  	[sflag:s19] =	ssyncadd.s32 $0xFFFFC000  }
0x7d: {  	[spmem:s9] =	stream.linear.scatter [tilespmem:s18], [sflag:$0x4], $0x4000, $0x38;
	[tilespmem:$0x1D000] =	vst v63  }
0x7e: {  	_ =	swait.ge [sflag:s19], $0x4000  }
0x7f: {  	[sflag:s19] =	ssyncset.done $0x0  }
0x80: {  	[sflag:s19] =	ssyncadd.s32 $0xFFFFC000  }
0x81: {  	[spmem:s10] =	stream.linear.scatter [tilespmem:s18], [sflag:$0x4], $0x4000, $0x38;
	[tilespmem:$0x1D000] =	vst v63  }
0x82: {  	_ =	swait.ge [sflag:s19], $0x4000  }
0x83: {  	[sflag:s19] =	ssyncset.done $0x0  }
0x84: {  	[sflag:s19] =	ssyncadd.s32 $0xFFFFC000  }
0x85: {  	[spmem:s11] =	stream.linear.scatter [tilespmem:s18], [sflag:$0x4], $0x4000, $0x38;
	[tilespmem:$0x1D000] =	vst v63  }
.Ltmp3:
0x86: {  	_ =	swait.ge [sflag:s19], $0x4000;
	(pc) =	sbr.rel @p0 .LBB2_8-.Ltmp3, $3  }
0x87: {  	[sflag:s19] =	ssyncset.done $0x0  }
0x88: {  	[sflag:s19] =	ssyncadd.s32 $0xFFFFC000  }
0x89: {  	[bflag:$0x0] =	sbarrier.arrive $0xFFFF;
	_ =	sdelay $0x1  }
0x8a: {  	s29 =	simm.s32 $0x0;
	s0 =	rddreg [dreg:$0x4]  }
0x8b: {  	[tilespmem:s29], [sflag:$0x3] =	stream.linear.gather [hbm4b:s0+s29], $0x400, $0x38;
	[tilespmem:$0x1D000] =	vst v63  }
0x8c: {  	s26 =	rddreg [dreg:$0x5];
	s12 =	simm.s32 $0x800  }
0x8d: {  	[tilespmem:s12], [sflag:$0x3] =	stream.linear.gather [hbm4b:s26+s29], $0x400, $0x38;
	[tilespmem:$0x1D000] =	vst v63  }
0x8e: {  	_ =	swait.ge [sflag:s20], $0x400  }
0x8f: {  	[sflag:s20] =	ssyncset.done $0x0  }
0x90: {  	[sflag:s20] =	ssyncadd.s32 $0xFFFFFC00  }
0x91: {  	_ =	swait.ge [sflag:s20], $0x400  }
0x92: {  	[sflag:s20] =	ssyncset.done $0x0  }
0x93: {  	s30 =	simm.s32 $0x100;
	s31 =	simm.s32 $0x0;
	[sflag:s20] =	ssyncadd.s32 $0xFFFFFC00  }
0x94: {  	[tilespmem:s18], [sflag:$0x1] =	stream.indirect.gather [hbm4b:s5+s21], $0x80, s29, s21, $0xb8;
	[tilespmem:$0x1D000] =	vst v63  }
.LBB2_5:
0x95: {  	s26 =	sand.u32 $0x6, s29;
	p1 =	sgt.u32 s31, $0x47  }
0x96: {  	_ =	swait.ge [sflag:s22], $0x4000;
	p2 =	sne.s32 @!p1 s26, $0x2  }
0x97: {  	[sflag:s22] =	ssyncset.done $0x0;
	p1 =	por p2, p1;
	p2 =	seq.s32 s30, $0x100  }
0x98: {  	s12 =	sshrl.u32 s31, $0x2;
	[sflag:s22] =	ssyncadd.s32 $0xFFFFC000;
	s0 =	simm.s32 @!p2 $0x2  }
0x99: {  	s13 =	sadd.s32 @!p1 $0x1, s12;
	_ =	swait.ge @!p2 [sflag:s0], $0x4000  }
0x9a: {  	s15 =	sadd.s32 @!p1 s14, s13;
	[sflag:s0] =	ssyncset.done @!p2 $0x0  }
0x9b: {  	[sflag:s0] =	ssyncadd.s32 @!p2 $0xFFFFC000;
	s0 =	sshll.u32 @!p1 s13, $0xA;
	s13 =	sshll.u32 @!p1 s15, $0x7  }
0x9c: {  	s16 =	simm.s32 @!p1 $0x0;
	s0 =	sand.u32 @!p1 $0x400, s0;
	s15 =	sadd.s32 @!p1 s6, s13  }
0x9d: {  	[tilespmem:s0], [sflag:$0x3] =	stream.linear.gather @!p1 [hbm4b:s15+s16], $0x400, $0x38;
	[tilespmem:$0x1D000] =	vst v63  }
0x9e: {  	s26 =	sshll.u32 s26, $0x7;
	s13 =	sadd.s32 @!p1 s1, s13;
	s0 =	sor.u32 @!p1 $0x800, s0  }
0x9f: {  	[tilespmem:s0], [sflag:$0x3] =	stream.linear.gather @!p1 [hbm4b:s13+s16], $0x400, $0x38;
	[tilespmem:$0x1D000] =	vst v63  }
0xa0: {  	s12 =	sshll.u32 s12, $0xA;
	s15 =	sadd.s32 $0xFFFFFF00, s30;
	s16 =	sadd.s32 $0xFFFFFF80, s30  }
0xa1: {  	s12 =	sand.u32 $0x400, s12;
	s0 =	sand.u32 $0x400, s15;
	s13 =	sand.u32 $0x380, s16  }
0xa2: {  	s12 =	sor.u32 s26, s12;
	s13 =	sor.u32 s13, s0  }
0xa3: {  	[tilespmem:s23], [sflag:$0x1] =	stream.indirect.gather [hbm4b:s5+s21], $0x80, s13, s21, $0xb8;
	[tilespmem:$0x1D000] =	vst v63  }
0xa4: {  	s12 =	sor.u32 $0x800, s12  }
0xa5: {  	[spmem:s3] =	stream.indirect.scatter.add.f32 [tilespmem:s18], [sflag:$0x2], $0x80, s12, s21, $0xb8;
	[tilespmem:$0x1D000] =	vst v63  }
0xa6: {  	p1 =	seq.s32 s30, $0x4C00;
	_ =	swait.ge [sflag:s22], $0x4000  }
.Ltmp4:
0xa7: {  	[sflag:s22] =	ssyncset.done $0x0;
	(pc) =	sbr.rel @p1 .LBB2_7-.Ltmp4, $4  }
0xa8: {  	[sflag:s22] =	ssyncadd.s32 $0xFFFFC000  }
0xa9: {  	_ =	swait.ge [sflag:s25], $0x4000  }
0xaa: {  	[sflag:s25] =	ssyncset.done $0x0  }
0xab: {  	[sflag:s25] =	ssyncadd.s32 $0xFFFFC000  }
0xac: {  	s12 =	sadd.s32 $0x1, s29  }
0xad: {  	s12 =	sand.u32 $0x7, s12  }
0xae: {  	p1 =	sne.s32 s12, $0x7  }
0xaf: {  	s13 =	simm.s32 @!p1 $0x3  }
0xb0: {  	_ =	swait.ge @!p1 [sflag:s13], $0x400  }
0xb1: {  	[sflag:s13] =	ssyncset.done @!p1 $0x0  }
0xb2: {  	[sflag:s13] =	ssyncadd.s32 @!p1 $0xFFFFFC00  }
0xb3: {  	s26 =	sand.u32 $0x700, s30;
	_ =	swait.ge @!p1 [sflag:s13], $0x400  }
.Ltmp5:
0xb4: {  	s12 =	sshll.u32 s12, $0x7;
	[sflag:s13] =	ssyncset.done @!p1 $0x0;
	(pc) =	sbr.rel .LBB2_5-.Ltmp5, $4  }
0xb5: {  	s31 =	sadd.s32 $0x1, s31;
	s0 =	sadd.s32 s12, s0;
	[sflag:s13] =	ssyncadd.s32 @!p1 $0xFFFFFC00  }
0xb6: {  	[tilespmem:s18], [sflag:$0x1] =	stream.indirect.gather [hbm4b:s5+s21], $0x80, s26, s21, $0xb8;
	[tilespmem:$0x1D000] =	vst v63  }
0xb7: {  	s29 =	sadd.s32 $0x2, s29;
	s30 =	sadd.s32 $0x100, s30;
	s0 =	sadd.s32 $0x800, s0  }
0xb8: {  	[spmem:s3] =	stream.indirect.scatter.add.f32 [tilespmem:s23], [sflag:$0x2], $0x80, s0, s21, $0xb8;
	[tilespmem:$0x1D000] =	vst v63  }
.LBB2_7:
.Ltmp6:
0xb9: {  	(pc) =	sbr.rel .LBB2_9-.Ltmp6, $2  }
0xba: {  	_ =	sdelay $0x2  }
0xbb: {  	s29 =	sor.u32 $0x800, s0  }
.LBB2_10:
0xbc: {  	_ =	sfence.sel $0x180000  }
0xbd: {  	[bflag:$0x0] =	sbarrier.arrive $0xFFFF  }
0xbe: {  	_ =	strace $0x9000004A  }
0xbf: {  	[bflag:$0x2] =	sbarrier.arrive $0xFFFF  }
0xc0: {  	p0 =	sne.s32 s2, $0x0;
	s0 =	rddreg [dreg:$0x3]  }
0xc1: {  	s0 =	sadd.s32 @!p0 $0x100000, s0  }
0xc2: {  	[sflag:s0] =	ssyncadd.tile.s32 @!p0 $0x1;
	_ =	shalt  }
.Lfunc_end2:
_tile_overlayer_lowered:
.L_overlay_start_2:
0xc3: {  	(tag) =	ssettag $0x2  }
0xc4: {  	s0 =	rddreg [dreg:$0x0];
	s2 =	stileid.u32  }
0xc5: {  	s1 =	rddreg [dreg:$0x1];
	p0 =	sne.s32 s2, $0x0  }
0xc6: {  	s3 =	rddreg [dreg:$0x2];
	[bflag:$0x3] =	sbarrier.arrive $0xFFFF;
	s2 =	simm.s32 @!p0 $0x1C04  }
0xc7: {  	[timem:s3], [sflag:s2] =	dma.local @!p0 [hbm:s0], s1  }
0xc8: {  	s0 =	simm.s32 @!p0 $0x4  }
0xc9: {  	_ =	swait.ge @!p0 [sflag:s0], s1  }
0xca: {  	s1 =	ssub.s32 @!p0 $0x0, s1;
	[sflag:s0] =	ssyncset.done @!p0 $0x0  }
0xcb: {  	[sflag:s0] =	ssyncadd.s32 @!p0 s1  }
0xcc: {  	[bflag:$0x3] =	sbarrier.arrive $0xFFFF  }
0xcd: {  	_ =	shalt  }

</sc_bundles>
